<compile_context>
chip_gen: v7x
topology: tpu7x:2x2x1
jax: 0.10.2.dev20260603
libtpu: 0.0.44.dev20260713+nightly
codegen_flags: <defaults>
</compile_context>

<pallas_src>
import functools

import jax
import jax.numpy as jnp
from jax import lax
from jax.experimental import pallas as pl
from jax.experimental.pallas import tpu as pltpu
from jax.experimental.pallas import tpu_sc as plsc

_L = 16
_NC = 2
_NS = 16


@functools.cache
def _build(B, S, V, D):
    NW = _NC * _NS
    rows_per_tile = B // NW
    CB = 8 * _L
    nblk = rows_per_tile // CB
    G = CB // _L
    vrps = -(-V // _NS)
    vrps = -(-vrps // _L) * _L
    VP = _NS * vrps
    assert B % (NW * CB) == 0 and D % _L == 0 and vrps <= V
    assert S % 2 == 0

    mesh = plsc.VectorSubcoreMesh(core_axis_name="c", subcore_axis_name="s")

    @functools.partial(
        pl.kernel,
        out_type=jax.ShapeDtypeStruct((B,), jnp.float32),
        mesh=mesh,
        compiler_params=pltpu.CompilerParams(
            needs_layout_passes=False, use_tc_tiling_on_sc=True),
        scratch_types=[
            pltpu.VMEM((S, CB), jnp.int32),
            pltpu.VMEM((S, CB), jnp.int32),
            pltpu.VMEM((VP,), jnp.float32),
            pltpu.VMEM((rows_per_tile,), jnp.float32),
            pltpu.VMEM((D,), jnp.float32),
            pltpu.VMEM((_L * _L,), jnp.float32),
            pltpu.VMEM((vrps, D), jnp.float32),
            pltpu.VMEM((vrps,), jnp.float32),
            pltpu.VMEM((_L,), jnp.float32),
            pltpu.VMEM_SHARED((VP,), jnp.float32),
            pltpu.SemaphoreType.DMA,
            pltpu.SemaphoreType.DMA,
        ],
    )
    def k(idst_hbm, emb_hbm, w_hbm, b_hbm, out_hbm,
          ids0, ids1, vtab, outv, wv, scr, ev, vst, bv, vsh, sem0, sem1):
        cid = lax.axis_index("c")
        sid = lax.axis_index("s")
        wid = sid * _NC + cid
        iota = lax.iota(jnp.int32, _L)
        tbase = iota * _L
        zero = jnp.zeros((_L,), jnp.float32)

        def transpose_sum():
            tot = plsc.load_gather(scr, [tbase])
            for t in range(1, _L):
                tot = tot + plsc.load_gather(scr, [tbase + t])
            return tot

        base_row = wid * rows_per_tile

        def blk_src(g):
            return idst_hbm.at[pl.ds(0, S), pl.ds(base_row + g * CB, CB)]

        pltpu.sync_copy(w_hbm, wv)
        pltpu.sync_copy(b_hbm, bv)
        bvec = bv[...]
        rem = V - (_NS - 1) * vrps
        eoff = sid * vrps

        @pl.when(sid < _NS - 1)
        def _():
            pltpu.sync_copy(emb_hbm.at[pl.ds(eoff, vrps)], ev)

        @pl.when(sid == _NS - 1)
        def _():
            pltpu.sync_copy(emb_hbm.at[pl.ds((_NS - 1) * vrps, rem)],
                            ev.at[pl.ds(0, rem)])

        for g in range(vrps // _L):
            for r in range(_L):
                p = ev[g * _L + r, pl.ds(0, _L)] * wv[pl.ds(0, _L)]
                for c in range(1, D // _L):
                    p = p + ev[g * _L + r, pl.ds(c * _L, _L)] * wv[pl.ds(c * _L, _L)]
                scr[pl.ds(r * _L, _L)] = p
            vst[pl.ds(g * _L, _L)] = transpose_sum()

        @pl.when(sid < _NS - 1)
        def _():
            pltpu.sync_copy(vst, vsh.at[pl.ds(eoff, vrps)])

        @pl.when(sid == _NS - 1)
        def _():
            pltpu.sync_copy(vst.at[pl.ds(0, rem)],
                            vsh.at[pl.ds((_NS - 1) * vrps, rem)])

        plsc.subcore_barrier()
        pltpu.sync_copy(vsh, vtab)

        pltpu.make_async_copy(blk_src(0), ids0, sem0).start()
        pltpu.make_async_copy(blk_src(1), ids1, sem1).start()

        def gather16(buf, j, s):
            idv = buf[j, pl.ds(s * _L, _L)]
            idv = jnp.minimum(jnp.maximum(idv, 0), V - 1)
            return plsc.load_gather(vtab, [idv])

        for g in range(nblk):
            buf, sem = (ids0, sem0) if g % 2 == 0 else (ids1, sem1)
            pltpu.make_async_copy(blk_src(g), buf, sem).wait()

            def body(jh, accs, buf=buf):
                j = jh * 2
                accs = tuple(accs[s] + gather16(buf, j, s) for s in range(G))
                return tuple(accs[s] + gather16(buf, j + 1, s)
                             for s in range(G))

            accs = lax.fori_loop(0, S // 2, body, (zero,) * G, unroll=2)
            for s in range(G):
                outv[pl.ds(g * CB + s * _L, _L)] = accs[s] + bvec

            if g + 2 < nblk:
                pltpu.make_async_copy(blk_src(g + 2), buf, sem).start()

        pltpu.sync_copy(outv, out_hbm.at[pl.ds(base_row, rows_per_tile)])

    return k


def kernel(ids, embeddings, W, b):
    B, S = ids.shape
    V, D = embeddings.shape
    out = _build(B, S, V, D)(
        ids.T,
        embeddings,
        W.reshape(D),
        jnp.broadcast_to(b.reshape(()), (_L,)),
    )
    return out.reshape(B, 1)

# --- scband reference (transcript-rebuilt; emitter-appended) ---
"""Pipeline reference for scband-my-model-87522843558710 (READ-ONLY COPY).

The authoritative reference and input builder live on the scoring server;
editing this copy changes nothing except your own understanding.
"""

import jax, jax.numpy as jnp
import numpy as np

EMBD_INPUT_DIM = 1000
EMBD_OUTPUT_DIM = 64

def setup_inputs(seed: int = 0) -> dict:
    key = jax.random.key(seed)
    k1, k2, k3 = jax.random.split(key, 3)
    ids = jax.random.randint(k1, (16384, 200), 0, EMBD_INPUT_DIM, dtype=jnp.int64 if jax.config.jax_enable_x64 else jnp.int32).astype(jnp.int32)
    # GlorotNormal-like init for embeddings
    fan_in, fan_out = EMBD_INPUT_DIM, EMBD_OUTPUT_DIM
    std = (2.0 / (fan_in + fan_out)) ** 0.5
    embeddings = jax.random.normal(k2, (EMBD_INPUT_DIM, EMBD_OUTPUT_DIM), dtype=jnp.float32) * std
    kW, kb = jax.random.split(k3)
    limit = (6.0 / (EMBD_OUTPUT_DIM + 1)) ** 0.5
    W = jax.random.uniform(kW, (EMBD_OUTPUT_DIM, 1), minval=-limit, maxval=limit, dtype=jnp.float32)
    b = jnp.zeros((1,), dtype=jnp.float32)
    return {"ids": ids, "embeddings": embeddings, "W": W, "b": b}

def reference(ids, embeddings, W, b):
    # clip ids to valid range, as in tf.clip_by_value
    clipped_ids = jnp.clip(ids, 0, embeddings.shape[0] - 1)
    # embedding lookup (gather)
    embedded = jnp.take(embeddings, clipped_ids, axis=0)  # [B, L, D]
    # sum-pool over sequence axis
    pooled = jnp.sum(embedded, axis=1)  # [B, D]
    # dense projection to 1 output
    out = pooled @ W + b  # [B, 1]
    return out

if __name__ == "__main__":
    import jax
    _d = setup_inputs()
    print(jax.jit(kernel)(*tuple(_d.values())))

</pallas_src>

<mosaic_0001>
#map = affine_map<(d0, d1) -> (0, 0)>
#map1 = affine_map<(d0, d1) -> (0)>
module attributes {stable_mosaic.version = 14 : i64} {
  func.func @k(%arg0: i32, %arg1: i32, %arg2: memref<200x16384xi32, #tpu.memory_space<hbm>>, %arg3: memref<1000x64xf32, #tpu.memory_space<hbm>>, %arg4: memref<64xf32, #tpu.memory_space<hbm>>, %arg5: memref<16xf32, #tpu.memory_space<hbm>>, %arg6: memref<16384xf32, #tpu.memory_space<hbm>>, %arg7: memref<200x128xi32, #tpu.memory_space<vmem>>, %arg8: memref<200x128xi32, #tpu.memory_space<vmem>>, %arg9: memref<1024xf32, #tpu.memory_space<vmem>>, %arg10: memref<512xf32, #tpu.memory_space<vmem>>, %arg11: memref<64xf32, #tpu.memory_space<vmem>>, %arg12: memref<256xf32, #tpu.memory_space<vmem>>, %arg13: memref<64x64xf32, #tpu.memory_space<vmem>>, %arg14: memref<64xf32, #tpu.memory_space<vmem>>, %arg15: memref<16xf32, #tpu.memory_space<vmem>>, %arg16: memref<1024xf32, #tpu.memory_space<vmem_shared>>, %arg17: memref<!tpu.dma_semaphore, #tpu.memory_space<semaphore_mem>>, %arg18: memref<!tpu.dma_semaphore, #tpu.memory_space<semaphore_mem>>) attributes {dimension_semantics = [#tpu.dimension_semantics<core_parallel>, #tpu.dimension_semantics<subcore_parallel>], iteration_bounds = array<i64: 2, 16>, scalar_prefetch = 0 : i64, scratch_operands = 12 : i64, tpu.core_type = #tpu.core_type<sc_vector_subcore>, window_params = [{transform_indices = #map}, {transform_indices = #map}, {transform_indices = #map1}, {transform_indices = #map1}, {transform_indices = #map1}]} {
    %mul3A = arith.constant 2 : i32
    %mul3A_0 = arith.muli %arg1, %mul3A : i32
    %add3A = arith.addi %mul3A_0, %arg0 : i32
    %iota3A = tpu.iota {dimensions = array<i32: 0>} : vector<16xi32>
    %mul3A_1 = arith.constant 16 : i32
    %mul3A_2 = vector.broadcast %mul3A_1 : i32 to vector<16xi32>
    %mul3A_3 = arith.muli %iota3A, %mul3A_2 : vector<16xi32>
    %broadcast_in_dim3A = arith.constant 0.000000e+00 : f32
    %broadcast_in_dim3A_4 = vector.broadcast %broadcast_in_dim3A : f32 to vector<16xf32>
    %mul3A_5 = arith.constant 512 : i32
    %mul3A_6 = arith.muli %add3A, %mul3A_5 : i32
    "tpu.region"() ({
      %run_scoped3A = tpu.sem_alloc : memref<!tpu.dma_semaphore, #tpu.memory_space<semaphore_mem>>
      tpu.enqueue_dma source(%arg4 : memref<64xf32, #tpu.memory_space<hbm>>) target(%arg11 : memref<64xf32, #tpu.memory_space<vmem>>) target_semaphore(%run_scoped3A : memref<!tpu.dma_semaphore, #tpu.memory_space<semaphore_mem>>)
      tpu.wait_dma2 semaphore(%run_scoped3A : memref<!tpu.dma_semaphore, #tpu.memory_space<semaphore_mem>>) src(%arg4 : memref<64xf32, #tpu.memory_space<hbm>>) dst(%arg11 : memref<64xf32, #tpu.memory_space<vmem>>)
      tpu.yield
    }) : () -> ()
    "tpu.region"() ({
      %run_scoped3A = tpu.sem_alloc : memref<!tpu.dma_semaphore, #tpu.memory_space<semaphore_mem>>
      tpu.enqueue_dma source(%arg5 : memref<16xf32, #tpu.memory_space<hbm>>) target(%arg15 : memref<16xf32, #tpu.memory_space<vmem>>) target_semaphore(%run_scoped3A : memref<!tpu.dma_semaphore, #tpu.memory_space<semaphore_mem>>)
      tpu.wait_dma2 semaphore(%run_scoped3A : memref<!tpu.dma_semaphore, #tpu.memory_space<semaphore_mem>>) src(%arg5 : memref<16xf32, #tpu.memory_space<hbm>>) dst(%arg15 : memref<16xf32, #tpu.memory_space<vmem>>)
      tpu.yield
    }) : () -> ()
    %get3A = arith.constant 0 : index
    %get3A_7 = tpu.vector_load %arg15[%get3A] {strides = array<i32>} : memref<16xf32, #tpu.memory_space<vmem>>, vector<16xf32>,
    %mul3A_8 = arith.constant 64 : i32
    %mul3A_9 = arith.muli %arg1, %mul3A_8 : i32
    %lt3A = arith.constant 15 : i32
    %lt3A_10 = arith.cmpi slt, %arg1, %lt3A : i32
    %convert_element_type3A = arith.extui %lt3A_10 : i1 to i32
    %cond3A = arith.constant 0 : i32
    %cond3A_11 = arith.cmpi ne, %convert_element_type3A, %cond3A : i32
    scf.if %cond3A_11 {
      "tpu.region"() ({
        %run_scoped3A = tpu.sem_alloc : memref<!tpu.dma_semaphore, #tpu.memory_space<semaphore_mem>>
        %dma_start3A_2613 = arith.constant 0 : i32
        %dma_start3A_2614 = tpu.memref_slice %arg3[%mul3A_9, %dma_start3A_2613] : memref<1000x64xf32, #tpu.memory_space<hbm>> -> memref<64x64xf32, #tpu.memory_space<hbm>>
        %dma_start3A_2615 = arith.constant 0 : i32
        %dma_start3A_2616 = tpu.memref_slice %arg3[%mul3A_9, %dma_start3A_2615] : memref<1000x64xf32, #tpu.memory_space<hbm>> -> memref<64x64xf32, #tpu.memory_space<hbm>>
        tpu.enqueue_dma source(%dma_start3A_2616 : memref<64x64xf32, #tpu.memory_space<hbm>>) target(%arg13 : memref<64x64xf32, #tpu.memory_space<vmem>>) target_semaphore(%run_scoped3A : memref<!tpu.dma_semaphore, #tpu.memory_space<semaphore_mem>>)
        %dma_wait3A_2617 = arith.constant 0 : i32
        %dma_wait3A_2618 = tpu.memref_slice %arg3[%mul3A_9, %dma_wait3A_2617] : memref<1000x64xf32, #tpu.memory_space<hbm>> -> memref<64x64xf32, #tpu.memory_space<hbm>>
        %dma_wait3A_2619 = arith.constant 0 : i32
        %dma_wait3A_2620 = tpu.memref_slice %arg3[%mul3A_9, %dma_wait3A_2619] : memref<1000x64xf32, #tpu.memory_space<hbm>> -> memref<64x64xf32, #tpu.memory_space<hbm>>
        tpu.wait_dma2 semaphore(%run_scoped3A : memref<!tpu.dma_semaphore, #tpu.memory_space<semaphore_mem>>) src(%dma_wait3A_2620 : memref<64x64xf32, #tpu.memory_space<hbm>>) dst(%arg13 : memref<64x64xf32, #tpu.memory_space<vmem>>)
        tpu.yield
      }) : () -> ()
    } else {
    }
    %eq3A = arith.constant 15 : i32
    %eq3A_12 = arith.cmpi eq, %arg1, %eq3A : i32
    %convert_element_type3A_13 = arith.extui %eq3A_12 : i1 to i32
    %cond3A_14 = arith.constant 0 : i32
    %cond3A_15 = arith.cmpi ne, %convert_element_type3A_13, %cond3A_14 : i32
    scf.if %cond3A_15 {
      "tpu.region"() ({
        %run_scoped3A = tpu.sem_alloc : memref<!tpu.dma_semaphore, #tpu.memory_space<semaphore_mem>>
        %dma_start3A_2613 = arith.constant 0 : i32
        %dma_start3A_2614 = arith.constant 0 : i32
        %dma_start3A_2615 = tpu.memref_slice %arg13[%dma_start3A_2613, %dma_start3A_2614] : memref<64x64xf32, #tpu.memory_space<vmem>> -> memref<40x64xf32, #tpu.memory_space<vmem>>
        %dma_start3A_2616 = arith.constant 960 : i32
        %dma_start3A_2617 = arith.constant 0 : i32
        %dma_start3A_2618 = tpu.memref_slice %arg3[%dma_start3A_2616, %dma_start3A_2617] : memref<1000x64xf32, #tpu.memory_space<hbm>> -> memref<40x64xf32, #tpu.memory_space<hbm>>
        %dma_start3A_2619 = arith.constant 0 : i32
        %dma_start3A_2620 = arith.constant 0 : i32
        %dma_start3A_2621 = tpu.memref_slice %arg13[%dma_start3A_2619, %dma_start3A_2620] : memref<64x64xf32, #tpu.memory_space<vmem>> -> memref<40x64xf32, #tpu.memory_space<vmem>>
        %dma_start3A_2622 = arith.constant 960 : i32
        %dma_start3A_2623 = arith.constant 0 : i32
        %dma_start3A_2624 = tpu.memref_slice %arg3[%dma_start3A_2622, %dma_start3A_2623] : memref<1000x64xf32, #tpu.memory_space<hbm>> -> memref<40x64xf32, #tpu.memory_space<hbm>>
        tpu.enqueue_dma source(%dma_start3A_2624 : memref<40x64xf32, #tpu.memory_space<hbm>>) target(%dma_start3A_2621 : memref<40x64xf32, #tpu.memory_space<vmem>>) target_semaphore(%run_scoped3A : memref<!tpu.dma_semaphore, #tpu.memory_space<semaphore_mem>>)
        %dma_wait3A_2625 = arith.constant 0 : i32
        %dma_wait3A_2626 = arith.constant 0 : i32
        %dma_wait3A_2627 = tpu.memref_slice %arg13[%dma_wait3A_2625, %dma_wait3A_2626] : memref<64x64xf32, #tpu.memory_space<vmem>> -> memref<40x64xf32, #tpu.memory_space<vmem>>
        %dma_wait3A_2628 = arith.constant 960 : i32
        %dma_wait3A_2629 = arith.constant 0 : i32
        %dma_wait3A_2630 = tpu.memref_slice %arg3[%dma_wait3A_2628, %dma_wait3A_2629] : memref<1000x64xf32, #tpu.memory_space<hbm>> -> memref<40x64xf32, #tpu.memory_space<hbm>>
        %dma_wait3A_2631 = arith.constant 0 : i32
        %dma_wait3A_2632 = arith.constant 0 : i32
        %dma_wait3A_2633 = tpu.memref_slice %arg13[%dma_wait3A_2631, %dma_wait3A_2632] : memref<64x64xf32, #tpu.memory_space<vmem>> -> memref<40x64xf32, #tpu.memory_space<vmem>>
        %dma_wait3A_2634 = arith.constant 960 : i32
        %dma_wait3A_2635 = arith.constant 0 : i32
        %dma_wait3A_2636 = tpu.memref_slice %arg3[%dma_wait3A_2634, %dma_wait3A_2635] : memref<1000x64xf32, #tpu.memory_space<hbm>> -> memref<40x64xf32, #tpu.memory_space<hbm>>
        tpu.wait_dma2 semaphore(%run_scoped3A : memref<!tpu.dma_semaphore, #tpu.memory_space<semaphore_mem>>) src(%dma_wait3A_2636 : memref<40x64xf32, #tpu.memory_space<hbm>>) dst(%dma_wait3A_2633 : memref<40x64xf32, #tpu.memory_space<vmem>>)
        tpu.yield
      }) : () -> ()
    } else {
    }
    %get3A_16 = arith.constant 0 : i32
    %get3A_17 = arith.index_cast %get3A_16 : i32 to index
    %get3A_18 = arith.constant 0 : index
    %get3A_19 = tpu.vector_load %arg13[%get3A_17, %get3A_18] {strides = array<i32>} : memref<64x64xf32, #tpu.memory_space<vmem>>, vector<16xf32>,
    %get3A_20 = arith.constant 0 : index
    %get3A_21 = tpu.vector_load %arg11[%get3A_20] {strides = array<i32>} : memref<64xf32, #tpu.memory_space<vmem>>, vector<16xf32>,
    %mul3A_22 = arith.mulf %get3A_19, %get3A_21 : vector<16xf32>
    %get3A_23 = arith.constant 0 : i32
    %get3A_24 = arith.index_cast %get3A_23 : i32 to index
    %get3A_25 = arith.constant 16 : index
    %get3A_26 = tpu.vector_load %arg13[%get3A_24, %get3A_25] {strides = array<i32>} : memref<64x64xf32, #tpu.memory_space<vmem>>, vector<16xf32>,
    %get3A_27 = arith.constant 16 : index
    %get3A_28 = tpu.vector_load %arg11[%get3A_27] {strides = array<i32>} : memref<64xf32, #tpu.memory_space<vmem>>, vector<16xf32>,
    %mul3A_29 = arith.mulf %get3A_26, %get3A_28 : vector<16xf32>
    %add3A_30 = arith.addf %mul3A_22, %mul3A_29 : vector<16xf32>
    %get3A_31 = arith.constant 0 : i32
    %get3A_32 = arith.index_cast %get3A_31 : i32 to index
    %get3A_33 = arith.constant 32 : index
    %get3A_34 = tpu.vector_load %arg13[%get3A_32, %get3A_33] {strides = array<i32>} : memref<64x64xf32, #tpu.memory_space<vmem>>, vector<16xf32>,
    %get3A_35 = arith.constant 32 : index
    %get3A_36 = tpu.vector_load %arg11[%get3A_35] {strides = array<i32>} : memref<64xf32, #tpu.memory_space<vmem>>, vector<16xf32>,
    %mul3A_37 = arith.mulf %get3A_34, %get3A_36 : vector<16xf32>
    %add3A_38 = arith.addf %add3A_30, %mul3A_37 : vector<16xf32>
    %get3A_39 = arith.constant 0 : i32
    %get3A_40 = arith.index_cast %get3A_39 : i32 to index
    %get3A_41 = arith.constant 48 : index
    %get3A_42 = tpu.vector_load %arg13[%get3A_40, %get3A_41] {strides = array<i32>} : memref<64x64xf32, #tpu.memory_space<vmem>>, vector<16xf32>,
    %get3A_43 = arith.constant 48 : index
    %get3A_44 = tpu.vector_load %arg11[%get3A_43] {strides = array<i32>} : memref<64xf32, #tpu.memory_space<vmem>>, vector<16xf32>,
    %mul3A_45 = arith.mulf %get3A_42, %get3A_44 : vector<16xf32>
    %add3A_46 = arith.addf %add3A_38, %mul3A_45 : vector<16xf32>
    %swap3A = arith.constant 0 : index
    %swap3A_47 = tpu.vector_load %arg12[%swap3A] {strides = array<i32>} : memref<256xf32, #tpu.memory_space<vmem>>, vector<16xf32>,
    tpu.vector_store %arg12[%swap3A], %add3A_46 {strides = array<i32>} : memref<256xf32, #tpu.memory_space<vmem>>, vector<16xf32>,
    %get3A_48 = arith.constant 1 : i32
    %get3A_49 = arith.index_cast %get3A_48 : i32 to index
    %get3A_50 = arith.constant 0 : index
    %get3A_51 = tpu.vector_load %arg13[%get3A_49, %get3A_50] {strides = array<i32>} : memref<64x64xf32, #tpu.memory_space<vmem>>, vector<16xf32>,
    %get3A_52 = arith.constant 0 : index
    %get3A_53 = tpu.vector_load %arg11[%get3A_52] {strides = array<i32>} : memref<64xf32, #tpu.memory_space<vmem>>, vector<16xf32>,
    %mul3A_54 = arith.mulf %get3A_51, %get3A_53 : vector<16xf32>
    %get3A_55 = arith.constant 1 : i32
    %get3A_56 = arith.index_cast %get3A_55 : i32 to index
    %get3A_57 = arith.constant 16 : index
    %get3A_58 = tpu.vector_load %arg13[%get3A_56, %get3A_57] {strides = array<i32>} : memref<64x64xf32, #tpu.memory_space<vmem>>, vector<16xf32>,
    %get3A_59 = arith.constant 16 : index
    %get3A_60 = tpu.vector_load %arg11[%get3A_59] {strides = array<i32>} : memref<64xf32, #tpu.memory_space<vmem>>, vector<16xf32>,
    %mul3A_61 = arith.mulf %get3A_58, %get3A_60 : vector<16xf32>
    %add3A_62 = arith.addf %mul3A_54, %mul3A_61 : vector<16xf32>
    %get3A_63 = arith.constant 1 : i32
    %get3A_64 = arith.index_cast %get3A_63 : i32 to index
    %get3A_65 = arith.constant 32 : index
    %get3A_66 = tpu.vector_load %arg13[%get3A_64, %get3A_65] {strides = array<i32>} : memref<64x64xf32, #tpu.memory_space<vmem>>, vector<16xf32>,
    %get3A_67 = arith.constant 32 : index
    %get3A_68 = tpu.vector_load %arg11[%get3A_67] {strides = array<i32>} : memref<64xf32, #tpu.memory_space<vmem>>, vector<16xf32>,
    %mul3A_69 = arith.mulf %get3A_66, %get3A_68 : vector<16xf32>
    %add3A_70 = arith.addf %add3A_62, %mul3A_69 : vector<16xf32>
    %get3A_71 = arith.constant 1 : i32
    %get3A_72 = arith.index_cast %get3A_71 : i32 to index
    %get3A_73 = arith.constant 48 : index
    %get3A_74 = tpu.vector_load %arg13[%get3A_72, %get3A_73] {strides = array<i32>} : memref<64x64xf32, #tpu.memory_space<vmem>>, vector<16xf32>,
    %get3A_75 = arith.constant 48 : index
    %get3A_76 = tpu.vector_load %arg11[%get3A_75] {strides = array<i32>} : memref<64xf32, #tpu.memory_space<vmem>>, vector<16xf32>,
    %mul3A_77 = arith.mulf %get3A_74, %get3A_76 : vector<16xf32>
    %add3A_78 = arith.addf %add3A_70, %mul3A_77 : vector<16xf32>
    %swap3A_79 = arith.constant 16 : index
    %swap3A_80 = tpu.vector_load %arg12[%swap3A_79] {strides = array<i32>} : memref<256xf32, #tpu.memory_space<vmem>>, vector<16xf32>,
    tpu.vector_store %arg12[%swap3A_79], %add3A_78 {strides = array<i32>} : memref<256xf32, #tpu.memory_space<vmem>>, vector<16xf32>,
    %get3A_81 = arith.constant 2 : i32
    %get3A_82 = arith.index_cast %get3A_81 : i32 to index
    %get3A_83 = arith.constant 0 : index
    %get3A_84 = tpu.vector_load %arg13[%get3A_82, %get3A_83] {strides = array<i32>} : memref<64x64xf32, #tpu.memory_space<vmem>>, vector<16xf32>,
    %get3A_85 = arith.constant 0 : index
    %get3A_86 = tpu.vector_load %arg11[%get3A_85] {strides = array<i32>} : memref<64xf32, #tpu.memory_space<vmem>>, vector<16xf32>,
    %mul3A_87 = arith.mulf %get3A_84, %get3A_86 : vector<16xf32>
    %get3A_88 = arith.constant 2 : i32
    %get3A_89 = arith.index_cast %get3A_88 : i32 to index
    %get3A_90 = arith.constant 16 : index
    %get3A_91 = tpu.vector_load %arg13[%get3A_89, %get3A_90] {strides = array<i32>} : memref<64x64xf32, #tpu.memory_space<vmem>>, vector<16xf32>,
    %get3A_92 = arith.constant 16 : index
    %get3A_93 = tpu.vector_load %arg11[%get3A_92] {strides = array<i32>} : memref<64xf32, #tpu.memory_space<vmem>>, vector<16xf32>,
    %mul3A_94 = arith.mulf %get3A_91, %get3A_93 : vector<16xf32>
    %add3A_95 = arith.addf %mul3A_87, %mul3A_94 : vector<16xf32>
    %get3A_96 = arith.constant 2 : i32
    %get3A_97 = arith.index_cast %get3A_96 : i32 to index
    %get3A_98 = arith.constant 32 : index
    %get3A_99 = tpu.vector_load %arg13[%get3A_97, %get3A_98] {strides = array<i32>} : memref<64x64xf32, #tpu.memory_space<vmem>>, vector<16xf32>,
    %get3A_100 = arith.constant 32 : index
    %get3A_101 = tpu.vector_load %arg11[%get3A_100] {strides = array<i32>} : memref<64xf32, #tpu.memory_space<vmem>>, vector<16xf32>,
    %mul3A_102 = arith.mulf %get3A_99, %get3A_101 : vector<16xf32>
    %add3A_103 = arith.addf %add3A_95, %mul3A_102 : vector<16xf32>
    %get3A_104 = arith.constant 2 : i32
    %get3A_105 = arith.index_cast %get3A_104 : i32 to index
    %get3A_106 = arith.constant 48 : index
    %get3A_107 = tpu.vector_load %arg13[%get3A_105, %get3A_106] {strides = array<i32>} : memref<64x64xf32, #tpu.memory_space<vmem>>, vector<16xf32>,
    %get3A_108 = arith.constant 48 : index
    %get3A_109 = tpu.vector_load %arg11[%get3A_108] {strides = array<i32>} : memref<64xf32, #tpu.memory_space<vmem>>, vector<16xf32>,
    %mul3A_110 = arith.mulf %get3A_107, %get3A_109 : vector<16xf32>
    %add3A_111 = arith.addf %add3A_103, %mul3A_110 : vector<16xf32>
    %swap3A_112 = arith.constant 32 : index
    %swap3A_113 = tpu.vector_load %arg12[%swap3A_112] {strides = array<i32>} : memref<256xf32, #tpu.memory_space<vmem>>, vector<16xf32>,
    tpu.vector_store %arg12[%swap3A_112], %add3A_111 {strides = array<i32>} : memref<256xf32, #tpu.memory_space<vmem>>, vector<16xf32>,
    %get3A_114 = arith.constant 3 : i32
    %get3A_115 = arith.index_cast %get3A_114 : i32 to index
    %get3A_116 = arith.constant 0 : index
    %get3A_117 = tpu.vector_load %arg13[%get3A_115, %get3A_116] {strides = array<i32>} : memref<64x64xf32, #tpu.memory_space<vmem>>, vector<16xf32>,
    %get3A_118 = arith.constant 0 : index
    %get3A_119 = tpu.vector_load %arg11[%get3A_118] {strides = array<i32>} : memref<64xf32, #tpu.memory_space<vmem>>, vector<16xf32>,
    %mul3A_120 = arith.mulf %get3A_117, %get3A_119 : vector<16xf32>
    %get3A_121 = arith.constant 3 : i32
    %get3A_122 = arith.index_cast %get3A_121 : i32 to index
    %get3A_123 = arith.constant 16 : index
    %get3A_124 = tpu.vector_load %arg13[%get3A_122, %get3A_123] {strides = array<i32>} : memref<64x64xf32, #tpu.memory_space<vmem>>, vector<16xf32>,
    %get3A_125 = arith.constant 16 : index
    %get3A_126 = tpu.vector_load %arg11[%get3A_125] {strides = array<i32>} : memref<64xf32, #tpu.memory_space<vmem>>, vector<16xf32>,
    %mul3A_127 = arith.mulf %get3A_124, %get3A_126 : vector<16xf32>
    %add3A_128 = arith.addf %mul3A_120, %mul3A_127 : vector<16xf32>
    %get3A_129 = arith.constant 3 : i32
    %get3A_130 = arith.index_cast %get3A_129 : i32 to index
    %get3A_131 = arith.constant 32 : index
    %get3A_132 = tpu.vector_load %arg13[%get3A_130, %get3A_131] {strides = array<i32>} : memref<64x64xf32, #tpu.memory_space<vmem>>, vector<16xf32>,
    %get3A_133 = arith.constant 32 : index
    %get3A_134 = tpu.vector_load %arg11[%get3A_133] {strides = array<i32>} : memref<64xf32, #tpu.memory_space<vmem>>, vector<16xf32>,
    %mul3A_135 = arith.mulf %get3A_132, %get3A_134 : vector<16xf32>
    %add3A_136 = arith.addf %add3A_128, %mul3A_135 : vector<16xf32>
    %get3A_137 = arith.constant 3 : i32
    %get3A_138 = arith.index_cast %get3A_137 : i32 to index
    %get3A_139 = arith.constant 48 : index
    %get3A_140 = tpu.vector_load %arg13[%get3A_138, %get3A_139] {strides = array<i32>} : memref<64x64xf32, #tpu.memory_space<vmem>>, vector<16xf32>,
    %get3A_141 = arith.constant 48 : index
    %get3A_142 = tpu.vector_load %arg11[%get3A_141] {strides = array<i32>} : memref<64xf32, #tpu.memory_space<vmem>>, vector<16xf32>,
    %mul3A_143 = arith.mulf %get3A_140, %get3A_142 : vector<16xf32>
    %add3A_144 = arith.addf %add3A_136, %mul3A_143 : vector<16xf32>
    %swap3A_145 = arith.constant 48 : index
    %swap3A_146 = tpu.vector_load %arg12[%swap3A_145] {strides = array<i32>} : memref<256xf32, #tpu.memory_space<vmem>>, vector<16xf32>,
    tpu.vector_store %arg12[%swap3A_145], %add3A_144 {strides = array<i32>} : memref<256xf32, #tpu.memory_space<vmem>>, vector<16xf32>,
    %get3A_147 = arith.constant 4 : i32
    %get3A_148 = arith.index_cast %get3A_147 : i32 to index
    %get3A_149 = arith.constant 0 : index
    %get3A_150 = tpu.vector_load %arg13[%get3A_148, %get3A_149] {strides = array<i32>} : memref<64x64xf32, #tpu.memory_space<vmem>>, vector<16xf32>,
    %get3A_151 = arith.constant 0 : index
    %get3A_152 = tpu.vector_load %arg11[%get3A_151] {strides = array<i32>} : memref<64xf32, #tpu.memory_space<vmem>>, vector<16xf32>,
    %mul3A_153 = arith.mulf %get3A_150, %get3A_152 : vector<16xf32>
    %get3A_154 = arith.constant 4 : i32
    %get3A_155 = arith.index_cast %get3A_154 : i32 to index
    %get3A_156 = arith.constant 16 : index
    %get3A_157 = tpu.vector_load %arg13[%get3A_155, %get3A_156] {strides = array<i32>} : memref<64x64xf32, #tpu.memory_space<vmem>>, vector<16xf32>,
    %get3A_158 = arith.constant 16 : index
    %get3A_159 = tpu.vector_load %arg11[%get3A_158] {strides = array<i32>} : memref<64xf32, #tpu.memory_space<vmem>>, vector<16xf32>,
    %mul3A_160 = arith.mulf %get3A_157, %get3A_159 : vector<16xf32>
    %add3A_161 = arith.addf %mul3A_153, %mul3A_160 : vector<16xf32>
    %get3A_162 = arith.constant 4 : i32
    %get3A_163 = arith.index_cast %get3A_162 : i32 to index
    %get3A_164 = arith.constant 32 : index
    %get3A_165 = tpu.vector_load %arg13[%get3A_163, %get3A_164] {strides = array<i32>} : memref<64x64xf32, #tpu.memory_space<vmem>>, vector<16xf32>,
    %get3A_166 = arith.constant 32 : index
    %get3A_167 = tpu.vector_load %arg11[%get3A_166] {strides = array<i32>} : memref<64xf32, #tpu.memory_space<vmem>>, vector<16xf32>,
    %mul3A_168 = arith.mulf %get3A_165, %get3A_167 : vector<16xf32>
    %add3A_169 = arith.addf %add3A_161, %mul3A_168 : vector<16xf32>
    %get3A_170 = arith.constant 4 : i32
    %get3A_171 = arith.index_cast %get3A_170 : i32 to index
    %get3A_172 = arith.constant 48 : index
    %get3A_173 = tpu.vector_load %arg13[%get3A_171, %get3A_172] {strides = array<i32>} : memref<64x64xf32, #tpu.memory_space<vmem>>, vector<16xf32>,
    %get3A_174 = arith.constant 48 : index
    %get3A_175 = tpu.vector_load %arg11[%get3A_174] {strides = array<i32>} : memref<64xf32, #tpu.memory_space<vmem>>, vector<16xf32>,
    %mul3A_176 = arith.mulf %get3A_173, %get3A_175 : vector<16xf32>
    %add3A_177 = arith.addf %add3A_169, %mul3A_176 : vector<16xf32>
    %swap3A_178 = arith.constant 64 : index
    %swap3A_179 = tpu.vector_load %arg12[%swap3A_178] {strides = array<i32>} : memref<256xf32, #tpu.memory_space<vmem>>, vector<16xf32>,
    tpu.vector_store %arg12[%swap3A_178], %add3A_177 {strides = array<i32>} : memref<256xf32, #tpu.memory_space<vmem>>, vector<16xf32>,
    %get3A_180 = arith.constant 5 : i32
    %get3A_181 = arith.index_cast %get3A_180 : i32 to index
    %get3A_182 = arith.constant 0 : index
    %get3A_183 = tpu.vector_load %arg13[%get3A_181, %get3A_182] {strides = array<i32>} : memref<64x64xf32, #tpu.memory_space<vmem>>, vector<16xf32>,
    %get3A_184 = arith.constant 0 : index
    %get3A_185 = tpu.vector_load %arg11[%get3A_184] {strides = array<i32>} : memref<64xf32, #tpu.memory_space<vmem>>, vector<16xf32>,
    %mul3A_186 = arith.mulf %get3A_183, %get3A_185 : vector<16xf32>
    %get3A_187 = arith.constant 5 : i32
    %get3A_188 = arith.index_cast %get3A_187 : i32 to index
    %get3A_189 = arith.constant 16 : index
    %get3A_190 = tpu.vector_load %arg13[%get3A_188, %get3A_189] {strides = array<i32>} : memref<64x64xf32, #tpu.memory_space<vmem>>, vector<16xf32>,
    %get3A_191 = arith.constant 16 : index
    %get3A_192 = tpu.vector_load %arg11[%get3A_191] {strides = array<i32>} : memref<64xf32, #tpu.memory_space<vmem>>, vector<16xf32>,
    %mul3A_193 = arith.mulf %get3A_190, %get3A_192 : vector<16xf32>
    %add3A_194 = arith.addf %mul3A_186, %mul3A_193 : vector<16xf32>
    %get3A_195 = arith.constant 5 : i32
    %get3A_196 = arith.index_cast %get3A_195 : i32 to index
    %get3A_197 = arith.constant 32 : index
    %get3A_198 = tpu.vector_load %arg13[%get3A_196, %get3A_197] {strides = array<i32>} : memref<64x64xf32, #tpu.memory_space<vmem>>, vector<16xf32>,
    %get3A_199 = arith.constant 32 : index
    %get3A_200 = tpu.vector_load %arg11[%get3A_199] {strides = array<i32>} : memref<64xf32, #tpu.memory_space<vmem>>, vector<16xf32>,
    %mul3A_201 = arith.mulf %get3A_198, %get3A_200 : vector<16xf32>
    %add3A_202 = arith.addf %add3A_194, %mul3A_201 : vector<16xf32>
    %get3A_203 = arith.constant 5 : i32
    %get3A_204 = arith.index_cast %get3A_203 : i32 to index
    %get3A_205 = arith.constant 48 : index
    %get3A_206 = tpu.vector_load %arg13[%get3A_204, %get3A_205] {strides = array<i32>} : memref<64x64xf32, #tpu.memory_space<vmem>>, vector<16xf32>,
    %get3A_207 = arith.constant 48 : index
    %get3A_208 = tpu.vector_load %arg11[%get3A_207] {strides = array<i32>} : memref<64xf32, #tpu.memory_space<vmem>>, vector<16xf32>,
    %mul3A_209 = arith.mulf %get3A_206, %get3A_208 : vector<16xf32>
    %add3A_210 = arith.addf %add3A_202, %mul3A_209 : vector<16xf32>
    %swap3A_211 = arith.constant 80 : index
    %swap3A_212 = tpu.vector_load %arg12[%swap3A_211] {strides = array<i32>} : memref<256xf32, #tpu.memory_space<vmem>>, vector<16xf32>,
    tpu.vector_store %arg12[%swap3A_211], %add3A_210 {strides = array<i32>} : memref<256xf32, #tpu.memory_space<vmem>>, vector<16xf32>,
    %get3A_213 = arith.constant 6 : i32
    %get3A_214 = arith.index_cast %get3A_213 : i32 to index
    %get3A_215 = arith.constant 0 : index
    %get3A_216 = tpu.vector_load %arg13[%get3A_214, %get3A_215] {strides = array<i32>} : memref<64x64xf32, #tpu.memory_space<vmem>>, vector<16xf32>,
    %get3A_217 = arith.constant 0 : index
    %get3A_218 = tpu.vector_load %arg11[%get3A_217] {strides = array<i32>} : memref<64xf32, #tpu.memory_space<vmem>>, vector<16xf32>,
    %mul3A_219 = arith.mulf %get3A_216, %get3A_218 : vector<16xf32>
    %get3A_220 = arith.constant 6 : i32
    %get3A_221 = arith.index_cast %get3A_220 : i32 to index
    %get3A_222 = arith.constant 16 : index
    %get3A_223 = tpu.vector_load %arg13[%get3A_221, %get3A_222] {strides = array<i32>} : memref<64x64xf32, #tpu.memory_space<vmem>>, vector<16xf32>,
    %get3A_224 = arith.constant 16 : index
    %get3A_225 = tpu.vector_load %arg11[%get3A_224] {strides = array<i32>} : memref<64xf32, #tpu.memory_space<vmem>>, vector<16xf32>,
    %mul3A_226 = arith.mulf %get3A_223, %get3A_225 : vector<16xf32>
    %add3A_227 = arith.addf %mul3A_219, %mul3A_226 : vector<16xf32>
    %get3A_228 = arith.constant 6 : i32
    %get3A_229 = arith.index_cast %get3A_228 : i32 to index
    %get3A_230 = arith.constant 32 : index
    %get3A_231 = tpu.vector_load %arg13[%get3A_229, %get3A_230] {strides = array<i32>} : memref<64x64xf32, #tpu.memory_space<vmem>>, vector<16xf32>,
    %get3A_232 = arith.constant 32 : index
    %get3A_233 = tpu.vector_load %arg11[%get3A_232] {strides = array<i32>} : memref<64xf32, #tpu.memory_space<vmem>>, vector<16xf32>,
    %mul3A_234 = arith.mulf %get3A_231, %get3A_233 : vector<16xf32>
    %add3A_235 = arith.addf %add3A_227, %mul3A_234 : vector<16xf32>
    %get3A_236 = arith.constant 6 : i32
    %get3A_237 = arith.index_cast %get3A_236 : i32 to index
    %get3A_238 = arith.constant 48 : index
    %get3A_239 = tpu.vector_load %arg13[%get3A_237, %get3A_238] {strides = array<i32>} : memref<64x64xf32, #tpu.memory_space<vmem>>, vector<16xf32>,
    %get3A_240 = arith.constant 48 : index
    %get3A_241 = tpu.vector_load %arg11[%get3A_240] {strides = array<i32>} : memref<64xf32, #tpu.memory_space<vmem>>, vector<16xf32>,
    %mul3A_242 = arith.mulf %get3A_239, %get3A_241 : vector<16xf32>
    %add3A_243 = arith.addf %add3A_235, %mul3A_242 : vector<16xf32>
    %swap3A_244 = arith.constant 96 : index
    %swap3A_245 = tpu.vector_load %arg12[%swap3A_244] {strides = array<i32>} : memref<256xf32, #tpu.memory_space<vmem>>, vector<16xf32>,
    tpu.vector_store %arg12[%swap3A_244], %add3A_243 {strides = array<i32>} : memref<256xf32, #tpu.memory_space<vmem>>, vector<16xf32>,
    %get3A_246 = arith.constant 7 : i32
    %get3A_247 = arith.index_cast %get3A_246 : i32 to index
    %get3A_248 = arith.constant 0 : index
    %get3A_249 = tpu.vector_load %arg13[%get3A_247, %get3A_248] {strides = array<i32>} : memref<64x64xf32, #tpu.memory_space<vmem>>, vector<16xf32>,
    %get3A_250 = arith.constant 0 : index
    %get3A_251 = tpu.vector_load %arg11[%get3A_250] {strides = array<i32>} : memref<64xf32, #tpu.memory_space<vmem>>, vector<16xf32>,
    %mul3A_252 = arith.mulf %get3A_249, %get3A_251 : vector<16xf32>
    %get3A_253 = arith.constant 7 : i32
    %get3A_254 = arith.index_cast %get3A_253 : i32 to index
    %get3A_255 = arith.constant 16 : index
    %get3A_256 = tpu.vector_load %arg13[%get3A_254, %get3A_255] {strides = array<i32>} : memref<64x64xf32, #tpu.memory_space<vmem>>, vector<16xf32>,
    %get3A_257 = arith.constant 16 : index
    %get3A_258 = tpu.vector_load %arg11[%get3A_257] {strides = array<i32>} : memref<64xf32, #tpu.memory_space<vmem>>, vector<16xf32>,
    %mul3A_259 = arith.mulf %get3A_256, %get3A_258 : vector<16xf32>
    %add3A_260 = arith.addf %mul3A_252, %mul3A_259 : vector<16xf32>
    %get3A_261 = arith.constant 7 : i32
    %get3A_262 = arith.index_cast %get3A_261 : i32 to index
    %get3A_263 = arith.constant 32 : index
    %get3A_264 = tpu.vector_load %arg13[%get3A_262, %get3A_263] {strides = array<i32>} : memref<64x64xf32, #tpu.memory_space<vmem>>, vector<16xf32>,
    %get3A_265 = arith.constant 32 : index
    %get3A_266 = tpu.vector_load %arg11[%get3A_265] {strides = array<i32>} : memref<64xf32, #tpu.memory_space<vmem>>, vector<16xf32>,
    %mul3A_267 = arith.mulf %get3A_264, %get3A_266 : vector<16xf32>
    %add3A_268 = arith.addf %add3A_260, %mul3A_267 : vector<16xf32>
    %get3A_269 = arith.constant 7 : i32
    %get3A_270 = arith.index_cast %get3A_269 : i32 to index
    %get3A_271 = arith.constant 48 : index
    %get3A_272 = tpu.vector_load %arg13[%get3A_270, %get3A_271] {strides = array<i32>} : memref<64x64xf32, #tpu.memory_space<vmem>>, vector<16xf32>,
    %get3A_273 = arith.constant 48 : index
    %get3A_274 = tpu.vector_load %arg11[%get3A_273] {strides = array<i32>} : memref<64xf32, #tpu.memory_space<vmem>>, vector<16xf32>,
    %mul3A_275 = arith.mulf %get3A_272, %get3A_274 : vector<16xf32>
    %add3A_276 = arith.addf %add3A_268, %mul3A_275 : vector<16xf32>
    %swap3A_277 = arith.constant 112 : index
    %swap3A_278 = tpu.vector_load %arg12[%swap3A_277] {strides = array<i32>} : memref<256xf32, #tpu.memory_space<vmem>>, vector<16xf32>,
    tpu.vector_store %arg12[%swap3A_277], %add3A_276 {strides = array<i32>} : memref<256xf32, #tpu.memory_space<vmem>>, vector<16xf32>,
    %get3A_279 = arith.constant 8 : i32
    %get3A_280 = arith.index_cast %get3A_279 : i32 to index
    %get3A_281 = arith.constant 0 : index
    %get3A_282 = tpu.vector_load %arg13[%get3A_280, %get3A_281] {strides = array<i32>} : memref<64x64xf32, #tpu.memory_space<vmem>>, vector<16xf32>,
    %get3A_283 = arith.constant 0 : index
    %get3A_284 = tpu.vector_load %arg11[%get3A_283] {strides = array<i32>} : memref<64xf32, #tpu.memory_space<vmem>>, vector<16xf32>,
    %mul3A_285 = arith.mulf %get3A_282, %get3A_284 : vector<16xf32>
    %get3A_286 = arith.constant 8 : i32
    %get3A_287 = arith.index_cast %get3A_286 : i32 to index
    %get3A_288 = arith.constant 16 : index
    %get3A_289 = tpu.vector_load %arg13[%get3A_287, %get3A_288] {strides = array<i32>} : memref<64x64xf32, #tpu.memory_space<vmem>>, vector<16xf32>,
    %get3A_290 = arith.constant 16 : index
    %get3A_291 = tpu.vector_load %arg11[%get3A_290] {strides = array<i32>} : memref<64xf32, #tpu.memory_space<vmem>>, vector<16xf32>,
    %mul3A_292 = arith.mulf %get3A_289, %get3A_291 : vector<16xf32>
    %add3A_293 = arith.addf %mul3A_285, %mul3A_292 : vector<16xf32>
    %get3A_294 = arith.constant 8 : i32
    %get3A_295 = arith.index_cast %get3A_294 : i32 to index
    %get3A_296 = arith.constant 32 : index
    %get3A_297 = tpu.vector_load %arg13[%get3A_295, %get3A_296] {strides = array<i32>} : memref<64x64xf32, #tpu.memory_space<vmem>>, vector<16xf32>,
    %get3A_298 = arith.constant 32 : index
    %get3A_299 = tpu.vector_load %arg11[%get3A_298] {strides = array<i32>} : memref<64xf32, #tpu.memory_space<vmem>>, vector<16xf32>,
    %mul3A_300 = arith.mulf %get3A_297, %get3A_299 : vector<16xf32>
    %add3A_301 = arith.addf %add3A_293, %mul3A_300 : vector<16xf32>
    %get3A_302 = arith.constant 8 : i32
    %get3A_303 = arith.index_cast %get3A_302 : i32 to index
    %get3A_304 = arith.constant 48 : index
    %get3A_305 = tpu.vector_load %arg13[%get3A_303, %get3A_304] {strides = array<i32>} : memref<64x64xf32, #tpu.memory_space<vmem>>, vector<16xf32>,
    %get3A_306 = arith.constant 48 : index
    %get3A_307 = tpu.vector_load %arg11[%get3A_306] {strides = array<i32>} : memref<64xf32, #tpu.memory_space<vmem>>, vector<16xf32>,
    %mul3A_308 = arith.mulf %get3A_305, %get3A_307 : vector<16xf32>
    %add3A_309 = arith.addf %add3A_301, %mul3A_308 : vector<16xf32>
    %swap3A_310 = arith.constant 128 : index
    %swap3A_311 = tpu.vector_load %arg12[%swap3A_310] {strides = array<i32>} : memref<256xf32, #tpu.memory_space<vmem>>, vector<16xf32>,
    tpu.vector_store %arg12[%swap3A_310], %add3A_309 {strides = array<i32>} : memref<256xf32, #tpu.memory_space<vmem>>, vector<16xf32>,
    %get3A_312 = arith.constant 9 : i32
    %get3A_313 = arith.index_cast %get3A_312 : i32 to index
    %get3A_314 = arith.constant 0 : index
    %get3A_315 = tpu.vector_load %arg13[%get3A_313, %get3A_314] {strides = array<i32>} : memref<64x64xf32, #tpu.memory_space<vmem>>, vector<16xf32>,
    %get3A_316 = arith.constant 0 : index
    %get3A_317 = tpu.vector_load %arg11[%get3A_316] {strides = array<i32>} : memref<64xf32, #tpu.memory_space<vmem>>, vector<16xf32>,
    %mul3A_318 = arith.mulf %get3A_315, %get3A_317 : vector<16xf32>
    %get3A_319 = arith.constant 9 : i32
    %get3A_320 = arith.index_cast %get3A_319 : i32 to index
    %get3A_321 = arith.constant 16 : index
    %get3A_322 = tpu.vector_load %arg13[%get3A_320, %get3A_321] {strides = array<i32>} : memref<64x64xf32, #tpu.memory_space<vmem>>, vector<16xf32>,
    %get3A_323 = arith.constant 16 : index
    %get3A_324 = tpu.vector_load %arg11[%get3A_323] {strides = array<i32>} : memref<64xf32, #tpu.memory_space<vmem>>, vector<16xf32>,
    %mul3A_325 = arith.mulf %get3A_322, %get3A_324 : vector<16xf32>
    %add3A_326 = arith.addf %mul3A_318, %mul3A_325 : vector<16xf32>
    %get3A_327 = arith.constant 9 : i32
    %get3A_328 = arith.index_cast %get3A_327 : i32 to index
    %get3A_329 = arith.constant 32 : index
    %get3A_330 = tpu.vector_load %arg13[%get3A_328, %get3A_329] {strides = array<i32>} : memref<64x64xf32, #tpu.memory_space<vmem>>, vector<16xf32>,
    %get3A_331 = arith.constant 32 : index
    %get3A_332 = tpu.vector_load %arg11[%get3A_331] {strides = array<i32>} : memref<64xf32, #tpu.memory_space<vmem>>, vector<16xf32>,
    %mul3A_333 = arith.mulf %get3A_330, %get3A_332 : vector<16xf32>
    %add3A_334 = arith.addf %add3A_326, %mul3A_333 : vector<16xf32>
    %get3A_335 = arith.constant 9 : i32
    %get3A_336 = arith.index_cast %get3A_335 : i32 to index
    %get3A_337 = arith.constant 48 : index
    %get3A_338 = tpu.vector_load %arg13[%get3A_336, %get3A_337] {strides = array<i32>} : memref<64x64xf32, #tpu.memory_space<vmem>>, vector<16xf32>,
    %get3A_339 = arith.constant 48 : index
    %get3A_340 = tpu.vector_load %arg11[%get3A_339] {strides = array<i32>} : memref<64xf32, #tpu.memory_space<vmem>>, vector<16xf32>,
    %mul3A_341 = arith.mulf %get3A_338, %get3A_340 : vector<16xf32>
    %add3A_342 = arith.addf %add3A_334, %mul3A_341 : vector<16xf32>
    %swap3A_343 = arith.constant 144 : index
    %swap3A_344 = tpu.vector_load %arg12[%swap3A_343] {strides = array<i32>} : memref<256xf32, #tpu.memory_space<vmem>>, vector<16xf32>,
    tpu.vector_store %arg12[%swap3A_343], %add3A_342 {strides = array<i32>} : memref<256xf32, #tpu.memory_space<vmem>>, vector<16xf32>,
    %get3A_345 = arith.constant 10 : i32
    %get3A_346 = arith.index_cast %get3A_345 : i32 to index
    %get3A_347 = arith.constant 0 : index
    %get3A_348 = tpu.vector_load %arg13[%get3A_346, %get3A_347] {strides = array<i32>} : memref<64x64xf32, #tpu.memory_space<vmem>>, vector<16xf32>,
    %get3A_349 = arith.constant 0 : index
    %get3A_350 = tpu.vector_load %arg11[%get3A_349] {strides = array<i32>} : memref<64xf32, #tpu.memory_space<vmem>>, vector<16xf32>,
    %mul3A_351 = arith.mulf %get3A_348, %get3A_350 : vector<16xf32>
    %get3A_352 = arith.constant 10 : i32
    %get3A_353 = arith.index_cast %get3A_352 : i32 to index
    %get3A_354 = arith.constant 16 : index
    %get3A_355 = tpu.vector_load %arg13[%get3A_353, %get3A_354] {strides = array<i32>} : memref<64x64xf32, #tpu.memory_space<vmem>>, vector<16xf32>,
    %get3A_356 = arith.constant 16 : index
    %get3A_357 = tpu.vector_load %arg11[%get3A_356] {strides = array<i32>} : memref<64xf32, #tpu.memory_space<vmem>>, vector<16xf32>,
    %mul3A_358 = arith.mulf %get3A_355, %get3A_357 : vector<16xf32>
    %add3A_359 = arith.addf %mul3A_351, %mul3A_358 : vector<16xf32>
    %get3A_360 = arith.constant 10 : i32
    %get3A_361 = arith.index_cast %get3A_360 : i32 to index
    %get3A_362 = arith.constant 32 : index
    %get3A_363 = tpu.vector_load %arg13[%get3A_361, %get3A_362] {strides = array<i32>} : memref<64x64xf32, #tpu.memory_space<vmem>>, vector<16xf32>,
    %get3A_364 = arith.constant 32 : index
    %get3A_365 = tpu.vector_load %arg11[%get3A_364] {strides = array<i32>} : memref<64xf32, #tpu.memory_space<vmem>>, vector<16xf32>,
    %mul3A_366 = arith.mulf %get3A_363, %get3A_365 : vector<16xf32>
    %add3A_367 = arith.addf %add3A_359, %mul3A_366 : vector<16xf32>
    %get3A_368 = arith.constant 10 : i32
    %get3A_369 = arith.index_cast %get3A_368 : i32 to index
    %get3A_370 = arith.constant 48 : index
    %get3A_371 = tpu.vector_load %arg13[%get3A_369, %get3A_370] {strides = array<i32>} : memref<64x64xf32, #tpu.memory_space<vmem>>, vector<16xf32>,
    %get3A_372 = arith.constant 48 : index
    %get3A_373 = tpu.vector_load %arg11[%get3A_372] {strides = array<i32>} : memref<64xf32, #tpu.memory_space<vmem>>, vector<16xf32>,
    %mul3A_374 = arith.mulf %get3A_371, %get3A_373 : vector<16xf32>
    %add3A_375 = arith.addf %add3A_367, %mul3A_374 : vector<16xf32>
    %swap3A_376 = arith.constant 160 : index
    %swap3A_377 = tpu.vector_load %arg12[%swap3A_376] {strides = array<i32>} : memref<256xf32, #tpu.memory_space<vmem>>, vector<16xf32>,
    tpu.vector_store %arg12[%swap3A_376], %add3A_375 {strides = array<i32>} : memref<256xf32, #tpu.memory_space<vmem>>, vector<16xf32>,
    %get3A_378 = arith.constant 11 : i32
    %get3A_379 = arith.index_cast %get3A_378 : i32 to index
    %get3A_380 = arith.constant 0 : index
    %get3A_381 = tpu.vector_load %arg13[%get3A_379, %get3A_380] {strides = array<i32>} : memref<64x64xf32, #tpu.memory_space<vmem>>, vector<16xf32>,
    %get3A_382 = arith.constant 0 : index
    %get3A_383 = tpu.vector_load %arg11[%get3A_382] {strides = array<i32>} : memref<64xf32, #tpu.memory_space<vmem>>, vector<16xf32>,
    %mul3A_384 = arith.mulf %get3A_381, %get3A_383 : vector<16xf32>
    %get3A_385 = arith.constant 11 : i32
    %get3A_386 = arith.index_cast %get3A_385 : i32 to index
    %get3A_387 = arith.constant 16 : index
    %get3A_388 = tpu.vector_load %arg13[%get3A_386, %get3A_387] {strides = array<i32>} : memref<64x64xf32, #tpu.memory_space<vmem>>, vector<16xf32>,
    %get3A_389 = arith.constant 16 : index
    %get3A_390 = tpu.vector_load %arg11[%get3A_389] {strides = array<i32>} : memref<64xf32, #tpu.memory_space<vmem>>, vector<16xf32>,
    %mul3A_391 = arith.mulf %get3A_388, %get3A_390 : vector<16xf32>
    %add3A_392 = arith.addf %mul3A_384, %mul3A_391 : vector<16xf32>
    %get3A_393 = arith.constant 11 : i32
    %get3A_394 = arith.index_cast %get3A_393 : i32 to index
    %get3A_395 = arith.constant 32 : index
    %get3A_396 = tpu.vector_load %arg13[%get3A_394, %get3A_395] {strides = array<i32>} : memref<64x64xf32, #tpu.memory_space<vmem>>, vector<16xf32>,
    %get3A_397 = arith.constant 32 : index
    %get3A_398 = tpu.vector_load %arg11[%get3A_397] {strides = array<i32>} : memref<64xf32, #tpu.memory_space<vmem>>, vector<16xf32>,
    %mul3A_399 = arith.mulf %get3A_396, %get3A_398 : vector<16xf32>
    %add3A_400 = arith.addf %add3A_392, %mul3A_399 : vector<16xf32>
    %get3A_401 = arith.constant 11 : i32
    %get3A_402 = arith.index_cast %get3A_401 : i32 to index
    %get3A_403 = arith.constant 48 : index
    %get3A_404 = tpu.vector_load %arg13[%get3A_402, %get3A_403] {strides = array<i32>} : memref<64x64xf32, #tpu.memory_space<vmem>>, vector<16xf32>,
    %get3A_405 = arith.constant 48 : index
    %get3A_406 = tpu.vector_load %arg11[%get3A_405] {strides = array<i32>} : memref<64xf32, #tpu.memory_space<vmem>>, vector<16xf32>,
    %mul3A_407 = arith.mulf %get3A_404, %get3A_406 : vector<16xf32>
    %add3A_408 = arith.addf %add3A_400, %mul3A_407 : vector<16xf32>
    %swap3A_409 = arith.constant 176 : index
    %swap3A_410 = tpu.vector_load %arg12[%swap3A_409] {strides = array<i32>} : memref<256xf32, #tpu.memory_space<vmem>>, vector<16xf32>,
    tpu.vector_store %arg12[%swap3A_409], %add3A_408 {strides = array<i32>} : memref<256xf32, #tpu.memory_space<vmem>>, vector<16xf32>,
    %get3A_411 = arith.constant 12 : i32
    %get3A_412 = arith.index_cast %get3A_411 : i32 to index
    %get3A_413 = arith.constant 0 : index
    %get3A_414 = tpu.vector_load %arg13[%get3A_412, %get3A_413] {strides = array<i32>} : memref<64x64xf32, #tpu.memory_space<vmem>>, vector<16xf32>,
    %get3A_415 = arith.constant 0 : index
    %get3A_416 = tpu.vector_load %arg11[%get3A_415] {strides = array<i32>} : memref<64xf32, #tpu.memory_space<vmem>>, vector<16xf32>,
    %mul3A_417 = arith.mulf %get3A_414, %get3A_416 : vector<16xf32>
    %get3A_418 = arith.constant 12 : i32
    %get3A_419 = arith.index_cast %get3A_418 : i32 to index
    %get3A_420 = arith.constant 16 : index
    %get3A_421 = tpu.vector_load %arg13[%get3A_419, %get3A_420] {strides = array<i32>} : memref<64x64xf32, #tpu.memory_space<vmem>>, vector<16xf32>,
    %get3A_422 = arith.constant 16 : index
    %get3A_423 = tpu.vector_load %arg11[%get3A_422] {strides = array<i32>} : memref<64xf32, #tpu.memory_space<vmem>>, vector<16xf32>,
    %mul3A_424 = arith.mulf %get3A_421, %get3A_423 : vector<16xf32>
    %add3A_425 = arith.addf %mul3A_417, %mul3A_424 : vector<16xf32>
    %get3A_426 = arith.constant 12 : i32
    %get3A_427 = arith.index_cast %get3A_426 : i32 to index
    %get3A_428 = arith.constant 32 : index
    %get3A_429 = tpu.vector_load %arg13[%get3A_427, %get3A_428] {strides = array<i32>} : memref<64x64xf32, #tpu.memory_space<vmem>>, vector<16xf32>,
    %get3A_430 = arith.constant 32 : index
    %get3A_431 = tpu.vector_load %arg11[%get3A_430] {strides = array<i32>} : memref<64xf32, #tpu.memory_space<vmem>>, vector<16xf32>,
    %mul3A_432 = arith.mulf %get3A_429, %get3A_431 : vector<16xf32>
    %add3A_433 = arith.addf %add3A_425, %mul3A_432 : vector<16xf32>
    %get3A_434 = arith.constant 12 : i32
    %get3A_435 = arith.index_cast %get3A_434 : i32 to index
    %get3A_436 = arith.constant 48 : index
    %get3A_437 = tpu.vector_load %arg13[%get3A_435, %get3A_436] {strides = array<i32>} : memref<64x64xf32, #tpu.memory_space<vmem>>, vector<16xf32>,
    %get3A_438 = arith.constant 48 : index
    %get3A_439 = tpu.vector_load %arg11[%get3A_438] {strides = array<i32>} : memref<64xf32, #tpu.memory_space<vmem>>, vector<16xf32>,
    %mul3A_440 = arith.mulf %get3A_437, %get3A_439 : vector<16xf32>
    %add3A_441 = arith.addf %add3A_433, %mul3A_440 : vector<16xf32>
    %swap3A_442 = arith.constant 192 : index
    %swap3A_443 = tpu.vector_load %arg12[%swap3A_442] {strides = array<i32>} : memref<256xf32, #tpu.memory_space<vmem>>, vector<16xf32>,
    tpu.vector_store %arg12[%swap3A_442], %add3A_441 {strides = array<i32>} : memref<256xf32, #tpu.memory_space<vmem>>, vector<16xf32>,
    %get3A_444 = arith.constant 13 : i32
    %get3A_445 = arith.index_cast %get3A_444 : i32 to index
    %get3A_446 = arith.constant 0 : index
    %get3A_447 = tpu.vector_load %arg13[%get3A_445, %get3A_446] {strides = array<i32>} : memref<64x64xf32, #tpu.memory_space<vmem>>, vector<16xf32>,
    %get3A_448 = arith.constant 0 : index
    %get3A_449 = tpu.vector_load %arg11[%get3A_448] {strides = array<i32>} : memref<64xf32, #tpu.memory_space<vmem>>, vector<16xf32>,
    %mul3A_450 = arith.mulf %get3A_447, %get3A_449 : vector<16xf32>
    %get3A_451 = arith.constant 13 : i32
    %get3A_452 = arith.index_cast %get3A_451 : i32 to index
    %get3A_453 = arith.constant 16 : index
    %get3A_454 = tpu.vector_load %arg13[%get3A_452, %get3A_453] {strides = array<i32>} : memref<64x64xf32, #tpu.memory_space<vmem>>, vector<16xf32>,
    %get3A_455 = arith.constant 16 : index
    %get3A_456 = tpu.vector_load %arg11[%get3A_455] {strides = array<i32>} : memref<64xf32, #tpu.memory_space<vmem>>, vector<16xf32>,
    %mul3A_457 = arith.mulf %get3A_454, %get3A_456 : vector<16xf32>
    %add3A_458 = arith.addf %mul3A_450, %mul3A_457 : vector<16xf32>
    %get3A_459 = arith.constant 13 : i32
    %get3A_460 = arith.index_cast %get3A_459 : i32 to index
    %get3A_461 = arith.constant 32 : index
    %get3A_462 = tpu.vector_load %arg13[%get3A_460, %get3A_461] {strides = array<i32>} : memref<64x64xf32, #tpu.memory_space<vmem>>, vector<16xf32>,
    %get3A_463 = arith.constant 32 : index
    %get3A_464 = tpu.vector_load %arg11[%get3A_463] {strides = array<i32>} : memref<64xf32, #tpu.memory_space<vmem>>, vector<16xf32>,
    %mul3A_465 = arith.mulf %get3A_462, %get3A_464 : vector<16xf32>
    %add3A_466 = arith.addf %add3A_458, %mul3A_465 : vector<16xf32>
    %get3A_467 = arith.constant 13 : i32
    %get3A_468 = arith.index_cast %get3A_467 : i32 to index
    %get3A_469 = arith.constant 48 : index
    %get3A_470 = tpu.vector_load %arg13[%get3A_468, %get3A_469] {strides = array<i32>} : memref<64x64xf32, #tpu.memory_space<vmem>>, vector<16xf32>,
    %get3A_471 = arith.constant 48 : index
    %get3A_472 = tpu.vector_load %arg11[%get3A_471] {strides = array<i32>} : memref<64xf32, #tpu.memory_space<vmem>>, vector<16xf32>,
    %mul3A_473 = arith.mulf %get3A_470, %get3A_472 : vector<16xf32>
    %add3A_474 = arith.addf %add3A_466, %mul3A_473 : vector<16xf32>
    %swap3A_475 = arith.constant 208 : index
    %swap3A_476 = tpu.vector_load %arg12[%swap3A_475] {strides = array<i32>} : memref<256xf32, #tpu.memory_space<vmem>>, vector<16xf32>,
    tpu.vector_store %arg12[%swap3A_475], %add3A_474 {strides = array<i32>} : memref<256xf32, #tpu.memory_space<vmem>>, vector<16xf32>,
    %get3A_477 = arith.constant 14 : i32
    %get3A_478 = arith.index_cast %get3A_477 : i32 to index
    %get3A_479 = arith.constant 0 : index
    %get3A_480 = tpu.vector_load %arg13[%get3A_478, %get3A_479] {strides = array<i32>} : memref<64x64xf32, #tpu.memory_space<vmem>>, vector<16xf32>,
    %get3A_481 = arith.constant 0 : index
    %get3A_482 = tpu.vector_load %arg11[%get3A_481] {strides = array<i32>} : memref<64xf32, #tpu.memory_space<vmem>>, vector<16xf32>,
    %mul3A_483 = arith.mulf %get3A_480, %get3A_482 : vector<16xf32>
    %get3A_484 = arith.constant 14 : i32
    %get3A_485 = arith.index_cast %get3A_484 : i32 to index
    %get3A_486 = arith.constant 16 : index
    %get3A_487 = tpu.vector_load %arg13[%get3A_485, %get3A_486] {strides = array<i32>} : memref<64x64xf32, #tpu.memory_space<vmem>>, vector<16xf32>,
    %get3A_488 = arith.constant 16 : index
    %get3A_489 = tpu.vector_load %arg11[%get3A_488] {strides = array<i32>} : memref<64xf32, #tpu.memory_space<vmem>>, vector<16xf32>,
    %mul3A_490 = arith.mulf %get3A_487, %get3A_489 : vector<16xf32>
    %add3A_491 = arith.addf %mul3A_483, %mul3A_490 : vector<16xf32>
    %get3A_492 = arith.constant 14 : i32
    %get3A_493 = arith.index_cast %get3A_492 : i32 to index
    %get3A_494 = arith.constant 32 : index
    %get3A_495 = tpu.vector_load %arg13[%get3A_493, %get3A_494] {strides = array<i32>} : memref<64x64xf32, #tpu.memory_space<vmem>>, vector<16xf32>,
    %get3A_496 = arith.constant 32 : index
    %get3A_497 = tpu.vector_load %arg11[%get3A_496] {strides = array<i32>} : memref<64xf32, #tpu.memory_space<vmem>>, vector<16xf32>,
    %mul3A_498 = arith.mulf %get3A_495, %get3A_497 : vector<16xf32>
    %add3A_499 = arith.addf %add3A_491, %mul3A_498 : vector<16xf32>
    %get3A_500 = arith.constant 14 : i32
    %get3A_501 = arith.index_cast %get3A_500 : i32 to index
    %get3A_502 = arith.constant 48 : index
    %get3A_503 = tpu.vector_load %arg13[%get3A_501, %get3A_502] {strides = array<i32>} : memref<64x64xf32, #tpu.memory_space<vmem>>, vector<16xf32>,
    %get3A_504 = arith.constant 48 : index
    %get3A_505 = tpu.vector_load %arg11[%get3A_504] {strides = array<i32>} : memref<64xf32, #tpu.memory_space<vmem>>, vector<16xf32>,
    %mul3A_506 = arith.mulf %get3A_503, %get3A_505 : vector<16xf32>
    %add3A_507 = arith.addf %add3A_499, %mul3A_506 : vector<16xf32>
    %swap3A_508 = arith.constant 224 : index
    %swap3A_509 = tpu.vector_load %arg12[%swap3A_508] {strides = array<i32>} : memref<256xf32, #tpu.memory_space<vmem>>, vector<16xf32>,
    tpu.vector_store %arg12[%swap3A_508], %add3A_507 {strides = array<i32>} : memref<256xf32, #tpu.memory_space<vmem>>, vector<16xf32>,
    %get3A_510 = arith.constant 15 : i32
    %get3A_511 = arith.index_cast %get3A_510 : i32 to index
    %get3A_512 = arith.constant 0 : index
    %get3A_513 = tpu.vector_load %arg13[%get3A_511, %get3A_512] {strides = array<i32>} : memref<64x64xf32, #tpu.memory_space<vmem>>, vector<16xf32>,
    %get3A_514 = arith.constant 0 : index
    %get3A_515 = tpu.vector_load %arg11[%get3A_514] {strides = array<i32>} : memref<64xf32, #tpu.memory_space<vmem>>, vector<16xf32>,
    %mul3A_516 = arith.mulf %get3A_513, %get3A_515 : vector<16xf32>
    %get3A_517 = arith.constant 15 : i32
    %get3A_518 = arith.index_cast %get3A_517 : i32 to index
    %get3A_519 = arith.constant 16 : index
    %get3A_520 = tpu.vector_load %arg13[%get3A_518, %get3A_519] {strides = array<i32>} : memref<64x64xf32, #tpu.memory_space<vmem>>, vector<16xf32>,
    %get3A_521 = arith.constant 16 : index
    %get3A_522 = tpu.vector_load %arg11[%get3A_521] {strides = array<i32>} : memref<64xf32, #tpu.memory_space<vmem>>, vector<16xf32>,
    %mul3A_523 = arith.mulf %get3A_520, %get3A_522 : vector<16xf32>
    %add3A_524 = arith.addf %mul3A_516, %mul3A_523 : vector<16xf32>
    %get3A_525 = arith.constant 15 : i32
    %get3A_526 = arith.index_cast %get3A_525 : i32 to index
    %get3A_527 = arith.constant 32 : index
    %get3A_528 = tpu.vector_load %arg13[%get3A_526, %get3A_527] {strides = array<i32>} : memref<64x64xf32, #tpu.memory_space<vmem>>, vector<16xf32>,
    %get3A_529 = arith.constant 32 : index
    %get3A_530 = tpu.vector_load %arg11[%get3A_529] {strides = array<i32>} : memref<64xf32, #tpu.memory_space<vmem>>, vector<16xf32>,
    %mul3A_531 = arith.mulf %get3A_528, %get3A_530 : vector<16xf32>
    %add3A_532 = arith.addf %add3A_524, %mul3A_531 : vector<16xf32>
    %get3A_533 = arith.constant 15 : i32
    %get3A_534 = arith.index_cast %get3A_533 : i32 to index
    %get3A_535 = arith.constant 48 : index
    %get3A_536 = tpu.vector_load %arg13[%get3A_534, %get3A_535] {strides = array<i32>} : memref<64x64xf32, #tpu.memory_space<vmem>>, vector<16xf32>,
    %get3A_537 = arith.constant 48 : index
    %get3A_538 = tpu.vector_load %arg11[%get3A_537] {strides = array<i32>} : memref<64xf32, #tpu.memory_space<vmem>>, vector<16xf32>,
    %mul3A_539 = arith.mulf %get3A_536, %get3A_538 : vector<16xf32>
    %add3A_540 = arith.addf %add3A_532, %mul3A_539 : vector<16xf32>
    %swap3A_541 = arith.constant 240 : index
    %swap3A_542 = tpu.vector_load %arg12[%swap3A_541] {strides = array<i32>} : memref<256xf32, #tpu.memory_space<vmem>>, vector<16xf32>,
    tpu.vector_store %arg12[%swap3A_541], %add3A_540 {strides = array<i32>} : memref<256xf32, #tpu.memory_space<vmem>>, vector<16xf32>,
    %gather3A = tpu.vector_load_idx %arg12[%mul3A_3] : memref<256xf32, #tpu.memory_space<vmem>>[vector<16xi32>], vector<16xf32>,
    %add3A_543 = arith.constant 1 : i32
    %add3A_544 = vector.broadcast %add3A_543 : i32 to vector<16xi32>
    %add3A_545 = arith.addi %mul3A_3, %add3A_544 : vector<16xi32>
    %gather3A_546 = tpu.vector_load_idx %arg12[%add3A_545] : memref<256xf32, #tpu.memory_space<vmem>>[vector<16xi32>], vector<16xf32>,
    %add3A_547 = arith.addf %gather3A, %gather3A_546 : vector<16xf32>
    %add3A_548 = arith.constant 2 : i32
    %add3A_549 = vector.broadcast %add3A_548 : i32 to vector<16xi32>
    %add3A_550 = arith.addi %mul3A_3, %add3A_549 : vector<16xi32>
    %gather3A_551 = tpu.vector_load_idx %arg12[%add3A_550] : memref<256xf32, #tpu.memory_space<vmem>>[vector<16xi32>], vector<16xf32>,
    %add3A_552 = arith.addf %add3A_547, %gather3A_551 : vector<16xf32>
    %add3A_553 = arith.constant 3 : i32
    %add3A_554 = vector.broadcast %add3A_553 : i32 to vector<16xi32>
    %add3A_555 = arith.addi %mul3A_3, %add3A_554 : vector<16xi32>
    %gather3A_556 = tpu.vector_load_idx %arg12[%add3A_555] : memref<256xf32, #tpu.memory_space<vmem>>[vector<16xi32>], vector<16xf32>,
    %add3A_557 = arith.addf %add3A_552, %gather3A_556 : vector<16xf32>
    %add3A_558 = arith.constant 4 : i32
    %add3A_559 = vector.broadcast %add3A_558 : i32 to vector<16xi32>
    %add3A_560 = arith.addi %mul3A_3, %add3A_559 : vector<16xi32>
    %gather3A_561 = tpu.vector_load_idx %arg12[%add3A_560] : memref<256xf32, #tpu.memory_space<vmem>>[vector<16xi32>], vector<16xf32>,
    %add3A_562 = arith.addf %add3A_557, %gather3A_561 : vector<16xf32>
    %add3A_563 = arith.constant 5 : i32
    %add3A_564 = vector.broadcast %add3A_563 : i32 to vector<16xi32>
    %add3A_565 = arith.addi %mul3A_3, %add3A_564 : vector<16xi32>
    %gather3A_566 = tpu.vector_load_idx %arg12[%add3A_565] : memref<256xf32, #tpu.memory_space<vmem>>[vector<16xi32>], vector<16xf32>,
    %add3A_567 = arith.addf %add3A_562, %gather3A_566 : vector<16xf32>
    %add3A_568 = arith.constant 6 : i32
    %add3A_569 = vector.broadcast %add3A_568 : i32 to vector<16xi32>
    %add3A_570 = arith.addi %mul3A_3, %add3A_569 : vector<16xi32>
    %gather3A_571 = tpu.vector_load_idx %arg12[%add3A_570] : memref<256xf32, #tpu.memory_space<vmem>>[vector<16xi32>], vector<16xf32>,
    %add3A_572 = arith.addf %add3A_567, %gather3A_571 : vector<16xf32>
    %add3A_573 = arith.constant 7 : i32
    %add3A_574 = vector.broadcast %add3A_573 : i32 to vector<16xi32>
    %add3A_575 = arith.addi %mul3A_3, %add3A_574 : vector<16xi32>
    %gather3A_576 = tpu.vector_load_idx %arg12[%add3A_575] : memref<256xf32, #tpu.memory_space<vmem>>[vector<16xi32>], vector<16xf32>,
    %add3A_577 = arith.addf %add3A_572, %gather3A_576 : vector<16xf32>
    %add3A_578 = arith.constant 8 : i32
    %add3A_579 = vector.broadcast %add3A_578 : i32 to vector<16xi32>
    %add3A_580 = arith.addi %mul3A_3, %add3A_579 : vector<16xi32>
    %gather3A_581 = tpu.vector_load_idx %arg12[%add3A_580] : memref<256xf32, #tpu.memory_space<vmem>>[vector<16xi32>], vector<16xf32>,
    %add3A_582 = arith.addf %add3A_577, %gather3A_581 : vector<16xf32>
    %add3A_583 = arith.constant 9 : i32
    %add3A_584 = vector.broadcast %add3A_583 : i32 to vector<16xi32>
    %add3A_585 = arith.addi %mul3A_3, %add3A_584 : vector<16xi32>
    %gather3A_586 = tpu.vector_load_idx %arg12[%add3A_585] : memref<256xf32, #tpu.memory_space<vmem>>[vector<16xi32>], vector<16xf32>,
    %add3A_587 = arith.addf %add3A_582, %gather3A_586 : vector<16xf32>
    %add3A_588 = arith.constant 10 : i32
    %add3A_589 = vector.broadcast %add3A_588 : i32 to vector<16xi32>
    %add3A_590 = arith.addi %mul3A_3, %add3A_589 : vector<16xi32>
    %gather3A_591 = tpu.vector_load_idx %arg12[%add3A_590] : memref<256xf32, #tpu.memory_space<vmem>>[vector<16xi32>], vector<16xf32>,
    %add3A_592 = arith.addf %add3A_587, %gather3A_591 : vector<16xf32>
    %add3A_593 = arith.constant 11 : i32
    %add3A_594 = vector.broadcast %add3A_593 : i32 to vector<16xi32>
    %add3A_595 = arith.addi %mul3A_3, %add3A_594 : vector<16xi32>
    %gather3A_596 = tpu.vector_load_idx %arg12[%add3A_595] : memref<256xf32, #tpu.memory_space<vmem>>[vector<16xi32>], vector<16xf32>,
    %add3A_597 = arith.addf %add3A_592, %gather3A_596 : vector<16xf32>
    %add3A_598 = arith.constant 12 : i32
    %add3A_599 = vector.broadcast %add3A_598 : i32 to vector<16xi32>
    %add3A_600 = arith.addi %mul3A_3, %add3A_599 : vector<16xi32>
    %gather3A_601 = tpu.vector_load_idx %arg12[%add3A_600] : memref<256xf32, #tpu.memory_space<vmem>>[vector<16xi32>], vector<16xf32>,
    %add3A_602 = arith.addf %add3A_597, %gather3A_601 : vector<16xf32>
    %add3A_603 = arith.constant 13 : i32
    %add3A_604 = vector.broadcast %add3A_603 : i32 to vector<16xi32>
    %add3A_605 = arith.addi %mul3A_3, %add3A_604 : vector<16xi32>
    %gather3A_606 = tpu.vector_load_idx %arg12[%add3A_605] : memref<256xf32, #tpu.memory_space<vmem>>[vector<16xi32>], vector<16xf32>,
    %add3A_607 = arith.addf %add3A_602, %gather3A_606 : vector<16xf32>
    %add3A_608 = arith.constant 14 : i32
    %add3A_609 = vector.broadcast %add3A_608 : i32 to vector<16xi32>
    %add3A_610 = arith.addi %mul3A_3, %add3A_609 : vector<16xi32>
    %gather3A_611 = tpu.vector_load_idx %arg12[%add3A_610] : memref<256xf32, #tpu.memory_space<vmem>>[vector<16xi32>], vector<16xf32>,
    %add3A_612 = arith.addf %add3A_607, %gather3A_611 : vector<16xf32>
    %add3A_613 = arith.constant 15 : i32
    %add3A_614 = vector.broadcast %add3A_613 : i32 to vector<16xi32>
    %add3A_615 = arith.addi %mul3A_3, %add3A_614 : vector<16xi32>
    %gather3A_616 = tpu.vector_load_idx %arg12[%add3A_615] : memref<256xf32, #tpu.memory_space<vmem>>[vector<16xi32>], vector<16xf32>,
    %add3A_617 = arith.addf %add3A_612, %gather3A_616 : vector<16xf32>
    %swap3A_618 = arith.constant 0 : index
    %swap3A_619 = tpu.vector_load %arg14[%swap3A_618] {strides = array<i32>} : memref<64xf32, #tpu.memory_space<vmem>>, vector<16xf32>,
    tpu.vector_store %arg14[%swap3A_618], %add3A_617 {strides = array<i32>} : memref<64xf32, #tpu.memory_space<vmem>>, vector<16xf32>,
    %get3A_620 = arith.constant 16 : i32
    %get3A_621 = arith.index_cast %get3A_620 : i32 to index
    %get3A_622 = arith.constant 0 : index
    %get3A_623 = tpu.vector_load %arg13[%get3A_621, %get3A_622] {strides = array<i32>} : memref<64x64xf32, #tpu.memory_space<vmem>>, vector<16xf32>,
    %get3A_624 = arith.constant 0 : index
    %get3A_625 = tpu.vector_load %arg11[%get3A_624] {strides = array<i32>} : memref<64xf32, #tpu.memory_space<vmem>>, vector<16xf32>,
    %mul3A_626 = arith.mulf %get3A_623, %get3A_625 : vector<16xf32>
    %get3A_627 = arith.constant 16 : i32
    %get3A_628 = arith.index_cast %get3A_627 : i32 to index
    %get3A_629 = arith.constant 16 : index
    %get3A_630 = tpu.vector_load %arg13[%get3A_628, %get3A_629] {strides = array<i32>} : memref<64x64xf32, #tpu.memory_space<vmem>>, vector<16xf32>,
    %get3A_631 = arith.constant 16 : index
    %get3A_632 = tpu.vector_load %arg11[%get3A_631] {strides = array<i32>} : memref<64xf32, #tpu.memory_space<vmem>>, vector<16xf32>,
    %mul3A_633 = arith.mulf %get3A_630, %get3A_632 : vector<16xf32>
    %add3A_634 = arith.addf %mul3A_626, %mul3A_633 : vector<16xf32>
    %get3A_635 = arith.constant 16 : i32
    %get3A_636 = arith.index_cast %get3A_635 : i32 to index
    %get3A_637 = arith.constant 32 : index
    %get3A_638 = tpu.vector_load %arg13[%get3A_636, %get3A_637] {strides = array<i32>} : memref<64x64xf32, #tpu.memory_space<vmem>>, vector<16xf32>,
    %get3A_639 = arith.constant 32 : index
    %get3A_640 = tpu.vector_load %arg11[%get3A_639] {strides = array<i32>} : memref<64xf32, #tpu.memory_space<vmem>>, vector<16xf32>,
    %mul3A_641 = arith.mulf %get3A_638, %get3A_640 : vector<16xf32>
    %add3A_642 = arith.addf %add3A_634, %mul3A_641 : vector<16xf32>
    %get3A_643 = arith.constant 16 : i32
    %get3A_644 = arith.index_cast %get3A_643 : i32 to index
    %get3A_645 = arith.constant 48 : index
    %get3A_646 = tpu.vector_load %arg13[%get3A_644, %get3A_645] {strides = array<i32>} : memref<64x64xf32, #tpu.memory_space<vmem>>, vector<16xf32>,
    %get3A_647 = arith.constant 48 : index
    %get3A_648 = tpu.vector_load %arg11[%get3A_647] {strides = array<i32>} : memref<64xf32, #tpu.memory_space<vmem>>, vector<16xf32>,
    %mul3A_649 = arith.mulf %get3A_646, %get3A_648 : vector<16xf32>
    %add3A_650 = arith.addf %add3A_642, %mul3A_649 : vector<16xf32>
    %swap3A_651 = arith.constant 0 : index
    %swap3A_652 = tpu.vector_load %arg12[%swap3A_651] {strides = array<i32>} : memref<256xf32, #tpu.memory_space<vmem>>, vector<16xf32>,
    tpu.vector_store %arg12[%swap3A_651], %add3A_650 {strides = array<i32>} : memref<256xf32, #tpu.memory_space<vmem>>, vector<16xf32>,
    %get3A_653 = arith.constant 17 : i32
    %get3A_654 = arith.index_cast %get3A_653 : i32 to index
    %get3A_655 = arith.constant 0 : index
    %get3A_656 = tpu.vector_load %arg13[%get3A_654, %get3A_655] {strides = array<i32>} : memref<64x64xf32, #tpu.memory_space<vmem>>, vector<16xf32>,
    %get3A_657 = arith.constant 0 : index
    %get3A_658 = tpu.vector_load %arg11[%get3A_657] {strides = array<i32>} : memref<64xf32, #tpu.memory_space<vmem>>, vector<16xf32>,
    %mul3A_659 = arith.mulf %get3A_656, %get3A_658 : vector<16xf32>
    %get3A_660 = arith.constant 17 : i32
    %get3A_661 = arith.index_cast %get3A_660 : i32 to index
    %get3A_662 = arith.constant 16 : index
    %get3A_663 = tpu.vector_load %arg13[%get3A_661, %get3A_662] {strides = array<i32>} : memref<64x64xf32, #tpu.memory_space<vmem>>, vector<16xf32>,
    %get3A_664 = arith.constant 16 : index
    %get3A_665 = tpu.vector_load %arg11[%get3A_664] {strides = array<i32>} : memref<64xf32, #tpu.memory_space<vmem>>, vector<16xf32>,
    %mul3A_666 = arith.mulf %get3A_663, %get3A_665 : vector<16xf32>
    %add3A_667 = arith.addf %mul3A_659, %mul3A_666 : vector<16xf32>
    %get3A_668 = arith.constant 17 : i32
    %get3A_669 = arith.index_cast %get3A_668 : i32 to index
    %get3A_670 = arith.constant 32 : index
    %get3A_671 = tpu.vector_load %arg13[%get3A_669, %get3A_670] {strides = array<i32>} : memref<64x64xf32, #tpu.memory_space<vmem>>, vector<16xf32>,
    %get3A_672 = arith.constant 32 : index
    %get3A_673 = tpu.vector_load %arg11[%get3A_672] {strides = array<i32>} : memref<64xf32, #tpu.memory_space<vmem>>, vector<16xf32>,
    %mul3A_674 = arith.mulf %get3A_671, %get3A_673 : vector<16xf32>
    %add3A_675 = arith.addf %add3A_667, %mul3A_674 : vector<16xf32>
    %get3A_676 = arith.constant 17 : i32
    %get3A_677 = arith.index_cast %get3A_676 : i32 to index
    %get3A_678 = arith.constant 48 : index
    %get3A_679 = tpu.vector_load %arg13[%get3A_677, %get3A_678] {strides = array<i32>} : memref<64x64xf32, #tpu.memory_space<vmem>>, vector<16xf32>,
    %get3A_680 = arith.constant 48 : index
    %get3A_681 = tpu.vector_load %arg11[%get3A_680] {strides = array<i32>} : memref<64xf32, #tpu.memory_space<vmem>>, vector<16xf32>,
    %mul3A_682 = arith.mulf %get3A_679, %get3A_681 : vector<16xf32>
    %add3A_683 = arith.addf %add3A_675, %mul3A_682 : vector<16xf32>
    %swap3A_684 = arith.constant 16 : index
    %swap3A_685 = tpu.vector_load %arg12[%swap3A_684] {strides = array<i32>} : memref<256xf32, #tpu.memory_space<vmem>>, vector<16xf32>,
    tpu.vector_store %arg12[%swap3A_684], %add3A_683 {strides = array<i32>} : memref<256xf32, #tpu.memory_space<vmem>>, vector<16xf32>,
    %get3A_686 = arith.constant 18 : i32
    %get3A_687 = arith.index_cast %get3A_686 : i32 to index
    %get3A_688 = arith.constant 0 : index
    %get3A_689 = tpu.vector_load %arg13[%get3A_687, %get3A_688] {strides = array<i32>} : memref<64x64xf32, #tpu.memory_space<vmem>>, vector<16xf32>,
    %get3A_690 = arith.constant 0 : index
    %get3A_691 = tpu.vector_load %arg11[%get3A_690] {strides = array<i32>} : memref<64xf32, #tpu.memory_space<vmem>>, vector<16xf32>,
    %mul3A_692 = arith.mulf %get3A_689, %get3A_691 : vector<16xf32>
    %get3A_693 = arith.constant 18 : i32
    %get3A_694 = arith.index_cast %get3A_693 : i32 to index
    %get3A_695 = arith.constant 16 : index
    %get3A_696 = tpu.vector_load %arg13[%get3A_694, %get3A_695] {strides = array<i32>} : memref<64x64xf32, #tpu.memory_space<vmem>>, vector<16xf32>,
    %get3A_697 = arith.constant 16 : index
    %get3A_698 = tpu.vector_load %arg11[%get3A_697] {strides = array<i32>} : memref<64xf32, #tpu.memory_space<vmem>>, vector<16xf32>,
    %mul3A_699 = arith.mulf %get3A_696, %get3A_698 : vector<16xf32>
    %add3A_700 = arith.addf %mul3A_692, %mul3A_699 : vector<16xf32>
    %get3A_701 = arith.constant 18 : i32
    %get3A_702 = arith.index_cast %get3A_701 : i32 to index
    %get3A_703 = arith.constant 32 : index
    %get3A_704 = tpu.vector_load %arg13[%get3A_702, %get3A_703] {strides = array<i32>} : memref<64x64xf32, #tpu.memory_space<vmem>>, vector<16xf32>,
    %get3A_705 = arith.constant 32 : index
    %get3A_706 = tpu.vector_load %arg11[%get3A_705] {strides = array<i32>} : memref<64xf32, #tpu.memory_space<vmem>>, vector<16xf32>,
    %mul3A_707 = arith.mulf %get3A_704, %get3A_706 : vector<16xf32>
    %add3A_708 = arith.addf %add3A_700, %mul3A_707 : vector<16xf32>
    %get3A_709 = arith.constant 18 : i32
    %get3A_710 = arith.index_cast %get3A_709 : i32 to index
    %get3A_711 = arith.constant 48 : index
    %get3A_712 = tpu.vector_load %arg13[%get3A_710, %get3A_711] {strides = array<i32>} : memref<64x64xf32, #tpu.memory_space<vmem>>, vector<16xf32>,
    %get3A_713 = arith.constant 48 : index
    %get3A_714 = tpu.vector_load %arg11[%get3A_713] {strides = array<i32>} : memref<64xf32, #tpu.memory_space<vmem>>, vector<16xf32>,
    %mul3A_715 = arith.mulf %get3A_712, %get3A_714 : vector<16xf32>
    %add3A_716 = arith.addf %add3A_708, %mul3A_715 : vector<16xf32>
    %swap3A_717 = arith.constant 32 : index
    %swap3A_718 = tpu.vector_load %arg12[%swap3A_717] {strides = array<i32>} : memref<256xf32, #tpu.memory_space<vmem>>, vector<16xf32>,
    tpu.vector_store %arg12[%swap3A_717], %add3A_716 {strides = array<i32>} : memref<256xf32, #tpu.memory_space<vmem>>, vector<16xf32>,
    %get3A_719 = arith.constant 19 : i32
    %get3A_720 = arith.index_cast %get3A_719 : i32 to index
    %get3A_721 = arith.constant 0 : index
    %get3A_722 = tpu.vector_load %arg13[%get3A_720, %get3A_721] {strides = array<i32>} : memref<64x64xf32, #tpu.memory_space<vmem>>, vector<16xf32>,
    %get3A_723 = arith.constant 0 : index
    %get3A_724 = tpu.vector_load %arg11[%get3A_723] {strides = array<i32>} : memref<64xf32, #tpu.memory_space<vmem>>, vector<16xf32>,
    %mul3A_725 = arith.mulf %get3A_722, %get3A_724 : vector<16xf32>
    %get3A_726 = arith.constant 19 : i32
    %get3A_727 = arith.index_cast %get3A_726 : i32 to index
    %get3A_728 = arith.constant 16 : index
    %get3A_729 = tpu.vector_load %arg13[%get3A_727, %get3A_728] {strides = array<i32>} : memref<64x64xf32, #tpu.memory_space<vmem>>, vector<16xf32>,
    %get3A_730 = arith.constant 16 : index
    %get3A_731 = tpu.vector_load %arg11[%get3A_730] {strides = array<i32>} : memref<64xf32, #tpu.memory_space<vmem>>, vector<16xf32>,
    %mul3A_732 = arith.mulf %get3A_729, %get3A_731 : vector<16xf32>
    %add3A_733 = arith.addf %mul3A_725, %mul3A_732 : vector<16xf32>
    %get3A_734 = arith.constant 19 : i32
    %get3A_735 = arith.index_cast %get3A_734 : i32 to index
    %get3A_736 = arith.constant 32 : index
    %get3A_737 = tpu.vector_load %arg13[%get3A_735, %get3A_736] {strides = array<i32>} : memref<64x64xf32, #tpu.memory_space<vmem>>, vector<16xf32>,
    %get3A_738 = arith.constant 32 : index
    %get3A_739 = tpu.vector_load %arg11[%get3A_738] {strides = array<i32>} : memref<64xf32, #tpu.memory_space<vmem>>, vector<16xf32>,
    %mul3A_740 = arith.mulf %get3A_737, %get3A_739 : vector<16xf32>
    %add3A_741 = arith.addf %add3A_733, %mul3A_740 : vector<16xf32>
    %get3A_742 = arith.constant 19 : i32
    %get3A_743 = arith.index_cast %get3A_742 : i32 to index
    %get3A_744 = arith.constant 48 : index
    %get3A_745 = tpu.vector_load %arg13[%get3A_743, %get3A_744] {strides = array<i32>} : memref<64x64xf32, #tpu.memory_space<vmem>>, vector<16xf32>,
    %get3A_746 = arith.constant 48 : index
    %get3A_747 = tpu.vector_load %arg11[%get3A_746] {strides = array<i32>} : memref<64xf32, #tpu.memory_space<vmem>>, vector<16xf32>,
    %mul3A_748 = arith.mulf %get3A_745, %get3A_747 : vector<16xf32>
    %add3A_749 = arith.addf %add3A_741, %mul3A_748 : vector<16xf32>
    %swap3A_750 = arith.constant 48 : index
    %swap3A_751 = tpu.vector_load %arg12[%swap3A_750] {strides = array<i32>} : memref<256xf32, #tpu.memory_space<vmem>>, vector<16xf32>,
    tpu.vector_store %arg12[%swap3A_750], %add3A_749 {strides = array<i32>} : memref<256xf32, #tpu.memory_space<vmem>>, vector<16xf32>,
    %get3A_752 = arith.constant 20 : i32
    %get3A_753 = arith.index_cast %get3A_752 : i32 to index
    %get3A_754 = arith.constant 0 : index
    %get3A_755 = tpu.vector_load %arg13[%get3A_753, %get3A_754] {strides = array<i32>} : memref<64x64xf32, #tpu.memory_space<vmem>>, vector<16xf32>,
    %get3A_756 = arith.constant 0 : index
    %get3A_757 = tpu.vector_load %arg11[%get3A_756] {strides = array<i32>} : memref<64xf32, #tpu.memory_space<vmem>>, vector<16xf32>,
    %mul3A_758 = arith.mulf %get3A_755, %get3A_757 : vector<16xf32>
    %get3A_759 = arith.constant 20 : i32
    %get3A_760 = arith.index_cast %get3A_759 : i32 to index
    %get3A_761 = arith.constant 16 : index
    %get3A_762 = tpu.vector_load %arg13[%get3A_760, %get3A_761] {strides = array<i32>} : memref<64x64xf32, #tpu.memory_space<vmem>>, vector<16xf32>,
    %get3A_763 = arith.constant 16 : index
    %get3A_764 = tpu.vector_load %arg11[%get3A_763] {strides = array<i32>} : memref<64xf32, #tpu.memory_space<vmem>>, vector<16xf32>,
    %mul3A_765 = arith.mulf %get3A_762, %get3A_764 : vector<16xf32>
    %add3A_766 = arith.addf %mul3A_758, %mul3A_765 : vector<16xf32>
    %get3A_767 = arith.constant 20 : i32
    %get3A_768 = arith.index_cast %get3A_767 : i32 to index
    %get3A_769 = arith.constant 32 : index
    %get3A_770 = tpu.vector_load %arg13[%get3A_768, %get3A_769] {strides = array<i32>} : memref<64x64xf32, #tpu.memory_space<vmem>>, vector<16xf32>,
    %get3A_771 = arith.constant 32 : index
    %get3A_772 = tpu.vector_load %arg11[%get3A_771] {strides = array<i32>} : memref<64xf32, #tpu.memory_space<vmem>>, vector<16xf32>,
    %mul3A_773 = arith.mulf %get3A_770, %get3A_772 : vector<16xf32>
    %add3A_774 = arith.addf %add3A_766, %mul3A_773 : vector<16xf32>
    %get3A_775 = arith.constant 20 : i32
    %get3A_776 = arith.index_cast %get3A_775 : i32 to index
    %get3A_777 = arith.constant 48 : index
    %get3A_778 = tpu.vector_load %arg13[%get3A_776, %get3A_777] {strides = array<i32>} : memref<64x64xf32, #tpu.memory_space<vmem>>, vector<16xf32>,
    %get3A_779 = arith.constant 48 : index
    %get3A_780 = tpu.vector_load %arg11[%get3A_779] {strides = array<i32>} : memref<64xf32, #tpu.memory_space<vmem>>, vector<16xf32>,
    %mul3A_781 = arith.mulf %get3A_778, %get3A_780 : vector<16xf32>
    %add3A_782 = arith.addf %add3A_774, %mul3A_781 : vector<16xf32>
    %swap3A_783 = arith.constant 64 : index
    %swap3A_784 = tpu.vector_load %arg12[%swap3A_783] {strides = array<i32>} : memref<256xf32, #tpu.memory_space<vmem>>, vector<16xf32>,
    tpu.vector_store %arg12[%swap3A_783], %add3A_782 {strides = array<i32>} : memref<256xf32, #tpu.memory_space<vmem>>, vector<16xf32>,
    %get3A_785 = arith.constant 21 : i32
    %get3A_786 = arith.index_cast %get3A_785 : i32 to index
    %get3A_787 = arith.constant 0 : index
    %get3A_788 = tpu.vector_load %arg13[%get3A_786, %get3A_787] {strides = array<i32>} : memref<64x64xf32, #tpu.memory_space<vmem>>, vector<16xf32>,
    %get3A_789 = arith.constant 0 : index
    %get3A_790 = tpu.vector_load %arg11[%get3A_789] {strides = array<i32>} : memref<64xf32, #tpu.memory_space<vmem>>, vector<16xf32>,
    %mul3A_791 = arith.mulf %get3A_788, %get3A_790 : vector<16xf32>
    %get3A_792 = arith.constant 21 : i32
    %get3A_793 = arith.index_cast %get3A_792 : i32 to index
    %get3A_794 = arith.constant 16 : index
    %get3A_795 = tpu.vector_load %arg13[%get3A_793, %get3A_794] {strides = array<i32>} : memref<64x64xf32, #tpu.memory_space<vmem>>, vector<16xf32>,
    %get3A_796 = arith.constant 16 : index
    %get3A_797 = tpu.vector_load %arg11[%get3A_796] {strides = array<i32>} : memref<64xf32, #tpu.memory_space<vmem>>, vector<16xf32>,
    %mul3A_798 = arith.mulf %get3A_795, %get3A_797 : vector<16xf32>
    %add3A_799 = arith.addf %mul3A_791, %mul3A_798 : vector<16xf32>
    %get3A_800 = arith.constant 21 : i32
    %get3A_801 = arith.index_cast %get3A_800 : i32 to index
    %get3A_802 = arith.constant 32 : index
    %get3A_803 = tpu.vector_load %arg13[%get3A_801, %get3A_802] {strides = array<i32>} : memref<64x64xf32, #tpu.memory_space<vmem>>, vector<16xf32>,
    %get3A_804 = arith.constant 32 : index
    %get3A_805 = tpu.vector_load %arg11[%get3A_804] {strides = array<i32>} : memref<64xf32, #tpu.memory_space<vmem>>, vector<16xf32>,
    %mul3A_806 = arith.mulf %get3A_803, %get3A_805 : vector<16xf32>
    %add3A_807 = arith.addf %add3A_799, %mul3A_806 : vector<16xf32>
    %get3A_808 = arith.constant 21 : i32
    %get3A_809 = arith.index_cast %get3A_808 : i32 to index
    %get3A_810 = arith.constant 48 : index
    %get3A_811 = tpu.vector_load %arg13[%get3A_809, %get3A_810] {strides = array<i32>} : memref<64x64xf32, #tpu.memory_space<vmem>>, vector<16xf32>,
    %get3A_812 = arith.constant 48 : index
    %get3A_813 = tpu.vector_load %arg11[%get3A_812] {strides = array<i32>} : memref<64xf32, #tpu.memory_space<vmem>>, vector<16xf32>,
    %mul3A_814 = arith.mulf %get3A_811, %get3A_813 : vector<16xf32>
    %add3A_815 = arith.addf %add3A_807, %mul3A_814 : vector<16xf32>
    %swap3A_816 = arith.constant 80 : index
    %swap3A_817 = tpu.vector_load %arg12[%swap3A_816] {strides = array<i32>} : memref<256xf32, #tpu.memory_space<vmem>>, vector<16xf32>,
    tpu.vector_store %arg12[%swap3A_816], %add3A_815 {strides = array<i32>} : memref<256xf32, #tpu.memory_space<vmem>>, vector<16xf32>,
    %get3A_818 = arith.constant 22 : i32
    %get3A_819 = arith.index_cast %get3A_818 : i32 to index
    %get3A_820 = arith.constant 0 : index
    %get3A_821 = tpu.vector_load %arg13[%get3A_819, %get3A_820] {strides = array<i32>} : memref<64x64xf32, #tpu.memory_space<vmem>>, vector<16xf32>,
    %get3A_822 = arith.constant 0 : index
    %get3A_823 = tpu.vector_load %arg11[%get3A_822] {strides = array<i32>} : memref<64xf32, #tpu.memory_space<vmem>>, vector<16xf32>,
    %mul3A_824 = arith.mulf %get3A_821, %get3A_823 : vector<16xf32>
    %get3A_825 = arith.constant 22 : i32
    %get3A_826 = arith.index_cast %get3A_825 : i32 to index
    %get3A_827 = arith.constant 16 : index
    %get3A_828 = tpu.vector_load %arg13[%get3A_826, %get3A_827] {strides = array<i32>} : memref<64x64xf32, #tpu.memory_space<vmem>>, vector<16xf32>,
    %get3A_829 = arith.constant 16 : index
    %get3A_830 = tpu.vector_load %arg11[%get3A_829] {strides = array<i32>} : memref<64xf32, #tpu.memory_space<vmem>>, vector<16xf32>,
    %mul3A_831 = arith.mulf %get3A_828, %get3A_830 : vector<16xf32>
    %add3A_832 = arith.addf %mul3A_824, %mul3A_831 : vector<16xf32>
    %get3A_833 = arith.constant 22 : i32
    %get3A_834 = arith.index_cast %get3A_833 : i32 to index
    %get3A_835 = arith.constant 32 : index
    %get3A_836 = tpu.vector_load %arg13[%get3A_834, %get3A_835] {strides = array<i32>} : memref<64x64xf32, #tpu.memory_space<vmem>>, vector<16xf32>,
    %get3A_837 = arith.constant 32 : index
    %get3A_838 = tpu.vector_load %arg11[%get3A_837] {strides = array<i32>} : memref<64xf32, #tpu.memory_space<vmem>>, vector<16xf32>,
    %mul3A_839 = arith.mulf %get3A_836, %get3A_838 : vector<16xf32>
    %add3A_840 = arith.addf %add3A_832, %mul3A_839 : vector<16xf32>
    %get3A_841 = arith.constant 22 : i32
    %get3A_842 = arith.index_cast %get3A_841 : i32 to index
    %get3A_843 = arith.constant 48 : index
    %get3A_844 = tpu.vector_load %arg13[%get3A_842, %get3A_843] {strides = array<i32>} : memref<64x64xf32, #tpu.memory_space<vmem>>, vector<16xf32>,
    %get3A_845 = arith.constant 48 : index
    %get3A_846 = tpu.vector_load %arg11[%get3A_845] {strides = array<i32>} : memref<64xf32, #tpu.memory_space<vmem>>, vector<16xf32>,
    %mul3A_847 = arith.mulf %get3A_844, %get3A_846 : vector<16xf32>
    %add3A_848 = arith.addf %add3A_840, %mul3A_847 : vector<16xf32>
    %swap3A_849 = arith.constant 96 : index
    %swap3A_850 = tpu.vector_load %arg12[%swap3A_849] {strides = array<i32>} : memref<256xf32, #tpu.memory_space<vmem>>, vector<16xf32>,
    tpu.vector_store %arg12[%swap3A_849], %add3A_848 {strides = array<i32>} : memref<256xf32, #tpu.memory_space<vmem>>, vector<16xf32>,
    %get3A_851 = arith.constant 23 : i32
    %get3A_852 = arith.index_cast %get3A_851 : i32 to index
    %get3A_853 = arith.constant 0 : index
    %get3A_854 = tpu.vector_load %arg13[%get3A_852, %get3A_853] {strides = array<i32>} : memref<64x64xf32, #tpu.memory_space<vmem>>, vector<16xf32>,
    %get3A_855 = arith.constant 0 : index
    %get3A_856 = tpu.vector_load %arg11[%get3A_855] {strides = array<i32>} : memref<64xf32, #tpu.memory_space<vmem>>, vector<16xf32>,
    %mul3A_857 = arith.mulf %get3A_854, %get3A_856 : vector<16xf32>
    %get3A_858 = arith.constant 23 : i32
    %get3A_859 = arith.index_cast %get3A_858 : i32 to index
    %get3A_860 = arith.constant 16 : index
    %get3A_861 = tpu.vector_load %arg13[%get3A_859, %get3A_860] {strides = array<i32>} : memref<64x64xf32, #tpu.memory_space<vmem>>, vector<16xf32>,
    %get3A_862 = arith.constant 16 : index
    %get3A_863 = tpu.vector_load %arg11[%get3A_862] {strides = array<i32>} : memref<64xf32, #tpu.memory_space<vmem>>, vector<16xf32>,
    %mul3A_864 = arith.mulf %get3A_861, %get3A_863 : vector<16xf32>
    %add3A_865 = arith.addf %mul3A_857, %mul3A_864 : vector<16xf32>
    %get3A_866 = arith.constant 23 : i32
    %get3A_867 = arith.index_cast %get3A_866 : i32 to index
    %get3A_868 = arith.constant 32 : index
    %get3A_869 = tpu.vector_load %arg13[%get3A_867, %get3A_868] {strides = array<i32>} : memref<64x64xf32, #tpu.memory_space<vmem>>, vector<16xf32>,
    %get3A_870 = arith.constant 32 : index
    %get3A_871 = tpu.vector_load %arg11[%get3A_870] {strides = array<i32>} : memref<64xf32, #tpu.memory_space<vmem>>, vector<16xf32>,
    %mul3A_872 = arith.mulf %get3A_869, %get3A_871 : vector<16xf32>
    %add3A_873 = arith.addf %add3A_865, %mul3A_872 : vector<16xf32>
    %get3A_874 = arith.constant 23 : i32
    %get3A_875 = arith.index_cast %get3A_874 : i32 to index
    %get3A_876 = arith.constant 48 : index
    %get3A_877 = tpu.vector_load %arg13[%get3A_875, %get3A_876] {strides = array<i32>} : memref<64x64xf32, #tpu.memory_space<vmem>>, vector<16xf32>,
    %get3A_878 = arith.constant 48 : index
    %get3A_879 = tpu.vector_load %arg11[%get3A_878] {strides = array<i32>} : memref<64xf32, #tpu.memory_space<vmem>>, vector<16xf32>,
    %mul3A_880 = arith.mulf %get3A_877, %get3A_879 : vector<16xf32>
    %add3A_881 = arith.addf %add3A_873, %mul3A_880 : vector<16xf32>
    %swap3A_882 = arith.constant 112 : index
    %swap3A_883 = tpu.vector_load %arg12[%swap3A_882] {strides = array<i32>} : memref<256xf32, #tpu.memory_space<vmem>>, vector<16xf32>,
    tpu.vector_store %arg12[%swap3A_882], %add3A_881 {strides = array<i32>} : memref<256xf32, #tpu.memory_space<vmem>>, vector<16xf32>,
    %get3A_884 = arith.constant 24 : i32
    %get3A_885 = arith.index_cast %get3A_884 : i32 to index
    %get3A_886 = arith.constant 0 : index
    %get3A_887 = tpu.vector_load %arg13[%get3A_885, %get3A_886] {strides = array<i32>} : memref<64x64xf32, #tpu.memory_space<vmem>>, vector<16xf32>,
    %get3A_888 = arith.constant 0 : index
    %get3A_889 = tpu.vector_load %arg11[%get3A_888] {strides = array<i32>} : memref<64xf32, #tpu.memory_space<vmem>>, vector<16xf32>,
    %mul3A_890 = arith.mulf %get3A_887, %get3A_889 : vector<16xf32>
    %get3A_891 = arith.constant 24 : i32
    %get3A_892 = arith.index_cast %get3A_891 : i32 to index
    %get3A_893 = arith.constant 16 : index
    %get3A_894 = tpu.vector_load %arg13[%get3A_892, %get3A_893] {strides = array<i32>} : memref<64x64xf32, #tpu.memory_space<vmem>>, vector<16xf32>,
    %get3A_895 = arith.constant 16 : index
    %get3A_896 = tpu.vector_load %arg11[%get3A_895] {strides = array<i32>} : memref<64xf32, #tpu.memory_space<vmem>>, vector<16xf32>,
    %mul3A_897 = arith.mulf %get3A_894, %get3A_896 : vector<16xf32>
    %add3A_898 = arith.addf %mul3A_890, %mul3A_897 : vector<16xf32>
    %get3A_899 = arith.constant 24 : i32
    %get3A_900 = arith.index_cast %get3A_899 : i32 to index
    %get3A_901 = arith.constant 32 : index
    %get3A_902 = tpu.vector_load %arg13[%get3A_900, %get3A_901] {strides = array<i32>} : memref<64x64xf32, #tpu.memory_space<vmem>>, vector<16xf32>,
    %get3A_903 = arith.constant 32 : index
    %get3A_904 = tpu.vector_load %arg11[%get3A_903] {strides = array<i32>} : memref<64xf32, #tpu.memory_space<vmem>>, vector<16xf32>,
    %mul3A_905 = arith.mulf %get3A_902, %get3A_904 : vector<16xf32>
    %add3A_906 = arith.addf %add3A_898, %mul3A_905 : vector<16xf32>
    %get3A_907 = arith.constant 24 : i32
    %get3A_908 = arith.index_cast %get3A_907 : i32 to index
    %get3A_909 = arith.constant 48 : index
    %get3A_910 = tpu.vector_load %arg13[%get3A_908, %get3A_909] {strides = array<i32>} : memref<64x64xf32, #tpu.memory_space<vmem>>, vector<16xf32>,
    %get3A_911 = arith.constant 48 : index
    %get3A_912 = tpu.vector_load %arg11[%get3A_911] {strides = array<i32>} : memref<64xf32, #tpu.memory_space<vmem>>, vector<16xf32>,
    %mul3A_913 = arith.mulf %get3A_910, %get3A_912 : vector<16xf32>
    %add3A_914 = arith.addf %add3A_906, %mul3A_913 : vector<16xf32>
    %swap3A_915 = arith.constant 128 : index
    %swap3A_916 = tpu.vector_load %arg12[%swap3A_915] {strides = array<i32>} : memref<256xf32, #tpu.memory_space<vmem>>, vector<16xf32>,
    tpu.vector_store %arg12[%swap3A_915], %add3A_914 {strides = array<i32>} : memref<256xf32, #tpu.memory_space<vmem>>, vector<16xf32>,
    %get3A_917 = arith.constant 25 : i32
    %get3A_918 = arith.index_cast %get3A_917 : i32 to index
    %get3A_919 = arith.constant 0 : index
    %get3A_920 = tpu.vector_load %arg13[%get3A_918, %get3A_919] {strides = array<i32>} : memref<64x64xf32, #tpu.memory_space<vmem>>, vector<16xf32>,
    %get3A_921 = arith.constant 0 : index
    %get3A_922 = tpu.vector_load %arg11[%get3A_921] {strides = array<i32>} : memref<64xf32, #tpu.memory_space<vmem>>, vector<16xf32>,
    %mul3A_923 = arith.mulf %get3A_920, %get3A_922 : vector<16xf32>
    %get3A_924 = arith.constant 25 : i32
    %get3A_925 = arith.index_cast %get3A_924 : i32 to index
    %get3A_926 = arith.constant 16 : index
    %get3A_927 = tpu.vector_load %arg13[%get3A_925, %get3A_926] {strides = array<i32>} : memref<64x64xf32, #tpu.memory_space<vmem>>, vector<16xf32>,
    %get3A_928 = arith.constant 16 : index
    %get3A_929 = tpu.vector_load %arg11[%get3A_928] {strides = array<i32>} : memref<64xf32, #tpu.memory_space<vmem>>, vector<16xf32>,
    %mul3A_930 = arith.mulf %get3A_927, %get3A_929 : vector<16xf32>
    %add3A_931 = arith.addf %mul3A_923, %mul3A_930 : vector<16xf32>
    %get3A_932 = arith.constant 25 : i32
    %get3A_933 = arith.index_cast %get3A_932 : i32 to index
    %get3A_934 = arith.constant 32 : index
    %get3A_935 = tpu.vector_load %arg13[%get3A_933, %get3A_934] {strides = array<i32>} : memref<64x64xf32, #tpu.memory_space<vmem>>, vector<16xf32>,
    %get3A_936 = arith.constant 32 : index
    %get3A_937 = tpu.vector_load %arg11[%get3A_936] {strides = array<i32>} : memref<64xf32, #tpu.memory_space<vmem>>, vector<16xf32>,
    %mul3A_938 = arith.mulf %get3A_935, %get3A_937 : vector<16xf32>
    %add3A_939 = arith.addf %add3A_931, %mul3A_938 : vector<16xf32>
    %get3A_940 = arith.constant 25 : i32
    %get3A_941 = arith.index_cast %get3A_940 : i32 to index
    %get3A_942 = arith.constant 48 : index
    %get3A_943 = tpu.vector_load %arg13[%get3A_941, %get3A_942] {strides = array<i32>} : memref<64x64xf32, #tpu.memory_space<vmem>>, vector<16xf32>,
    %get3A_944 = arith.constant 48 : index
    %get3A_945 = tpu.vector_load %arg11[%get3A_944] {strides = array<i32>} : memref<64xf32, #tpu.memory_space<vmem>>, vector<16xf32>,
    %mul3A_946 = arith.mulf %get3A_943, %get3A_945 : vector<16xf32>
    %add3A_947 = arith.addf %add3A_939, %mul3A_946 : vector<16xf32>
    %swap3A_948 = arith.constant 144 : index
    %swap3A_949 = tpu.vector_load %arg12[%swap3A_948] {strides = array<i32>} : memref<256xf32, #tpu.memory_space<vmem>>, vector<16xf32>,
    tpu.vector_store %arg12[%swap3A_948], %add3A_947 {strides = array<i32>} : memref<256xf32, #tpu.memory_space<vmem>>, vector<16xf32>,
    %get3A_950 = arith.constant 26 : i32
    %get3A_951 = arith.index_cast %get3A_950 : i32 to index
    %get3A_952 = arith.constant 0 : index
    %get3A_953 = tpu.vector_load %arg13[%get3A_951, %get3A_952] {strides = array<i32>} : memref<64x64xf32, #tpu.memory_space<vmem>>, vector<16xf32>,
    %get3A_954 = arith.constant 0 : index
    %get3A_955 = tpu.vector_load %arg11[%get3A_954] {strides = array<i32>} : memref<64xf32, #tpu.memory_space<vmem>>, vector<16xf32>,
    %mul3A_956 = arith.mulf %get3A_953, %get3A_955 : vector<16xf32>
    %get3A_957 = arith.constant 26 : i32
    %get3A_958 = arith.index_cast %get3A_957 : i32 to index
    %get3A_959 = arith.constant 16 : index
    %get3A_960 = tpu.vector_load %arg13[%get3A_958, %get3A_959] {strides = array<i32>} : memref<64x64xf32, #tpu.memory_space<vmem>>, vector<16xf32>,
    %get3A_961 = arith.constant 16 : index
    %get3A_962 = tpu.vector_load %arg11[%get3A_961] {strides = array<i32>} : memref<64xf32, #tpu.memory_space<vmem>>, vector<16xf32>,
    %mul3A_963 = arith.mulf %get3A_960, %get3A_962 : vector<16xf32>
    %add3A_964 = arith.addf %mul3A_956, %mul3A_963 : vector<16xf32>
    %get3A_965 = arith.constant 26 : i32
    %get3A_966 = arith.index_cast %get3A_965 : i32 to index
    %get3A_967 = arith.constant 32 : index
    %get3A_968 = tpu.vector_load %arg13[%get3A_966, %get3A_967] {strides = array<i32>} : memref<64x64xf32, #tpu.memory_space<vmem>>, vector<16xf32>,
    %get3A_969 = arith.constant 32 : index
    %get3A_970 = tpu.vector_load %arg11[%get3A_969] {strides = array<i32>} : memref<64xf32, #tpu.memory_space<vmem>>, vector<16xf32>,
    %mul3A_971 = arith.mulf %get3A_968, %get3A_970 : vector<16xf32>
    %add3A_972 = arith.addf %add3A_964, %mul3A_971 : vector<16xf32>
    %get3A_973 = arith.constant 26 : i32
    %get3A_974 = arith.index_cast %get3A_973 : i32 to index
    %get3A_975 = arith.constant 48 : index
    %get3A_976 = tpu.vector_load %arg13[%get3A_974, %get3A_975] {strides = array<i32>} : memref<64x64xf32, #tpu.memory_space<vmem>>, vector<16xf32>,
    %get3A_977 = arith.constant 48 : index
    %get3A_978 = tpu.vector_load %arg11[%get3A_977] {strides = array<i32>} : memref<64xf32, #tpu.memory_space<vmem>>, vector<16xf32>,
    %mul3A_979 = arith.mulf %get3A_976, %get3A_978 : vector<16xf32>
    %add3A_980 = arith.addf %add3A_972, %mul3A_979 : vector<16xf32>
    %swap3A_981 = arith.constant 160 : index
    %swap3A_982 = tpu.vector_load %arg12[%swap3A_981] {strides = array<i32>} : memref<256xf32, #tpu.memory_space<vmem>>, vector<16xf32>,
    tpu.vector_store %arg12[%swap3A_981], %add3A_980 {strides = array<i32>} : memref<256xf32, #tpu.memory_space<vmem>>, vector<16xf32>,
    %get3A_983 = arith.constant 27 : i32
    %get3A_984 = arith.index_cast %get3A_983 : i32 to index
    %get3A_985 = arith.constant 0 : index
    %get3A_986 = tpu.vector_load %arg13[%get3A_984, %get3A_985] {strides = array<i32>} : memref<64x64xf32, #tpu.memory_space<vmem>>, vector<16xf32>,
    %get3A_987 = arith.constant 0 : index
    %get3A_988 = tpu.vector_load %arg11[%get3A_987] {strides = array<i32>} : memref<64xf32, #tpu.memory_space<vmem>>, vector<16xf32>,
    %mul3A_989 = arith.mulf %get3A_986, %get3A_988 : vector<16xf32>
    %get3A_990 = arith.constant 27 : i32
    %get3A_991 = arith.index_cast %get3A_990 : i32 to index
    %get3A_992 = arith.constant 16 : index
    %get3A_993 = tpu.vector_load %arg13[%get3A_991, %get3A_992] {strides = array<i32>} : memref<64x64xf32, #tpu.memory_space<vmem>>, vector<16xf32>,
    %get3A_994 = arith.constant 16 : index
    %get3A_995 = tpu.vector_load %arg11[%get3A_994] {strides = array<i32>} : memref<64xf32, #tpu.memory_space<vmem>>, vector<16xf32>,
    %mul3A_996 = arith.mulf %get3A_993, %get3A_995 : vector<16xf32>
    %add3A_997 = arith.addf %mul3A_989, %mul3A_996 : vector<16xf32>
    %get3A_998 = arith.constant 27 : i32
    %get3A_999 = arith.index_cast %get3A_998 : i32 to index
    %get3A_1000 = arith.constant 32 : index
    %get3A_1001 = tpu.vector_load %arg13[%get3A_999, %get3A_1000] {strides = array<i32>} : memref<64x64xf32, #tpu.memory_space<vmem>>, vector<16xf32>,
    %get3A_1002 = arith.constant 32 : index
    %get3A_1003 = tpu.vector_load %arg11[%get3A_1002] {strides = array<i32>} : memref<64xf32, #tpu.memory_space<vmem>>, vector<16xf32>,
    %mul3A_1004 = arith.mulf %get3A_1001, %get3A_1003 : vector<16xf32>
    %add3A_1005 = arith.addf %add3A_997, %mul3A_1004 : vector<16xf32>
    %get3A_1006 = arith.constant 27 : i32
    %get3A_1007 = arith.index_cast %get3A_1006 : i32 to index
    %get3A_1008 = arith.constant 48 : index
    %get3A_1009 = tpu.vector_load %arg13[%get3A_1007, %get3A_1008] {strides = array<i32>} : memref<64x64xf32, #tpu.memory_space<vmem>>, vector<16xf32>,
    %get3A_1010 = arith.constant 48 : index
    %get3A_1011 = tpu.vector_load %arg11[%get3A_1010] {strides = array<i32>} : memref<64xf32, #tpu.memory_space<vmem>>, vector<16xf32>,
    %mul3A_1012 = arith.mulf %get3A_1009, %get3A_1011 : vector<16xf32>
    %add3A_1013 = arith.addf %add3A_1005, %mul3A_1012 : vector<16xf32>
    %swap3A_1014 = arith.constant 176 : index
    %swap3A_1015 = tpu.vector_load %arg12[%swap3A_1014] {strides = array<i32>} : memref<256xf32, #tpu.memory_space<vmem>>, vector<16xf32>,
    tpu.vector_store %arg12[%swap3A_1014], %add3A_1013 {strides = array<i32>} : memref<256xf32, #tpu.memory_space<vmem>>, vector<16xf32>,
    %get3A_1016 = arith.constant 28 : i32
    %get3A_1017 = arith.index_cast %get3A_1016 : i32 to index
    %get3A_1018 = arith.constant 0 : index
    %get3A_1019 = tpu.vector_load %arg13[%get3A_1017, %get3A_1018] {strides = array<i32>} : memref<64x64xf32, #tpu.memory_space<vmem>>, vector<16xf32>,
    %get3A_1020 = arith.constant 0 : index
    %get3A_1021 = tpu.vector_load %arg11[%get3A_1020] {strides = array<i32>} : memref<64xf32, #tpu.memory_space<vmem>>, vector<16xf32>,
    %mul3A_1022 = arith.mulf %get3A_1019, %get3A_1021 : vector<16xf32>
    %get3A_1023 = arith.constant 28 : i32
    %get3A_1024 = arith.index_cast %get3A_1023 : i32 to index
    %get3A_1025 = arith.constant 16 : index
    %get3A_1026 = tpu.vector_load %arg13[%get3A_1024, %get3A_1025] {strides = array<i32>} : memref<64x64xf32, #tpu.memory_space<vmem>>, vector<16xf32>,
    %get3A_1027 = arith.constant 16 : index
    %get3A_1028 = tpu.vector_load %arg11[%get3A_1027] {strides = array<i32>} : memref<64xf32, #tpu.memory_space<vmem>>, vector<16xf32>,
    %mul3A_1029 = arith.mulf %get3A_1026, %get3A_1028 : vector<16xf32>
    %add3A_1030 = arith.addf %mul3A_1022, %mul3A_1029 : vector<16xf32>
    %get3A_1031 = arith.constant 28 : i32
    %get3A_1032 = arith.index_cast %get3A_1031 : i32 to index
    %get3A_1033 = arith.constant 32 : index
    %get3A_1034 = tpu.vector_load %arg13[%get3A_1032, %get3A_1033] {strides = array<i32>} : memref<64x64xf32, #tpu.memory_space<vmem>>, vector<16xf32>,
    %get3A_1035 = arith.constant 32 : index
    %get3A_1036 = tpu.vector_load %arg11[%get3A_1035] {strides = array<i32>} : memref<64xf32, #tpu.memory_space<vmem>>, vector<16xf32>,
    %mul3A_1037 = arith.mulf %get3A_1034, %get3A_1036 : vector<16xf32>
    %add3A_1038 = arith.addf %add3A_1030, %mul3A_1037 : vector<16xf32>
    %get3A_1039 = arith.constant 28 : i32
    %get3A_1040 = arith.index_cast %get3A_1039 : i32 to index
    %get3A_1041 = arith.constant 48 : index
    %get3A_1042 = tpu.vector_load %arg13[%get3A_1040, %get3A_1041] {strides = array<i32>} : memref<64x64xf32, #tpu.memory_space<vmem>>, vector<16xf32>,
    %get3A_1043 = arith.constant 48 : index
    %get3A_1044 = tpu.vector_load %arg11[%get3A_1043] {strides = array<i32>} : memref<64xf32, #tpu.memory_space<vmem>>, vector<16xf32>,
    %mul3A_1045 = arith.mulf %get3A_1042, %get3A_1044 : vector<16xf32>
    %add3A_1046 = arith.addf %add3A_1038, %mul3A_1045 : vector<16xf32>
    %swap3A_1047 = arith.constant 192 : index
    %swap3A_1048 = tpu.vector_load %arg12[%swap3A_1047] {strides = array<i32>} : memref<256xf32, #tpu.memory_space<vmem>>, vector<16xf32>,
    tpu.vector_store %arg12[%swap3A_1047], %add3A_1046 {strides = array<i32>} : memref<256xf32, #tpu.memory_space<vmem>>, vector<16xf32>,
    %get3A_1049 = arith.constant 29 : i32
    %get3A_1050 = arith.index_cast %get3A_1049 : i32 to index
    %get3A_1051 = arith.constant 0 : index
    %get3A_1052 = tpu.vector_load %arg13[%get3A_1050, %get3A_1051] {strides = array<i32>} : memref<64x64xf32, #tpu.memory_space<vmem>>, vector<16xf32>,
    %get3A_1053 = arith.constant 0 : index
    %get3A_1054 = tpu.vector_load %arg11[%get3A_1053] {strides = array<i32>} : memref<64xf32, #tpu.memory_space<vmem>>, vector<16xf32>,
    %mul3A_1055 = arith.mulf %get3A_1052, %get3A_1054 : vector<16xf32>
    %get3A_1056 = arith.constant 29 : i32
    %get3A_1057 = arith.index_cast %get3A_1056 : i32 to index
    %get3A_1058 = arith.constant 16 : index
    %get3A_1059 = tpu.vector_load %arg13[%get3A_1057, %get3A_1058] {strides = array<i32>} : memref<64x64xf32, #tpu.memory_space<vmem>>, vector<16xf32>,
    %get3A_1060 = arith.constant 16 : index
    %get3A_1061 = tpu.vector_load %arg11[%get3A_1060] {strides = array<i32>} : memref<64xf32, #tpu.memory_space<vmem>>, vector<16xf32>,
    %mul3A_1062 = arith.mulf %get3A_1059, %get3A_1061 : vector<16xf32>
    %add3A_1063 = arith.addf %mul3A_1055, %mul3A_1062 : vector<16xf32>
    %get3A_1064 = arith.constant 29 : i32
    %get3A_1065 = arith.index_cast %get3A_1064 : i32 to index
    %get3A_1066 = arith.constant 32 : index
    %get3A_1067 = tpu.vector_load %arg13[%get3A_1065, %get3A_1066] {strides = array<i32>} : memref<64x64xf32, #tpu.memory_space<vmem>>, vector<16xf32>,
    %get3A_1068 = arith.constant 32 : index
    %get3A_1069 = tpu.vector_load %arg11[%get3A_1068] {strides = array<i32>} : memref<64xf32, #tpu.memory_space<vmem>>, vector<16xf32>,
    %mul3A_1070 = arith.mulf %get3A_1067, %get3A_1069 : vector<16xf32>
    %add3A_1071 = arith.addf %add3A_1063, %mul3A_1070 : vector<16xf32>
    %get3A_1072 = arith.constant 29 : i32
    %get3A_1073 = arith.index_cast %get3A_1072 : i32 to index
    %get3A_1074 = arith.constant 48 : index
    %get3A_1075 = tpu.vector_load %arg13[%get3A_1073, %get3A_1074] {strides = array<i32>} : memref<64x64xf32, #tpu.memory_space<vmem>>, vector<16xf32>,
    %get3A_1076 = arith.constant 48 : index
    %get3A_1077 = tpu.vector_load %arg11[%get3A_1076] {strides = array<i32>} : memref<64xf32, #tpu.memory_space<vmem>>, vector<16xf32>,
    %mul3A_1078 = arith.mulf %get3A_1075, %get3A_1077 : vector<16xf32>
    %add3A_1079 = arith.addf %add3A_1071, %mul3A_1078 : vector<16xf32>
    %swap3A_1080 = arith.constant 208 : index
    %swap3A_1081 = tpu.vector_load %arg12[%swap3A_1080] {strides = array<i32>} : memref<256xf32, #tpu.memory_space<vmem>>, vector<16xf32>,
    tpu.vector_store %arg12[%swap3A_1080], %add3A_1079 {strides = array<i32>} : memref<256xf32, #tpu.memory_space<vmem>>, vector<16xf32>,
    %get3A_1082 = arith.constant 30 : i32
    %get3A_1083 = arith.index_cast %get3A_1082 : i32 to index
    %get3A_1084 = arith.constant 0 : index
    %get3A_1085 = tpu.vector_load %arg13[%get3A_1083, %get3A_1084] {strides = array<i32>} : memref<64x64xf32, #tpu.memory_space<vmem>>, vector<16xf32>,
    %get3A_1086 = arith.constant 0 : index
    %get3A_1087 = tpu.vector_load %arg11[%get3A_1086] {strides = array<i32>} : memref<64xf32, #tpu.memory_space<vmem>>, vector<16xf32>,
    %mul3A_1088 = arith.mulf %get3A_1085, %get3A_1087 : vector<16xf32>
    %get3A_1089 = arith.constant 30 : i32
    %get3A_1090 = arith.index_cast %get3A_1089 : i32 to index
    %get3A_1091 = arith.constant 16 : index
    %get3A_1092 = tpu.vector_load %arg13[%get3A_1090, %get3A_1091] {strides = array<i32>} : memref<64x64xf32, #tpu.memory_space<vmem>>, vector<16xf32>,
    %get3A_1093 = arith.constant 16 : index
    %get3A_1094 = tpu.vector_load %arg11[%get3A_1093] {strides = array<i32>} : memref<64xf32, #tpu.memory_space<vmem>>, vector<16xf32>,
    %mul3A_1095 = arith.mulf %get3A_1092, %get3A_1094 : vector<16xf32>
    %add3A_1096 = arith.addf %mul3A_1088, %mul3A_1095 : vector<16xf32>
    %get3A_1097 = arith.constant 30 : i32
    %get3A_1098 = arith.index_cast %get3A_1097 : i32 to index
    %get3A_1099 = arith.constant 32 : index
    %get3A_1100 = tpu.vector_load %arg13[%get3A_1098, %get3A_1099] {strides = array<i32>} : memref<64x64xf32, #tpu.memory_space<vmem>>, vector<16xf32>,
    %get3A_1101 = arith.constant 32 : index
    %get3A_1102 = tpu.vector_load %arg11[%get3A_1101] {strides = array<i32>} : memref<64xf32, #tpu.memory_space<vmem>>, vector<16xf32>,
    %mul3A_1103 = arith.mulf %get3A_1100, %get3A_1102 : vector<16xf32>
    %add3A_1104 = arith.addf %add3A_1096, %mul3A_1103 : vector<16xf32>
    %get3A_1105 = arith.constant 30 : i32
    %get3A_1106 = arith.index_cast %get3A_1105 : i32 to index
    %get3A_1107 = arith.constant 48 : index
    %get3A_1108 = tpu.vector_load %arg13[%get3A_1106, %get3A_1107] {strides = array<i32>} : memref<64x64xf32, #tpu.memory_space<vmem>>, vector<16xf32>,
    %get3A_1109 = arith.constant 48 : index
    %get3A_1110 = tpu.vector_load %arg11[%get3A_1109] {strides = array<i32>} : memref<64xf32, #tpu.memory_space<vmem>>, vector<16xf32>,
    %mul3A_1111 = arith.mulf %get3A_1108, %get3A_1110 : vector<16xf32>
    %add3A_1112 = arith.addf %add3A_1104, %mul3A_1111 : vector<16xf32>
    %swap3A_1113 = arith.constant 224 : index
    %swap3A_1114 = tpu.vector_load %arg12[%swap3A_1113] {strides = array<i32>} : memref<256xf32, #tpu.memory_space<vmem>>, vector<16xf32>,
    tpu.vector_store %arg12[%swap3A_1113], %add3A_1112 {strides = array<i32>} : memref<256xf32, #tpu.memory_space<vmem>>, vector<16xf32>,
    %get3A_1115 = arith.constant 31 : i32
    %get3A_1116 = arith.index_cast %get3A_1115 : i32 to index
    %get3A_1117 = arith.constant 0 : index
    %get3A_1118 = tpu.vector_load %arg13[%get3A_1116, %get3A_1117] {strides = array<i32>} : memref<64x64xf32, #tpu.memory_space<vmem>>, vector<16xf32>,
    %get3A_1119 = arith.constant 0 : index
    %get3A_1120 = tpu.vector_load %arg11[%get3A_1119] {strides = array<i32>} : memref<64xf32, #tpu.memory_space<vmem>>, vector<16xf32>,
    %mul3A_1121 = arith.mulf %get3A_1118, %get3A_1120 : vector<16xf32>
    %get3A_1122 = arith.constant 31 : i32
    %get3A_1123 = arith.index_cast %get3A_1122 : i32 to index
    %get3A_1124 = arith.constant 16 : index
    %get3A_1125 = tpu.vector_load %arg13[%get3A_1123, %get3A_1124] {strides = array<i32>} : memref<64x64xf32, #tpu.memory_space<vmem>>, vector<16xf32>,
    %get3A_1126 = arith.constant 16 : index
    %get3A_1127 = tpu.vector_load %arg11[%get3A_1126] {strides = array<i32>} : memref<64xf32, #tpu.memory_space<vmem>>, vector<16xf32>,
    %mul3A_1128 = arith.mulf %get3A_1125, %get3A_1127 : vector<16xf32>
    %add3A_1129 = arith.addf %mul3A_1121, %mul3A_1128 : vector<16xf32>
    %get3A_1130 = arith.constant 31 : i32
    %get3A_1131 = arith.index_cast %get3A_1130 : i32 to index
    %get3A_1132 = arith.constant 32 : index
    %get3A_1133 = tpu.vector_load %arg13[%get3A_1131, %get3A_1132] {strides = array<i32>} : memref<64x64xf32, #tpu.memory_space<vmem>>, vector<16xf32>,
    %get3A_1134 = arith.constant 32 : index
    %get3A_1135 = tpu.vector_load %arg11[%get3A_1134] {strides = array<i32>} : memref<64xf32, #tpu.memory_space<vmem>>, vector<16xf32>,
    %mul3A_1136 = arith.mulf %get3A_1133, %get3A_1135 : vector<16xf32>
    %add3A_1137 = arith.addf %add3A_1129, %mul3A_1136 : vector<16xf32>
    %get3A_1138 = arith.constant 31 : i32
    %get3A_1139 = arith.index_cast %get3A_1138 : i32 to index
    %get3A_1140 = arith.constant 48 : index
    %get3A_1141 = tpu.vector_load %arg13[%get3A_1139, %get3A_1140] {strides = array<i32>} : memref<64x64xf32, #tpu.memory_space<vmem>>, vector<16xf32>,
    %get3A_1142 = arith.constant 48 : index
    %get3A_1143 = tpu.vector_load %arg11[%get3A_1142] {strides = array<i32>} : memref<64xf32, #tpu.memory_space<vmem>>, vector<16xf32>,
    %mul3A_1144 = arith.mulf %get3A_1141, %get3A_1143 : vector<16xf32>
    %add3A_1145 = arith.addf %add3A_1137, %mul3A_1144 : vector<16xf32>
    %swap3A_1146 = arith.constant 240 : index
    %swap3A_1147 = tpu.vector_load %arg12[%swap3A_1146] {strides = array<i32>} : memref<256xf32, #tpu.memory_space<vmem>>, vector<16xf32>,
    tpu.vector_store %arg12[%swap3A_1146], %add3A_1145 {strides = array<i32>} : memref<256xf32, #tpu.memory_space<vmem>>, vector<16xf32>,
    %gather3A_1148 = tpu.vector_load_idx %arg12[%mul3A_3] : memref<256xf32, #tpu.memory_space<vmem>>[vector<16xi32>], vector<16xf32>,
    %add3A_1149 = arith.constant 1 : i32
    %add3A_1150 = vector.broadcast %add3A_1149 : i32 to vector<16xi32>
    %add3A_1151 = arith.addi %mul3A_3, %add3A_1150 : vector<16xi32>
    %gather3A_1152 = tpu.vector_load_idx %arg12[%add3A_1151] : memref<256xf32, #tpu.memory_space<vmem>>[vector<16xi32>], vector<16xf32>,
    %add3A_1153 = arith.addf %gather3A_1148, %gather3A_1152 : vector<16xf32>
    %add3A_1154 = arith.constant 2 : i32
    %add3A_1155 = vector.broadcast %add3A_1154 : i32 to vector<16xi32>
    %add3A_1156 = arith.addi %mul3A_3, %add3A_1155 : vector<16xi32>
    %gather3A_1157 = tpu.vector_load_idx %arg12[%add3A_1156] : memref<256xf32, #tpu.memory_space<vmem>>[vector<16xi32>], vector<16xf32>,
    %add3A_1158 = arith.addf %add3A_1153, %gather3A_1157 : vector<16xf32>
    %add3A_1159 = arith.constant 3 : i32
    %add3A_1160 = vector.broadcast %add3A_1159 : i32 to vector<16xi32>
    %add3A_1161 = arith.addi %mul3A_3, %add3A_1160 : vector<16xi32>
    %gather3A_1162 = tpu.vector_load_idx %arg12[%add3A_1161] : memref<256xf32, #tpu.memory_space<vmem>>[vector<16xi32>], vector<16xf32>,
    %add3A_1163 = arith.addf %add3A_1158, %gather3A_1162 : vector<16xf32>
    %add3A_1164 = arith.constant 4 : i32
    %add3A_1165 = vector.broadcast %add3A_1164 : i32 to vector<16xi32>
    %add3A_1166 = arith.addi %mul3A_3, %add3A_1165 : vector<16xi32>
    %gather3A_1167 = tpu.vector_load_idx %arg12[%add3A_1166] : memref<256xf32, #tpu.memory_space<vmem>>[vector<16xi32>], vector<16xf32>,
    %add3A_1168 = arith.addf %add3A_1163, %gather3A_1167 : vector<16xf32>
    %add3A_1169 = arith.constant 5 : i32
    %add3A_1170 = vector.broadcast %add3A_1169 : i32 to vector<16xi32>
    %add3A_1171 = arith.addi %mul3A_3, %add3A_1170 : vector<16xi32>
    %gather3A_1172 = tpu.vector_load_idx %arg12[%add3A_1171] : memref<256xf32, #tpu.memory_space<vmem>>[vector<16xi32>], vector<16xf32>,
    %add3A_1173 = arith.addf %add3A_1168, %gather3A_1172 : vector<16xf32>
    %add3A_1174 = arith.constant 6 : i32
    %add3A_1175 = vector.broadcast %add3A_1174 : i32 to vector<16xi32>
    %add3A_1176 = arith.addi %mul3A_3, %add3A_1175 : vector<16xi32>
    %gather3A_1177 = tpu.vector_load_idx %arg12[%add3A_1176] : memref<256xf32, #tpu.memory_space<vmem>>[vector<16xi32>], vector<16xf32>,
    %add3A_1178 = arith.addf %add3A_1173, %gather3A_1177 : vector<16xf32>
    %add3A_1179 = arith.constant 7 : i32
    %add3A_1180 = vector.broadcast %add3A_1179 : i32 to vector<16xi32>
    %add3A_1181 = arith.addi %mul3A_3, %add3A_1180 : vector<16xi32>
    %gather3A_1182 = tpu.vector_load_idx %arg12[%add3A_1181] : memref<256xf32, #tpu.memory_space<vmem>>[vector<16xi32>], vector<16xf32>,
    %add3A_1183 = arith.addf %add3A_1178, %gather3A_1182 : vector<16xf32>
    %add3A_1184 = arith.constant 8 : i32
    %add3A_1185 = vector.broadcast %add3A_1184 : i32 to vector<16xi32>
    %add3A_1186 = arith.addi %mul3A_3, %add3A_1185 : vector<16xi32>
    %gather3A_1187 = tpu.vector_load_idx %arg12[%add3A_1186] : memref<256xf32, #tpu.memory_space<vmem>>[vector<16xi32>], vector<16xf32>,
    %add3A_1188 = arith.addf %add3A_1183, %gather3A_1187 : vector<16xf32>
    %add3A_1189 = arith.constant 9 : i32
    %add3A_1190 = vector.broadcast %add3A_1189 : i32 to vector<16xi32>
    %add3A_1191 = arith.addi %mul3A_3, %add3A_1190 : vector<16xi32>
    %gather3A_1192 = tpu.vector_load_idx %arg12[%add3A_1191] : memref<256xf32, #tpu.memory_space<vmem>>[vector<16xi32>], vector<16xf32>,
    %add3A_1193 = arith.addf %add3A_1188, %gather3A_1192 : vector<16xf32>
    %add3A_1194 = arith.constant 10 : i32
    %add3A_1195 = vector.broadcast %add3A_1194 : i32 to vector<16xi32>
    %add3A_1196 = arith.addi %mul3A_3, %add3A_1195 : vector<16xi32>
    %gather3A_1197 = tpu.vector_load_idx %arg12[%add3A_1196] : memref<256xf32, #tpu.memory_space<vmem>>[vector<16xi32>], vector<16xf32>,
    %add3A_1198 = arith.addf %add3A_1193, %gather3A_1197 : vector<16xf32>
    %add3A_1199 = arith.constant 11 : i32
    %add3A_1200 = vector.broadcast %add3A_1199 : i32 to vector<16xi32>
    %add3A_1201 = arith.addi %mul3A_3, %add3A_1200 : vector<16xi32>
    %gather3A_1202 = tpu.vector_load_idx %arg12[%add3A_1201] : memref<256xf32, #tpu.memory_space<vmem>>[vector<16xi32>], vector<16xf32>,
    %add3A_1203 = arith.addf %add3A_1198, %gather3A_1202 : vector<16xf32>
    %add3A_1204 = arith.constant 12 : i32
    %add3A_1205 = vector.broadcast %add3A_1204 : i32 to vector<16xi32>
    %add3A_1206 = arith.addi %mul3A_3, %add3A_1205 : vector<16xi32>
    %gather3A_1207 = tpu.vector_load_idx %arg12[%add3A_1206] : memref<256xf32, #tpu.memory_space<vmem>>[vector<16xi32>], vector<16xf32>,
    %add3A_1208 = arith.addf %add3A_1203, %gather3A_1207 : vector<16xf32>
    %add3A_1209 = arith.constant 13 : i32
    %add3A_1210 = vector.broadcast %add3A_1209 : i32 to vector<16xi32>
    %add3A_1211 = arith.addi %mul3A_3, %add3A_1210 : vector<16xi32>
    %gather3A_1212 = tpu.vector_load_idx %arg12[%add3A_1211] : memref<256xf32, #tpu.memory_space<vmem>>[vector<16xi32>], vector<16xf32>,
    %add3A_1213 = arith.addf %add3A_1208, %gather3A_1212 : vector<16xf32>
    %add3A_1214 = arith.constant 14 : i32
    %add3A_1215 = vector.broadcast %add3A_1214 : i32 to vector<16xi32>
    %add3A_1216 = arith.addi %mul3A_3, %add3A_1215 : vector<16xi32>
    %gather3A_1217 = tpu.vector_load_idx %arg12[%add3A_1216] : memref<256xf32, #tpu.memory_space<vmem>>[vector<16xi32>], vector<16xf32>,
    %add3A_1218 = arith.addf %add3A_1213, %gather3A_1217 : vector<16xf32>
    %add3A_1219 = arith.constant 15 : i32
    %add3A_1220 = vector.broadcast %add3A_1219 : i32 to vector<16xi32>
    %add3A_1221 = arith.addi %mul3A_3, %add3A_1220 : vector<16xi32>
    %gather3A_1222 = tpu.vector_load_idx %arg12[%add3A_1221] : memref<256xf32, #tpu.memory_space<vmem>>[vector<16xi32>], vector<16xf32>,
    %add3A_1223 = arith.addf %add3A_1218, %gather3A_1222 : vector<16xf32>
    %swap3A_1224 = arith.constant 16 : index
    %swap3A_1225 = tpu.vector_load %arg14[%swap3A_1224] {strides = array<i32>} : memref<64xf32, #tpu.memory_space<vmem>>, vector<16xf32>,
    tpu.vector_store %arg14[%swap3A_1224], %add3A_1223 {strides = array<i32>} : memref<64xf32, #tpu.memory_space<vmem>>, vector<16xf32>,
    %get3A_1226 = arith.constant 32 : i32
    %get3A_1227 = arith.index_cast %get3A_1226 : i32 to index
    %get3A_1228 = arith.constant 0 : index
    %get3A_1229 = tpu.vector_load %arg13[%get3A_1227, %get3A_1228] {strides = array<i32>} : memref<64x64xf32, #tpu.memory_space<vmem>>, vector<16xf32>,
    %get3A_1230 = arith.constant 0 : index
    %get3A_1231 = tpu.vector_load %arg11[%get3A_1230] {strides = array<i32>} : memref<64xf32, #tpu.memory_space<vmem>>, vector<16xf32>,
    %mul3A_1232 = arith.mulf %get3A_1229, %get3A_1231 : vector<16xf32>
    %get3A_1233 = arith.constant 32 : i32
    %get3A_1234 = arith.index_cast %get3A_1233 : i32 to index
    %get3A_1235 = arith.constant 16 : index
    %get3A_1236 = tpu.vector_load %arg13[%get3A_1234, %get3A_1235] {strides = array<i32>} : memref<64x64xf32, #tpu.memory_space<vmem>>, vector<16xf32>,
    %get3A_1237 = arith.constant 16 : index
    %get3A_1238 = tpu.vector_load %arg11[%get3A_1237] {strides = array<i32>} : memref<64xf32, #tpu.memory_space<vmem>>, vector<16xf32>,
    %mul3A_1239 = arith.mulf %get3A_1236, %get3A_1238 : vector<16xf32>
    %add3A_1240 = arith.addf %mul3A_1232, %mul3A_1239 : vector<16xf32>
    %get3A_1241 = arith.constant 32 : i32
    %get3A_1242 = arith.index_cast %get3A_1241 : i32 to index
    %get3A_1243 = arith.constant 32 : index
    %get3A_1244 = tpu.vector_load %arg13[%get3A_1242, %get3A_1243] {strides = array<i32>} : memref<64x64xf32, #tpu.memory_space<vmem>>, vector<16xf32>,
    %get3A_1245 = arith.constant 32 : index
    %get3A_1246 = tpu.vector_load %arg11[%get3A_1245] {strides = array<i32>} : memref<64xf32, #tpu.memory_space<vmem>>, vector<16xf32>,
    %mul3A_1247 = arith.mulf %get3A_1244, %get3A_1246 : vector<16xf32>
    %add3A_1248 = arith.addf %add3A_1240, %mul3A_1247 : vector<16xf32>
    %get3A_1249 = arith.constant 32 : i32
    %get3A_1250 = arith.index_cast %get3A_1249 : i32 to index
    %get3A_1251 = arith.constant 48 : index
    %get3A_1252 = tpu.vector_load %arg13[%get3A_1250, %get3A_1251] {strides = array<i32>} : memref<64x64xf32, #tpu.memory_space<vmem>>, vector<16xf32>,
    %get3A_1253 = arith.constant 48 : index
    %get3A_1254 = tpu.vector_load %arg11[%get3A_1253] {strides = array<i32>} : memref<64xf32, #tpu.memory_space<vmem>>, vector<16xf32>,
    %mul3A_1255 = arith.mulf %get3A_1252, %get3A_1254 : vector<16xf32>
    %add3A_1256 = arith.addf %add3A_1248, %mul3A_1255 : vector<16xf32>
    %swap3A_1257 = arith.constant 0 : index
    %swap3A_1258 = tpu.vector_load %arg12[%swap3A_1257] {strides = array<i32>} : memref<256xf32, #tpu.memory_space<vmem>>, vector<16xf32>,
    tpu.vector_store %arg12[%swap3A_1257], %add3A_1256 {strides = array<i32>} : memref<256xf32, #tpu.memory_space<vmem>>, vector<16xf32>,
    %get3A_1259 = arith.constant 33 : i32
    %get3A_1260 = arith.index_cast %get3A_1259 : i32 to index
    %get3A_1261 = arith.constant 0 : index
    %get3A_1262 = tpu.vector_load %arg13[%get3A_1260, %get3A_1261] {strides = array<i32>} : memref<64x64xf32, #tpu.memory_space<vmem>>, vector<16xf32>,
    %get3A_1263 = arith.constant 0 : index
    %get3A_1264 = tpu.vector_load %arg11[%get3A_1263] {strides = array<i32>} : memref<64xf32, #tpu.memory_space<vmem>>, vector<16xf32>,
    %mul3A_1265 = arith.mulf %get3A_1262, %get3A_1264 : vector<16xf32>
    %get3A_1266 = arith.constant 33 : i32
    %get3A_1267 = arith.index_cast %get3A_1266 : i32 to index
    %get3A_1268 = arith.constant 16 : index
    %get3A_1269 = tpu.vector_load %arg13[%get3A_1267, %get3A_1268] {strides = array<i32>} : memref<64x64xf32, #tpu.memory_space<vmem>>, vector<16xf32>,
    %get3A_1270 = arith.constant 16 : index
    %get3A_1271 = tpu.vector_load %arg11[%get3A_1270] {strides = array<i32>} : memref<64xf32, #tpu.memory_space<vmem>>, vector<16xf32>,
    %mul3A_1272 = arith.mulf %get3A_1269, %get3A_1271 : vector<16xf32>
    %add3A_1273 = arith.addf %mul3A_1265, %mul3A_1272 : vector<16xf32>
    %get3A_1274 = arith.constant 33 : i32
    %get3A_1275 = arith.index_cast %get3A_1274 : i32 to index
    %get3A_1276 = arith.constant 32 : index
    %get3A_1277 = tpu.vector_load %arg13[%get3A_1275, %get3A_1276] {strides = array<i32>} : memref<64x64xf32, #tpu.memory_space<vmem>>, vector<16xf32>,
    %get3A_1278 = arith.constant 32 : index
    %get3A_1279 = tpu.vector_load %arg11[%get3A_1278] {strides = array<i32>} : memref<64xf32, #tpu.memory_space<vmem>>, vector<16xf32>,
    %mul3A_1280 = arith.mulf %get3A_1277, %get3A_1279 : vector<16xf32>
    %add3A_1281 = arith.addf %add3A_1273, %mul3A_1280 : vector<16xf32>
    %get3A_1282 = arith.constant 33 : i32
    %get3A_1283 = arith.index_cast %get3A_1282 : i32 to index
    %get3A_1284 = arith.constant 48 : index
    %get3A_1285 = tpu.vector_load %arg13[%get3A_1283, %get3A_1284] {strides = array<i32>} : memref<64x64xf32, #tpu.memory_space<vmem>>, vector<16xf32>,
    %get3A_1286 = arith.constant 48 : index
    %get3A_1287 = tpu.vector_load %arg11[%get3A_1286] {strides = array<i32>} : memref<64xf32, #tpu.memory_space<vmem>>, vector<16xf32>,
    %mul3A_1288 = arith.mulf %get3A_1285, %get3A_1287 : vector<16xf32>
    %add3A_1289 = arith.addf %add3A_1281, %mul3A_1288 : vector<16xf32>
    %swap3A_1290 = arith.constant 16 : index
    %swap3A_1291 = tpu.vector_load %arg12[%swap3A_1290] {strides = array<i32>} : memref<256xf32, #tpu.memory_space<vmem>>, vector<16xf32>,
    tpu.vector_store %arg12[%swap3A_1290], %add3A_1289 {strides = array<i32>} : memref<256xf32, #tpu.memory_space<vmem>>, vector<16xf32>,
    %get3A_1292 = arith.constant 34 : i32
    %get3A_1293 = arith.index_cast %get3A_1292 : i32 to index
    %get3A_1294 = arith.constant 0 : index
    %get3A_1295 = tpu.vector_load %arg13[%get3A_1293, %get3A_1294] {strides = array<i32>} : memref<64x64xf32, #tpu.memory_space<vmem>>, vector<16xf32>,
    %get3A_1296 = arith.constant 0 : index
    %get3A_1297 = tpu.vector_load %arg11[%get3A_1296] {strides = array<i32>} : memref<64xf32, #tpu.memory_space<vmem>>, vector<16xf32>,
    %mul3A_1298 = arith.mulf %get3A_1295, %get3A_1297 : vector<16xf32>
    %get3A_1299 = arith.constant 34 : i32
    %get3A_1300 = arith.index_cast %get3A_1299 : i32 to index
    %get3A_1301 = arith.constant 16 : index
    %get3A_1302 = tpu.vector_load %arg13[%get3A_1300, %get3A_1301] {strides = array<i32>} : memref<64x64xf32, #tpu.memory_space<vmem>>, vector<16xf32>,
    %get3A_1303 = arith.constant 16 : index
    %get3A_1304 = tpu.vector_load %arg11[%get3A_1303] {strides = array<i32>} : memref<64xf32, #tpu.memory_space<vmem>>, vector<16xf32>,
    %mul3A_1305 = arith.mulf %get3A_1302, %get3A_1304 : vector<16xf32>
    %add3A_1306 = arith.addf %mul3A_1298, %mul3A_1305 : vector<16xf32>
    %get3A_1307 = arith.constant 34 : i32
    %get3A_1308 = arith.index_cast %get3A_1307 : i32 to index
    %get3A_1309 = arith.constant 32 : index
    %get3A_1310 = tpu.vector_load %arg13[%get3A_1308, %get3A_1309] {strides = array<i32>} : memref<64x64xf32, #tpu.memory_space<vmem>>, vector<16xf32>,
    %get3A_1311 = arith.constant 32 : index
    %get3A_1312 = tpu.vector_load %arg11[%get3A_1311] {strides = array<i32>} : memref<64xf32, #tpu.memory_space<vmem>>, vector<16xf32>,
    %mul3A_1313 = arith.mulf %get3A_1310, %get3A_1312 : vector<16xf32>
    %add3A_1314 = arith.addf %add3A_1306, %mul3A_1313 : vector<16xf32>
    %get3A_1315 = arith.constant 34 : i32
    %get3A_1316 = arith.index_cast %get3A_1315 : i32 to index
    %get3A_1317 = arith.constant 48 : index
    %get3A_1318 = tpu.vector_load %arg13[%get3A_1316, %get3A_1317] {strides = array<i32>} : memref<64x64xf32, #tpu.memory_space<vmem>>, vector<16xf32>,
    %get3A_1319 = arith.constant 48 : index
    %get3A_1320 = tpu.vector_load %arg11[%get3A_1319] {strides = array<i32>} : memref<64xf32, #tpu.memory_space<vmem>>, vector<16xf32>,
    %mul3A_1321 = arith.mulf %get3A_1318, %get3A_1320 : vector<16xf32>
    %add3A_1322 = arith.addf %add3A_1314, %mul3A_1321 : vector<16xf32>
    %swap3A_1323 = arith.constant 32 : index
    %swap3A_1324 = tpu.vector_load %arg12[%swap3A_1323] {strides = array<i32>} : memref<256xf32, #tpu.memory_space<vmem>>, vector<16xf32>,
    tpu.vector_store %arg12[%swap3A_1323], %add3A_1322 {strides = array<i32>} : memref<256xf32, #tpu.memory_space<vmem>>, vector<16xf32>,
    %get3A_1325 = arith.constant 35 : i32
    %get3A_1326 = arith.index_cast %get3A_1325 : i32 to index
    %get3A_1327 = arith.constant 0 : index
    %get3A_1328 = tpu.vector_load %arg13[%get3A_1326, %get3A_1327] {strides = array<i32>} : memref<64x64xf32, #tpu.memory_space<vmem>>, vector<16xf32>,
    %get3A_1329 = arith.constant 0 : index
    %get3A_1330 = tpu.vector_load %arg11[%get3A_1329] {strides = array<i32>} : memref<64xf32, #tpu.memory_space<vmem>>, vector<16xf32>,
    %mul3A_1331 = arith.mulf %get3A_1328, %get3A_1330 : vector<16xf32>
    %get3A_1332 = arith.constant 35 : i32
    %get3A_1333 = arith.index_cast %get3A_1332 : i32 to index
    %get3A_1334 = arith.constant 16 : index
    %get3A_1335 = tpu.vector_load %arg13[%get3A_1333, %get3A_1334] {strides = array<i32>} : memref<64x64xf32, #tpu.memory_space<vmem>>, vector<16xf32>,
    %get3A_1336 = arith.constant 16 : index
    %get3A_1337 = tpu.vector_load %arg11[%get3A_1336] {strides = array<i32>} : memref<64xf32, #tpu.memory_space<vmem>>, vector<16xf32>,
    %mul3A_1338 = arith.mulf %get3A_1335, %get3A_1337 : vector<16xf32>
    %add3A_1339 = arith.addf %mul3A_1331, %mul3A_1338 : vector<16xf32>
    %get3A_1340 = arith.constant 35 : i32
    %get3A_1341 = arith.index_cast %get3A_1340 : i32 to index
    %get3A_1342 = arith.constant 32 : index
    %get3A_1343 = tpu.vector_load %arg13[%get3A_1341, %get3A_1342] {strides = array<i32>} : memref<64x64xf32, #tpu.memory_space<vmem>>, vector<16xf32>,
    %get3A_1344 = arith.constant 32 : index
    %get3A_1345 = tpu.vector_load %arg11[%get3A_1344] {strides = array<i32>} : memref<64xf32, #tpu.memory_space<vmem>>, vector<16xf32>,
    %mul3A_1346 = arith.mulf %get3A_1343, %get3A_1345 : vector<16xf32>
    %add3A_1347 = arith.addf %add3A_1339, %mul3A_1346 : vector<16xf32>
    %get3A_1348 = arith.constant 35 : i32
    %get3A_1349 = arith.index_cast %get3A_1348 : i32 to index
    %get3A_1350 = arith.constant 48 : index
    %get3A_1351 = tpu.vector_load %arg13[%get3A_1349, %get3A_1350] {strides = array<i32>} : memref<64x64xf32, #tpu.memory_space<vmem>>, vector<16xf32>,
    %get3A_1352 = arith.constant 48 : index
    %get3A_1353 = tpu.vector_load %arg11[%get3A_1352] {strides = array<i32>} : memref<64xf32, #tpu.memory_space<vmem>>, vector<16xf32>,
    %mul3A_1354 = arith.mulf %get3A_1351, %get3A_1353 : vector<16xf32>
    %add3A_1355 = arith.addf %add3A_1347, %mul3A_1354 : vector<16xf32>
    %swap3A_1356 = arith.constant 48 : index
    %swap3A_1357 = tpu.vector_load %arg12[%swap3A_1356] {strides = array<i32>} : memref<256xf32, #tpu.memory_space<vmem>>, vector<16xf32>,
    tpu.vector_store %arg12[%swap3A_1356], %add3A_1355 {strides = array<i32>} : memref<256xf32, #tpu.memory_space<vmem>>, vector<16xf32>,
    %get3A_1358 = arith.constant 36 : i32
    %get3A_1359 = arith.index_cast %get3A_1358 : i32 to index
    %get3A_1360 = arith.constant 0 : index
    %get3A_1361 = tpu.vector_load %arg13[%get3A_1359, %get3A_1360] {strides = array<i32>} : memref<64x64xf32, #tpu.memory_space<vmem>>, vector<16xf32>,
    %get3A_1362 = arith.constant 0 : index
    %get3A_1363 = tpu.vector_load %arg11[%get3A_1362] {strides = array<i32>} : memref<64xf32, #tpu.memory_space<vmem>>, vector<16xf32>,
    %mul3A_1364 = arith.mulf %get3A_1361, %get3A_1363 : vector<16xf32>
    %get3A_1365 = arith.constant 36 : i32
    %get3A_1366 = arith.index_cast %get3A_1365 : i32 to index
    %get3A_1367 = arith.constant 16 : index
    %get3A_1368 = tpu.vector_load %arg13[%get3A_1366, %get3A_1367] {strides = array<i32>} : memref<64x64xf32, #tpu.memory_space<vmem>>, vector<16xf32>,
    %get3A_1369 = arith.constant 16 : index
    %get3A_1370 = tpu.vector_load %arg11[%get3A_1369] {strides = array<i32>} : memref<64xf32, #tpu.memory_space<vmem>>, vector<16xf32>,
    %mul3A_1371 = arith.mulf %get3A_1368, %get3A_1370 : vector<16xf32>
    %add3A_1372 = arith.addf %mul3A_1364, %mul3A_1371 : vector<16xf32>
    %get3A_1373 = arith.constant 36 : i32
    %get3A_1374 = arith.index_cast %get3A_1373 : i32 to index
    %get3A_1375 = arith.constant 32 : index
    %get3A_1376 = tpu.vector_load %arg13[%get3A_1374, %get3A_1375] {strides = array<i32>} : memref<64x64xf32, #tpu.memory_space<vmem>>, vector<16xf32>,
    %get3A_1377 = arith.constant 32 : index
    %get3A_1378 = tpu.vector_load %arg11[%get3A_1377] {strides = array<i32>} : memref<64xf32, #tpu.memory_space<vmem>>, vector<16xf32>,
    %mul3A_1379 = arith.mulf %get3A_1376, %get3A_1378 : vector<16xf32>
    %add3A_1380 = arith.addf %add3A_1372, %mul3A_1379 : vector<16xf32>
    %get3A_1381 = arith.constant 36 : i32
    %get3A_1382 = arith.index_cast %get3A_1381 : i32 to index
    %get3A_1383 = arith.constant 48 : index
    %get3A_1384 = tpu.vector_load %arg13[%get3A_1382, %get3A_1383] {strides = array<i32>} : memref<64x64xf32, #tpu.memory_space<vmem>>, vector<16xf32>,
    %get3A_1385 = arith.constant 48 : index
    %get3A_1386 = tpu.vector_load %arg11[%get3A_1385] {strides = array<i32>} : memref<64xf32, #tpu.memory_space<vmem>>, vector<16xf32>,
    %mul3A_1387 = arith.mulf %get3A_1384, %get3A_1386 : vector<16xf32>
    %add3A_1388 = arith.addf %add3A_1380, %mul3A_1387 : vector<16xf32>
    %swap3A_1389 = arith.constant 64 : index
    %swap3A_1390 = tpu.vector_load %arg12[%swap3A_1389] {strides = array<i32>} : memref<256xf32, #tpu.memory_space<vmem>>, vector<16xf32>,
    tpu.vector_store %arg12[%swap3A_1389], %add3A_1388 {strides = array<i32>} : memref<256xf32, #tpu.memory_space<vmem>>, vector<16xf32>,
    %get3A_1391 = arith.constant 37 : i32
    %get3A_1392 = arith.index_cast %get3A_1391 : i32 to index
    %get3A_1393 = arith.constant 0 : index
    %get3A_1394 = tpu.vector_load %arg13[%get3A_1392, %get3A_1393] {strides = array<i32>} : memref<64x64xf32, #tpu.memory_space<vmem>>, vector<16xf32>,
    %get3A_1395 = arith.constant 0 : index
    %get3A_1396 = tpu.vector_load %arg11[%get3A_1395] {strides = array<i32>} : memref<64xf32, #tpu.memory_space<vmem>>, vector<16xf32>,
    %mul3A_1397 = arith.mulf %get3A_1394, %get3A_1396 : vector<16xf32>
    %get3A_1398 = arith.constant 37 : i32
    %get3A_1399 = arith.index_cast %get3A_1398 : i32 to index
    %get3A_1400 = arith.constant 16 : index
    %get3A_1401 = tpu.vector_load %arg13[%get3A_1399, %get3A_1400] {strides = array<i32>} : memref<64x64xf32, #tpu.memory_space<vmem>>, vector<16xf32>,
    %get3A_1402 = arith.constant 16 : index
    %get3A_1403 = tpu.vector_load %arg11[%get3A_1402] {strides = array<i32>} : memref<64xf32, #tpu.memory_space<vmem>>, vector<16xf32>,
    %mul3A_1404 = arith.mulf %get3A_1401, %get3A_1403 : vector<16xf32>
    %add3A_1405 = arith.addf %mul3A_1397, %mul3A_1404 : vector<16xf32>
    %get3A_1406 = arith.constant 37 : i32
    %get3A_1407 = arith.index_cast %get3A_1406 : i32 to index
    %get3A_1408 = arith.constant 32 : index
    %get3A_1409 = tpu.vector_load %arg13[%get3A_1407, %get3A_1408] {strides = array<i32>} : memref<64x64xf32, #tpu.memory_space<vmem>>, vector<16xf32>,
    %get3A_1410 = arith.constant 32 : index
    %get3A_1411 = tpu.vector_load %arg11[%get3A_1410] {strides = array<i32>} : memref<64xf32, #tpu.memory_space<vmem>>, vector<16xf32>,
    %mul3A_1412 = arith.mulf %get3A_1409, %get3A_1411 : vector<16xf32>
    %add3A_1413 = arith.addf %add3A_1405, %mul3A_1412 : vector<16xf32>
    %get3A_1414 = arith.constant 37 : i32
    %get3A_1415 = arith.index_cast %get3A_1414 : i32 to index
    %get3A_1416 = arith.constant 48 : index
    %get3A_1417 = tpu.vector_load %arg13[%get3A_1415, %get3A_1416] {strides = array<i32>} : memref<64x64xf32, #tpu.memory_space<vmem>>, vector<16xf32>,
    %get3A_1418 = arith.constant 48 : index
    %get3A_1419 = tpu.vector_load %arg11[%get3A_1418] {strides = array<i32>} : memref<64xf32, #tpu.memory_space<vmem>>, vector<16xf32>,
    %mul3A_1420 = arith.mulf %get3A_1417, %get3A_1419 : vector<16xf32>
    %add3A_1421 = arith.addf %add3A_1413, %mul3A_1420 : vector<16xf32>
    %swap3A_1422 = arith.constant 80 : index
    %swap3A_1423 = tpu.vector_load %arg12[%swap3A_1422] {strides = array<i32>} : memref<256xf32, #tpu.memory_space<vmem>>, vector<16xf32>,
    tpu.vector_store %arg12[%swap3A_1422], %add3A_1421 {strides = array<i32>} : memref<256xf32, #tpu.memory_space<vmem>>, vector<16xf32>,
    %get3A_1424 = arith.constant 38 : i32
    %get3A_1425 = arith.index_cast %get3A_1424 : i32 to index
    %get3A_1426 = arith.constant 0 : index
    %get3A_1427 = tpu.vector_load %arg13[%get3A_1425, %get3A_1426] {strides = array<i32>} : memref<64x64xf32, #tpu.memory_space<vmem>>, vector<16xf32>,
    %get3A_1428 = arith.constant 0 : index
    %get3A_1429 = tpu.vector_load %arg11[%get3A_1428] {strides = array<i32>} : memref<64xf32, #tpu.memory_space<vmem>>, vector<16xf32>,
    %mul3A_1430 = arith.mulf %get3A_1427, %get3A_1429 : vector<16xf32>
    %get3A_1431 = arith.constant 38 : i32
    %get3A_1432 = arith.index_cast %get3A_1431 : i32 to index
    %get3A_1433 = arith.constant 16 : index
    %get3A_1434 = tpu.vector_load %arg13[%get3A_1432, %get3A_1433] {strides = array<i32>} : memref<64x64xf32, #tpu.memory_space<vmem>>, vector<16xf32>,
    %get3A_1435 = arith.constant 16 : index
    %get3A_1436 = tpu.vector_load %arg11[%get3A_1435] {strides = array<i32>} : memref<64xf32, #tpu.memory_space<vmem>>, vector<16xf32>,
    %mul3A_1437 = arith.mulf %get3A_1434, %get3A_1436 : vector<16xf32>
    %add3A_1438 = arith.addf %mul3A_1430, %mul3A_1437 : vector<16xf32>
    %get3A_1439 = arith.constant 38 : i32
    %get3A_1440 = arith.index_cast %get3A_1439 : i32 to index
    %get3A_1441 = arith.constant 32 : index
    %get3A_1442 = tpu.vector_load %arg13[%get3A_1440, %get3A_1441] {strides = array<i32>} : memref<64x64xf32, #tpu.memory_space<vmem>>, vector<16xf32>,
    %get3A_1443 = arith.constant 32 : index
    %get3A_1444 = tpu.vector_load %arg11[%get3A_1443] {strides = array<i32>} : memref<64xf32, #tpu.memory_space<vmem>>, vector<16xf32>,
    %mul3A_1445 = arith.mulf %get3A_1442, %get3A_1444 : vector<16xf32>
    %add3A_1446 = arith.addf %add3A_1438, %mul3A_1445 : vector<16xf32>
    %get3A_1447 = arith.constant 38 : i32
    %get3A_1448 = arith.index_cast %get3A_1447 : i32 to index
    %get3A_1449 = arith.constant 48 : index
    %get3A_1450 = tpu.vector_load %arg13[%get3A_1448, %get3A_1449] {strides = array<i32>} : memref<64x64xf32, #tpu.memory_space<vmem>>, vector<16xf32>,
    %get3A_1451 = arith.constant 48 : index
    %get3A_1452 = tpu.vector_load %arg11[%get3A_1451] {strides = array<i32>} : memref<64xf32, #tpu.memory_space<vmem>>, vector<16xf32>,
    %mul3A_1453 = arith.mulf %get3A_1450, %get3A_1452 : vector<16xf32>
    %add3A_1454 = arith.addf %add3A_1446, %mul3A_1453 : vector<16xf32>
    %swap3A_1455 = arith.constant 96 : index
    %swap3A_1456 = tpu.vector_load %arg12[%swap3A_1455] {strides = array<i32>} : memref<256xf32, #tpu.memory_space<vmem>>, vector<16xf32>,
    tpu.vector_store %arg12[%swap3A_1455], %add3A_1454 {strides = array<i32>} : memref<256xf32, #tpu.memory_space<vmem>>, vector<16xf32>,
    %get3A_1457 = arith.constant 39 : i32
    %get3A_1458 = arith.index_cast %get3A_1457 : i32 to index
    %get3A_1459 = arith.constant 0 : index
    %get3A_1460 = tpu.vector_load %arg13[%get3A_1458, %get3A_1459] {strides = array<i32>} : memref<64x64xf32, #tpu.memory_space<vmem>>, vector<16xf32>,
    %get3A_1461 = arith.constant 0 : index
    %get3A_1462 = tpu.vector_load %arg11[%get3A_1461] {strides = array<i32>} : memref<64xf32, #tpu.memory_space<vmem>>, vector<16xf32>,
    %mul3A_1463 = arith.mulf %get3A_1460, %get3A_1462 : vector<16xf32>
    %get3A_1464 = arith.constant 39 : i32
    %get3A_1465 = arith.index_cast %get3A_1464 : i32 to index
    %get3A_1466 = arith.constant 16 : index
    %get3A_1467 = tpu.vector_load %arg13[%get3A_1465, %get3A_1466] {strides = array<i32>} : memref<64x64xf32, #tpu.memory_space<vmem>>, vector<16xf32>,
    %get3A_1468 = arith.constant 16 : index
    %get3A_1469 = tpu.vector_load %arg11[%get3A_1468] {strides = array<i32>} : memref<64xf32, #tpu.memory_space<vmem>>, vector<16xf32>,
    %mul3A_1470 = arith.mulf %get3A_1467, %get3A_1469 : vector<16xf32>
    %add3A_1471 = arith.addf %mul3A_1463, %mul3A_1470 : vector<16xf32>
    %get3A_1472 = arith.constant 39 : i32
    %get3A_1473 = arith.index_cast %get3A_1472 : i32 to index
    %get3A_1474 = arith.constant 32 : index
    %get3A_1475 = tpu.vector_load %arg13[%get3A_1473, %get3A_1474] {strides = array<i32>} : memref<64x64xf32, #tpu.memory_space<vmem>>, vector<16xf32>,
    %get3A_1476 = arith.constant 32 : index
    %get3A_1477 = tpu.vector_load %arg11[%get3A_1476] {strides = array<i32>} : memref<64xf32, #tpu.memory_space<vmem>>, vector<16xf32>,
    %mul3A_1478 = arith.mulf %get3A_1475, %get3A_1477 : vector<16xf32>
    %add3A_1479 = arith.addf %add3A_1471, %mul3A_1478 : vector<16xf32>
    %get3A_1480 = arith.constant 39 : i32
    %get3A_1481 = arith.index_cast %get3A_1480 : i32 to index
    %get3A_1482 = arith.constant 48 : index
    %get3A_1483 = tpu.vector_load %arg13[%get3A_1481, %get3A_1482] {strides = array<i32>} : memref<64x64xf32, #tpu.memory_space<vmem>>, vector<16xf32>,
    %get3A_1484 = arith.constant 48 : index
    %get3A_1485 = tpu.vector_load %arg11[%get3A_1484] {strides = array<i32>} : memref<64xf32, #tpu.memory_space<vmem>>, vector<16xf32>,
    %mul3A_1486 = arith.mulf %get3A_1483, %get3A_1485 : vector<16xf32>
    %add3A_1487 = arith.addf %add3A_1479, %mul3A_1486 : vector<16xf32>
    %swap3A_1488 = arith.constant 112 : index
    %swap3A_1489 = tpu.vector_load %arg12[%swap3A_1488] {strides = array<i32>} : memref<256xf32, #tpu.memory_space<vmem>>, vector<16xf32>,
    tpu.vector_store %arg12[%swap3A_1488], %add3A_1487 {strides = array<i32>} : memref<256xf32, #tpu.memory_space<vmem>>, vector<16xf32>,
    %get3A_1490 = arith.constant 40 : i32
    %get3A_1491 = arith.index_cast %get3A_1490 : i32 to index
    %get3A_1492 = arith.constant 0 : index
    %get3A_1493 = tpu.vector_load %arg13[%get3A_1491, %get3A_1492] {strides = array<i32>} : memref<64x64xf32, #tpu.memory_space<vmem>>, vector<16xf32>,
    %get3A_1494 = arith.constant 0 : index
    %get3A_1495 = tpu.vector_load %arg11[%get3A_1494] {strides = array<i32>} : memref<64xf32, #tpu.memory_space<vmem>>, vector<16xf32>,
    %mul3A_1496 = arith.mulf %get3A_1493, %get3A_1495 : vector<16xf32>
    %get3A_1497 = arith.constant 40 : i32
    %get3A_1498 = arith.index_cast %get3A_1497 : i32 to index
    %get3A_1499 = arith.constant 16 : index
    %get3A_1500 = tpu.vector_load %arg13[%get3A_1498, %get3A_1499] {strides = array<i32>} : memref<64x64xf32, #tpu.memory_space<vmem>>, vector<16xf32>,
    %get3A_1501 = arith.constant 16 : index
    %get3A_1502 = tpu.vector_load %arg11[%get3A_1501] {strides = array<i32>} : memref<64xf32, #tpu.memory_space<vmem>>, vector<16xf32>,
    %mul3A_1503 = arith.mulf %get3A_1500, %get3A_1502 : vector<16xf32>
    %add3A_1504 = arith.addf %mul3A_1496, %mul3A_1503 : vector<16xf32>
    %get3A_1505 = arith.constant 40 : i32
    %get3A_1506 = arith.index_cast %get3A_1505 : i32 to index
    %get3A_1507 = arith.constant 32 : index
    %get3A_1508 = tpu.vector_load %arg13[%get3A_1506, %get3A_1507] {strides = array<i32>} : memref<64x64xf32, #tpu.memory_space<vmem>>, vector<16xf32>,
    %get3A_1509 = arith.constant 32 : index
    %get3A_1510 = tpu.vector_load %arg11[%get3A_1509] {strides = array<i32>} : memref<64xf32, #tpu.memory_space<vmem>>, vector<16xf32>,
    %mul3A_1511 = arith.mulf %get3A_1508, %get3A_1510 : vector<16xf32>
    %add3A_1512 = arith.addf %add3A_1504, %mul3A_1511 : vector<16xf32>
    %get3A_1513 = arith.constant 40 : i32
    %get3A_1514 = arith.index_cast %get3A_1513 : i32 to index
    %get3A_1515 = arith.constant 48 : index
    %get3A_1516 = tpu.vector_load %arg13[%get3A_1514, %get3A_1515] {strides = array<i32>} : memref<64x64xf32, #tpu.memory_space<vmem>>, vector<16xf32>,
    %get3A_1517 = arith.constant 48 : index
    %get3A_1518 = tpu.vector_load %arg11[%get3A_1517] {strides = array<i32>} : memref<64xf32, #tpu.memory_space<vmem>>, vector<16xf32>,
    %mul3A_1519 = arith.mulf %get3A_1516, %get3A_1518 : vector<16xf32>
    %add3A_1520 = arith.addf %add3A_1512, %mul3A_1519 : vector<16xf32>
    %swap3A_1521 = arith.constant 128 : index
    %swap3A_1522 = tpu.vector_load %arg12[%swap3A_1521] {strides = array<i32>} : memref<256xf32, #tpu.memory_space<vmem>>, vector<16xf32>,
    tpu.vector_store %arg12[%swap3A_1521], %add3A_1520 {strides = array<i32>} : memref<256xf32, #tpu.memory_space<vmem>>, vector<16xf32>,
    %get3A_1523 = arith.constant 41 : i32
    %get3A_1524 = arith.index_cast %get3A_1523 : i32 to index
    %get3A_1525 = arith.constant 0 : index
    %get3A_1526 = tpu.vector_load %arg13[%get3A_1524, %get3A_1525] {strides = array<i32>} : memref<64x64xf32, #tpu.memory_space<vmem>>, vector<16xf32>,
    %get3A_1527 = arith.constant 0 : index
    %get3A_1528 = tpu.vector_load %arg11[%get3A_1527] {strides = array<i32>} : memref<64xf32, #tpu.memory_space<vmem>>, vector<16xf32>,
    %mul3A_1529 = arith.mulf %get3A_1526, %get3A_1528 : vector<16xf32>
    %get3A_1530 = arith.constant 41 : i32
    %get3A_1531 = arith.index_cast %get3A_1530 : i32 to index
    %get3A_1532 = arith.constant 16 : index
    %get3A_1533 = tpu.vector_load %arg13[%get3A_1531, %get3A_1532] {strides = array<i32>} : memref<64x64xf32, #tpu.memory_space<vmem>>, vector<16xf32>,
    %get3A_1534 = arith.constant 16 : index
    %get3A_1535 = tpu.vector_load %arg11[%get3A_1534] {strides = array<i32>} : memref<64xf32, #tpu.memory_space<vmem>>, vector<16xf32>,
    %mul3A_1536 = arith.mulf %get3A_1533, %get3A_1535 : vector<16xf32>
    %add3A_1537 = arith.addf %mul3A_1529, %mul3A_1536 : vector<16xf32>
    %get3A_1538 = arith.constant 41 : i32
    %get3A_1539 = arith.index_cast %get3A_1538 : i32 to index
    %get3A_1540 = arith.constant 32 : index
    %get3A_1541 = tpu.vector_load %arg13[%get3A_1539, %get3A_1540] {strides = array<i32>} : memref<64x64xf32, #tpu.memory_space<vmem>>, vector<16xf32>,
    %get3A_1542 = arith.constant 32 : index
    %get3A_1543 = tpu.vector_load %arg11[%get3A_1542] {strides = array<i32>} : memref<64xf32, #tpu.memory_space<vmem>>, vector<16xf32>,
    %mul3A_1544 = arith.mulf %get3A_1541, %get3A_1543 : vector<16xf32>
    %add3A_1545 = arith.addf %add3A_1537, %mul3A_1544 : vector<16xf32>
    %get3A_1546 = arith.constant 41 : i32
    %get3A_1547 = arith.index_cast %get3A_1546 : i32 to index
    %get3A_1548 = arith.constant 48 : index
    %get3A_1549 = tpu.vector_load %arg13[%get3A_1547, %get3A_1548] {strides = array<i32>} : memref<64x64xf32, #tpu.memory_space<vmem>>, vector<16xf32>,
    %get3A_1550 = arith.constant 48 : index
    %get3A_1551 = tpu.vector_load %arg11[%get3A_1550] {strides = array<i32>} : memref<64xf32, #tpu.memory_space<vmem>>, vector<16xf32>,
    %mul3A_1552 = arith.mulf %get3A_1549, %get3A_1551 : vector<16xf32>
    %add3A_1553 = arith.addf %add3A_1545, %mul3A_1552 : vector<16xf32>
    %swap3A_1554 = arith.constant 144 : index
    %swap3A_1555 = tpu.vector_load %arg12[%swap3A_1554] {strides = array<i32>} : memref<256xf32, #tpu.memory_space<vmem>>, vector<16xf32>,
    tpu.vector_store %arg12[%swap3A_1554], %add3A_1553 {strides = array<i32>} : memref<256xf32, #tpu.memory_space<vmem>>, vector<16xf32>,
    %get3A_1556 = arith.constant 42 : i32
    %get3A_1557 = arith.index_cast %get3A_1556 : i32 to index
    %get3A_1558 = arith.constant 0 : index
    %get3A_1559 = tpu.vector_load %arg13[%get3A_1557, %get3A_1558] {strides = array<i32>} : memref<64x64xf32, #tpu.memory_space<vmem>>, vector<16xf32>,
    %get3A_1560 = arith.constant 0 : index
    %get3A_1561 = tpu.vector_load %arg11[%get3A_1560] {strides = array<i32>} : memref<64xf32, #tpu.memory_space<vmem>>, vector<16xf32>,
    %mul3A_1562 = arith.mulf %get3A_1559, %get3A_1561 : vector<16xf32>
    %get3A_1563 = arith.constant 42 : i32
    %get3A_1564 = arith.index_cast %get3A_1563 : i32 to index
    %get3A_1565 = arith.constant 16 : index
    %get3A_1566 = tpu.vector_load %arg13[%get3A_1564, %get3A_1565] {strides = array<i32>} : memref<64x64xf32, #tpu.memory_space<vmem>>, vector<16xf32>,
    %get3A_1567 = arith.constant 16 : index
    %get3A_1568 = tpu.vector_load %arg11[%get3A_1567] {strides = array<i32>} : memref<64xf32, #tpu.memory_space<vmem>>, vector<16xf32>,
    %mul3A_1569 = arith.mulf %get3A_1566, %get3A_1568 : vector<16xf32>
    %add3A_1570 = arith.addf %mul3A_1562, %mul3A_1569 : vector<16xf32>
    %get3A_1571 = arith.constant 42 : i32
    %get3A_1572 = arith.index_cast %get3A_1571 : i32 to index
    %get3A_1573 = arith.constant 32 : index
    %get3A_1574 = tpu.vector_load %arg13[%get3A_1572, %get3A_1573] {strides = array<i32>} : memref<64x64xf32, #tpu.memory_space<vmem>>, vector<16xf32>,
    %get3A_1575 = arith.constant 32 : index
    %get3A_1576 = tpu.vector_load %arg11[%get3A_1575] {strides = array<i32>} : memref<64xf32, #tpu.memory_space<vmem>>, vector<16xf32>,
    %mul3A_1577 = arith.mulf %get3A_1574, %get3A_1576 : vector<16xf32>
    %add3A_1578 = arith.addf %add3A_1570, %mul3A_1577 : vector<16xf32>
    %get3A_1579 = arith.constant 42 : i32
    %get3A_1580 = arith.index_cast %get3A_1579 : i32 to index
    %get3A_1581 = arith.constant 48 : index
    %get3A_1582 = tpu.vector_load %arg13[%get3A_1580, %get3A_1581] {strides = array<i32>} : memref<64x64xf32, #tpu.memory_space<vmem>>, vector<16xf32>,
    %get3A_1583 = arith.constant 48 : index
    %get3A_1584 = tpu.vector_load %arg11[%get3A_1583] {strides = array<i32>} : memref<64xf32, #tpu.memory_space<vmem>>, vector<16xf32>,
    %mul3A_1585 = arith.mulf %get3A_1582, %get3A_1584 : vector<16xf32>
    %add3A_1586 = arith.addf %add3A_1578, %mul3A_1585 : vector<16xf32>
    %swap3A_1587 = arith.constant 160 : index
    %swap3A_1588 = tpu.vector_load %arg12[%swap3A_1587] {strides = array<i32>} : memref<256xf32, #tpu.memory_space<vmem>>, vector<16xf32>,
    tpu.vector_store %arg12[%swap3A_1587], %add3A_1586 {strides = array<i32>} : memref<256xf32, #tpu.memory_space<vmem>>, vector<16xf32>,
    %get3A_1589 = arith.constant 43 : i32
    %get3A_1590 = arith.index_cast %get3A_1589 : i32 to index
    %get3A_1591 = arith.constant 0 : index
    %get3A_1592 = tpu.vector_load %arg13[%get3A_1590, %get3A_1591] {strides = array<i32>} : memref<64x64xf32, #tpu.memory_space<vmem>>, vector<16xf32>,
    %get3A_1593 = arith.constant 0 : index
    %get3A_1594 = tpu.vector_load %arg11[%get3A_1593] {strides = array<i32>} : memref<64xf32, #tpu.memory_space<vmem>>, vector<16xf32>,
    %mul3A_1595 = arith.mulf %get3A_1592, %get3A_1594 : vector<16xf32>
    %get3A_1596 = arith.constant 43 : i32
    %get3A_1597 = arith.index_cast %get3A_1596 : i32 to index
    %get3A_1598 = arith.constant 16 : index
    %get3A_1599 = tpu.vector_load %arg13[%get3A_1597, %get3A_1598] {strides = array<i32>} : memref<64x64xf32, #tpu.memory_space<vmem>>, vector<16xf32>,
    %get3A_1600 = arith.constant 16 : index
    %get3A_1601 = tpu.vector_load %arg11[%get3A_1600] {strides = array<i32>} : memref<64xf32, #tpu.memory_space<vmem>>, vector<16xf32>,
    %mul3A_1602 = arith.mulf %get3A_1599, %get3A_1601 : vector<16xf32>
    %add3A_1603 = arith.addf %mul3A_1595, %mul3A_1602 : vector<16xf32>
    %get3A_1604 = arith.constant 43 : i32
    %get3A_1605 = arith.index_cast %get3A_1604 : i32 to index
    %get3A_1606 = arith.constant 32 : index
    %get3A_1607 = tpu.vector_load %arg13[%get3A_1605, %get3A_1606] {strides = array<i32>} : memref<64x64xf32, #tpu.memory_space<vmem>>, vector<16xf32>,
    %get3A_1608 = arith.constant 32 : index
    %get3A_1609 = tpu.vector_load %arg11[%get3A_1608] {strides = array<i32>} : memref<64xf32, #tpu.memory_space<vmem>>, vector<16xf32>,
    %mul3A_1610 = arith.mulf %get3A_1607, %get3A_1609 : vector<16xf32>
    %add3A_1611 = arith.addf %add3A_1603, %mul3A_1610 : vector<16xf32>
    %get3A_1612 = arith.constant 43 : i32
    %get3A_1613 = arith.index_cast %get3A_1612 : i32 to index
    %get3A_1614 = arith.constant 48 : index
    %get3A_1615 = tpu.vector_load %arg13[%get3A_1613, %get3A_1614] {strides = array<i32>} : memref<64x64xf32, #tpu.memory_space<vmem>>, vector<16xf32>,
    %get3A_1616 = arith.constant 48 : index
    %get3A_1617 = tpu.vector_load %arg11[%get3A_1616] {strides = array<i32>} : memref<64xf32, #tpu.memory_space<vmem>>, vector<16xf32>,
    %mul3A_1618 = arith.mulf %get3A_1615, %get3A_1617 : vector<16xf32>
    %add3A_1619 = arith.addf %add3A_1611, %mul3A_1618 : vector<16xf32>
    %swap3A_1620 = arith.constant 176 : index
    %swap3A_1621 = tpu.vector_load %arg12[%swap3A_1620] {strides = array<i32>} : memref<256xf32, #tpu.memory_space<vmem>>, vector<16xf32>,
    tpu.vector_store %arg12[%swap3A_1620], %add3A_1619 {strides = array<i32>} : memref<256xf32, #tpu.memory_space<vmem>>, vector<16xf32>,
    %get3A_1622 = arith.constant 44 : i32
    %get3A_1623 = arith.index_cast %get3A_1622 : i32 to index
    %get3A_1624 = arith.constant 0 : index
    %get3A_1625 = tpu.vector_load %arg13[%get3A_1623, %get3A_1624] {strides = array<i32>} : memref<64x64xf32, #tpu.memory_space<vmem>>, vector<16xf32>,
    %get3A_1626 = arith.constant 0 : index
    %get3A_1627 = tpu.vector_load %arg11[%get3A_1626] {strides = array<i32>} : memref<64xf32, #tpu.memory_space<vmem>>, vector<16xf32>,
    %mul3A_1628 = arith.mulf %get3A_1625, %get3A_1627 : vector<16xf32>
    %get3A_1629 = arith.constant 44 : i32
    %get3A_1630 = arith.index_cast %get3A_1629 : i32 to index
    %get3A_1631 = arith.constant 16 : index
    %get3A_1632 = tpu.vector_load %arg13[%get3A_1630, %get3A_1631] {strides = array<i32>} : memref<64x64xf32, #tpu.memory_space<vmem>>, vector<16xf32>,
    %get3A_1633 = arith.constant 16 : index
    %get3A_1634 = tpu.vector_load %arg11[%get3A_1633] {strides = array<i32>} : memref<64xf32, #tpu.memory_space<vmem>>, vector<16xf32>,
    %mul3A_1635 = arith.mulf %get3A_1632, %get3A_1634 : vector<16xf32>
    %add3A_1636 = arith.addf %mul3A_1628, %mul3A_1635 : vector<16xf32>
    %get3A_1637 = arith.constant 44 : i32
    %get3A_1638 = arith.index_cast %get3A_1637 : i32 to index
    %get3A_1639 = arith.constant 32 : index
    %get3A_1640 = tpu.vector_load %arg13[%get3A_1638, %get3A_1639] {strides = array<i32>} : memref<64x64xf32, #tpu.memory_space<vmem>>, vector<16xf32>,
    %get3A_1641 = arith.constant 32 : index
    %get3A_1642 = tpu.vector_load %arg11[%get3A_1641] {strides = array<i32>} : memref<64xf32, #tpu.memory_space<vmem>>, vector<16xf32>,
    %mul3A_1643 = arith.mulf %get3A_1640, %get3A_1642 : vector<16xf32>
    %add3A_1644 = arith.addf %add3A_1636, %mul3A_1643 : vector<16xf32>
    %get3A_1645 = arith.constant 44 : i32
    %get3A_1646 = arith.index_cast %get3A_1645 : i32 to index
    %get3A_1647 = arith.constant 48 : index
    %get3A_1648 = tpu.vector_load %arg13[%get3A_1646, %get3A_1647] {strides = array<i32>} : memref<64x64xf32, #tpu.memory_space<vmem>>, vector<16xf32>,
    %get3A_1649 = arith.constant 48 : index
    %get3A_1650 = tpu.vector_load %arg11[%get3A_1649] {strides = array<i32>} : memref<64xf32, #tpu.memory_space<vmem>>, vector<16xf32>,
    %mul3A_1651 = arith.mulf %get3A_1648, %get3A_1650 : vector<16xf32>
    %add3A_1652 = arith.addf %add3A_1644, %mul3A_1651 : vector<16xf32>
    %swap3A_1653 = arith.constant 192 : index
    %swap3A_1654 = tpu.vector_load %arg12[%swap3A_1653] {strides = array<i32>} : memref<256xf32, #tpu.memory_space<vmem>>, vector<16xf32>,
    tpu.vector_store %arg12[%swap3A_1653], %add3A_1652 {strides = array<i32>} : memref<256xf32, #tpu.memory_space<vmem>>, vector<16xf32>,
    %get3A_1655 = arith.constant 45 : i32
    %get3A_1656 = arith.index_cast %get3A_1655 : i32 to index
    %get3A_1657 = arith.constant 0 : index
    %get3A_1658 = tpu.vector_load %arg13[%get3A_1656, %get3A_1657] {strides = array<i32>} : memref<64x64xf32, #tpu.memory_space<vmem>>, vector<16xf32>,
    %get3A_1659 = arith.constant 0 : index
    %get3A_1660 = tpu.vector_load %arg11[%get3A_1659] {strides = array<i32>} : memref<64xf32, #tpu.memory_space<vmem>>, vector<16xf32>,
    %mul3A_1661 = arith.mulf %get3A_1658, %get3A_1660 : vector<16xf32>
    %get3A_1662 = arith.constant 45 : i32
    %get3A_1663 = arith.index_cast %get3A_1662 : i32 to index
    %get3A_1664 = arith.constant 16 : index
    %get3A_1665 = tpu.vector_load %arg13[%get3A_1663, %get3A_1664] {strides = array<i32>} : memref<64x64xf32, #tpu.memory_space<vmem>>, vector<16xf32>,
    %get3A_1666 = arith.constant 16 : index
    %get3A_1667 = tpu.vector_load %arg11[%get3A_1666] {strides = array<i32>} : memref<64xf32, #tpu.memory_space<vmem>>, vector<16xf32>,
    %mul3A_1668 = arith.mulf %get3A_1665, %get3A_1667 : vector<16xf32>
    %add3A_1669 = arith.addf %mul3A_1661, %mul3A_1668 : vector<16xf32>
    %get3A_1670 = arith.constant 45 : i32
    %get3A_1671 = arith.index_cast %get3A_1670 : i32 to index
    %get3A_1672 = arith.constant 32 : index
    %get3A_1673 = tpu.vector_load %arg13[%get3A_1671, %get3A_1672] {strides = array<i32>} : memref<64x64xf32, #tpu.memory_space<vmem>>, vector<16xf32>,
    %get3A_1674 = arith.constant 32 : index
    %get3A_1675 = tpu.vector_load %arg11[%get3A_1674] {strides = array<i32>} : memref<64xf32, #tpu.memory_space<vmem>>, vector<16xf32>,
    %mul3A_1676 = arith.mulf %get3A_1673, %get3A_1675 : vector<16xf32>
    %add3A_1677 = arith.addf %add3A_1669, %mul3A_1676 : vector<16xf32>
    %get3A_1678 = arith.constant 45 : i32
    %get3A_1679 = arith.index_cast %get3A_1678 : i32 to index
    %get3A_1680 = arith.constant 48 : index
    %get3A_1681 = tpu.vector_load %arg13[%get3A_1679, %get3A_1680] {strides = array<i32>} : memref<64x64xf32, #tpu.memory_space<vmem>>, vector<16xf32>,
    %get3A_1682 = arith.constant 48 : index
    %get3A_1683 = tpu.vector_load %arg11[%get3A_1682] {strides = array<i32>} : memref<64xf32, #tpu.memory_space<vmem>>, vector<16xf32>,
    %mul3A_1684 = arith.mulf %get3A_1681, %get3A_1683 : vector<16xf32>
    %add3A_1685 = arith.addf %add3A_1677, %mul3A_1684 : vector<16xf32>
    %swap3A_1686 = arith.constant 208 : index
    %swap3A_1687 = tpu.vector_load %arg12[%swap3A_1686] {strides = array<i32>} : memref<256xf32, #tpu.memory_space<vmem>>, vector<16xf32>,
    tpu.vector_store %arg12[%swap3A_1686], %add3A_1685 {strides = array<i32>} : memref<256xf32, #tpu.memory_space<vmem>>, vector<16xf32>,
    %get3A_1688 = arith.constant 46 : i32
    %get3A_1689 = arith.index_cast %get3A_1688 : i32 to index
    %get3A_1690 = arith.constant 0 : index
    %get3A_1691 = tpu.vector_load %arg13[%get3A_1689, %get3A_1690] {strides = array<i32>} : memref<64x64xf32, #tpu.memory_space<vmem>>, vector<16xf32>,
    %get3A_1692 = arith.constant 0 : index
    %get3A_1693 = tpu.vector_load %arg11[%get3A_1692] {strides = array<i32>} : memref<64xf32, #tpu.memory_space<vmem>>, vector<16xf32>,
    %mul3A_1694 = arith.mulf %get3A_1691, %get3A_1693 : vector<16xf32>
    %get3A_1695 = arith.constant 46 : i32
    %get3A_1696 = arith.index_cast %get3A_1695 : i32 to index
    %get3A_1697 = arith.constant 16 : index
    %get3A_1698 = tpu.vector_load %arg13[%get3A_1696, %get3A_1697] {strides = array<i32>} : memref<64x64xf32, #tpu.memory_space<vmem>>, vector<16xf32>,
    %get3A_1699 = arith.constant 16 : index
    %get3A_1700 = tpu.vector_load %arg11[%get3A_1699] {strides = array<i32>} : memref<64xf32, #tpu.memory_space<vmem>>, vector<16xf32>,
    %mul3A_1701 = arith.mulf %get3A_1698, %get3A_1700 : vector<16xf32>
    %add3A_1702 = arith.addf %mul3A_1694, %mul3A_1701 : vector<16xf32>
    %get3A_1703 = arith.constant 46 : i32
    %get3A_1704 = arith.index_cast %get3A_1703 : i32 to index
    %get3A_1705 = arith.constant 32 : index
    %get3A_1706 = tpu.vector_load %arg13[%get3A_1704, %get3A_1705] {strides = array<i32>} : memref<64x64xf32, #tpu.memory_space<vmem>>, vector<16xf32>,
    %get3A_1707 = arith.constant 32 : index
    %get3A_1708 = tpu.vector_load %arg11[%get3A_1707] {strides = array<i32>} : memref<64xf32, #tpu.memory_space<vmem>>, vector<16xf32>,
    %mul3A_1709 = arith.mulf %get3A_1706, %get3A_1708 : vector<16xf32>
    %add3A_1710 = arith.addf %add3A_1702, %mul3A_1709 : vector<16xf32>
    %get3A_1711 = arith.constant 46 : i32
    %get3A_1712 = arith.index_cast %get3A_1711 : i32 to index
    %get3A_1713 = arith.constant 48 : index
    %get3A_1714 = tpu.vector_load %arg13[%get3A_1712, %get3A_1713] {strides = array<i32>} : memref<64x64xf32, #tpu.memory_space<vmem>>, vector<16xf32>,
    %get3A_1715 = arith.constant 48 : index
    %get3A_1716 = tpu.vector_load %arg11[%get3A_1715] {strides = array<i32>} : memref<64xf32, #tpu.memory_space<vmem>>, vector<16xf32>,
    %mul3A_1717 = arith.mulf %get3A_1714, %get3A_1716 : vector<16xf32>
    %add3A_1718 = arith.addf %add3A_1710, %mul3A_1717 : vector<16xf32>
    %swap3A_1719 = arith.constant 224 : index
    %swap3A_1720 = tpu.vector_load %arg12[%swap3A_1719] {strides = array<i32>} : memref<256xf32, #tpu.memory_space<vmem>>, vector<16xf32>,
    tpu.vector_store %arg12[%swap3A_1719], %add3A_1718 {strides = array<i32>} : memref<256xf32, #tpu.memory_space<vmem>>, vector<16xf32>,
    %get3A_1721 = arith.constant 47 : i32
    %get3A_1722 = arith.index_cast %get3A_1721 : i32 to index
    %get3A_1723 = arith.constant 0 : index
    %get3A_1724 = tpu.vector_load %arg13[%get3A_1722, %get3A_1723] {strides = array<i32>} : memref<64x64xf32, #tpu.memory_space<vmem>>, vector<16xf32>,
    %get3A_1725 = arith.constant 0 : index
    %get3A_1726 = tpu.vector_load %arg11[%get3A_1725] {strides = array<i32>} : memref<64xf32, #tpu.memory_space<vmem>>, vector<16xf32>,
    %mul3A_1727 = arith.mulf %get3A_1724, %get3A_1726 : vector<16xf32>
    %get3A_1728 = arith.constant 47 : i32
    %get3A_1729 = arith.index_cast %get3A_1728 : i32 to index
    %get3A_1730 = arith.constant 16 : index
    %get3A_1731 = tpu.vector_load %arg13[%get3A_1729, %get3A_1730] {strides = array<i32>} : memref<64x64xf32, #tpu.memory_space<vmem>>, vector<16xf32>,
    %get3A_1732 = arith.constant 16 : index
    %get3A_1733 = tpu.vector_load %arg11[%get3A_1732] {strides = array<i32>} : memref<64xf32, #tpu.memory_space<vmem>>, vector<16xf32>,
    %mul3A_1734 = arith.mulf %get3A_1731, %get3A_1733 : vector<16xf32>
    %add3A_1735 = arith.addf %mul3A_1727, %mul3A_1734 : vector<16xf32>
    %get3A_1736 = arith.constant 47 : i32
    %get3A_1737 = arith.index_cast %get3A_1736 : i32 to index
    %get3A_1738 = arith.constant 32 : index
    %get3A_1739 = tpu.vector_load %arg13[%get3A_1737, %get3A_1738] {strides = array<i32>} : memref<64x64xf32, #tpu.memory_space<vmem>>, vector<16xf32>,
    %get3A_1740 = arith.constant 32 : index
    %get3A_1741 = tpu.vector_load %arg11[%get3A_1740] {strides = array<i32>} : memref<64xf32, #tpu.memory_space<vmem>>, vector<16xf32>,
    %mul3A_1742 = arith.mulf %get3A_1739, %get3A_1741 : vector<16xf32>
    %add3A_1743 = arith.addf %add3A_1735, %mul3A_1742 : vector<16xf32>
    %get3A_1744 = arith.constant 47 : i32
    %get3A_1745 = arith.index_cast %get3A_1744 : i32 to index
    %get3A_1746 = arith.constant 48 : index
    %get3A_1747 = tpu.vector_load %arg13[%get3A_1745, %get3A_1746] {strides = array<i32>} : memref<64x64xf32, #tpu.memory_space<vmem>>, vector<16xf32>,
    %get3A_1748 = arith.constant 48 : index
    %get3A_1749 = tpu.vector_load %arg11[%get3A_1748] {strides = array<i32>} : memref<64xf32, #tpu.memory_space<vmem>>, vector<16xf32>,
    %mul3A_1750 = arith.mulf %get3A_1747, %get3A_1749 : vector<16xf32>
    %add3A_1751 = arith.addf %add3A_1743, %mul3A_1750 : vector<16xf32>
    %swap3A_1752 = arith.constant 240 : index
    %swap3A_1753 = tpu.vector_load %arg12[%swap3A_1752] {strides = array<i32>} : memref<256xf32, #tpu.memory_space<vmem>>, vector<16xf32>,
    tpu.vector_store %arg12[%swap3A_1752], %add3A_1751 {strides = array<i32>} : memref<256xf32, #tpu.memory_space<vmem>>, vector<16xf32>,
    %gather3A_1754 = tpu.vector_load_idx %arg12[%mul3A_3] : memref<256xf32, #tpu.memory_space<vmem>>[vector<16xi32>], vector<16xf32>,
    %add3A_1755 = arith.constant 1 : i32
    %add3A_1756 = vector.broadcast %add3A_1755 : i32 to vector<16xi32>
    %add3A_1757 = arith.addi %mul3A_3, %add3A_1756 : vector<16xi32>
    %gather3A_1758 = tpu.vector_load_idx %arg12[%add3A_1757] : memref<256xf32, #tpu.memory_space<vmem>>[vector<16xi32>], vector<16xf32>,
    %add3A_1759 = arith.addf %gather3A_1754, %gather3A_1758 : vector<16xf32>
    %add3A_1760 = arith.constant 2 : i32
    %add3A_1761 = vector.broadcast %add3A_1760 : i32 to vector<16xi32>
    %add3A_1762 = arith.addi %mul3A_3, %add3A_1761 : vector<16xi32>
    %gather3A_1763 = tpu.vector_load_idx %arg12[%add3A_1762] : memref<256xf32, #tpu.memory_space<vmem>>[vector<16xi32>], vector<16xf32>,
    %add3A_1764 = arith.addf %add3A_1759, %gather3A_1763 : vector<16xf32>
    %add3A_1765 = arith.constant 3 : i32
    %add3A_1766 = vector.broadcast %add3A_1765 : i32 to vector<16xi32>
    %add3A_1767 = arith.addi %mul3A_3, %add3A_1766 : vector<16xi32>
    %gather3A_1768 = tpu.vector_load_idx %arg12[%add3A_1767] : memref<256xf32, #tpu.memory_space<vmem>>[vector<16xi32>], vector<16xf32>,
    %add3A_1769 = arith.addf %add3A_1764, %gather3A_1768 : vector<16xf32>
    %add3A_1770 = arith.constant 4 : i32
    %add3A_1771 = vector.broadcast %add3A_1770 : i32 to vector<16xi32>
    %add3A_1772 = arith.addi %mul3A_3, %add3A_1771 : vector<16xi32>
    %gather3A_1773 = tpu.vector_load_idx %arg12[%add3A_1772] : memref<256xf32, #tpu.memory_space<vmem>>[vector<16xi32>], vector<16xf32>,
    %add3A_1774 = arith.addf %add3A_1769, %gather3A_1773 : vector<16xf32>
    %add3A_1775 = arith.constant 5 : i32
    %add3A_1776 = vector.broadcast %add3A_1775 : i32 to vector<16xi32>
    %add3A_1777 = arith.addi %mul3A_3, %add3A_1776 : vector<16xi32>
    %gather3A_1778 = tpu.vector_load_idx %arg12[%add3A_1777] : memref<256xf32, #tpu.memory_space<vmem>>[vector<16xi32>], vector<16xf32>,
    %add3A_1779 = arith.addf %add3A_1774, %gather3A_1778 : vector<16xf32>
    %add3A_1780 = arith.constant 6 : i32
    %add3A_1781 = vector.broadcast %add3A_1780 : i32 to vector<16xi32>
    %add3A_1782 = arith.addi %mul3A_3, %add3A_1781 : vector<16xi32>
    %gather3A_1783 = tpu.vector_load_idx %arg12[%add3A_1782] : memref<256xf32, #tpu.memory_space<vmem>>[vector<16xi32>], vector<16xf32>,
    %add3A_1784 = arith.addf %add3A_1779, %gather3A_1783 : vector<16xf32>
    %add3A_1785 = arith.constant 7 : i32
    %add3A_1786 = vector.broadcast %add3A_1785 : i32 to vector<16xi32>
    %add3A_1787 = arith.addi %mul3A_3, %add3A_1786 : vector<16xi32>
    %gather3A_1788 = tpu.vector_load_idx %arg12[%add3A_1787] : memref<256xf32, #tpu.memory_space<vmem>>[vector<16xi32>], vector<16xf32>,
    %add3A_1789 = arith.addf %add3A_1784, %gather3A_1788 : vector<16xf32>
    %add3A_1790 = arith.constant 8 : i32
    %add3A_1791 = vector.broadcast %add3A_1790 : i32 to vector<16xi32>
    %add3A_1792 = arith.addi %mul3A_3, %add3A_1791 : vector<16xi32>
    %gather3A_1793 = tpu.vector_load_idx %arg12[%add3A_1792] : memref<256xf32, #tpu.memory_space<vmem>>[vector<16xi32>], vector<16xf32>,
    %add3A_1794 = arith.addf %add3A_1789, %gather3A_1793 : vector<16xf32>
    %add3A_1795 = arith.constant 9 : i32
    %add3A_1796 = vector.broadcast %add3A_1795 : i32 to vector<16xi32>
    %add3A_1797 = arith.addi %mul3A_3, %add3A_1796 : vector<16xi32>
    %gather3A_1798 = tpu.vector_load_idx %arg12[%add3A_1797] : memref<256xf32, #tpu.memory_space<vmem>>[vector<16xi32>], vector<16xf32>,
    %add3A_1799 = arith.addf %add3A_1794, %gather3A_1798 : vector<16xf32>
    %add3A_1800 = arith.constant 10 : i32
    %add3A_1801 = vector.broadcast %add3A_1800 : i32 to vector<16xi32>
    %add3A_1802 = arith.addi %mul3A_3, %add3A_1801 : vector<16xi32>
    %gather3A_1803 = tpu.vector_load_idx %arg12[%add3A_1802] : memref<256xf32, #tpu.memory_space<vmem>>[vector<16xi32>], vector<16xf32>,
    %add3A_1804 = arith.addf %add3A_1799, %gather3A_1803 : vector<16xf32>
    %add3A_1805 = arith.constant 11 : i32
    %add3A_1806 = vector.broadcast %add3A_1805 : i32 to vector<16xi32>
    %add3A_1807 = arith.addi %mul3A_3, %add3A_1806 : vector<16xi32>
    %gather3A_1808 = tpu.vector_load_idx %arg12[%add3A_1807] : memref<256xf32, #tpu.memory_space<vmem>>[vector<16xi32>], vector<16xf32>,
    %add3A_1809 = arith.addf %add3A_1804, %gather3A_1808 : vector<16xf32>
    %add3A_1810 = arith.constant 12 : i32
    %add3A_1811 = vector.broadcast %add3A_1810 : i32 to vector<16xi32>
    %add3A_1812 = arith.addi %mul3A_3, %add3A_1811 : vector<16xi32>
    %gather3A_1813 = tpu.vector_load_idx %arg12[%add3A_1812] : memref<256xf32, #tpu.memory_space<vmem>>[vector<16xi32>], vector<16xf32>,
    %add3A_1814 = arith.addf %add3A_1809, %gather3A_1813 : vector<16xf32>
    %add3A_1815 = arith.constant 13 : i32
    %add3A_1816 = vector.broadcast %add3A_1815 : i32 to vector<16xi32>
    %add3A_1817 = arith.addi %mul3A_3, %add3A_1816 : vector<16xi32>
    %gather3A_1818 = tpu.vector_load_idx %arg12[%add3A_1817] : memref<256xf32, #tpu.memory_space<vmem>>[vector<16xi32>], vector<16xf32>,
    %add3A_1819 = arith.addf %add3A_1814, %gather3A_1818 : vector<16xf32>
    %add3A_1820 = arith.constant 14 : i32
    %add3A_1821 = vector.broadcast %add3A_1820 : i32 to vector<16xi32>
    %add3A_1822 = arith.addi %mul3A_3, %add3A_1821 : vector<16xi32>
    %gather3A_1823 = tpu.vector_load_idx %arg12[%add3A_1822] : memref<256xf32, #tpu.memory_space<vmem>>[vector<16xi32>], vector<16xf32>,
    %add3A_1824 = arith.addf %add3A_1819, %gather3A_1823 : vector<16xf32>
    %add3A_1825 = arith.constant 15 : i32
    %add3A_1826 = vector.broadcast %add3A_1825 : i32 to vector<16xi32>
    %add3A_1827 = arith.addi %mul3A_3, %add3A_1826 : vector<16xi32>
    %gather3A_1828 = tpu.vector_load_idx %arg12[%add3A_1827] : memref<256xf32, #tpu.memory_space<vmem>>[vector<16xi32>], vector<16xf32>,
    %add3A_1829 = arith.addf %add3A_1824, %gather3A_1828 : vector<16xf32>
    %swap3A_1830 = arith.constant 32 : index
    %swap3A_1831 = tpu.vector_load %arg14[%swap3A_1830] {strides = array<i32>} : memref<64xf32, #tpu.memory_space<vmem>>, vector<16xf32>,
    tpu.vector_store %arg14[%swap3A_1830], %add3A_1829 {strides = array<i32>} : memref<64xf32, #tpu.memory_space<vmem>>, vector<16xf32>,
    %get3A_1832 = arith.constant 48 : i32
    %get3A_1833 = arith.index_cast %get3A_1832 : i32 to index
    %get3A_1834 = arith.constant 0 : index
    %get3A_1835 = tpu.vector_load %arg13[%get3A_1833, %get3A_1834] {strides = array<i32>} : memref<64x64xf32, #tpu.memory_space<vmem>>, vector<16xf32>,
    %get3A_1836 = arith.constant 0 : index
    %get3A_1837 = tpu.vector_load %arg11[%get3A_1836] {strides = array<i32>} : memref<64xf32, #tpu.memory_space<vmem>>, vector<16xf32>,
    %mul3A_1838 = arith.mulf %get3A_1835, %get3A_1837 : vector<16xf32>
    %get3A_1839 = arith.constant 48 : i32
    %get3A_1840 = arith.index_cast %get3A_1839 : i32 to index
    %get3A_1841 = arith.constant 16 : index
    %get3A_1842 = tpu.vector_load %arg13[%get3A_1840, %get3A_1841] {strides = array<i32>} : memref<64x64xf32, #tpu.memory_space<vmem>>, vector<16xf32>,
    %get3A_1843 = arith.constant 16 : index
    %get3A_1844 = tpu.vector_load %arg11[%get3A_1843] {strides = array<i32>} : memref<64xf32, #tpu.memory_space<vmem>>, vector<16xf32>,
    %mul3A_1845 = arith.mulf %get3A_1842, %get3A_1844 : vector<16xf32>
    %add3A_1846 = arith.addf %mul3A_1838, %mul3A_1845 : vector<16xf32>
    %get3A_1847 = arith.constant 48 : i32
    %get3A_1848 = arith.index_cast %get3A_1847 : i32 to index
    %get3A_1849 = arith.constant 32 : index
    %get3A_1850 = tpu.vector_load %arg13[%get3A_1848, %get3A_1849] {strides = array<i32>} : memref<64x64xf32, #tpu.memory_space<vmem>>, vector<16xf32>,
    %get3A_1851 = arith.constant 32 : index
    %get3A_1852 = tpu.vector_load %arg11[%get3A_1851] {strides = array<i32>} : memref<64xf32, #tpu.memory_space<vmem>>, vector<16xf32>,
    %mul3A_1853 = arith.mulf %get3A_1850, %get3A_1852 : vector<16xf32>
    %add3A_1854 = arith.addf %add3A_1846, %mul3A_1853 : vector<16xf32>
    %get3A_1855 = arith.constant 48 : i32
    %get3A_1856 = arith.index_cast %get3A_1855 : i32 to index
    %get3A_1857 = arith.constant 48 : index
    %get3A_1858 = tpu.vector_load %arg13[%get3A_1856, %get3A_1857] {strides = array<i32>} : memref<64x64xf32, #tpu.memory_space<vmem>>, vector<16xf32>,
    %get3A_1859 = arith.constant 48 : index
    %get3A_1860 = tpu.vector_load %arg11[%get3A_1859] {strides = array<i32>} : memref<64xf32, #tpu.memory_space<vmem>>, vector<16xf32>,
    %mul3A_1861 = arith.mulf %get3A_1858, %get3A_1860 : vector<16xf32>
    %add3A_1862 = arith.addf %add3A_1854, %mul3A_1861 : vector<16xf32>
    %swap3A_1863 = arith.constant 0 : index
    %swap3A_1864 = tpu.vector_load %arg12[%swap3A_1863] {strides = array<i32>} : memref<256xf32, #tpu.memory_space<vmem>>, vector<16xf32>,
    tpu.vector_store %arg12[%swap3A_1863], %add3A_1862 {strides = array<i32>} : memref<256xf32, #tpu.memory_space<vmem>>, vector<16xf32>,
    %get3A_1865 = arith.constant 49 : i32
    %get3A_1866 = arith.index_cast %get3A_1865 : i32 to index
    %get3A_1867 = arith.constant 0 : index
    %get3A_1868 = tpu.vector_load %arg13[%get3A_1866, %get3A_1867] {strides = array<i32>} : memref<64x64xf32, #tpu.memory_space<vmem>>, vector<16xf32>,
    %get3A_1869 = arith.constant 0 : index
    %get3A_1870 = tpu.vector_load %arg11[%get3A_1869] {strides = array<i32>} : memref<64xf32, #tpu.memory_space<vmem>>, vector<16xf32>,
    %mul3A_1871 = arith.mulf %get3A_1868, %get3A_1870 : vector<16xf32>
    %get3A_1872 = arith.constant 49 : i32
    %get3A_1873 = arith.index_cast %get3A_1872 : i32 to index
    %get3A_1874 = arith.constant 16 : index
    %get3A_1875 = tpu.vector_load %arg13[%get3A_1873, %get3A_1874] {strides = array<i32>} : memref<64x64xf32, #tpu.memory_space<vmem>>, vector<16xf32>,
    %get3A_1876 = arith.constant 16 : index
    %get3A_1877 = tpu.vector_load %arg11[%get3A_1876] {strides = array<i32>} : memref<64xf32, #tpu.memory_space<vmem>>, vector<16xf32>,
    %mul3A_1878 = arith.mulf %get3A_1875, %get3A_1877 : vector<16xf32>
    %add3A_1879 = arith.addf %mul3A_1871, %mul3A_1878 : vector<16xf32>
    %get3A_1880 = arith.constant 49 : i32
    %get3A_1881 = arith.index_cast %get3A_1880 : i32 to index
    %get3A_1882 = arith.constant 32 : index
    %get3A_1883 = tpu.vector_load %arg13[%get3A_1881, %get3A_1882] {strides = array<i32>} : memref<64x64xf32, #tpu.memory_space<vmem>>, vector<16xf32>,
    %get3A_1884 = arith.constant 32 : index
    %get3A_1885 = tpu.vector_load %arg11[%get3A_1884] {strides = array<i32>} : memref<64xf32, #tpu.memory_space<vmem>>, vector<16xf32>,
    %mul3A_1886 = arith.mulf %get3A_1883, %get3A_1885 : vector<16xf32>
    %add3A_1887 = arith.addf %add3A_1879, %mul3A_1886 : vector<16xf32>
    %get3A_1888 = arith.constant 49 : i32
    %get3A_1889 = arith.index_cast %get3A_1888 : i32 to index
    %get3A_1890 = arith.constant 48 : index
    %get3A_1891 = tpu.vector_load %arg13[%get3A_1889, %get3A_1890] {strides = array<i32>} : memref<64x64xf32, #tpu.memory_space<vmem>>, vector<16xf32>,
    %get3A_1892 = arith.constant 48 : index
    %get3A_1893 = tpu.vector_load %arg11[%get3A_1892] {strides = array<i32>} : memref<64xf32, #tpu.memory_space<vmem>>, vector<16xf32>,
    %mul3A_1894 = arith.mulf %get3A_1891, %get3A_1893 : vector<16xf32>
    %add3A_1895 = arith.addf %add3A_1887, %mul3A_1894 : vector<16xf32>
    %swap3A_1896 = arith.constant 16 : index
    %swap3A_1897 = tpu.vector_load %arg12[%swap3A_1896] {strides = array<i32>} : memref<256xf32, #tpu.memory_space<vmem>>, vector<16xf32>,
    tpu.vector_store %arg12[%swap3A_1896], %add3A_1895 {strides = array<i32>} : memref<256xf32, #tpu.memory_space<vmem>>, vector<16xf32>,
    %get3A_1898 = arith.constant 50 : i32
    %get3A_1899 = arith.index_cast %get3A_1898 : i32 to index
    %get3A_1900 = arith.constant 0 : index
    %get3A_1901 = tpu.vector_load %arg13[%get3A_1899, %get3A_1900] {strides = array<i32>} : memref<64x64xf32, #tpu.memory_space<vmem>>, vector<16xf32>,
    %get3A_1902 = arith.constant 0 : index
    %get3A_1903 = tpu.vector_load %arg11[%get3A_1902] {strides = array<i32>} : memref<64xf32, #tpu.memory_space<vmem>>, vector<16xf32>,
    %mul3A_1904 = arith.mulf %get3A_1901, %get3A_1903 : vector<16xf32>
    %get3A_1905 = arith.constant 50 : i32
    %get3A_1906 = arith.index_cast %get3A_1905 : i32 to index
    %get3A_1907 = arith.constant 16 : index
    %get3A_1908 = tpu.vector_load %arg13[%get3A_1906, %get3A_1907] {strides = array<i32>} : memref<64x64xf32, #tpu.memory_space<vmem>>, vector<16xf32>,
    %get3A_1909 = arith.constant 16 : index
    %get3A_1910 = tpu.vector_load %arg11[%get3A_1909] {strides = array<i32>} : memref<64xf32, #tpu.memory_space<vmem>>, vector<16xf32>,
    %mul3A_1911 = arith.mulf %get3A_1908, %get3A_1910 : vector<16xf32>
    %add3A_1912 = arith.addf %mul3A_1904, %mul3A_1911 : vector<16xf32>
    %get3A_1913 = arith.constant 50 : i32
    %get3A_1914 = arith.index_cast %get3A_1913 : i32 to index
    %get3A_1915 = arith.constant 32 : index
    %get3A_1916 = tpu.vector_load %arg13[%get3A_1914, %get3A_1915] {strides = array<i32>} : memref<64x64xf32, #tpu.memory_space<vmem>>, vector<16xf32>,
    %get3A_1917 = arith.constant 32 : index
    %get3A_1918 = tpu.vector_load %arg11[%get3A_1917] {strides = array<i32>} : memref<64xf32, #tpu.memory_space<vmem>>, vector<16xf32>,
    %mul3A_1919 = arith.mulf %get3A_1916, %get3A_1918 : vector<16xf32>
    %add3A_1920 = arith.addf %add3A_1912, %mul3A_1919 : vector<16xf32>
    %get3A_1921 = arith.constant 50 : i32
    %get3A_1922 = arith.index_cast %get3A_1921 : i32 to index
    %get3A_1923 = arith.constant 48 : index
    %get3A_1924 = tpu.vector_load %arg13[%get3A_1922, %get3A_1923] {strides = array<i32>} : memref<64x64xf32, #tpu.memory_space<vmem>>, vector<16xf32>,
    %get3A_1925 = arith.constant 48 : index
    %get3A_1926 = tpu.vector_load %arg11[%get3A_1925] {strides = array<i32>} : memref<64xf32, #tpu.memory_space<vmem>>, vector<16xf32>,
    %mul3A_1927 = arith.mulf %get3A_1924, %get3A_1926 : vector<16xf32>
    %add3A_1928 = arith.addf %add3A_1920, %mul3A_1927 : vector<16xf32>
    %swap3A_1929 = arith.constant 32 : index
    %swap3A_1930 = tpu.vector_load %arg12[%swap3A_1929] {strides = array<i32>} : memref<256xf32, #tpu.memory_space<vmem>>, vector<16xf32>,
    tpu.vector_store %arg12[%swap3A_1929], %add3A_1928 {strides = array<i32>} : memref<256xf32, #tpu.memory_space<vmem>>, vector<16xf32>,
    %get3A_1931 = arith.constant 51 : i32
    %get3A_1932 = arith.index_cast %get3A_1931 : i32 to index
    %get3A_1933 = arith.constant 0 : index
    %get3A_1934 = tpu.vector_load %arg13[%get3A_1932, %get3A_1933] {strides = array<i32>} : memref<64x64xf32, #tpu.memory_space<vmem>>, vector<16xf32>,
    %get3A_1935 = arith.constant 0 : index
    %get3A_1936 = tpu.vector_load %arg11[%get3A_1935] {strides = array<i32>} : memref<64xf32, #tpu.memory_space<vmem>>, vector<16xf32>,
    %mul3A_1937 = arith.mulf %get3A_1934, %get3A_1936 : vector<16xf32>
    %get3A_1938 = arith.constant 51 : i32
    %get3A_1939 = arith.index_cast %get3A_1938 : i32 to index
    %get3A_1940 = arith.constant 16 : index
    %get3A_1941 = tpu.vector_load %arg13[%get3A_1939, %get3A_1940] {strides = array<i32>} : memref<64x64xf32, #tpu.memory_space<vmem>>, vector<16xf32>,
    %get3A_1942 = arith.constant 16 : index
    %get3A_1943 = tpu.vector_load %arg11[%get3A_1942] {strides = array<i32>} : memref<64xf32, #tpu.memory_space<vmem>>, vector<16xf32>,
    %mul3A_1944 = arith.mulf %get3A_1941, %get3A_1943 : vector<16xf32>
    %add3A_1945 = arith.addf %mul3A_1937, %mul3A_1944 : vector<16xf32>
    %get3A_1946 = arith.constant 51 : i32
    %get3A_1947 = arith.index_cast %get3A_1946 : i32 to index
    %get3A_1948 = arith.constant 32 : index
    %get3A_1949 = tpu.vector_load %arg13[%get3A_1947, %get3A_1948] {strides = array<i32>} : memref<64x64xf32, #tpu.memory_space<vmem>>, vector<16xf32>,
    %get3A_1950 = arith.constant 32 : index
    %get3A_1951 = tpu.vector_load %arg11[%get3A_1950] {strides = array<i32>} : memref<64xf32, #tpu.memory_space<vmem>>, vector<16xf32>,
    %mul3A_1952 = arith.mulf %get3A_1949, %get3A_1951 : vector<16xf32>
    %add3A_1953 = arith.addf %add3A_1945, %mul3A_1952 : vector<16xf32>
    %get3A_1954 = arith.constant 51 : i32
    %get3A_1955 = arith.index_cast %get3A_1954 : i32 to index
    %get3A_1956 = arith.constant 48 : index
    %get3A_1957 = tpu.vector_load %arg13[%get3A_1955, %get3A_1956] {strides = array<i32>} : memref<64x64xf32, #tpu.memory_space<vmem>>, vector<16xf32>,
    %get3A_1958 = arith.constant 48 : index
    %get3A_1959 = tpu.vector_load %arg11[%get3A_1958] {strides = array<i32>} : memref<64xf32, #tpu.memory_space<vmem>>, vector<16xf32>,
    %mul3A_1960 = arith.mulf %get3A_1957, %get3A_1959 : vector<16xf32>
    %add3A_1961 = arith.addf %add3A_1953, %mul3A_1960 : vector<16xf32>
    %swap3A_1962 = arith.constant 48 : index
    %swap3A_1963 = tpu.vector_load %arg12[%swap3A_1962] {strides = array<i32>} : memref<256xf32, #tpu.memory_space<vmem>>, vector<16xf32>,
    tpu.vector_store %arg12[%swap3A_1962], %add3A_1961 {strides = array<i32>} : memref<256xf32, #tpu.memory_space<vmem>>, vector<16xf32>,
    %get3A_1964 = arith.constant 52 : i32
    %get3A_1965 = arith.index_cast %get3A_1964 : i32 to index
    %get3A_1966 = arith.constant 0 : index
    %get3A_1967 = tpu.vector_load %arg13[%get3A_1965, %get3A_1966] {strides = array<i32>} : memref<64x64xf32, #tpu.memory_space<vmem>>, vector<16xf32>,
    %get3A_1968 = arith.constant 0 : index
    %get3A_1969 = tpu.vector_load %arg11[%get3A_1968] {strides = array<i32>} : memref<64xf32, #tpu.memory_space<vmem>>, vector<16xf32>,
    %mul3A_1970 = arith.mulf %get3A_1967, %get3A_1969 : vector<16xf32>
    %get3A_1971 = arith.constant 52 : i32
    %get3A_1972 = arith.index_cast %get3A_1971 : i32 to index
    %get3A_1973 = arith.constant 16 : index
    %get3A_1974 = tpu.vector_load %arg13[%get3A_1972, %get3A_1973] {strides = array<i32>} : memref<64x64xf32, #tpu.memory_space<vmem>>, vector<16xf32>,
    %get3A_1975 = arith.constant 16 : index
    %get3A_1976 = tpu.vector_load %arg11[%get3A_1975] {strides = array<i32>} : memref<64xf32, #tpu.memory_space<vmem>>, vector<16xf32>,
    %mul3A_1977 = arith.mulf %get3A_1974, %get3A_1976 : vector<16xf32>
    %add3A_1978 = arith.addf %mul3A_1970, %mul3A_1977 : vector<16xf32>
    %get3A_1979 = arith.constant 52 : i32
    %get3A_1980 = arith.index_cast %get3A_1979 : i32 to index
    %get3A_1981 = arith.constant 32 : index
    %get3A_1982 = tpu.vector_load %arg13[%get3A_1980, %get3A_1981] {strides = array<i32>} : memref<64x64xf32, #tpu.memory_space<vmem>>, vector<16xf32>,
    %get3A_1983 = arith.constant 32 : index
    %get3A_1984 = tpu.vector_load %arg11[%get3A_1983] {strides = array<i32>} : memref<64xf32, #tpu.memory_space<vmem>>, vector<16xf32>,
    %mul3A_1985 = arith.mulf %get3A_1982, %get3A_1984 : vector<16xf32>
    %add3A_1986 = arith.addf %add3A_1978, %mul3A_1985 : vector<16xf32>
    %get3A_1987 = arith.constant 52 : i32
    %get3A_1988 = arith.index_cast %get3A_1987 : i32 to index
    %get3A_1989 = arith.constant 48 : index
    %get3A_1990 = tpu.vector_load %arg13[%get3A_1988, %get3A_1989] {strides = array<i32>} : memref<64x64xf32, #tpu.memory_space<vmem>>, vector<16xf32>,
    %get3A_1991 = arith.constant 48 : index
    %get3A_1992 = tpu.vector_load %arg11[%get3A_1991] {strides = array<i32>} : memref<64xf32, #tpu.memory_space<vmem>>, vector<16xf32>,
    %mul3A_1993 = arith.mulf %get3A_1990, %get3A_1992 : vector<16xf32>
    %add3A_1994 = arith.addf %add3A_1986, %mul3A_1993 : vector<16xf32>
    %swap3A_1995 = arith.constant 64 : index
    %swap3A_1996 = tpu.vector_load %arg12[%swap3A_1995] {strides = array<i32>} : memref<256xf32, #tpu.memory_space<vmem>>, vector<16xf32>,
    tpu.vector_store %arg12[%swap3A_1995], %add3A_1994 {strides = array<i32>} : memref<256xf32, #tpu.memory_space<vmem>>, vector<16xf32>,
    %get3A_1997 = arith.constant 53 : i32
    %get3A_1998 = arith.index_cast %get3A_1997 : i32 to index
    %get3A_1999 = arith.constant 0 : index
    %get3A_2000 = tpu.vector_load %arg13[%get3A_1998, %get3A_1999] {strides = array<i32>} : memref<64x64xf32, #tpu.memory_space<vmem>>, vector<16xf32>,
    %get3A_2001 = arith.constant 0 : index
    %get3A_2002 = tpu.vector_load %arg11[%get3A_2001] {strides = array<i32>} : memref<64xf32, #tpu.memory_space<vmem>>, vector<16xf32>,
    %mul3A_2003 = arith.mulf %get3A_2000, %get3A_2002 : vector<16xf32>
    %get3A_2004 = arith.constant 53 : i32
    %get3A_2005 = arith.index_cast %get3A_2004 : i32 to index
    %get3A_2006 = arith.constant 16 : index
    %get3A_2007 = tpu.vector_load %arg13[%get3A_2005, %get3A_2006] {strides = array<i32>} : memref<64x64xf32, #tpu.memory_space<vmem>>, vector<16xf32>,
    %get3A_2008 = arith.constant 16 : index
    %get3A_2009 = tpu.vector_load %arg11[%get3A_2008] {strides = array<i32>} : memref<64xf32, #tpu.memory_space<vmem>>, vector<16xf32>,
    %mul3A_2010 = arith.mulf %get3A_2007, %get3A_2009 : vector<16xf32>
    %add3A_2011 = arith.addf %mul3A_2003, %mul3A_2010 : vector<16xf32>
    %get3A_2012 = arith.constant 53 : i32
    %get3A_2013 = arith.index_cast %get3A_2012 : i32 to index
    %get3A_2014 = arith.constant 32 : index
    %get3A_2015 = tpu.vector_load %arg13[%get3A_2013, %get3A_2014] {strides = array<i32>} : memref<64x64xf32, #tpu.memory_space<vmem>>, vector<16xf32>,
    %get3A_2016 = arith.constant 32 : index
    %get3A_2017 = tpu.vector_load %arg11[%get3A_2016] {strides = array<i32>} : memref<64xf32, #tpu.memory_space<vmem>>, vector<16xf32>,
    %mul3A_2018 = arith.mulf %get3A_2015, %get3A_2017 : vector<16xf32>
    %add3A_2019 = arith.addf %add3A_2011, %mul3A_2018 : vector<16xf32>
    %get3A_2020 = arith.constant 53 : i32
    %get3A_2021 = arith.index_cast %get3A_2020 : i32 to index
    %get3A_2022 = arith.constant 48 : index
    %get3A_2023 = tpu.vector_load %arg13[%get3A_2021, %get3A_2022] {strides = array<i32>} : memref<64x64xf32, #tpu.memory_space<vmem>>, vector<16xf32>,
    %get3A_2024 = arith.constant 48 : index
    %get3A_2025 = tpu.vector_load %arg11[%get3A_2024] {strides = array<i32>} : memref<64xf32, #tpu.memory_space<vmem>>, vector<16xf32>,
    %mul3A_2026 = arith.mulf %get3A_2023, %get3A_2025 : vector<16xf32>
    %add3A_2027 = arith.addf %add3A_2019, %mul3A_2026 : vector<16xf32>
    %swap3A_2028 = arith.constant 80 : index
    %swap3A_2029 = tpu.vector_load %arg12[%swap3A_2028] {strides = array<i32>} : memref<256xf32, #tpu.memory_space<vmem>>, vector<16xf32>,
    tpu.vector_store %arg12[%swap3A_2028], %add3A_2027 {strides = array<i32>} : memref<256xf32, #tpu.memory_space<vmem>>, vector<16xf32>,
    %get3A_2030 = arith.constant 54 : i32
    %get3A_2031 = arith.index_cast %get3A_2030 : i32 to index
    %get3A_2032 = arith.constant 0 : index
    %get3A_2033 = tpu.vector_load %arg13[%get3A_2031, %get3A_2032] {strides = array<i32>} : memref<64x64xf32, #tpu.memory_space<vmem>>, vector<16xf32>,
    %get3A_2034 = arith.constant 0 : index
    %get3A_2035 = tpu.vector_load %arg11[%get3A_2034] {strides = array<i32>} : memref<64xf32, #tpu.memory_space<vmem>>, vector<16xf32>,
    %mul3A_2036 = arith.mulf %get3A_2033, %get3A_2035 : vector<16xf32>
    %get3A_2037 = arith.constant 54 : i32
    %get3A_2038 = arith.index_cast %get3A_2037 : i32 to index
    %get3A_2039 = arith.constant 16 : index
    %get3A_2040 = tpu.vector_load %arg13[%get3A_2038, %get3A_2039] {strides = array<i32>} : memref<64x64xf32, #tpu.memory_space<vmem>>, vector<16xf32>,
    %get3A_2041 = arith.constant 16 : index
    %get3A_2042 = tpu.vector_load %arg11[%get3A_2041] {strides = array<i32>} : memref<64xf32, #tpu.memory_space<vmem>>, vector<16xf32>,
    %mul3A_2043 = arith.mulf %get3A_2040, %get3A_2042 : vector<16xf32>
    %add3A_2044 = arith.addf %mul3A_2036, %mul3A_2043 : vector<16xf32>
    %get3A_2045 = arith.constant 54 : i32
    %get3A_2046 = arith.index_cast %get3A_2045 : i32 to index
    %get3A_2047 = arith.constant 32 : index
    %get3A_2048 = tpu.vector_load %arg13[%get3A_2046, %get3A_2047] {strides = array<i32>} : memref<64x64xf32, #tpu.memory_space<vmem>>, vector<16xf32>,
    %get3A_2049 = arith.constant 32 : index
    %get3A_2050 = tpu.vector_load %arg11[%get3A_2049] {strides = array<i32>} : memref<64xf32, #tpu.memory_space<vmem>>, vector<16xf32>,
    %mul3A_2051 = arith.mulf %get3A_2048, %get3A_2050 : vector<16xf32>
    %add3A_2052 = arith.addf %add3A_2044, %mul3A_2051 : vector<16xf32>
    %get3A_2053 = arith.constant 54 : i32
    %get3A_2054 = arith.index_cast %get3A_2053 : i32 to index
    %get3A_2055 = arith.constant 48 : index
    %get3A_2056 = tpu.vector_load %arg13[%get3A_2054, %get3A_2055] {strides = array<i32>} : memref<64x64xf32, #tpu.memory_space<vmem>>, vector<16xf32>,
    %get3A_2057 = arith.constant 48 : index
    %get3A_2058 = tpu.vector_load %arg11[%get3A_2057] {strides = array<i32>} : memref<64xf32, #tpu.memory_space<vmem>>, vector<16xf32>,
    %mul3A_2059 = arith.mulf %get3A_2056, %get3A_2058 : vector<16xf32>
    %add3A_2060 = arith.addf %add3A_2052, %mul3A_2059 : vector<16xf32>
    %swap3A_2061 = arith.constant 96 : index
    %swap3A_2062 = tpu.vector_load %arg12[%swap3A_2061] {strides = array<i32>} : memref<256xf32, #tpu.memory_space<vmem>>, vector<16xf32>,
    tpu.vector_store %arg12[%swap3A_2061], %add3A_2060 {strides = array<i32>} : memref<256xf32, #tpu.memory_space<vmem>>, vector<16xf32>,
    %get3A_2063 = arith.constant 55 : i32
    %get3A_2064 = arith.index_cast %get3A_2063 : i32 to index
    %get3A_2065 = arith.constant 0 : index
    %get3A_2066 = tpu.vector_load %arg13[%get3A_2064, %get3A_2065] {strides = array<i32>} : memref<64x64xf32, #tpu.memory_space<vmem>>, vector<16xf32>,
    %get3A_2067 = arith.constant 0 : index
    %get3A_2068 = tpu.vector_load %arg11[%get3A_2067] {strides = array<i32>} : memref<64xf32, #tpu.memory_space<vmem>>, vector<16xf32>,
    %mul3A_2069 = arith.mulf %get3A_2066, %get3A_2068 : vector<16xf32>
    %get3A_2070 = arith.constant 55 : i32
    %get3A_2071 = arith.index_cast %get3A_2070 : i32 to index
    %get3A_2072 = arith.constant 16 : index
    %get3A_2073 = tpu.vector_load %arg13[%get3A_2071, %get3A_2072] {strides = array<i32>} : memref<64x64xf32, #tpu.memory_space<vmem>>, vector<16xf32>,
    %get3A_2074 = arith.constant 16 : index
    %get3A_2075 = tpu.vector_load %arg11[%get3A_2074] {strides = array<i32>} : memref<64xf32, #tpu.memory_space<vmem>>, vector<16xf32>,
    %mul3A_2076 = arith.mulf %get3A_2073, %get3A_2075 : vector<16xf32>
    %add3A_2077 = arith.addf %mul3A_2069, %mul3A_2076 : vector<16xf32>
    %get3A_2078 = arith.constant 55 : i32
    %get3A_2079 = arith.index_cast %get3A_2078 : i32 to index
    %get3A_2080 = arith.constant 32 : index
    %get3A_2081 = tpu.vector_load %arg13[%get3A_2079, %get3A_2080] {strides = array<i32>} : memref<64x64xf32, #tpu.memory_space<vmem>>, vector<16xf32>,
    %get3A_2082 = arith.constant 32 : index
    %get3A_2083 = tpu.vector_load %arg11[%get3A_2082] {strides = array<i32>} : memref<64xf32, #tpu.memory_space<vmem>>, vector<16xf32>,
    %mul3A_2084 = arith.mulf %get3A_2081, %get3A_2083 : vector<16xf32>
    %add3A_2085 = arith.addf %add3A_2077, %mul3A_2084 : vector<16xf32>
    %get3A_2086 = arith.constant 55 : i32
    %get3A_2087 = arith.index_cast %get3A_2086 : i32 to index
    %get3A_2088 = arith.constant 48 : index
    %get3A_2089 = tpu.vector_load %arg13[%get3A_2087, %get3A_2088] {strides = array<i32>} : memref<64x64xf32, #tpu.memory_space<vmem>>, vector<16xf32>,
    %get3A_2090 = arith.constant 48 : index
    %get3A_2091 = tpu.vector_load %arg11[%get3A_2090] {strides = array<i32>} : memref<64xf32, #tpu.memory_space<vmem>>, vector<16xf32>,
    %mul3A_2092 = arith.mulf %get3A_2089, %get3A_2091 : vector<16xf32>
    %add3A_2093 = arith.addf %add3A_2085, %mul3A_2092 : vector<16xf32>
    %swap3A_2094 = arith.constant 112 : index
    %swap3A_2095 = tpu.vector_load %arg12[%swap3A_2094] {strides = array<i32>} : memref<256xf32, #tpu.memory_space<vmem>>, vector<16xf32>,
    tpu.vector_store %arg12[%swap3A_2094], %add3A_2093 {strides = array<i32>} : memref<256xf32, #tpu.memory_space<vmem>>, vector<16xf32>,
    %get3A_2096 = arith.constant 56 : i32
    %get3A_2097 = arith.index_cast %get3A_2096 : i32 to index
    %get3A_2098 = arith.constant 0 : index
    %get3A_2099 = tpu.vector_load %arg13[%get3A_2097, %get3A_2098] {strides = array<i32>} : memref<64x64xf32, #tpu.memory_space<vmem>>, vector<16xf32>,
    %get3A_2100 = arith.constant 0 : index
    %get3A_2101 = tpu.vector_load %arg11[%get3A_2100] {strides = array<i32>} : memref<64xf32, #tpu.memory_space<vmem>>, vector<16xf32>,
    %mul3A_2102 = arith.mulf %get3A_2099, %get3A_2101 : vector<16xf32>
    %get3A_2103 = arith.constant 56 : i32
    %get3A_2104 = arith.index_cast %get3A_2103 : i32 to index
    %get3A_2105 = arith.constant 16 : index
    %get3A_2106 = tpu.vector_load %arg13[%get3A_2104, %get3A_2105] {strides = array<i32>} : memref<64x64xf32, #tpu.memory_space<vmem>>, vector<16xf32>,
    %get3A_2107 = arith.constant 16 : index
    %get3A_2108 = tpu.vector_load %arg11[%get3A_2107] {strides = array<i32>} : memref<64xf32, #tpu.memory_space<vmem>>, vector<16xf32>,
    %mul3A_2109 = arith.mulf %get3A_2106, %get3A_2108 : vector<16xf32>
    %add3A_2110 = arith.addf %mul3A_2102, %mul3A_2109 : vector<16xf32>
    %get3A_2111 = arith.constant 56 : i32
    %get3A_2112 = arith.index_cast %get3A_2111 : i32 to index
    %get3A_2113 = arith.constant 32 : index
    %get3A_2114 = tpu.vector_load %arg13[%get3A_2112, %get3A_2113] {strides = array<i32>} : memref<64x64xf32, #tpu.memory_space<vmem>>, vector<16xf32>,
    %get3A_2115 = arith.constant 32 : index
    %get3A_2116 = tpu.vector_load %arg11[%get3A_2115] {strides = array<i32>} : memref<64xf32, #tpu.memory_space<vmem>>, vector<16xf32>,
    %mul3A_2117 = arith.mulf %get3A_2114, %get3A_2116 : vector<16xf32>
    %add3A_2118 = arith.addf %add3A_2110, %mul3A_2117 : vector<16xf32>
    %get3A_2119 = arith.constant 56 : i32
    %get3A_2120 = arith.index_cast %get3A_2119 : i32 to index
    %get3A_2121 = arith.constant 48 : index
    %get3A_2122 = tpu.vector_load %arg13[%get3A_2120, %get3A_2121] {strides = array<i32>} : memref<64x64xf32, #tpu.memory_space<vmem>>, vector<16xf32>,
    %get3A_2123 = arith.constant 48 : index
    %get3A_2124 = tpu.vector_load %arg11[%get3A_2123] {strides = array<i32>} : memref<64xf32, #tpu.memory_space<vmem>>, vector<16xf32>,
    %mul3A_2125 = arith.mulf %get3A_2122, %get3A_2124 : vector<16xf32>
    %add3A_2126 = arith.addf %add3A_2118, %mul3A_2125 : vector<16xf32>
    %swap3A_2127 = arith.constant 128 : index
    %swap3A_2128 = tpu.vector_load %arg12[%swap3A_2127] {strides = array<i32>} : memref<256xf32, #tpu.memory_space<vmem>>, vector<16xf32>,
    tpu.vector_store %arg12[%swap3A_2127], %add3A_2126 {strides = array<i32>} : memref<256xf32, #tpu.memory_space<vmem>>, vector<16xf32>,
    %get3A_2129 = arith.constant 57 : i32
    %get3A_2130 = arith.index_cast %get3A_2129 : i32 to index
    %get3A_2131 = arith.constant 0 : index
    %get3A_2132 = tpu.vector_load %arg13[%get3A_2130, %get3A_2131] {strides = array<i32>} : memref<64x64xf32, #tpu.memory_space<vmem>>, vector<16xf32>,
    %get3A_2133 = arith.constant 0 : index
    %get3A_2134 = tpu.vector_load %arg11[%get3A_2133] {strides = array<i32>} : memref<64xf32, #tpu.memory_space<vmem>>, vector<16xf32>,
    %mul3A_2135 = arith.mulf %get3A_2132, %get3A_2134 : vector<16xf32>
    %get3A_2136 = arith.constant 57 : i32
    %get3A_2137 = arith.index_cast %get3A_2136 : i32 to index
    %get3A_2138 = arith.constant 16 : index
    %get3A_2139 = tpu.vector_load %arg13[%get3A_2137, %get3A_2138] {strides = array<i32>} : memref<64x64xf32, #tpu.memory_space<vmem>>, vector<16xf32>,
    %get3A_2140 = arith.constant 16 : index
    %get3A_2141 = tpu.vector_load %arg11[%get3A_2140] {strides = array<i32>} : memref<64xf32, #tpu.memory_space<vmem>>, vector<16xf32>,
    %mul3A_2142 = arith.mulf %get3A_2139, %get3A_2141 : vector<16xf32>
    %add3A_2143 = arith.addf %mul3A_2135, %mul3A_2142 : vector<16xf32>
    %get3A_2144 = arith.constant 57 : i32
    %get3A_2145 = arith.index_cast %get3A_2144 : i32 to index
    %get3A_2146 = arith.constant 32 : index
    %get3A_2147 = tpu.vector_load %arg13[%get3A_2145, %get3A_2146] {strides = array<i32>} : memref<64x64xf32, #tpu.memory_space<vmem>>, vector<16xf32>,
    %get3A_2148 = arith.constant 32 : index
    %get3A_2149 = tpu.vector_load %arg11[%get3A_2148] {strides = array<i32>} : memref<64xf32, #tpu.memory_space<vmem>>, vector<16xf32>,
    %mul3A_2150 = arith.mulf %get3A_2147, %get3A_2149 : vector<16xf32>
    %add3A_2151 = arith.addf %add3A_2143, %mul3A_2150 : vector<16xf32>
    %get3A_2152 = arith.constant 57 : i32
    %get3A_2153 = arith.index_cast %get3A_2152 : i32 to index
    %get3A_2154 = arith.constant 48 : index
    %get3A_2155 = tpu.vector_load %arg13[%get3A_2153, %get3A_2154] {strides = array<i32>} : memref<64x64xf32, #tpu.memory_space<vmem>>, vector<16xf32>,
    %get3A_2156 = arith.constant 48 : index
    %get3A_2157 = tpu.vector_load %arg11[%get3A_2156] {strides = array<i32>} : memref<64xf32, #tpu.memory_space<vmem>>, vector<16xf32>,
    %mul3A_2158 = arith.mulf %get3A_2155, %get3A_2157 : vector<16xf32>
    %add3A_2159 = arith.addf %add3A_2151, %mul3A_2158 : vector<16xf32>
    %swap3A_2160 = arith.constant 144 : index
    %swap3A_2161 = tpu.vector_load %arg12[%swap3A_2160] {strides = array<i32>} : memref<256xf32, #tpu.memory_space<vmem>>, vector<16xf32>,
    tpu.vector_store %arg12[%swap3A_2160], %add3A_2159 {strides = array<i32>} : memref<256xf32, #tpu.memory_space<vmem>>, vector<16xf32>,
    %get3A_2162 = arith.constant 58 : i32
    %get3A_2163 = arith.index_cast %get3A_2162 : i32 to index
    %get3A_2164 = arith.constant 0 : index
    %get3A_2165 = tpu.vector_load %arg13[%get3A_2163, %get3A_2164] {strides = array<i32>} : memref<64x64xf32, #tpu.memory_space<vmem>>, vector<16xf32>,
    %get3A_2166 = arith.constant 0 : index
    %get3A_2167 = tpu.vector_load %arg11[%get3A_2166] {strides = array<i32>} : memref<64xf32, #tpu.memory_space<vmem>>, vector<16xf32>,
    %mul3A_2168 = arith.mulf %get3A_2165, %get3A_2167 : vector<16xf32>
    %get3A_2169 = arith.constant 58 : i32
    %get3A_2170 = arith.index_cast %get3A_2169 : i32 to index
    %get3A_2171 = arith.constant 16 : index
    %get3A_2172 = tpu.vector_load %arg13[%get3A_2170, %get3A_2171] {strides = array<i32>} : memref<64x64xf32, #tpu.memory_space<vmem>>, vector<16xf32>,
    %get3A_2173 = arith.constant 16 : index
    %get3A_2174 = tpu.vector_load %arg11[%get3A_2173] {strides = array<i32>} : memref<64xf32, #tpu.memory_space<vmem>>, vector<16xf32>,
    %mul3A_2175 = arith.mulf %get3A_2172, %get3A_2174 : vector<16xf32>
    %add3A_2176 = arith.addf %mul3A_2168, %mul3A_2175 : vector<16xf32>
    %get3A_2177 = arith.constant 58 : i32
    %get3A_2178 = arith.index_cast %get3A_2177 : i32 to index
    %get3A_2179 = arith.constant 32 : index
    %get3A_2180 = tpu.vector_load %arg13[%get3A_2178, %get3A_2179] {strides = array<i32>} : memref<64x64xf32, #tpu.memory_space<vmem>>, vector<16xf32>,
    %get3A_2181 = arith.constant 32 : index
    %get3A_2182 = tpu.vector_load %arg11[%get3A_2181] {strides = array<i32>} : memref<64xf32, #tpu.memory_space<vmem>>, vector<16xf32>,
    %mul3A_2183 = arith.mulf %get3A_2180, %get3A_2182 : vector<16xf32>
    %add3A_2184 = arith.addf %add3A_2176, %mul3A_2183 : vector<16xf32>
    %get3A_2185 = arith.constant 58 : i32
    %get3A_2186 = arith.index_cast %get3A_2185 : i32 to index
    %get3A_2187 = arith.constant 48 : index
    %get3A_2188 = tpu.vector_load %arg13[%get3A_2186, %get3A_2187] {strides = array<i32>} : memref<64x64xf32, #tpu.memory_space<vmem>>, vector<16xf32>,
    %get3A_2189 = arith.constant 48 : index
    %get3A_2190 = tpu.vector_load %arg11[%get3A_2189] {strides = array<i32>} : memref<64xf32, #tpu.memory_space<vmem>>, vector<16xf32>,
    %mul3A_2191 = arith.mulf %get3A_2188, %get3A_2190 : vector<16xf32>
    %add3A_2192 = arith.addf %add3A_2184, %mul3A_2191 : vector<16xf32>
    %swap3A_2193 = arith.constant 160 : index
    %swap3A_2194 = tpu.vector_load %arg12[%swap3A_2193] {strides = array<i32>} : memref<256xf32, #tpu.memory_space<vmem>>, vector<16xf32>,
    tpu.vector_store %arg12[%swap3A_2193], %add3A_2192 {strides = array<i32>} : memref<256xf32, #tpu.memory_space<vmem>>, vector<16xf32>,
    %get3A_2195 = arith.constant 59 : i32
    %get3A_2196 = arith.index_cast %get3A_2195 : i32 to index
    %get3A_2197 = arith.constant 0 : index
    %get3A_2198 = tpu.vector_load %arg13[%get3A_2196, %get3A_2197] {strides = array<i32>} : memref<64x64xf32, #tpu.memory_space<vmem>>, vector<16xf32>,
    %get3A_2199 = arith.constant 0 : index
    %get3A_2200 = tpu.vector_load %arg11[%get3A_2199] {strides = array<i32>} : memref<64xf32, #tpu.memory_space<vmem>>, vector<16xf32>,
    %mul3A_2201 = arith.mulf %get3A_2198, %get3A_2200 : vector<16xf32>
    %get3A_2202 = arith.constant 59 : i32
    %get3A_2203 = arith.index_cast %get3A_2202 : i32 to index
    %get3A_2204 = arith.constant 16 : index
    %get3A_2205 = tpu.vector_load %arg13[%get3A_2203, %get3A_2204] {strides = array<i32>} : memref<64x64xf32, #tpu.memory_space<vmem>>, vector<16xf32>,
    %get3A_2206 = arith.constant 16 : index
    %get3A_2207 = tpu.vector_load %arg11[%get3A_2206] {strides = array<i32>} : memref<64xf32, #tpu.memory_space<vmem>>, vector<16xf32>,
    %mul3A_2208 = arith.mulf %get3A_2205, %get3A_2207 : vector<16xf32>
    %add3A_2209 = arith.addf %mul3A_2201, %mul3A_2208 : vector<16xf32>
    %get3A_2210 = arith.constant 59 : i32
    %get3A_2211 = arith.index_cast %get3A_2210 : i32 to index
    %get3A_2212 = arith.constant 32 : index
    %get3A_2213 = tpu.vector_load %arg13[%get3A_2211, %get3A_2212] {strides = array<i32>} : memref<64x64xf32, #tpu.memory_space<vmem>>, vector<16xf32>,
    %get3A_2214 = arith.constant 32 : index
    %get3A_2215 = tpu.vector_load %arg11[%get3A_2214] {strides = array<i32>} : memref<64xf32, #tpu.memory_space<vmem>>, vector<16xf32>,
    %mul3A_2216 = arith.mulf %get3A_2213, %get3A_2215 : vector<16xf32>
    %add3A_2217 = arith.addf %add3A_2209, %mul3A_2216 : vector<16xf32>
    %get3A_2218 = arith.constant 59 : i32
    %get3A_2219 = arith.index_cast %get3A_2218 : i32 to index
    %get3A_2220 = arith.constant 48 : index
    %get3A_2221 = tpu.vector_load %arg13[%get3A_2219, %get3A_2220] {strides = array<i32>} : memref<64x64xf32, #tpu.memory_space<vmem>>, vector<16xf32>,
    %get3A_2222 = arith.constant 48 : index
    %get3A_2223 = tpu.vector_load %arg11[%get3A_2222] {strides = array<i32>} : memref<64xf32, #tpu.memory_space<vmem>>, vector<16xf32>,
    %mul3A_2224 = arith.mulf %get3A_2221, %get3A_2223 : vector<16xf32>
    %add3A_2225 = arith.addf %add3A_2217, %mul3A_2224 : vector<16xf32>
    %swap3A_2226 = arith.constant 176 : index
    %swap3A_2227 = tpu.vector_load %arg12[%swap3A_2226] {strides = array<i32>} : memref<256xf32, #tpu.memory_space<vmem>>, vector<16xf32>,
    tpu.vector_store %arg12[%swap3A_2226], %add3A_2225 {strides = array<i32>} : memref<256xf32, #tpu.memory_space<vmem>>, vector<16xf32>,
    %get3A_2228 = arith.constant 60 : i32
    %get3A_2229 = arith.index_cast %get3A_2228 : i32 to index
    %get3A_2230 = arith.constant 0 : index
    %get3A_2231 = tpu.vector_load %arg13[%get3A_2229, %get3A_2230] {strides = array<i32>} : memref<64x64xf32, #tpu.memory_space<vmem>>, vector<16xf32>,
    %get3A_2232 = arith.constant 0 : index
    %get3A_2233 = tpu.vector_load %arg11[%get3A_2232] {strides = array<i32>} : memref<64xf32, #tpu.memory_space<vmem>>, vector<16xf32>,
    %mul3A_2234 = arith.mulf %get3A_2231, %get3A_2233 : vector<16xf32>
    %get3A_2235 = arith.constant 60 : i32
    %get3A_2236 = arith.index_cast %get3A_2235 : i32 to index
    %get3A_2237 = arith.constant 16 : index
    %get3A_2238 = tpu.vector_load %arg13[%get3A_2236, %get3A_2237] {strides = array<i32>} : memref<64x64xf32, #tpu.memory_space<vmem>>, vector<16xf32>,
    %get3A_2239 = arith.constant 16 : index
    %get3A_2240 = tpu.vector_load %arg11[%get3A_2239] {strides = array<i32>} : memref<64xf32, #tpu.memory_space<vmem>>, vector<16xf32>,
    %mul3A_2241 = arith.mulf %get3A_2238, %get3A_2240 : vector<16xf32>
    %add3A_2242 = arith.addf %mul3A_2234, %mul3A_2241 : vector<16xf32>
    %get3A_2243 = arith.constant 60 : i32
    %get3A_2244 = arith.index_cast %get3A_2243 : i32 to index
    %get3A_2245 = arith.constant 32 : index
    %get3A_2246 = tpu.vector_load %arg13[%get3A_2244, %get3A_2245] {strides = array<i32>} : memref<64x64xf32, #tpu.memory_space<vmem>>, vector<16xf32>,
    %get3A_2247 = arith.constant 32 : index
    %get3A_2248 = tpu.vector_load %arg11[%get3A_2247] {strides = array<i32>} : memref<64xf32, #tpu.memory_space<vmem>>, vector<16xf32>,
    %mul3A_2249 = arith.mulf %get3A_2246, %get3A_2248 : vector<16xf32>
    %add3A_2250 = arith.addf %add3A_2242, %mul3A_2249 : vector<16xf32>
    %get3A_2251 = arith.constant 60 : i32
    %get3A_2252 = arith.index_cast %get3A_2251 : i32 to index
    %get3A_2253 = arith.constant 48 : index
    %get3A_2254 = tpu.vector_load %arg13[%get3A_2252, %get3A_2253] {strides = array<i32>} : memref<64x64xf32, #tpu.memory_space<vmem>>, vector<16xf32>,
    %get3A_2255 = arith.constant 48 : index
    %get3A_2256 = tpu.vector_load %arg11[%get3A_2255] {strides = array<i32>} : memref<64xf32, #tpu.memory_space<vmem>>, vector<16xf32>,
    %mul3A_2257 = arith.mulf %get3A_2254, %get3A_2256 : vector<16xf32>
    %add3A_2258 = arith.addf %add3A_2250, %mul3A_2257 : vector<16xf32>
    %swap3A_2259 = arith.constant 192 : index
    %swap3A_2260 = tpu.vector_load %arg12[%swap3A_2259] {strides = array<i32>} : memref<256xf32, #tpu.memory_space<vmem>>, vector<16xf32>,
    tpu.vector_store %arg12[%swap3A_2259], %add3A_2258 {strides = array<i32>} : memref<256xf32, #tpu.memory_space<vmem>>, vector<16xf32>,
    %get3A_2261 = arith.constant 61 : i32
    %get3A_2262 = arith.index_cast %get3A_2261 : i32 to index
    %get3A_2263 = arith.constant 0 : index
    %get3A_2264 = tpu.vector_load %arg13[%get3A_2262, %get3A_2263] {strides = array<i32>} : memref<64x64xf32, #tpu.memory_space<vmem>>, vector<16xf32>,
    %get3A_2265 = arith.constant 0 : index
    %get3A_2266 = tpu.vector_load %arg11[%get3A_2265] {strides = array<i32>} : memref<64xf32, #tpu.memory_space<vmem>>, vector<16xf32>,
    %mul3A_2267 = arith.mulf %get3A_2264, %get3A_2266 : vector<16xf32>
    %get3A_2268 = arith.constant 61 : i32
    %get3A_2269 = arith.index_cast %get3A_2268 : i32 to index
    %get3A_2270 = arith.constant 16 : index
    %get3A_2271 = tpu.vector_load %arg13[%get3A_2269, %get3A_2270] {strides = array<i32>} : memref<64x64xf32, #tpu.memory_space<vmem>>, vector<16xf32>,
    %get3A_2272 = arith.constant 16 : index
    %get3A_2273 = tpu.vector_load %arg11[%get3A_2272] {strides = array<i32>} : memref<64xf32, #tpu.memory_space<vmem>>, vector<16xf32>,
    %mul3A_2274 = arith.mulf %get3A_2271, %get3A_2273 : vector<16xf32>
    %add3A_2275 = arith.addf %mul3A_2267, %mul3A_2274 : vector<16xf32>
    %get3A_2276 = arith.constant 61 : i32
    %get3A_2277 = arith.index_cast %get3A_2276 : i32 to index
    %get3A_2278 = arith.constant 32 : index
    %get3A_2279 = tpu.vector_load %arg13[%get3A_2277, %get3A_2278] {strides = array<i32>} : memref<64x64xf32, #tpu.memory_space<vmem>>, vector<16xf32>,
    %get3A_2280 = arith.constant 32 : index
    %get3A_2281 = tpu.vector_load %arg11[%get3A_2280] {strides = array<i32>} : memref<64xf32, #tpu.memory_space<vmem>>, vector<16xf32>,
    %mul3A_2282 = arith.mulf %get3A_2279, %get3A_2281 : vector<16xf32>
    %add3A_2283 = arith.addf %add3A_2275, %mul3A_2282 : vector<16xf32>
    %get3A_2284 = arith.constant 61 : i32
    %get3A_2285 = arith.index_cast %get3A_2284 : i32 to index
    %get3A_2286 = arith.constant 48 : index
    %get3A_2287 = tpu.vector_load %arg13[%get3A_2285, %get3A_2286] {strides = array<i32>} : memref<64x64xf32, #tpu.memory_space<vmem>>, vector<16xf32>,
    %get3A_2288 = arith.constant 48 : index
    %get3A_2289 = tpu.vector_load %arg11[%get3A_2288] {strides = array<i32>} : memref<64xf32, #tpu.memory_space<vmem>>, vector<16xf32>,
    %mul3A_2290 = arith.mulf %get3A_2287, %get3A_2289 : vector<16xf32>
    %add3A_2291 = arith.addf %add3A_2283, %mul3A_2290 : vector<16xf32>
    %swap3A_2292 = arith.constant 208 : index
    %swap3A_2293 = tpu.vector_load %arg12[%swap3A_2292] {strides = array<i32>} : memref<256xf32, #tpu.memory_space<vmem>>, vector<16xf32>,
    tpu.vector_store %arg12[%swap3A_2292], %add3A_2291 {strides = array<i32>} : memref<256xf32, #tpu.memory_space<vmem>>, vector<16xf32>,
    %get3A_2294 = arith.constant 62 : i32
    %get3A_2295 = arith.index_cast %get3A_2294 : i32 to index
    %get3A_2296 = arith.constant 0 : index
    %get3A_2297 = tpu.vector_load %arg13[%get3A_2295, %get3A_2296] {strides = array<i32>} : memref<64x64xf32, #tpu.memory_space<vmem>>, vector<16xf32>,
    %get3A_2298 = arith.constant 0 : index
    %get3A_2299 = tpu.vector_load %arg11[%get3A_2298] {strides = array<i32>} : memref<64xf32, #tpu.memory_space<vmem>>, vector<16xf32>,
    %mul3A_2300 = arith.mulf %get3A_2297, %get3A_2299 : vector<16xf32>
    %get3A_2301 = arith.constant 62 : i32
    %get3A_2302 = arith.index_cast %get3A_2301 : i32 to index
    %get3A_2303 = arith.constant 16 : index
    %get3A_2304 = tpu.vector_load %arg13[%get3A_2302, %get3A_2303] {strides = array<i32>} : memref<64x64xf32, #tpu.memory_space<vmem>>, vector<16xf32>,
    %get3A_2305 = arith.constant 16 : index
    %get3A_2306 = tpu.vector_load %arg11[%get3A_2305] {strides = array<i32>} : memref<64xf32, #tpu.memory_space<vmem>>, vector<16xf32>,
    %mul3A_2307 = arith.mulf %get3A_2304, %get3A_2306 : vector<16xf32>
    %add3A_2308 = arith.addf %mul3A_2300, %mul3A_2307 : vector<16xf32>
    %get3A_2309 = arith.constant 62 : i32
    %get3A_2310 = arith.index_cast %get3A_2309 : i32 to index
    %get3A_2311 = arith.constant 32 : index
    %get3A_2312 = tpu.vector_load %arg13[%get3A_2310, %get3A_2311] {strides = array<i32>} : memref<64x64xf32, #tpu.memory_space<vmem>>, vector<16xf32>,
    %get3A_2313 = arith.constant 32 : index
    %get3A_2314 = tpu.vector_load %arg11[%get3A_2313] {strides = array<i32>} : memref<64xf32, #tpu.memory_space<vmem>>, vector<16xf32>,
    %mul3A_2315 = arith.mulf %get3A_2312, %get3A_2314 : vector<16xf32>
    %add3A_2316 = arith.addf %add3A_2308, %mul3A_2315 : vector<16xf32>
    %get3A_2317 = arith.constant 62 : i32
    %get3A_2318 = arith.index_cast %get3A_2317 : i32 to index
    %get3A_2319 = arith.constant 48 : index
    %get3A_2320 = tpu.vector_load %arg13[%get3A_2318, %get3A_2319] {strides = array<i32>} : memref<64x64xf32, #tpu.memory_space<vmem>>, vector<16xf32>,
    %get3A_2321 = arith.constant 48 : index
    %get3A_2322 = tpu.vector_load %arg11[%get3A_2321] {strides = array<i32>} : memref<64xf32, #tpu.memory_space<vmem>>, vector<16xf32>,
    %mul3A_2323 = arith.mulf %get3A_2320, %get3A_2322 : vector<16xf32>
    %add3A_2324 = arith.addf %add3A_2316, %mul3A_2323 : vector<16xf32>
    %swap3A_2325 = arith.constant 224 : index
    %swap3A_2326 = tpu.vector_load %arg12[%swap3A_2325] {strides = array<i32>} : memref<256xf32, #tpu.memory_space<vmem>>, vector<16xf32>,
    tpu.vector_store %arg12[%swap3A_2325], %add3A_2324 {strides = array<i32>} : memref<256xf32, #tpu.memory_space<vmem>>, vector<16xf32>,
    %get3A_2327 = arith.constant 63 : i32
    %get3A_2328 = arith.index_cast %get3A_2327 : i32 to index
    %get3A_2329 = arith.constant 0 : index
    %get3A_2330 = tpu.vector_load %arg13[%get3A_2328, %get3A_2329] {strides = array<i32>} : memref<64x64xf32, #tpu.memory_space<vmem>>, vector<16xf32>,
    %get3A_2331 = arith.constant 0 : index
    %get3A_2332 = tpu.vector_load %arg11[%get3A_2331] {strides = array<i32>} : memref<64xf32, #tpu.memory_space<vmem>>, vector<16xf32>,
    %mul3A_2333 = arith.mulf %get3A_2330, %get3A_2332 : vector<16xf32>
    %get3A_2334 = arith.constant 63 : i32
    %get3A_2335 = arith.index_cast %get3A_2334 : i32 to index
    %get3A_2336 = arith.constant 16 : index
    %get3A_2337 = tpu.vector_load %arg13[%get3A_2335, %get3A_2336] {strides = array<i32>} : memref<64x64xf32, #tpu.memory_space<vmem>>, vector<16xf32>,
    %get3A_2338 = arith.constant 16 : index
    %get3A_2339 = tpu.vector_load %arg11[%get3A_2338] {strides = array<i32>} : memref<64xf32, #tpu.memory_space<vmem>>, vector<16xf32>,
    %mul3A_2340 = arith.mulf %get3A_2337, %get3A_2339 : vector<16xf32>
    %add3A_2341 = arith.addf %mul3A_2333, %mul3A_2340 : vector<16xf32>
    %get3A_2342 = arith.constant 63 : i32
    %get3A_2343 = arith.index_cast %get3A_2342 : i32 to index
    %get3A_2344 = arith.constant 32 : index
    %get3A_2345 = tpu.vector_load %arg13[%get3A_2343, %get3A_2344] {strides = array<i32>} : memref<64x64xf32, #tpu.memory_space<vmem>>, vector<16xf32>,
    %get3A_2346 = arith.constant 32 : index
    %get3A_2347 = tpu.vector_load %arg11[%get3A_2346] {strides = array<i32>} : memref<64xf32, #tpu.memory_space<vmem>>, vector<16xf32>,
    %mul3A_2348 = arith.mulf %get3A_2345, %get3A_2347 : vector<16xf32>
    %add3A_2349 = arith.addf %add3A_2341, %mul3A_2348 : vector<16xf32>
    %get3A_2350 = arith.constant 63 : i32
    %get3A_2351 = arith.index_cast %get3A_2350 : i32 to index
    %get3A_2352 = arith.constant 48 : index
    %get3A_2353 = tpu.vector_load %arg13[%get3A_2351, %get3A_2352] {strides = array<i32>} : memref<64x64xf32, #tpu.memory_space<vmem>>, vector<16xf32>,
    %get3A_2354 = arith.constant 48 : index
    %get3A_2355 = tpu.vector_load %arg11[%get3A_2354] {strides = array<i32>} : memref<64xf32, #tpu.memory_space<vmem>>, vector<16xf32>,
    %mul3A_2356 = arith.mulf %get3A_2353, %get3A_2355 : vector<16xf32>
    %add3A_2357 = arith.addf %add3A_2349, %mul3A_2356 : vector<16xf32>
    %swap3A_2358 = arith.constant 240 : index
    %swap3A_2359 = tpu.vector_load %arg12[%swap3A_2358] {strides = array<i32>} : memref<256xf32, #tpu.memory_space<vmem>>, vector<16xf32>,
    tpu.vector_store %arg12[%swap3A_2358], %add3A_2357 {strides = array<i32>} : memref<256xf32, #tpu.memory_space<vmem>>, vector<16xf32>,
    %gather3A_2360 = tpu.vector_load_idx %arg12[%mul3A_3] : memref<256xf32, #tpu.memory_space<vmem>>[vector<16xi32>], vector<16xf32>,
    %add3A_2361 = arith.constant 1 : i32
    %add3A_2362 = vector.broadcast %add3A_2361 : i32 to vector<16xi32>
    %add3A_2363 = arith.addi %mul3A_3, %add3A_2362 : vector<16xi32>
    %gather3A_2364 = tpu.vector_load_idx %arg12[%add3A_2363] : memref<256xf32, #tpu.memory_space<vmem>>[vector<16xi32>], vector<16xf32>,
    %add3A_2365 = arith.addf %gather3A_2360, %gather3A_2364 : vector<16xf32>
    %add3A_2366 = arith.constant 2 : i32
    %add3A_2367 = vector.broadcast %add3A_2366 : i32 to vector<16xi32>
    %add3A_2368 = arith.addi %mul3A_3, %add3A_2367 : vector<16xi32>
    %gather3A_2369 = tpu.vector_load_idx %arg12[%add3A_2368] : memref<256xf32, #tpu.memory_space<vmem>>[vector<16xi32>], vector<16xf32>,
    %add3A_2370 = arith.addf %add3A_2365, %gather3A_2369 : vector<16xf32>
    %add3A_2371 = arith.constant 3 : i32
    %add3A_2372 = vector.broadcast %add3A_2371 : i32 to vector<16xi32>
    %add3A_2373 = arith.addi %mul3A_3, %add3A_2372 : vector<16xi32>
    %gather3A_2374 = tpu.vector_load_idx %arg12[%add3A_2373] : memref<256xf32, #tpu.memory_space<vmem>>[vector<16xi32>], vector<16xf32>,
    %add3A_2375 = arith.addf %add3A_2370, %gather3A_2374 : vector<16xf32>
    %add3A_2376 = arith.constant 4 : i32
    %add3A_2377 = vector.broadcast %add3A_2376 : i32 to vector<16xi32>
    %add3A_2378 = arith.addi %mul3A_3, %add3A_2377 : vector<16xi32>
    %gather3A_2379 = tpu.vector_load_idx %arg12[%add3A_2378] : memref<256xf32, #tpu.memory_space<vmem>>[vector<16xi32>], vector<16xf32>,
    %add3A_2380 = arith.addf %add3A_2375, %gather3A_2379 : vector<16xf32>
    %add3A_2381 = arith.constant 5 : i32
    %add3A_2382 = vector.broadcast %add3A_2381 : i32 to vector<16xi32>
    %add3A_2383 = arith.addi %mul3A_3, %add3A_2382 : vector<16xi32>
    %gather3A_2384 = tpu.vector_load_idx %arg12[%add3A_2383] : memref<256xf32, #tpu.memory_space<vmem>>[vector<16xi32>], vector<16xf32>,
    %add3A_2385 = arith.addf %add3A_2380, %gather3A_2384 : vector<16xf32>
    %add3A_2386 = arith.constant 6 : i32
    %add3A_2387 = vector.broadcast %add3A_2386 : i32 to vector<16xi32>
    %add3A_2388 = arith.addi %mul3A_3, %add3A_2387 : vector<16xi32>
    %gather3A_2389 = tpu.vector_load_idx %arg12[%add3A_2388] : memref<256xf32, #tpu.memory_space<vmem>>[vector<16xi32>], vector<16xf32>,
    %add3A_2390 = arith.addf %add3A_2385, %gather3A_2389 : vector<16xf32>
    %add3A_2391 = arith.constant 7 : i32
    %add3A_2392 = vector.broadcast %add3A_2391 : i32 to vector<16xi32>
    %add3A_2393 = arith.addi %mul3A_3, %add3A_2392 : vector<16xi32>
    %gather3A_2394 = tpu.vector_load_idx %arg12[%add3A_2393] : memref<256xf32, #tpu.memory_space<vmem>>[vector<16xi32>], vector<16xf32>,
    %add3A_2395 = arith.addf %add3A_2390, %gather3A_2394 : vector<16xf32>
    %add3A_2396 = arith.constant 8 : i32
    %add3A_2397 = vector.broadcast %add3A_2396 : i32 to vector<16xi32>
    %add3A_2398 = arith.addi %mul3A_3, %add3A_2397 : vector<16xi32>
    %gather3A_2399 = tpu.vector_load_idx %arg12[%add3A_2398] : memref<256xf32, #tpu.memory_space<vmem>>[vector<16xi32>], vector<16xf32>,
    %add3A_2400 = arith.addf %add3A_2395, %gather3A_2399 : vector<16xf32>
    %add3A_2401 = arith.constant 9 : i32
    %add3A_2402 = vector.broadcast %add3A_2401 : i32 to vector<16xi32>
    %add3A_2403 = arith.addi %mul3A_3, %add3A_2402 : vector<16xi32>
    %gather3A_2404 = tpu.vector_load_idx %arg12[%add3A_2403] : memref<256xf32, #tpu.memory_space<vmem>>[vector<16xi32>], vector<16xf32>,
    %add3A_2405 = arith.addf %add3A_2400, %gather3A_2404 : vector<16xf32>
    %add3A_2406 = arith.constant 10 : i32
    %add3A_2407 = vector.broadcast %add3A_2406 : i32 to vector<16xi32>
    %add3A_2408 = arith.addi %mul3A_3, %add3A_2407 : vector<16xi32>
    %gather3A_2409 = tpu.vector_load_idx %arg12[%add3A_2408] : memref<256xf32, #tpu.memory_space<vmem>>[vector<16xi32>], vector<16xf32>,
    %add3A_2410 = arith.addf %add3A_2405, %gather3A_2409 : vector<16xf32>
    %add3A_2411 = arith.constant 11 : i32
    %add3A_2412 = vector.broadcast %add3A_2411 : i32 to vector<16xi32>
    %add3A_2413 = arith.addi %mul3A_3, %add3A_2412 : vector<16xi32>
    %gather3A_2414 = tpu.vector_load_idx %arg12[%add3A_2413] : memref<256xf32, #tpu.memory_space<vmem>>[vector<16xi32>], vector<16xf32>,
    %add3A_2415 = arith.addf %add3A_2410, %gather3A_2414 : vector<16xf32>
    %add3A_2416 = arith.constant 12 : i32
    %add3A_2417 = vector.broadcast %add3A_2416 : i32 to vector<16xi32>
    %add3A_2418 = arith.addi %mul3A_3, %add3A_2417 : vector<16xi32>
    %gather3A_2419 = tpu.vector_load_idx %arg12[%add3A_2418] : memref<256xf32, #tpu.memory_space<vmem>>[vector<16xi32>], vector<16xf32>,
    %add3A_2420 = arith.addf %add3A_2415, %gather3A_2419 : vector<16xf32>
    %add3A_2421 = arith.constant 13 : i32
    %add3A_2422 = vector.broadcast %add3A_2421 : i32 to vector<16xi32>
    %add3A_2423 = arith.addi %mul3A_3, %add3A_2422 : vector<16xi32>
    %gather3A_2424 = tpu.vector_load_idx %arg12[%add3A_2423] : memref<256xf32, #tpu.memory_space<vmem>>[vector<16xi32>], vector<16xf32>,
    %add3A_2425 = arith.addf %add3A_2420, %gather3A_2424 : vector<16xf32>
    %add3A_2426 = arith.constant 14 : i32
    %add3A_2427 = vector.broadcast %add3A_2426 : i32 to vector<16xi32>
    %add3A_2428 = arith.addi %mul3A_3, %add3A_2427 : vector<16xi32>
    %gather3A_2429 = tpu.vector_load_idx %arg12[%add3A_2428] : memref<256xf32, #tpu.memory_space<vmem>>[vector<16xi32>], vector<16xf32>,
    %add3A_2430 = arith.addf %add3A_2425, %gather3A_2429 : vector<16xf32>
    %add3A_2431 = arith.constant 15 : i32
    %add3A_2432 = vector.broadcast %add3A_2431 : i32 to vector<16xi32>
    %add3A_2433 = arith.addi %mul3A_3, %add3A_2432 : vector<16xi32>
    %gather3A_2434 = tpu.vector_load_idx %arg12[%add3A_2433] : memref<256xf32, #tpu.memory_space<vmem>>[vector<16xi32>], vector<16xf32>,
    %add3A_2435 = arith.addf %add3A_2430, %gather3A_2434 : vector<16xf32>
    %swap3A_2436 = arith.constant 48 : index
    %swap3A_2437 = tpu.vector_load %arg14[%swap3A_2436] {strides = array<i32>} : memref<64xf32, #tpu.memory_space<vmem>>, vector<16xf32>,
    tpu.vector_store %arg14[%swap3A_2436], %add3A_2435 {strides = array<i32>} : memref<64xf32, #tpu.memory_space<vmem>>, vector<16xf32>,
    %lt3A_2438 = arith.constant 15 : i32
    %lt3A_2439 = arith.cmpi slt, %arg1, %lt3A_2438 : i32
    %convert_element_type3A_2440 = arith.extui %lt3A_2439 : i1 to i32
    %cond3A_2441 = arith.constant 0 : i32
    %cond3A_2442 = arith.cmpi ne, %convert_element_type3A_2440, %cond3A_2441 : i32
    scf.if %cond3A_2442 {
      "tpu.region"() ({
        %run_scoped3A = tpu.sem_alloc : memref<!tpu.dma_semaphore, #tpu.memory_space<semaphore_mem>>
        %dma_start3A_2613 = tpu.memref_slice %arg16[%mul3A_9] : memref<1024xf32, #tpu.memory_space<vmem_shared>> -> memref<64xf32, #tpu.memory_space<vmem_shared>>
        %dma_start3A_2614 = tpu.memref_slice %arg16[%mul3A_9] : memref<1024xf32, #tpu.memory_space<vmem_shared>> -> memref<64xf32, #tpu.memory_space<vmem_shared>>
        tpu.enqueue_dma source(%arg14 : memref<64xf32, #tpu.memory_space<vmem>>) target(%dma_start3A_2614 : memref<64xf32, #tpu.memory_space<vmem_shared>>) target_semaphore(%run_scoped3A : memref<!tpu.dma_semaphore, #tpu.memory_space<semaphore_mem>>)
        %dma_wait3A_2615 = tpu.memref_slice %arg16[%mul3A_9] : memref<1024xf32, #tpu.memory_space<vmem_shared>> -> memref<64xf32, #tpu.memory_space<vmem_shared>>
        %dma_wait3A_2616 = tpu.memref_slice %arg16[%mul3A_9] : memref<1024xf32, #tpu.memory_space<vmem_shared>> -> memref<64xf32, #tpu.memory_space<vmem_shared>>
        tpu.wait_dma2 semaphore(%run_scoped3A : memref<!tpu.dma_semaphore, #tpu.memory_space<semaphore_mem>>) src(%arg14 : memref<64xf32, #tpu.memory_space<vmem>>) dst(%dma_wait3A_2616 : memref<64xf32, #tpu.memory_space<vmem_shared>>)
        tpu.yield
      }) : () -> ()
    } else {
    }
    %eq3A_2443 = arith.constant 15 : i32
    %eq3A_2444 = arith.cmpi eq, %arg1, %eq3A_2443 : i32
    %convert_element_type3A_2445 = arith.extui %eq3A_2444 : i1 to i32
    %cond3A_2446 = arith.constant 0 : i32
    %cond3A_2447 = arith.cmpi ne, %convert_element_type3A_2445, %cond3A_2446 : i32
    scf.if %cond3A_2447 {
      "tpu.region"() ({
        %run_scoped3A = tpu.sem_alloc : memref<!tpu.dma_semaphore, #tpu.memory_space<semaphore_mem>>
        %dma_start3A_2613 = arith.constant 0 : i32
        %dma_start3A_2614 = tpu.memref_slice %arg14[%dma_start3A_2613] : memref<64xf32, #tpu.memory_space<vmem>> -> memref<40xf32, #tpu.memory_space<vmem>>
        %dma_start3A_2615 = arith.constant 960 : i32
        %dma_start3A_2616 = tpu.memref_slice %arg16[%dma_start3A_2615] : memref<1024xf32, #tpu.memory_space<vmem_shared>> -> memref<40xf32, #tpu.memory_space<vmem_shared>>
        %dma_start3A_2617 = arith.constant 960 : i32
        %dma_start3A_2618 = tpu.memref_slice %arg16[%dma_start3A_2617] : memref<1024xf32, #tpu.memory_space<vmem_shared>> -> memref<40xf32, #tpu.memory_space<vmem_shared>>
        %dma_start3A_2619 = arith.constant 0 : i32
        %dma_start3A_2620 = tpu.memref_slice %arg14[%dma_start3A_2619] : memref<64xf32, #tpu.memory_space<vmem>> -> memref<40xf32, #tpu.memory_space<vmem>>
        tpu.enqueue_dma source(%dma_start3A_2620 : memref<40xf32, #tpu.memory_space<vmem>>) target(%dma_start3A_2618 : memref<40xf32, #tpu.memory_space<vmem_shared>>) target_semaphore(%run_scoped3A : memref<!tpu.dma_semaphore, #tpu.memory_space<semaphore_mem>>)
        %dma_wait3A_2621 = arith.constant 0 : i32
        %dma_wait3A_2622 = tpu.memref_slice %arg14[%dma_wait3A_2621] : memref<64xf32, #tpu.memory_space<vmem>> -> memref<40xf32, #tpu.memory_space<vmem>>
        %dma_wait3A_2623 = arith.constant 960 : i32
        %dma_wait3A_2624 = tpu.memref_slice %arg16[%dma_wait3A_2623] : memref<1024xf32, #tpu.memory_space<vmem_shared>> -> memref<40xf32, #tpu.memory_space<vmem_shared>>
        %dma_wait3A_2625 = arith.constant 960 : i32
        %dma_wait3A_2626 = tpu.memref_slice %arg16[%dma_wait3A_2625] : memref<1024xf32, #tpu.memory_space<vmem_shared>> -> memref<40xf32, #tpu.memory_space<vmem_shared>>
        %dma_wait3A_2627 = arith.constant 0 : i32
        %dma_wait3A_2628 = tpu.memref_slice %arg14[%dma_wait3A_2627] : memref<64xf32, #tpu.memory_space<vmem>> -> memref<40xf32, #tpu.memory_space<vmem>>
        tpu.wait_dma2 semaphore(%run_scoped3A : memref<!tpu.dma_semaphore, #tpu.memory_space<semaphore_mem>>) src(%dma_wait3A_2628 : memref<40xf32, #tpu.memory_space<vmem>>) dst(%dma_wait3A_2626 : memref<40xf32, #tpu.memory_space<vmem_shared>>)
        tpu.yield
      }) : () -> ()
    } else {
    }
    %barrier3A = arith.constant 0 : index
    tpu.barrier barrier_id(%barrier3A)
    "tpu.region"() ({
      %run_scoped3A = tpu.sem_alloc : memref<!tpu.dma_semaphore, #tpu.memory_space<semaphore_mem>>
      tpu.enqueue_dma source(%arg16 : memref<1024xf32, #tpu.memory_space<vmem_shared>>) target(%arg9 : memref<1024xf32, #tpu.memory_space<vmem>>) target_semaphore(%run_scoped3A : memref<!tpu.dma_semaphore, #tpu.memory_space<semaphore_mem>>)
      tpu.wait_dma2 semaphore(%run_scoped3A : memref<!tpu.dma_semaphore, #tpu.memory_space<semaphore_mem>>) src(%arg16 : memref<1024xf32, #tpu.memory_space<vmem_shared>>) dst(%arg9 : memref<1024xf32, #tpu.memory_space<vmem>>)
      tpu.yield
    }) : () -> ()
    %add3A_2448 = arith.constant 0 : i32
    %add3A_2449 = arith.addi %mul3A_6, %add3A_2448 : i32
    %dma_start3A = arith.constant 0 : i32
    %dma_start3A_2450 = tpu.memref_slice %arg2[%dma_start3A, %add3A_2449] : memref<200x16384xi32, #tpu.memory_space<hbm>> -> memref<200x128xi32, #tpu.memory_space<hbm>>
    %dma_start3A_2451 = arith.constant 0 : i32
    %dma_start3A_2452 = tpu.memref_slice %arg2[%dma_start3A_2451, %add3A_2449] : memref<200x16384xi32, #tpu.memory_space<hbm>> -> memref<200x128xi32, #tpu.memory_space<hbm>>
    tpu.enqueue_dma source(%dma_start3A_2452 : memref<200x128xi32, #tpu.memory_space<hbm>>) target(%arg7 : memref<200x128xi32, #tpu.memory_space<vmem>>) target_semaphore(%arg17 : memref<!tpu.dma_semaphore, #tpu.memory_space<semaphore_mem>>)
    %add3A_2453 = arith.constant 128 : i32
    %add3A_2454 = arith.addi %mul3A_6, %add3A_2453 : i32
    %dma_start3A_2455 = arith.constant 0 : i32
    %dma_start3A_2456 = tpu.memref_slice %arg2[%dma_start3A_2455, %add3A_2454] : memref<200x16384xi32, #tpu.memory_space<hbm>> -> memref<200x128xi32, #tpu.memory_space<hbm>>
    %dma_start3A_2457 = arith.constant 0 : i32
    %dma_start3A_2458 = tpu.memref_slice %arg2[%dma_start3A_2457, %add3A_2454] : memref<200x16384xi32, #tpu.memory_space<hbm>> -> memref<200x128xi32, #tpu.memory_space<hbm>>
    tpu.enqueue_dma source(%dma_start3A_2458 : memref<200x128xi32, #tpu.memory_space<hbm>>) target(%arg8 : memref<200x128xi32, #tpu.memory_space<vmem>>) target_semaphore(%arg18 : memref<!tpu.dma_semaphore, #tpu.memory_space<semaphore_mem>>)
    %add3A_2459 = arith.constant 0 : i32
    %add3A_2460 = arith.addi %mul3A_6, %add3A_2459 : i32
    %dma_wait3A = arith.constant 0 : i32
    %dma_wait3A_2461 = tpu.memref_slice %arg2[%dma_wait3A, %add3A_2460] : memref<200x16384xi32, #tpu.memory_space<hbm>> -> memref<200x128xi32, #tpu.memory_space<hbm>>
    %dma_wait3A_2462 = arith.constant 0 : i32
    %dma_wait3A_2463 = tpu.memref_slice %arg2[%dma_wait3A_2462, %add3A_2460] : memref<200x16384xi32, #tpu.memory_space<hbm>> -> memref<200x128xi32, #tpu.memory_space<hbm>>
    tpu.wait_dma2 semaphore(%arg17 : memref<!tpu.dma_semaphore, #tpu.memory_space<semaphore_mem>>) src(%dma_wait3A_2463 : memref<200x128xi32, #tpu.memory_space<hbm>>) dst(%arg7 : memref<200x128xi32, #tpu.memory_space<vmem>>)
    %scan3A = arith.constant 0 : i32
    %scan3A_2464 = arith.constant 100 : i32
    %scan3A_2465 = arith.addi %scan3A, %scan3A_2464 : i32
    %scan3A_2466 = arith.constant 2 : i32
    %scan3A_2467:8 = scf.for %scan3A_2613 = %scan3A to %scan3A_2465 step %scan3A_2466 iter_args(%scan3A_2614 = %broadcast_in_dim3A_4, %scan3A_2615 = %broadcast_in_dim3A_4, %scan3A_2616 = %broadcast_in_dim3A_4, %scan3A_2617 = %broadcast_in_dim3A_4, %scan3A_2618 = %broadcast_in_dim3A_4, %scan3A_2619 = %broadcast_in_dim3A_4, %scan3A_2620 = %broadcast_in_dim3A_4, %scan3A_2621 = %broadcast_in_dim3A_4) -> (vector<16xf32>, vector<16xf32>, vector<16xf32>, vector<16xf32>, vector<16xf32>, vector<16xf32>, vector<16xf32>, vector<16xf32>)  : i32 {
      %mul3A_2622 = arith.constant 2 : i32
      %mul3A_2623 = arith.muli %scan3A_2613, %mul3A_2622 : i32
      %get3A_2624 = arith.index_cast %mul3A_2623 : i32 to index
      %get3A_2625 = arith.constant 0 : index
      %get3A_2626 = tpu.vector_load %arg7[%get3A_2624, %get3A_2625] {strides = array<i32>} : memref<200x128xi32, #tpu.memory_space<vmem>>, vector<16xi32>,
      %max3A = arith.constant 0 : i32
      %max3A_2627 = vector.broadcast %max3A : i32 to vector<16xi32>
      %max3A_2628 = arith.maxsi %get3A_2626, %max3A_2627 : vector<16xi32>
      %min3A = arith.constant 999 : i32
      %min3A_2629 = vector.broadcast %min3A : i32 to vector<16xi32>
      %min3A_2630 = arith.minsi %max3A_2628, %min3A_2629 : vector<16xi32>
      %gather3A_2631 = tpu.vector_load_idx %arg9[%min3A_2630] : memref<1024xf32, #tpu.memory_space<vmem>>[vector<16xi32>], vector<16xf32>,
      %add3A_2632 = arith.addf %scan3A_2614, %gather3A_2631 : vector<16xf32>
      %get3A_2633 = arith.index_cast %mul3A_2623 : i32 to index
      %get3A_2634 = arith.constant 16 : index
      %get3A_2635 = tpu.vector_load %arg7[%get3A_2633, %get3A_2634] {strides = array<i32>} : memref<200x128xi32, #tpu.memory_space<vmem>>, vector<16xi32>,
      %max3A_2636 = arith.constant 0 : i32
      %max3A_2637 = vector.broadcast %max3A_2636 : i32 to vector<16xi32>
      %max3A_2638 = arith.maxsi %get3A_2635, %max3A_2637 : vector<16xi32>
      %min3A_2639 = arith.constant 999 : i32
      %min3A_2640 = vector.broadcast %min3A_2639 : i32 to vector<16xi32>
      %min3A_2641 = arith.minsi %max3A_2638, %min3A_2640 : vector<16xi32>
      %gather3A_2642 = tpu.vector_load_idx %arg9[%min3A_2641] : memref<1024xf32, #tpu.memory_space<vmem>>[vector<16xi32>], vector<16xf32>,
      %add3A_2643 = arith.addf %scan3A_2615, %gather3A_2642 : vector<16xf32>
      %get3A_2644 = arith.index_cast %mul3A_2623 : i32 to index
      %get3A_2645 = arith.constant 32 : index
      %get3A_2646 = tpu.vector_load %arg7[%get3A_2644, %get3A_2645] {strides = array<i32>} : memref<200x128xi32, #tpu.memory_space<vmem>>, vector<16xi32>,
      %max3A_2647 = arith.constant 0 : i32
      %max3A_2648 = vector.broadcast %max3A_2647 : i32 to vector<16xi32>
      %max3A_2649 = arith.maxsi %get3A_2646, %max3A_2648 : vector<16xi32>
      %min3A_2650 = arith.constant 999 : i32
      %min3A_2651 = vector.broadcast %min3A_2650 : i32 to vector<16xi32>
      %min3A_2652 = arith.minsi %max3A_2649, %min3A_2651 : vector<16xi32>
      %gather3A_2653 = tpu.vector_load_idx %arg9[%min3A_2652] : memref<1024xf32, #tpu.memory_space<vmem>>[vector<16xi32>], vector<16xf32>,
      %add3A_2654 = arith.addf %scan3A_2616, %gather3A_2653 : vector<16xf32>
      %get3A_2655 = arith.index_cast %mul3A_2623 : i32 to index
      %get3A_2656 = arith.constant 48 : index
      %get3A_2657 = tpu.vector_load %arg7[%get3A_2655, %get3A_2656] {strides = array<i32>} : memref<200x128xi32, #tpu.memory_space<vmem>>, vector<16xi32>,
      %max3A_2658 = arith.constant 0 : i32
      %max3A_2659 = vector.broadcast %max3A_2658 : i32 to vector<16xi32>
      %max3A_2660 = arith.maxsi %get3A_2657, %max3A_2659 : vector<16xi32>
      %min3A_2661 = arith.constant 999 : i32
      %min3A_2662 = vector.broadcast %min3A_2661 : i32 to vector<16xi32>
      %min3A_2663 = arith.minsi %max3A_2660, %min3A_2662 : vector<16xi32>
      %gather3A_2664 = tpu.vector_load_idx %arg9[%min3A_2663] : memref<1024xf32, #tpu.memory_space<vmem>>[vector<16xi32>], vector<16xf32>,
      %add3A_2665 = arith.addf %scan3A_2617, %gather3A_2664 : vector<16xf32>
      %get3A_2666 = arith.index_cast %mul3A_2623 : i32 to index
      %get3A_2667 = arith.constant 64 : index
      %get3A_2668 = tpu.vector_load %arg7[%get3A_2666, %get3A_2667] {strides = array<i32>} : memref<200x128xi32, #tpu.memory_space<vmem>>, vector<16xi32>,
      %max3A_2669 = arith.constant 0 : i32
      %max3A_2670 = vector.broadcast %max3A_2669 : i32 to vector<16xi32>
      %max3A_2671 = arith.maxsi %get3A_2668, %max3A_2670 : vector<16xi32>
      %min3A_2672 = arith.constant 999 : i32
      %min3A_2673 = vector.broadcast %min3A_2672 : i32 to vector<16xi32>
      %min3A_2674 = arith.minsi %max3A_2671, %min3A_2673 : vector<16xi32>
      %gather3A_2675 = tpu.vector_load_idx %arg9[%min3A_2674] : memref<1024xf32, #tpu.memory_space<vmem>>[vector<16xi32>], vector<16xf32>,
      %add3A_2676 = arith.addf %scan3A_2618, %gather3A_2675 : vector<16xf32>
      %get3A_2677 = arith.index_cast %mul3A_2623 : i32 to index
      %get3A_2678 = arith.constant 80 : index
      %get3A_2679 = tpu.vector_load %arg7[%get3A_2677, %get3A_2678] {strides = array<i32>} : memref<200x128xi32, #tpu.memory_space<vmem>>, vector<16xi32>,
      %max3A_2680 = arith.constant 0 : i32
      %max3A_2681 = vector.broadcast %max3A_2680 : i32 to vector<16xi32>
      %max3A_2682 = arith.maxsi %get3A_2679, %max3A_2681 : vector<16xi32>
      %min3A_2683 = arith.constant 999 : i32
      %min3A_2684 = vector.broadcast %min3A_2683 : i32 to vector<16xi32>
      %min3A_2685 = arith.minsi %max3A_2682, %min3A_2684 : vector<16xi32>
      %gather3A_2686 = tpu.vector_load_idx %arg9[%min3A_2685] : memref<1024xf32, #tpu.memory_space<vmem>>[vector<16xi32>], vector<16xf32>,
      %add3A_2687 = arith.addf %scan3A_2619, %gather3A_2686 : vector<16xf32>
      %get3A_2688 = arith.index_cast %mul3A_2623 : i32 to index
      %get3A_2689 = arith.constant 96 : index
      %get3A_2690 = tpu.vector_load %arg7[%get3A_2688, %get3A_2689] {strides = array<i32>} : memref<200x128xi32, #tpu.memory_space<vmem>>, vector<16xi32>,
      %max3A_2691 = arith.constant 0 : i32
      %max3A_2692 = vector.broadcast %max3A_2691 : i32 to vector<16xi32>
      %max3A_2693 = arith.maxsi %get3A_2690, %max3A_2692 : vector<16xi32>
      %min3A_2694 = arith.constant 999 : i32
      %min3A_2695 = vector.broadcast %min3A_2694 : i32 to vector<16xi32>
      %min3A_2696 = arith.minsi %max3A_2693, %min3A_2695 : vector<16xi32>
      %gather3A_2697 = tpu.vector_load_idx %arg9[%min3A_2696] : memref<1024xf32, #tpu.memory_space<vmem>>[vector<16xi32>], vector<16xf32>,
      %add3A_2698 = arith.addf %scan3A_2620, %gather3A_2697 : vector<16xf32>
      %get3A_2699 = arith.index_cast %mul3A_2623 : i32 to index
      %get3A_2700 = arith.constant 112 : index
      %get3A_2701 = tpu.vector_load %arg7[%get3A_2699, %get3A_2700] {strides = array<i32>} : memref<200x128xi32, #tpu.memory_space<vmem>>, vector<16xi32>,
      %max3A_2702 = arith.constant 0 : i32
      %max3A_2703 = vector.broadcast %max3A_2702 : i32 to vector<16xi32>
      %max3A_2704 = arith.maxsi %get3A_2701, %max3A_2703 : vector<16xi32>
      %min3A_2705 = arith.constant 999 : i32
      %min3A_2706 = vector.broadcast %min3A_2705 : i32 to vector<16xi32>
      %min3A_2707 = arith.minsi %max3A_2704, %min3A_2706 : vector<16xi32>
      %gather3A_2708 = tpu.vector_load_idx %arg9[%min3A_2707] : memref<1024xf32, #tpu.memory_space<vmem>>[vector<16xi32>], vector<16xf32>,
      %add3A_2709 = arith.addf %scan3A_2621, %gather3A_2708 : vector<16xf32>
      %add3A_2710 = arith.constant 1 : i32
      %add3A_2711 = arith.addi %mul3A_2623, %add3A_2710 : i32
      %get3A_2712 = arith.index_cast %add3A_2711 : i32 to index
      %get3A_2713 = arith.constant 0 : index
      %get3A_2714 = tpu.vector_load %arg7[%get3A_2712, %get3A_2713] {strides = array<i32>} : memref<200x128xi32, #tpu.memory_space<vmem>>, vector<16xi32>,
      %max3A_2715 = arith.constant 0 : i32
      %max3A_2716 = vector.broadcast %max3A_2715 : i32 to vector<16xi32>
      %max3A_2717 = arith.maxsi %get3A_2714, %max3A_2716 : vector<16xi32>
      %min3A_2718 = arith.constant 999 : i32
      %min3A_2719 = vector.broadcast %min3A_2718 : i32 to vector<16xi32>
      %min3A_2720 = arith.minsi %max3A_2717, %min3A_2719 : vector<16xi32>
      %gather3A_2721 = tpu.vector_load_idx %arg9[%min3A_2720] : memref<1024xf32, #tpu.memory_space<vmem>>[vector<16xi32>], vector<16xf32>,
      %add3A_2722 = arith.addf %add3A_2632, %gather3A_2721 : vector<16xf32>
      %add3A_2723 = arith.constant 1 : i32
      %add3A_2724 = arith.addi %mul3A_2623, %add3A_2723 : i32
      %get3A_2725 = arith.index_cast %add3A_2724 : i32 to index
      %get3A_2726 = arith.constant 16 : index
      %get3A_2727 = tpu.vector_load %arg7[%get3A_2725, %get3A_2726] {strides = array<i32>} : memref<200x128xi32, #tpu.memory_space<vmem>>, vector<16xi32>,
      %max3A_2728 = arith.constant 0 : i32
      %max3A_2729 = vector.broadcast %max3A_2728 : i32 to vector<16xi32>
      %max3A_2730 = arith.maxsi %get3A_2727, %max3A_2729 : vector<16xi32>
      %min3A_2731 = arith.constant 999 : i32
      %min3A_2732 = vector.broadcast %min3A_2731 : i32 to vector<16xi32>
      %min3A_2733 = arith.minsi %max3A_2730, %min3A_2732 : vector<16xi32>
      %gather3A_2734 = tpu.vector_load_idx %arg9[%min3A_2733] : memref<1024xf32, #tpu.memory_space<vmem>>[vector<16xi32>], vector<16xf32>,
      %add3A_2735 = arith.addf %add3A_2643, %gather3A_2734 : vector<16xf32>
      %add3A_2736 = arith.constant 1 : i32
      %add3A_2737 = arith.addi %mul3A_2623, %add3A_2736 : i32
      %get3A_2738 = arith.index_cast %add3A_2737 : i32 to index
      %get3A_2739 = arith.constant 32 : index
      %get3A_2740 = tpu.vector_load %arg7[%get3A_2738, %get3A_2739] {strides = array<i32>} : memref<200x128xi32, #tpu.memory_space<vmem>>, vector<16xi32>,
      %max3A_2741 = arith.constant 0 : i32
      %max3A_2742 = vector.broadcast %max3A_2741 : i32 to vector<16xi32>
      %max3A_2743 = arith.maxsi %get3A_2740, %max3A_2742 : vector<16xi32>
      %min3A_2744 = arith.constant 999 : i32
      %min3A_2745 = vector.broadcast %min3A_2744 : i32 to vector<16xi32>
      %min3A_2746 = arith.minsi %max3A_2743, %min3A_2745 : vector<16xi32>
      %gather3A_2747 = tpu.vector_load_idx %arg9[%min3A_2746] : memref<1024xf32, #tpu.memory_space<vmem>>[vector<16xi32>], vector<16xf32>,
      %add3A_2748 = arith.addf %add3A_2654, %gather3A_2747 : vector<16xf32>
      %add3A_2749 = arith.constant 1 : i32
      %add3A_2750 = arith.addi %mul3A_2623, %add3A_2749 : i32
      %get3A_2751 = arith.index_cast %add3A_2750 : i32 to index
      %get3A_2752 = arith.constant 48 : index
      %get3A_2753 = tpu.vector_load %arg7[%get3A_2751, %get3A_2752] {strides = array<i32>} : memref<200x128xi32, #tpu.memory_space<vmem>>, vector<16xi32>,
      %max3A_2754 = arith.constant 0 : i32
      %max3A_2755 = vector.broadcast %max3A_2754 : i32 to vector<16xi32>
      %max3A_2756 = arith.maxsi %get3A_2753, %max3A_2755 : vector<16xi32>
      %min3A_2757 = arith.constant 999 : i32
      %min3A_2758 = vector.broadcast %min3A_2757 : i32 to vector<16xi32>
      %min3A_2759 = arith.minsi %max3A_2756, %min3A_2758 : vector<16xi32>
      %gather3A_2760 = tpu.vector_load_idx %arg9[%min3A_2759] : memref<1024xf32, #tpu.memory_space<vmem>>[vector<16xi32>], vector<16xf32>,
      %add3A_2761 = arith.addf %add3A_2665, %gather3A_2760 : vector<16xf32>
      %add3A_2762 = arith.constant 1 : i32
      %add3A_2763 = arith.addi %mul3A_2623, %add3A_2762 : i32
      %get3A_2764 = arith.index_cast %add3A_2763 : i32 to index
      %get3A_2765 = arith.constant 64 : index
      %get3A_2766 = tpu.vector_load %arg7[%get3A_2764, %get3A_2765] {strides = array<i32>} : memref<200x128xi32, #tpu.memory_space<vmem>>, vector<16xi32>,
      %max3A_2767 = arith.constant 0 : i32
      %max3A_2768 = vector.broadcast %max3A_2767 : i32 to vector<16xi32>
      %max3A_2769 = arith.maxsi %get3A_2766, %max3A_2768 : vector<16xi32>
      %min3A_2770 = arith.constant 999 : i32
      %min3A_2771 = vector.broadcast %min3A_2770 : i32 to vector<16xi32>
      %min3A_2772 = arith.minsi %max3A_2769, %min3A_2771 : vector<16xi32>
      %gather3A_2773 = tpu.vector_load_idx %arg9[%min3A_2772] : memref<1024xf32, #tpu.memory_space<vmem>>[vector<16xi32>], vector<16xf32>,
      %add3A_2774 = arith.addf %add3A_2676, %gather3A_2773 : vector<16xf32>
      %add3A_2775 = arith.constant 1 : i32
      %add3A_2776 = arith.addi %mul3A_2623, %add3A_2775 : i32
      %get3A_2777 = arith.index_cast %add3A_2776 : i32 to index
      %get3A_2778 = arith.constant 80 : index
      %get3A_2779 = tpu.vector_load %arg7[%get3A_2777, %get3A_2778] {strides = array<i32>} : memref<200x128xi32, #tpu.memory_space<vmem>>, vector<16xi32>,
      %max3A_2780 = arith.constant 0 : i32
      %max3A_2781 = vector.broadcast %max3A_2780 : i32 to vector<16xi32>
      %max3A_2782 = arith.maxsi %get3A_2779, %max3A_2781 : vector<16xi32>
      %min3A_2783 = arith.constant 999 : i32
      %min3A_2784 = vector.broadcast %min3A_2783 : i32 to vector<16xi32>
      %min3A_2785 = arith.minsi %max3A_2782, %min3A_2784 : vector<16xi32>
      %gather3A_2786 = tpu.vector_load_idx %arg9[%min3A_2785] : memref<1024xf32, #tpu.memory_space<vmem>>[vector<16xi32>], vector<16xf32>,
      %add3A_2787 = arith.addf %add3A_2687, %gather3A_2786 : vector<16xf32>
      %add3A_2788 = arith.constant 1 : i32
      %add3A_2789 = arith.addi %mul3A_2623, %add3A_2788 : i32
      %get3A_2790 = arith.index_cast %add3A_2789 : i32 to index
      %get3A_2791 = arith.constant 96 : index
      %get3A_2792 = tpu.vector_load %arg7[%get3A_2790, %get3A_2791] {strides = array<i32>} : memref<200x128xi32, #tpu.memory_space<vmem>>, vector<16xi32>,
      %max3A_2793 = arith.constant 0 : i32
      %max3A_2794 = vector.broadcast %max3A_2793 : i32 to vector<16xi32>
      %max3A_2795 = arith.maxsi %get3A_2792, %max3A_2794 : vector<16xi32>
      %min3A_2796 = arith.constant 999 : i32
      %min3A_2797 = vector.broadcast %min3A_2796 : i32 to vector<16xi32>
      %min3A_2798 = arith.minsi %max3A_2795, %min3A_2797 : vector<16xi32>
      %gather3A_2799 = tpu.vector_load_idx %arg9[%min3A_2798] : memref<1024xf32, #tpu.memory_space<vmem>>[vector<16xi32>], vector<16xf32>,
      %add3A_2800 = arith.addf %add3A_2698, %gather3A_2799 : vector<16xf32>
      %add3A_2801 = arith.constant 1 : i32
      %add3A_2802 = arith.addi %mul3A_2623, %add3A_2801 : i32
      %get3A_2803 = arith.index_cast %add3A_2802 : i32 to index
      %get3A_2804 = arith.constant 112 : index
      %get3A_2805 = tpu.vector_load %arg7[%get3A_2803, %get3A_2804] {strides = array<i32>} : memref<200x128xi32, #tpu.memory_space<vmem>>, vector<16xi32>,
      %max3A_2806 = arith.constant 0 : i32
      %max3A_2807 = vector.broadcast %max3A_2806 : i32 to vector<16xi32>
      %max3A_2808 = arith.maxsi %get3A_2805, %max3A_2807 : vector<16xi32>
      %min3A_2809 = arith.constant 999 : i32
      %min3A_2810 = vector.broadcast %min3A_2809 : i32 to vector<16xi32>
      %min3A_2811 = arith.minsi %max3A_2808, %min3A_2810 : vector<16xi32>
      %gather3A_2812 = tpu.vector_load_idx %arg9[%min3A_2811] : memref<1024xf32, #tpu.memory_space<vmem>>[vector<16xi32>], vector<16xf32>,
      %add3A_2813 = arith.addf %add3A_2709, %gather3A_2812 : vector<16xf32>
      %scan3A_2814 = arith.constant 1 : i32
      %scan3A_2815 = arith.addi %scan3A_2613, %scan3A_2814 : i32
      %mul3A_2816 = arith.constant 2 : i32
      %mul3A_2817 = arith.muli %scan3A_2815, %mul3A_2816 : i32
      %get3A_2818 = arith.index_cast %mul3A_2817 : i32 to index
      %get3A_2819 = arith.constant 0 : index
      %get3A_2820 = tpu.vector_load %arg7[%get3A_2818, %get3A_2819] {strides = array<i32>} : memref<200x128xi32, #tpu.memory_space<vmem>>, vector<16xi32>,
      %max3A_2821 = arith.constant 0 : i32
      %max3A_2822 = vector.broadcast %max3A_2821 : i32 to vector<16xi32>
      %max3A_2823 = arith.maxsi %get3A_2820, %max3A_2822 : vector<16xi32>
      %min3A_2824 = arith.constant 999 : i32
      %min3A_2825 = vector.broadcast %min3A_2824 : i32 to vector<16xi32>
      %min3A_2826 = arith.minsi %max3A_2823, %min3A_2825 : vector<16xi32>
      %gather3A_2827 = tpu.vector_load_idx %arg9[%min3A_2826] : memref<1024xf32, #tpu.memory_space<vmem>>[vector<16xi32>], vector<16xf32>,
      %add3A_2828 = arith.addf %add3A_2722, %gather3A_2827 : vector<16xf32>
      %get3A_2829 = arith.index_cast %mul3A_2817 : i32 to index
      %get3A_2830 = arith.constant 16 : index
      %get3A_2831 = tpu.vector_load %arg7[%get3A_2829, %get3A_2830] {strides = array<i32>} : memref<200x128xi32, #tpu.memory_space<vmem>>, vector<16xi32>,
      %max3A_2832 = arith.constant 0 : i32
      %max3A_2833 = vector.broadcast %max3A_2832 : i32 to vector<16xi32>
      %max3A_2834 = arith.maxsi %get3A_2831, %max3A_2833 : vector<16xi32>
      %min3A_2835 = arith.constant 999 : i32
      %min3A_2836 = vector.broadcast %min3A_2835 : i32 to vector<16xi32>
      %min3A_2837 = arith.minsi %max3A_2834, %min3A_2836 : vector<16xi32>
      %gather3A_2838 = tpu.vector_load_idx %arg9[%min3A_2837] : memref<1024xf32, #tpu.memory_space<vmem>>[vector<16xi32>], vector<16xf32>,
      %add3A_2839 = arith.addf %add3A_2735, %gather3A_2838 : vector<16xf32>
      %get3A_2840 = arith.index_cast %mul3A_2817 : i32 to index
      %get3A_2841 = arith.constant 32 : index
      %get3A_2842 = tpu.vector_load %arg7[%get3A_2840, %get3A_2841] {strides = array<i32>} : memref<200x128xi32, #tpu.memory_space<vmem>>, vector<16xi32>,
      %max3A_2843 = arith.constant 0 : i32
      %max3A_2844 = vector.broadcast %max3A_2843 : i32 to vector<16xi32>
      %max3A_2845 = arith.maxsi %get3A_2842, %max3A_2844 : vector<16xi32>
      %min3A_2846 = arith.constant 999 : i32
      %min3A_2847 = vector.broadcast %min3A_2846 : i32 to vector<16xi32>
      %min3A_2848 = arith.minsi %max3A_2845, %min3A_2847 : vector<16xi32>
      %gather3A_2849 = tpu.vector_load_idx %arg9[%min3A_2848] : memref<1024xf32, #tpu.memory_space<vmem>>[vector<16xi32>], vector<16xf32>,
      %add3A_2850 = arith.addf %add3A_2748, %gather3A_2849 : vector<16xf32>
      %get3A_2851 = arith.index_cast %mul3A_2817 : i32 to index
      %get3A_2852 = arith.constant 48 : index
      %get3A_2853 = tpu.vector_load %arg7[%get3A_2851, %get3A_2852] {strides = array<i32>} : memref<200x128xi32, #tpu.memory_space<vmem>>, vector<16xi32>,
      %max3A_2854 = arith.constant 0 : i32
      %max3A_2855 = vector.broadcast %max3A_2854 : i32 to vector<16xi32>
      %max3A_2856 = arith.maxsi %get3A_2853, %max3A_2855 : vector<16xi32>
      %min3A_2857 = arith.constant 999 : i32
      %min3A_2858 = vector.broadcast %min3A_2857 : i32 to vector<16xi32>
      %min3A_2859 = arith.minsi %max3A_2856, %min3A_2858 : vector<16xi32>
      %gather3A_2860 = tpu.vector_load_idx %arg9[%min3A_2859] : memref<1024xf32, #tpu.memory_space<vmem>>[vector<16xi32>], vector<16xf32>,
      %add3A_2861 = arith.addf %add3A_2761, %gather3A_2860 : vector<16xf32>
      %get3A_2862 = arith.index_cast %mul3A_2817 : i32 to index
      %get3A_2863 = arith.constant 64 : index
      %get3A_2864 = tpu.vector_load %arg7[%get3A_2862, %get3A_2863] {strides = array<i32>} : memref<200x128xi32, #tpu.memory_space<vmem>>, vector<16xi32>,
      %max3A_2865 = arith.constant 0 : i32
      %max3A_2866 = vector.broadcast %max3A_2865 : i32 to vector<16xi32>
      %max3A_2867 = arith.maxsi %get3A_2864, %max3A_2866 : vector<16xi32>
      %min3A_2868 = arith.constant 999 : i32
      %min3A_2869 = vector.broadcast %min3A_2868 : i32 to vector<16xi32>
      %min3A_2870 = arith.minsi %max3A_2867, %min3A_2869 : vector<16xi32>
      %gather3A_2871 = tpu.vector_load_idx %arg9[%min3A_2870] : memref<1024xf32, #tpu.memory_space<vmem>>[vector<16xi32>], vector<16xf32>,
      %add3A_2872 = arith.addf %add3A_2774, %gather3A_2871 : vector<16xf32>
      %get3A_2873 = arith.index_cast %mul3A_2817 : i32 to index
      %get3A_2874 = arith.constant 80 : index
      %get3A_2875 = tpu.vector_load %arg7[%get3A_2873, %get3A_2874] {strides = array<i32>} : memref<200x128xi32, #tpu.memory_space<vmem>>, vector<16xi32>,
      %max3A_2876 = arith.constant 0 : i32
      %max3A_2877 = vector.broadcast %max3A_2876 : i32 to vector<16xi32>
      %max3A_2878 = arith.maxsi %get3A_2875, %max3A_2877 : vector<16xi32>
      %min3A_2879 = arith.constant 999 : i32
      %min3A_2880 = vector.broadcast %min3A_2879 : i32 to vector<16xi32>
      %min3A_2881 = arith.minsi %max3A_2878, %min3A_2880 : vector<16xi32>
      %gather3A_2882 = tpu.vector_load_idx %arg9[%min3A_2881] : memref<1024xf32, #tpu.memory_space<vmem>>[vector<16xi32>], vector<16xf32>,
      %add3A_2883 = arith.addf %add3A_2787, %gather3A_2882 : vector<16xf32>
      %get3A_2884 = arith.index_cast %mul3A_2817 : i32 to index
      %get3A_2885 = arith.constant 96 : index
      %get3A_2886 = tpu.vector_load %arg7[%get3A_2884, %get3A_2885] {strides = array<i32>} : memref<200x128xi32, #tpu.memory_space<vmem>>, vector<16xi32>,
      %max3A_2887 = arith.constant 0 : i32
      %max3A_2888 = vector.broadcast %max3A_2887 : i32 to vector<16xi32>
      %max3A_2889 = arith.maxsi %get3A_2886, %max3A_2888 : vector<16xi32>
      %min3A_2890 = arith.constant 999 : i32
      %min3A_2891 = vector.broadcast %min3A_2890 : i32 to vector<16xi32>
      %min3A_2892 = arith.minsi %max3A_2889, %min3A_2891 : vector<16xi32>
      %gather3A_2893 = tpu.vector_load_idx %arg9[%min3A_2892] : memref<1024xf32, #tpu.memory_space<vmem>>[vector<16xi32>], vector<16xf32>,
      %add3A_2894 = arith.addf %add3A_2800, %gather3A_2893 : vector<16xf32>
      %get3A_2895 = arith.index_cast %mul3A_2817 : i32 to index
      %get3A_2896 = arith.constant 112 : index
      %get3A_2897 = tpu.vector_load %arg7[%get3A_2895, %get3A_2896] {strides = array<i32>} : memref<200x128xi32, #tpu.memory_space<vmem>>, vector<16xi32>,
      %max3A_2898 = arith.constant 0 : i32
      %max3A_2899 = vector.broadcast %max3A_2898 : i32 to vector<16xi32>
      %max3A_2900 = arith.maxsi %get3A_2897, %max3A_2899 : vector<16xi32>
      %min3A_2901 = arith.constant 999 : i32
      %min3A_2902 = vector.broadcast %min3A_2901 : i32 to vector<16xi32>
      %min3A_2903 = arith.minsi %max3A_2900, %min3A_2902 : vector<16xi32>
      %gather3A_2904 = tpu.vector_load_idx %arg9[%min3A_2903] : memref<1024xf32, #tpu.memory_space<vmem>>[vector<16xi32>], vector<16xf32>,
      %add3A_2905 = arith.addf %add3A_2813, %gather3A_2904 : vector<16xf32>
      %add3A_2906 = arith.constant 1 : i32
      %add3A_2907 = arith.addi %mul3A_2817, %add3A_2906 : i32
      %get3A_2908 = arith.index_cast %add3A_2907 : i32 to index
      %get3A_2909 = arith.constant 0 : index
      %get3A_2910 = tpu.vector_load %arg7[%get3A_2908, %get3A_2909] {strides = array<i32>} : memref<200x128xi32, #tpu.memory_space<vmem>>, vector<16xi32>,
      %max3A_2911 = arith.constant 0 : i32
      %max3A_2912 = vector.broadcast %max3A_2911 : i32 to vector<16xi32>
      %max3A_2913 = arith.maxsi %get3A_2910, %max3A_2912 : vector<16xi32>
      %min3A_2914 = arith.constant 999 : i32
      %min3A_2915 = vector.broadcast %min3A_2914 : i32 to vector<16xi32>
      %min3A_2916 = arith.minsi %max3A_2913, %min3A_2915 : vector<16xi32>
      %gather3A_2917 = tpu.vector_load_idx %arg9[%min3A_2916] : memref<1024xf32, #tpu.memory_space<vmem>>[vector<16xi32>], vector<16xf32>,
      %add3A_2918 = arith.addf %add3A_2828, %gather3A_2917 : vector<16xf32>
      %add3A_2919 = arith.constant 1 : i32
      %add3A_2920 = arith.addi %mul3A_2817, %add3A_2919 : i32
      %get3A_2921 = arith.index_cast %add3A_2920 : i32 to index
      %get3A_2922 = arith.constant 16 : index
      %get3A_2923 = tpu.vector_load %arg7[%get3A_2921, %get3A_2922] {strides = array<i32>} : memref<200x128xi32, #tpu.memory_space<vmem>>, vector<16xi32>,
      %max3A_2924 = arith.constant 0 : i32
      %max3A_2925 = vector.broadcast %max3A_2924 : i32 to vector<16xi32>
      %max3A_2926 = arith.maxsi %get3A_2923, %max3A_2925 : vector<16xi32>
      %min3A_2927 = arith.constant 999 : i32
      %min3A_2928 = vector.broadcast %min3A_2927 : i32 to vector<16xi32>
      %min3A_2929 = arith.minsi %max3A_2926, %min3A_2928 : vector<16xi32>
      %gather3A_2930 = tpu.vector_load_idx %arg9[%min3A_2929] : memref<1024xf32, #tpu.memory_space<vmem>>[vector<16xi32>], vector<16xf32>,
      %add3A_2931 = arith.addf %add3A_2839, %gather3A_2930 : vector<16xf32>
      %add3A_2932 = arith.constant 1 : i32
      %add3A_2933 = arith.addi %mul3A_2817, %add3A_2932 : i32
      %get3A_2934 = arith.index_cast %add3A_2933 : i32 to index
      %get3A_2935 = arith.constant 32 : index
      %get3A_2936 = tpu.vector_load %arg7[%get3A_2934, %get3A_2935] {strides = array<i32>} : memref<200x128xi32, #tpu.memory_space<vmem>>, vector<16xi32>,
      %max3A_2937 = arith.constant 0 : i32
      %max3A_2938 = vector.broadcast %max3A_2937 : i32 to vector<16xi32>
      %max3A_2939 = arith.maxsi %get3A_2936, %max3A_2938 : vector<16xi32>
      %min3A_2940 = arith.constant 999 : i32
      %min3A_2941 = vector.broadcast %min3A_2940 : i32 to vector<16xi32>
      %min3A_2942 = arith.minsi %max3A_2939, %min3A_2941 : vector<16xi32>
      %gather3A_2943 = tpu.vector_load_idx %arg9[%min3A_2942] : memref<1024xf32, #tpu.memory_space<vmem>>[vector<16xi32>], vector<16xf32>,
      %add3A_2944 = arith.addf %add3A_2850, %gather3A_2943 : vector<16xf32>
      %add3A_2945 = arith.constant 1 : i32
      %add3A_2946 = arith.addi %mul3A_2817, %add3A_2945 : i32
      %get3A_2947 = arith.index_cast %add3A_2946 : i32 to index
      %get3A_2948 = arith.constant 48 : index
      %get3A_2949 = tpu.vector_load %arg7[%get3A_2947, %get3A_2948] {strides = array<i32>} : memref<200x128xi32, #tpu.memory_space<vmem>>, vector<16xi32>,
      %max3A_2950 = arith.constant 0 : i32
      %max3A_2951 = vector.broadcast %max3A_2950 : i32 to vector<16xi32>
      %max3A_2952 = arith.maxsi %get3A_2949, %max3A_2951 : vector<16xi32>
      %min3A_2953 = arith.constant 999 : i32
      %min3A_2954 = vector.broadcast %min3A_2953 : i32 to vector<16xi32>
      %min3A_2955 = arith.minsi %max3A_2952, %min3A_2954 : vector<16xi32>
      %gather3A_2956 = tpu.vector_load_idx %arg9[%min3A_2955] : memref<1024xf32, #tpu.memory_space<vmem>>[vector<16xi32>], vector<16xf32>,
      %add3A_2957 = arith.addf %add3A_2861, %gather3A_2956 : vector<16xf32>
      %add3A_2958 = arith.constant 1 : i32
      %add3A_2959 = arith.addi %mul3A_2817, %add3A_2958 : i32
      %get3A_2960 = arith.index_cast %add3A_2959 : i32 to index
      %get3A_2961 = arith.constant 64 : index
      %get3A_2962 = tpu.vector_load %arg7[%get3A_2960, %get3A_2961] {strides = array<i32>} : memref<200x128xi32, #tpu.memory_space<vmem>>, vector<16xi32>,
      %max3A_2963 = arith.constant 0 : i32
      %max3A_2964 = vector.broadcast %max3A_2963 : i32 to vector<16xi32>
      %max3A_2965 = arith.maxsi %get3A_2962, %max3A_2964 : vector<16xi32>
      %min3A_2966 = arith.constant 999 : i32
      %min3A_2967 = vector.broadcast %min3A_2966 : i32 to vector<16xi32>
      %min3A_2968 = arith.minsi %max3A_2965, %min3A_2967 : vector<16xi32>
      %gather3A_2969 = tpu.vector_load_idx %arg9[%min3A_2968] : memref<1024xf32, #tpu.memory_space<vmem>>[vector<16xi32>], vector<16xf32>,
      %add3A_2970 = arith.addf %add3A_2872, %gather3A_2969 : vector<16xf32>
      %add3A_2971 = arith.constant 1 : i32
      %add3A_2972 = arith.addi %mul3A_2817, %add3A_2971 : i32
      %get3A_2973 = arith.index_cast %add3A_2972 : i32 to index
      %get3A_2974 = arith.constant 80 : index
      %get3A_2975 = tpu.vector_load %arg7[%get3A_2973, %get3A_2974] {strides = array<i32>} : memref<200x128xi32, #tpu.memory_space<vmem>>, vector<16xi32>,
      %max3A_2976 = arith.constant 0 : i32
      %max3A_2977 = vector.broadcast %max3A_2976 : i32 to vector<16xi32>
      %max3A_2978 = arith.maxsi %get3A_2975, %max3A_2977 : vector<16xi32>
      %min3A_2979 = arith.constant 999 : i32
      %min3A_2980 = vector.broadcast %min3A_2979 : i32 to vector<16xi32>
      %min3A_2981 = arith.minsi %max3A_2978, %min3A_2980 : vector<16xi32>
      %gather3A_2982 = tpu.vector_load_idx %arg9[%min3A_2981] : memref<1024xf32, #tpu.memory_space<vmem>>[vector<16xi32>], vector<16xf32>,
      %add3A_2983 = arith.addf %add3A_2883, %gather3A_2982 : vector<16xf32>
      %add3A_2984 = arith.constant 1 : i32
      %add3A_2985 = arith.addi %mul3A_2817, %add3A_2984 : i32
      %get3A_2986 = arith.index_cast %add3A_2985 : i32 to index
      %get3A_2987 = arith.constant 96 : index
      %get3A_2988 = tpu.vector_load %arg7[%get3A_2986, %get3A_2987] {strides = array<i32>} : memref<200x128xi32, #tpu.memory_space<vmem>>, vector<16xi32>,
      %max3A_2989 = arith.constant 0 : i32
      %max3A_2990 = vector.broadcast %max3A_2989 : i32 to vector<16xi32>
      %max3A_2991 = arith.maxsi %get3A_2988, %max3A_2990 : vector<16xi32>
      %min3A_2992 = arith.constant 999 : i32
      %min3A_2993 = vector.broadcast %min3A_2992 : i32 to vector<16xi32>
      %min3A_2994 = arith.minsi %max3A_2991, %min3A_2993 : vector<16xi32>
      %gather3A_2995 = tpu.vector_load_idx %arg9[%min3A_2994] : memref<1024xf32, #tpu.memory_space<vmem>>[vector<16xi32>], vector<16xf32>,
      %add3A_2996 = arith.addf %add3A_2894, %gather3A_2995 : vector<16xf32>
      %add3A_2997 = arith.constant 1 : i32
      %add3A_2998 = arith.addi %mul3A_2817, %add3A_2997 : i32
      %get3A_2999 = arith.index_cast %add3A_2998 : i32 to index
      %get3A_3000 = arith.constant 112 : index
      %get3A_3001 = tpu.vector_load %arg7[%get3A_2999, %get3A_3000] {strides = array<i32>} : memref<200x128xi32, #tpu.memory_space<vmem>>, vector<16xi32>,
      %max3A_3002 = arith.constant 0 : i32
      %max3A_3003 = vector.broadcast %max3A_3002 : i32 to vector<16xi32>
      %max3A_3004 = arith.maxsi %get3A_3001, %max3A_3003 : vector<16xi32>
      %min3A_3005 = arith.constant 999 : i32
      %min3A_3006 = vector.broadcast %min3A_3005 : i32 to vector<16xi32>
      %min3A_3007 = arith.minsi %max3A_3004, %min3A_3006 : vector<16xi32>
      %gather3A_3008 = tpu.vector_load_idx %arg9[%min3A_3007] : memref<1024xf32, #tpu.memory_space<vmem>>[vector<16xi32>], vector<16xf32>,
      %add3A_3009 = arith.addf %add3A_2905, %gather3A_3008 : vector<16xf32>
      scf.yield %add3A_2918, %add3A_2931, %add3A_2944, %add3A_2957, %add3A_2970, %add3A_2983, %add3A_2996, %add3A_3009 : vector<16xf32>, vector<16xf32>, vector<16xf32>, vector<16xf32>, vector<16xf32>, vector<16xf32>, vector<16xf32>, vector<16xf32>
    }
    %scan3A_2468 = arith.constant 100 : i32
    %add3A_2469 = arith.addf %scan3A_2467#0, %get3A_7 : vector<16xf32>
    %swap3A_2470 = arith.constant 0 : index
    %swap3A_2471 = tpu.vector_load %arg10[%swap3A_2470] {strides = array<i32>} : memref<512xf32, #tpu.memory_space<vmem>>, vector<16xf32>,
    tpu.vector_store %arg10[%swap3A_2470], %add3A_2469 {strides = array<i32>} : memref<512xf32, #tpu.memory_space<vmem>>, vector<16xf32>,
    %add3A_2472 = arith.addf %scan3A_2467#1, %get3A_7 : vector<16xf32>
    %swap3A_2473 = arith.constant 16 : index
    %swap3A_2474 = tpu.vector_load %arg10[%swap3A_2473] {strides = array<i32>} : memref<512xf32, #tpu.memory_space<vmem>>, vector<16xf32>,
    tpu.vector_store %arg10[%swap3A_2473], %add3A_2472 {strides = array<i32>} : memref<512xf32, #tpu.memory_space<vmem>>, vector<16xf32>,
    %add3A_2475 = arith.addf %scan3A_2467#2, %get3A_7 : vector<16xf32>
    %swap3A_2476 = arith.constant 32 : index
    %swap3A_2477 = tpu.vector_load %arg10[%swap3A_2476] {strides = array<i32>} : memref<512xf32, #tpu.memory_space<vmem>>, vector<16xf32>,
    tpu.vector_store %arg10[%swap3A_2476], %add3A_2475 {strides = array<i32>} : memref<512xf32, #tpu.memory_space<vmem>>, vector<16xf32>,
    %add3A_2478 = arith.addf %scan3A_2467#3, %get3A_7 : vector<16xf32>
    %swap3A_2479 = arith.constant 48 : index
    %swap3A_2480 = tpu.vector_load %arg10[%swap3A_2479] {strides = array<i32>} : memref<512xf32, #tpu.memory_space<vmem>>, vector<16xf32>,
    tpu.vector_store %arg10[%swap3A_2479], %add3A_2478 {strides = array<i32>} : memref<512xf32, #tpu.memory_space<vmem>>, vector<16xf32>,
    %add3A_2481 = arith.addf %scan3A_2467#4, %get3A_7 : vector<16xf32>
    %swap3A_2482 = arith.constant 64 : index
    %swap3A_2483 = tpu.vector_load %arg10[%swap3A_2482] {strides = array<i32>} : memref<512xf32, #tpu.memory_space<vmem>>, vector<16xf32>,
    tpu.vector_store %arg10[%swap3A_2482], %add3A_2481 {strides = array<i32>} : memref<512xf32, #tpu.memory_space<vmem>>, vector<16xf32>,
    %add3A_2484 = arith.addf %scan3A_2467#5, %get3A_7 : vector<16xf32>
    %swap3A_2485 = arith.constant 80 : index
    %swap3A_2486 = tpu.vector_load %arg10[%swap3A_2485] {strides = array<i32>} : memref<512xf32, #tpu.memory_space<vmem>>, vector<16xf32>,
    tpu.vector_store %arg10[%swap3A_2485], %add3A_2484 {strides = array<i32>} : memref<512xf32, #tpu.memory_space<vmem>>, vector<16xf32>,
    %add3A_2487 = arith.addf %scan3A_2467#6, %get3A_7 : vector<16xf32>
    %swap3A_2488 = arith.constant 96 : index
    %swap3A_2489 = tpu.vector_load %arg10[%swap3A_2488] {strides = array<i32>} : memref<512xf32, #tpu.memory_space<vmem>>, vector<16xf32>,
    tpu.vector_store %arg10[%swap3A_2488], %add3A_2487 {strides = array<i32>} : memref<512xf32, #tpu.memory_space<vmem>>, vector<16xf32>,
    %add3A_2490 = arith.addf %scan3A_2467#7, %get3A_7 : vector<16xf32>
    %swap3A_2491 = arith.constant 112 : index
    %swap3A_2492 = tpu.vector_load %arg10[%swap3A_2491] {strides = array<i32>} : memref<512xf32, #tpu.memory_space<vmem>>, vector<16xf32>,
    tpu.vector_store %arg10[%swap3A_2491], %add3A_2490 {strides = array<i32>} : memref<512xf32, #tpu.memory_space<vmem>>, vector<16xf32>,
    %add3A_2493 = arith.constant 256 : i32
    %add3A_2494 = arith.addi %mul3A_6, %add3A_2493 : i32
    %dma_start3A_2495 = arith.constant 0 : i32
    %dma_start3A_2496 = tpu.memref_slice %arg2[%dma_start3A_2495, %add3A_2494] : memref<200x16384xi32, #tpu.memory_space<hbm>> -> memref<200x128xi32, #tpu.memory_space<hbm>>
    %dma_start3A_2497 = arith.constant 0 : i32
    %dma_start3A_2498 = tpu.memref_slice %arg2[%dma_start3A_2497, %add3A_2494] : memref<200x16384xi32, #tpu.memory_space<hbm>> -> memref<200x128xi32, #tpu.memory_space<hbm>>
    tpu.enqueue_dma source(%dma_start3A_2498 : memref<200x128xi32, #tpu.memory_space<hbm>>) target(%arg7 : memref<200x128xi32, #tpu.memory_space<vmem>>) target_semaphore(%arg17 : memref<!tpu.dma_semaphore, #tpu.memory_space<semaphore_mem>>)
    %add3A_2499 = arith.constant 128 : i32
    %add3A_2500 = arith.addi %mul3A_6, %add3A_2499 : i32
    %dma_wait3A_2501 = arith.constant 0 : i32
    %dma_wait3A_2502 = tpu.memref_slice %arg2[%dma_wait3A_2501, %add3A_2500] : memref<200x16384xi32, #tpu.memory_space<hbm>> -> memref<200x128xi32, #tpu.memory_space<hbm>>
    %dma_wait3A_2503 = arith.constant 0 : i32
    %dma_wait3A_2504 = tpu.memref_slice %arg2[%dma_wait3A_2503, %add3A_2500] : memref<200x16384xi32, #tpu.memory_space<hbm>> -> memref<200x128xi32, #tpu.memory_space<hbm>>
    tpu.wait_dma2 semaphore(%arg18 : memref<!tpu.dma_semaphore, #tpu.memory_space<semaphore_mem>>) src(%dma_wait3A_2504 : memref<200x128xi32, #tpu.memory_space<hbm>>) dst(%arg8 : memref<200x128xi32, #tpu.memory_space<vmem>>)
    %scan3A_2505 = arith.constant 0 : i32
    %scan3A_2506 = arith.constant 100 : i32
    %scan3A_2507 = arith.addi %scan3A_2505, %scan3A_2506 : i32
    %scan3A_2508 = arith.constant 2 : i32
    %scan3A_2509:8 = scf.for %scan3A_2613 = %scan3A_2505 to %scan3A_2507 step %scan3A_2508 iter_args(%scan3A_2614 = %broadcast_in_dim3A_4, %scan3A_2615 = %broadcast_in_dim3A_4, %scan3A_2616 = %broadcast_in_dim3A_4, %scan3A_2617 = %broadcast_in_dim3A_4, %scan3A_2618 = %broadcast_in_dim3A_4, %scan3A_2619 = %broadcast_in_dim3A_4, %scan3A_2620 = %broadcast_in_dim3A_4, %scan3A_2621 = %broadcast_in_dim3A_4) -> (vector<16xf32>, vector<16xf32>, vector<16xf32>, vector<16xf32>, vector<16xf32>, vector<16xf32>, vector<16xf32>, vector<16xf32>)  : i32 {
      %mul3A_2622 = arith.constant 2 : i32
      %mul3A_2623 = arith.muli %scan3A_2613, %mul3A_2622 : i32
      %get3A_2624 = arith.index_cast %mul3A_2623 : i32 to index
      %get3A_2625 = arith.constant 0 : index
      %get3A_2626 = tpu.vector_load %arg8[%get3A_2624, %get3A_2625] {strides = array<i32>} : memref<200x128xi32, #tpu.memory_space<vmem>>, vector<16xi32>,
      %max3A = arith.constant 0 : i32
      %max3A_2627 = vector.broadcast %max3A : i32 to vector<16xi32>
      %max3A_2628 = arith.maxsi %get3A_2626, %max3A_2627 : vector<16xi32>
      %min3A = arith.constant 999 : i32
      %min3A_2629 = vector.broadcast %min3A : i32 to vector<16xi32>
      %min3A_2630 = arith.minsi %max3A_2628, %min3A_2629 : vector<16xi32>
      %gather3A_2631 = tpu.vector_load_idx %arg9[%min3A_2630] : memref<1024xf32, #tpu.memory_space<vmem>>[vector<16xi32>], vector<16xf32>,
      %add3A_2632 = arith.addf %scan3A_2614, %gather3A_2631 : vector<16xf32>
      %get3A_2633 = arith.index_cast %mul3A_2623 : i32 to index
      %get3A_2634 = arith.constant 16 : index
      %get3A_2635 = tpu.vector_load %arg8[%get3A_2633, %get3A_2634] {strides = array<i32>} : memref<200x128xi32, #tpu.memory_space<vmem>>, vector<16xi32>,
      %max3A_2636 = arith.constant 0 : i32
      %max3A_2637 = vector.broadcast %max3A_2636 : i32 to vector<16xi32>
      %max3A_2638 = arith.maxsi %get3A_2635, %max3A_2637 : vector<16xi32>
      %min3A_2639 = arith.constant 999 : i32
      %min3A_2640 = vector.broadcast %min3A_2639 : i32 to vector<16xi32>
      %min3A_2641 = arith.minsi %max3A_2638, %min3A_2640 : vector<16xi32>
      %gather3A_2642 = tpu.vector_load_idx %arg9[%min3A_2641] : memref<1024xf32, #tpu.memory_space<vmem>>[vector<16xi32>], vector<16xf32>,
      %add3A_2643 = arith.addf %scan3A_2615, %gather3A_2642 : vector<16xf32>
      %get3A_2644 = arith.index_cast %mul3A_2623 : i32 to index
      %get3A_2645 = arith.constant 32 : index
      %get3A_2646 = tpu.vector_load %arg8[%get3A_2644, %get3A_2645] {strides = array<i32>} : memref<200x128xi32, #tpu.memory_space<vmem>>, vector<16xi32>,
      %max3A_2647 = arith.constant 0 : i32
      %max3A_2648 = vector.broadcast %max3A_2647 : i32 to vector<16xi32>
      %max3A_2649 = arith.maxsi %get3A_2646, %max3A_2648 : vector<16xi32>
      %min3A_2650 = arith.constant 999 : i32
      %min3A_2651 = vector.broadcast %min3A_2650 : i32 to vector<16xi32>
      %min3A_2652 = arith.minsi %max3A_2649, %min3A_2651 : vector<16xi32>
      %gather3A_2653 = tpu.vector_load_idx %arg9[%min3A_2652] : memref<1024xf32, #tpu.memory_space<vmem>>[vector<16xi32>], vector<16xf32>,
      %add3A_2654 = arith.addf %scan3A_2616, %gather3A_2653 : vector<16xf32>
      %get3A_2655 = arith.index_cast %mul3A_2623 : i32 to index
      %get3A_2656 = arith.constant 48 : index
      %get3A_2657 = tpu.vector_load %arg8[%get3A_2655, %get3A_2656] {strides = array<i32>} : memref<200x128xi32, #tpu.memory_space<vmem>>, vector<16xi32>,
      %max3A_2658 = arith.constant 0 : i32
      %max3A_2659 = vector.broadcast %max3A_2658 : i32 to vector<16xi32>
      %max3A_2660 = arith.maxsi %get3A_2657, %max3A_2659 : vector<16xi32>
      %min3A_2661 = arith.constant 999 : i32
      %min3A_2662 = vector.broadcast %min3A_2661 : i32 to vector<16xi32>
      %min3A_2663 = arith.minsi %max3A_2660, %min3A_2662 : vector<16xi32>
      %gather3A_2664 = tpu.vector_load_idx %arg9[%min3A_2663] : memref<1024xf32, #tpu.memory_space<vmem>>[vector<16xi32>], vector<16xf32>,
      %add3A_2665 = arith.addf %scan3A_2617, %gather3A_2664 : vector<16xf32>
      %get3A_2666 = arith.index_cast %mul3A_2623 : i32 to index
      %get3A_2667 = arith.constant 64 : index
      %get3A_2668 = tpu.vector_load %arg8[%get3A_2666, %get3A_2667] {strides = array<i32>} : memref<200x128xi32, #tpu.memory_space<vmem>>, vector<16xi32>,
      %max3A_2669 = arith.constant 0 : i32
      %max3A_2670 = vector.broadcast %max3A_2669 : i32 to vector<16xi32>
      %max3A_2671 = arith.maxsi %get3A_2668, %max3A_2670 : vector<16xi32>
      %min3A_2672 = arith.constant 999 : i32
      %min3A_2673 = vector.broadcast %min3A_2672 : i32 to vector<16xi32>
      %min3A_2674 = arith.minsi %max3A_2671, %min3A_2673 : vector<16xi32>
      %gather3A_2675 = tpu.vector_load_idx %arg9[%min3A_2674] : memref<1024xf32, #tpu.memory_space<vmem>>[vector<16xi32>], vector<16xf32>,
      %add3A_2676 = arith.addf %scan3A_2618, %gather3A_2675 : vector<16xf32>
      %get3A_2677 = arith.index_cast %mul3A_2623 : i32 to index
      %get3A_2678 = arith.constant 80 : index
      %get3A_2679 = tpu.vector_load %arg8[%get3A_2677, %get3A_2678] {strides = array<i32>} : memref<200x128xi32, #tpu.memory_space<vmem>>, vector<16xi32>,
      %max3A_2680 = arith.constant 0 : i32
      %max3A_2681 = vector.broadcast %max3A_2680 : i32 to vector<16xi32>
      %max3A_2682 = arith.maxsi %get3A_2679, %max3A_2681 : vector<16xi32>
      %min3A_2683 = arith.constant 999 : i32
      %min3A_2684 = vector.broadcast %min3A_2683 : i32 to vector<16xi32>
      %min3A_2685 = arith.minsi %max3A_2682, %min3A_2684 : vector<16xi32>
      %gather3A_2686 = tpu.vector_load_idx %arg9[%min3A_2685] : memref<1024xf32, #tpu.memory_space<vmem>>[vector<16xi32>], vector<16xf32>,
      %add3A_2687 = arith.addf %scan3A_2619, %gather3A_2686 : vector<16xf32>
      %get3A_2688 = arith.index_cast %mul3A_2623 : i32 to index
      %get3A_2689 = arith.constant 96 : index
      %get3A_2690 = tpu.vector_load %arg8[%get3A_2688, %get3A_2689] {strides = array<i32>} : memref<200x128xi32, #tpu.memory_space<vmem>>, vector<16xi32>,
      %max3A_2691 = arith.constant 0 : i32
      %max3A_2692 = vector.broadcast %max3A_2691 : i32 to vector<16xi32>
      %max3A_2693 = arith.maxsi %get3A_2690, %max3A_2692 : vector<16xi32>
      %min3A_2694 = arith.constant 999 : i32
      %min3A_2695 = vector.broadcast %min3A_2694 : i32 to vector<16xi32>
      %min3A_2696 = arith.minsi %max3A_2693, %min3A_2695 : vector<16xi32>
      %gather3A_2697 = tpu.vector_load_idx %arg9[%min3A_2696] : memref<1024xf32, #tpu.memory_space<vmem>>[vector<16xi32>], vector<16xf32>,
      %add3A_2698 = arith.addf %scan3A_2620, %gather3A_2697 : vector<16xf32>
      %get3A_2699 = arith.index_cast %mul3A_2623 : i32 to index
      %get3A_2700 = arith.constant 112 : index
      %get3A_2701 = tpu.vector_load %arg8[%get3A_2699, %get3A_2700] {strides = array<i32>} : memref<200x128xi32, #tpu.memory_space<vmem>>, vector<16xi32>,
      %max3A_2702 = arith.constant 0 : i32
      %max3A_2703 = vector.broadcast %max3A_2702 : i32 to vector<16xi32>
      %max3A_2704 = arith.maxsi %get3A_2701, %max3A_2703 : vector<16xi32>
      %min3A_2705 = arith.constant 999 : i32
      %min3A_2706 = vector.broadcast %min3A_2705 : i32 to vector<16xi32>
      %min3A_2707 = arith.minsi %max3A_2704, %min3A_2706 : vector<16xi32>
      %gather3A_2708 = tpu.vector_load_idx %arg9[%min3A_2707] : memref<1024xf32, #tpu.memory_space<vmem>>[vector<16xi32>], vector<16xf32>,
      %add3A_2709 = arith.addf %scan3A_2621, %gather3A_2708 : vector<16xf32>
      %add3A_2710 = arith.constant 1 : i32
      %add3A_2711 = arith.addi %mul3A_2623, %add3A_2710 : i32
      %get3A_2712 = arith.index_cast %add3A_2711 : i32 to index
      %get3A_2713 = arith.constant 0 : index
      %get3A_2714 = tpu.vector_load %arg8[%get3A_2712, %get3A_2713] {strides = array<i32>} : memref<200x128xi32, #tpu.memory_space<vmem>>, vector<16xi32>,
      %max3A_2715 = arith.constant 0 : i32
      %max3A_2716 = vector.broadcast %max3A_2715 : i32 to vector<16xi32>
      %max3A_2717 = arith.maxsi %get3A_2714, %max3A_2716 : vector<16xi32>
      %min3A_2718 = arith.constant 999 : i32
      %min3A_2719 = vector.broadcast %min3A_2718 : i32 to vector<16xi32>
      %min3A_2720 = arith.minsi %max3A_2717, %min3A_2719 : vector<16xi32>
      %gather3A_2721 = tpu.vector_load_idx %arg9[%min3A_2720] : memref<1024xf32, #tpu.memory_space<vmem>>[vector<16xi32>], vector<16xf32>,
      %add3A_2722 = arith.addf %add3A_2632, %gather3A_2721 : vector<16xf32>
      %add3A_2723 = arith.constant 1 : i32
      %add3A_2724 = arith.addi %mul3A_2623, %add3A_2723 : i32
      %get3A_2725 = arith.index_cast %add3A_2724 : i32 to index
      %get3A_2726 = arith.constant 16 : index
      %get3A_2727 = tpu.vector_load %arg8[%get3A_2725, %get3A_2726] {strides = array<i32>} : memref<200x128xi32, #tpu.memory_space<vmem>>, vector<16xi32>,
      %max3A_2728 = arith.constant 0 : i32
      %max3A_2729 = vector.broadcast %max3A_2728 : i32 to vector<16xi32>
      %max3A_2730 = arith.maxsi %get3A_2727, %max3A_2729 : vector<16xi32>
      %min3A_2731 = arith.constant 999 : i32
      %min3A_2732 = vector.broadcast %min3A_2731 : i32 to vector<16xi32>
      %min3A_2733 = arith.minsi %max3A_2730, %min3A_2732 : vector<16xi32>
      %gather3A_2734 = tpu.vector_load_idx %arg9[%min3A_2733] : memref<1024xf32, #tpu.memory_space<vmem>>[vector<16xi32>], vector<16xf32>,
      %add3A_2735 = arith.addf %add3A_2643, %gather3A_2734 : vector<16xf32>
      %add3A_2736 = arith.constant 1 : i32
      %add3A_2737 = arith.addi %mul3A_2623, %add3A_2736 : i32
      %get3A_2738 = arith.index_cast %add3A_2737 : i32 to index
      %get3A_2739 = arith.constant 32 : index
      %get3A_2740 = tpu.vector_load %arg8[%get3A_2738, %get3A_2739] {strides = array<i32>} : memref<200x128xi32, #tpu.memory_space<vmem>>, vector<16xi32>,
      %max3A_2741 = arith.constant 0 : i32
      %max3A_2742 = vector.broadcast %max3A_2741 : i32 to vector<16xi32>
      %max3A_2743 = arith.maxsi %get3A_2740, %max3A_2742 : vector<16xi32>
      %min3A_2744 = arith.constant 999 : i32
      %min3A_2745 = vector.broadcast %min3A_2744 : i32 to vector<16xi32>
      %min3A_2746 = arith.minsi %max3A_2743, %min3A_2745 : vector<16xi32>
      %gather3A_2747 = tpu.vector_load_idx %arg9[%min3A_2746] : memref<1024xf32, #tpu.memory_space<vmem>>[vector<16xi32>], vector<16xf32>,
      %add3A_2748 = arith.addf %add3A_2654, %gather3A_2747 : vector<16xf32>
      %add3A_2749 = arith.constant 1 : i32
      %add3A_2750 = arith.addi %mul3A_2623, %add3A_2749 : i32
      %get3A_2751 = arith.index_cast %add3A_2750 : i32 to index
      %get3A_2752 = arith.constant 48 : index
      %get3A_2753 = tpu.vector_load %arg8[%get3A_2751, %get3A_2752] {strides = array<i32>} : memref<200x128xi32, #tpu.memory_space<vmem>>, vector<16xi32>,
      %max3A_2754 = arith.constant 0 : i32
      %max3A_2755 = vector.broadcast %max3A_2754 : i32 to vector<16xi32>
      %max3A_2756 = arith.maxsi %get3A_2753, %max3A_2755 : vector<16xi32>
      %min3A_2757 = arith.constant 999 : i32
      %min3A_2758 = vector.broadcast %min3A_2757 : i32 to vector<16xi32>
      %min3A_2759 = arith.minsi %max3A_2756, %min3A_2758 : vector<16xi32>
      %gather3A_2760 = tpu.vector_load_idx %arg9[%min3A_2759] : memref<1024xf32, #tpu.memory_space<vmem>>[vector<16xi32>], vector<16xf32>,
      %add3A_2761 = arith.addf %add3A_2665, %gather3A_2760 : vector<16xf32>
      %add3A_2762 = arith.constant 1 : i32
      %add3A_2763 = arith.addi %mul3A_2623, %add3A_2762 : i32
      %get3A_2764 = arith.index_cast %add3A_2763 : i32 to index
      %get3A_2765 = arith.constant 64 : index
      %get3A_2766 = tpu.vector_load %arg8[%get3A_2764, %get3A_2765] {strides = array<i32>} : memref<200x128xi32, #tpu.memory_space<vmem>>, vector<16xi32>,
      %max3A_2767 = arith.constant 0 : i32
      %max3A_2768 = vector.broadcast %max3A_2767 : i32 to vector<16xi32>
      %max3A_2769 = arith.maxsi %get3A_2766, %max3A_2768 : vector<16xi32>
      %min3A_2770 = arith.constant 999 : i32
      %min3A_2771 = vector.broadcast %min3A_2770 : i32 to vector<16xi32>
      %min3A_2772 = arith.minsi %max3A_2769, %min3A_2771 : vector<16xi32>
      %gather3A_2773 = tpu.vector_load_idx %arg9[%min3A_2772] : memref<1024xf32, #tpu.memory_space<vmem>>[vector<16xi32>], vector<16xf32>,
      %add3A_2774 = arith.addf %add3A_2676, %gather3A_2773 : vector<16xf32>
      %add3A_2775 = arith.constant 1 : i32
      %add3A_2776 = arith.addi %mul3A_2623, %add3A_2775 : i32
      %get3A_2777 = arith.index_cast %add3A_2776 : i32 to index
      %get3A_2778 = arith.constant 80 : index
      %get3A_2779 = tpu.vector_load %arg8[%get3A_2777, %get3A_2778] {strides = array<i32>} : memref<200x128xi32, #tpu.memory_space<vmem>>, vector<16xi32>,
      %max3A_2780 = arith.constant 0 : i32
      %max3A_2781 = vector.broadcast %max3A_2780 : i32 to vector<16xi32>
      %max3A_2782 = arith.maxsi %get3A_2779, %max3A_2781 : vector<16xi32>
      %min3A_2783 = arith.constant 999 : i32
      %min3A_2784 = vector.broadcast %min3A_2783 : i32 to vector<16xi32>
      %min3A_2785 = arith.minsi %max3A_2782, %min3A_2784 : vector<16xi32>
      %gather3A_2786 = tpu.vector_load_idx %arg9[%min3A_2785] : memref<1024xf32, #tpu.memory_space<vmem>>[vector<16xi32>], vector<16xf32>,
      %add3A_2787 = arith.addf %add3A_2687, %gather3A_2786 : vector<16xf32>
      %add3A_2788 = arith.constant 1 : i32
      %add3A_2789 = arith.addi %mul3A_2623, %add3A_2788 : i32
      %get3A_2790 = arith.index_cast %add3A_2789 : i32 to index
      %get3A_2791 = arith.constant 96 : index
      %get3A_2792 = tpu.vector_load %arg8[%get3A_2790, %get3A_2791] {strides = array<i32>} : memref<200x128xi32, #tpu.memory_space<vmem>>, vector<16xi32>,
      %max3A_2793 = arith.constant 0 : i32
      %max3A_2794 = vector.broadcast %max3A_2793 : i32 to vector<16xi32>
      %max3A_2795 = arith.maxsi %get3A_2792, %max3A_2794 : vector<16xi32>
      %min3A_2796 = arith.constant 999 : i32
      %min3A_2797 = vector.broadcast %min3A_2796 : i32 to vector<16xi32>
      %min3A_2798 = arith.minsi %max3A_2795, %min3A_2797 : vector<16xi32>
      %gather3A_2799 = tpu.vector_load_idx %arg9[%min3A_2798] : memref<1024xf32, #tpu.memory_space<vmem>>[vector<16xi32>], vector<16xf32>,
      %add3A_2800 = arith.addf %add3A_2698, %gather3A_2799 : vector<16xf32>
      %add3A_2801 = arith.constant 1 : i32
      %add3A_2802 = arith.addi %mul3A_2623, %add3A_2801 : i32
      %get3A_2803 = arith.index_cast %add3A_2802 : i32 to index
      %get3A_2804 = arith.constant 112 : index
      %get3A_2805 = tpu.vector_load %arg8[%get3A_2803, %get3A_2804] {strides = array<i32>} : memref<200x128xi32, #tpu.memory_space<vmem>>, vector<16xi32>,
      %max3A_2806 = arith.constant 0 : i32
      %max3A_2807 = vector.broadcast %max3A_2806 : i32 to vector<16xi32>
      %max3A_2808 = arith.maxsi %get3A_2805, %max3A_2807 : vector<16xi32>
      %min3A_2809 = arith.constant 999 : i32
      %min3A_2810 = vector.broadcast %min3A_2809 : i32 to vector<16xi32>
      %min3A_2811 = arith.minsi %max3A_2808, %min3A_2810 : vector<16xi32>
      %gather3A_2812 = tpu.vector_load_idx %arg9[%min3A_2811] : memref<1024xf32, #tpu.memory_space<vmem>>[vector<16xi32>], vector<16xf32>,
      %add3A_2813 = arith.addf %add3A_2709, %gather3A_2812 : vector<16xf32>
      %scan3A_2814 = arith.constant 1 : i32
      %scan3A_2815 = arith.addi %scan3A_2613, %scan3A_2814 : i32
      %mul3A_2816 = arith.constant 2 : i32
      %mul3A_2817 = arith.muli %scan3A_2815, %mul3A_2816 : i32
      %get3A_2818 = arith.index_cast %mul3A_2817 : i32 to index
      %get3A_2819 = arith.constant 0 : index
      %get3A_2820 = tpu.vector_load %arg8[%get3A_2818, %get3A_2819] {strides = array<i32>} : memref<200x128xi32, #tpu.memory_space<vmem>>, vector<16xi32>,
      %max3A_2821 = arith.constant 0 : i32
      %max3A_2822 = vector.broadcast %max3A_2821 : i32 to vector<16xi32>
      %max3A_2823 = arith.maxsi %get3A_2820, %max3A_2822 : vector<16xi32>
      %min3A_2824 = arith.constant 999 : i32
      %min3A_2825 = vector.broadcast %min3A_2824 : i32 to vector<16xi32>
      %min3A_2826 = arith.minsi %max3A_2823, %min3A_2825 : vector<16xi32>
      %gather3A_2827 = tpu.vector_load_idx %arg9[%min3A_2826] : memref<1024xf32, #tpu.memory_space<vmem>>[vector<16xi32>], vector<16xf32>,
      %add3A_2828 = arith.addf %add3A_2722, %gather3A_2827 : vector<16xf32>
      %get3A_2829 = arith.index_cast %mul3A_2817 : i32 to index
      %get3A_2830 = arith.constant 16 : index
      %get3A_2831 = tpu.vector_load %arg8[%get3A_2829, %get3A_2830] {strides = array<i32>} : memref<200x128xi32, #tpu.memory_space<vmem>>, vector<16xi32>,
      %max3A_2832 = arith.constant 0 : i32
      %max3A_2833 = vector.broadcast %max3A_2832 : i32 to vector<16xi32>
      %max3A_2834 = arith.maxsi %get3A_2831, %max3A_2833 : vector<16xi32>
      %min3A_2835 = arith.constant 999 : i32
      %min3A_2836 = vector.broadcast %min3A_2835 : i32 to vector<16xi32>
      %min3A_2837 = arith.minsi %max3A_2834, %min3A_2836 : vector<16xi32>
      %gather3A_2838 = tpu.vector_load_idx %arg9[%min3A_2837] : memref<1024xf32, #tpu.memory_space<vmem>>[vector<16xi32>], vector<16xf32>,
      %add3A_2839 = arith.addf %add3A_2735, %gather3A_2838 : vector<16xf32>
      %get3A_2840 = arith.index_cast %mul3A_2817 : i32 to index
      %get3A_2841 = arith.constant 32 : index
      %get3A_2842 = tpu.vector_load %arg8[%get3A_2840, %get3A_2841] {strides = array<i32>} : memref<200x128xi32, #tpu.memory_space<vmem>>, vector<16xi32>,
      %max3A_2843 = arith.constant 0 : i32
      %max3A_2844 = vector.broadcast %max3A_2843 : i32 to vector<16xi32>
      %max3A_2845 = arith.maxsi %get3A_2842, %max3A_2844 : vector<16xi32>
      %min3A_2846 = arith.constant 999 : i32
      %min3A_2847 = vector.broadcast %min3A_2846 : i32 to vector<16xi32>
      %min3A_2848 = arith.minsi %max3A_2845, %min3A_2847 : vector<16xi32>
      %gather3A_2849 = tpu.vector_load_idx %arg9[%min3A_2848] : memref<1024xf32, #tpu.memory_space<vmem>>[vector<16xi32>], vector<16xf32>,
      %add3A_2850 = arith.addf %add3A_2748, %gather3A_2849 : vector<16xf32>
      %get3A_2851 = arith.index_cast %mul3A_2817 : i32 to index
      %get3A_2852 = arith.constant 48 : index
      %get3A_2853 = tpu.vector_load %arg8[%get3A_2851, %get3A_2852] {strides = array<i32>} : memref<200x128xi32, #tpu.memory_space<vmem>>, vector<16xi32>,
      %max3A_2854 = arith.constant 0 : i32
      %max3A_2855 = vector.broadcast %max3A_2854 : i32 to vector<16xi32>
      %max3A_2856 = arith.maxsi %get3A_2853, %max3A_2855 : vector<16xi32>
      %min3A_2857 = arith.constant 999 : i32
      %min3A_2858 = vector.broadcast %min3A_2857 : i32 to vector<16xi32>
      %min3A_2859 = arith.minsi %max3A_2856, %min3A_2858 : vector<16xi32>
      %gather3A_2860 = tpu.vector_load_idx %arg9[%min3A_2859] : memref<1024xf32, #tpu.memory_space<vmem>>[vector<16xi32>], vector<16xf32>,
      %add3A_2861 = arith.addf %add3A_2761, %gather3A_2860 : vector<16xf32>
      %get3A_2862 = arith.index_cast %mul3A_2817 : i32 to index
      %get3A_2863 = arith.constant 64 : index
      %get3A_2864 = tpu.vector_load %arg8[%get3A_2862, %get3A_2863] {strides = array<i32>} : memref<200x128xi32, #tpu.memory_space<vmem>>, vector<16xi32>,
      %max3A_2865 = arith.constant 0 : i32
      %max3A_2866 = vector.broadcast %max3A_2865 : i32 to vector<16xi32>
      %max3A_2867 = arith.maxsi %get3A_2864, %max3A_2866 : vector<16xi32>
      %min3A_2868 = arith.constant 999 : i32
      %min3A_2869 = vector.broadcast %min3A_2868 : i32 to vector<16xi32>
      %min3A_2870 = arith.minsi %max3A_2867, %min3A_2869 : vector<16xi32>
      %gather3A_2871 = tpu.vector_load_idx %arg9[%min3A_2870] : memref<1024xf32, #tpu.memory_space<vmem>>[vector<16xi32>], vector<16xf32>,
      %add3A_2872 = arith.addf %add3A_2774, %gather3A_2871 : vector<16xf32>
      %get3A_2873 = arith.index_cast %mul3A_2817 : i32 to index
      %get3A_2874 = arith.constant 80 : index
      %get3A_2875 = tpu.vector_load %arg8[%get3A_2873, %get3A_2874] {strides = array<i32>} : memref<200x128xi32, #tpu.memory_space<vmem>>, vector<16xi32>,
      %max3A_2876 = arith.constant 0 : i32
      %max3A_2877 = vector.broadcast %max3A_2876 : i32 to vector<16xi32>
      %max3A_2878 = arith.maxsi %get3A_2875, %max3A_2877 : vector<16xi32>
      %min3A_2879 = arith.constant 999 : i32
      %min3A_2880 = vector.broadcast %min3A_2879 : i32 to vector<16xi32>
      %min3A_2881 = arith.minsi %max3A_2878, %min3A_2880 : vector<16xi32>
      %gather3A_2882 = tpu.vector_load_idx %arg9[%min3A_2881] : memref<1024xf32, #tpu.memory_space<vmem>>[vector<16xi32>], vector<16xf32>,
      %add3A_2883 = arith.addf %add3A_2787, %gather3A_2882 : vector<16xf32>
      %get3A_2884 = arith.index_cast %mul3A_2817 : i32 to index
      %get3A_2885 = arith.constant 96 : index
      %get3A_2886 = tpu.vector_load %arg8[%get3A_2884, %get3A_2885] {strides = array<i32>} : memref<200x128xi32, #tpu.memory_space<vmem>>, vector<16xi32>,
      %max3A_2887 = arith.constant 0 : i32
      %max3A_2888 = vector.broadcast %max3A_2887 : i32 to vector<16xi32>
      %max3A_2889 = arith.maxsi %get3A_2886, %max3A_2888 : vector<16xi32>
      %min3A_2890 = arith.constant 999 : i32
      %min3A_2891 = vector.broadcast %min3A_2890 : i32 to vector<16xi32>
      %min3A_2892 = arith.minsi %max3A_2889, %min3A_2891 : vector<16xi32>
      %gather3A_2893 = tpu.vector_load_idx %arg9[%min3A_2892] : memref<1024xf32, #tpu.memory_space<vmem>>[vector<16xi32>], vector<16xf32>,
      %add3A_2894 = arith.addf %add3A_2800, %gather3A_2893 : vector<16xf32>
      %get3A_2895 = arith.index_cast %mul3A_2817 : i32 to index
      %get3A_2896 = arith.constant 112 : index
      %get3A_2897 = tpu.vector_load %arg8[%get3A_2895, %get3A_2896] {strides = array<i32>} : memref<200x128xi32, #tpu.memory_space<vmem>>, vector<16xi32>,
      %max3A_2898 = arith.constant 0 : i32
      %max3A_2899 = vector.broadcast %max3A_2898 : i32 to vector<16xi32>
      %max3A_2900 = arith.maxsi %get3A_2897, %max3A_2899 : vector<16xi32>
      %min3A_2901 = arith.constant 999 : i32
      %min3A_2902 = vector.broadcast %min3A_2901 : i32 to vector<16xi32>
      %min3A_2903 = arith.minsi %max3A_2900, %min3A_2902 : vector<16xi32>
      %gather3A_2904 = tpu.vector_load_idx %arg9[%min3A_2903] : memref<1024xf32, #tpu.memory_space<vmem>>[vector<16xi32>], vector<16xf32>,
      %add3A_2905 = arith.addf %add3A_2813, %gather3A_2904 : vector<16xf32>
      %add3A_2906 = arith.constant 1 : i32
      %add3A_2907 = arith.addi %mul3A_2817, %add3A_2906 : i32
      %get3A_2908 = arith.index_cast %add3A_2907 : i32 to index
      %get3A_2909 = arith.constant 0 : index
      %get3A_2910 = tpu.vector_load %arg8[%get3A_2908, %get3A_2909] {strides = array<i32>} : memref<200x128xi32, #tpu.memory_space<vmem>>, vector<16xi32>,
      %max3A_2911 = arith.constant 0 : i32
      %max3A_2912 = vector.broadcast %max3A_2911 : i32 to vector<16xi32>
      %max3A_2913 = arith.maxsi %get3A_2910, %max3A_2912 : vector<16xi32>
      %min3A_2914 = arith.constant 999 : i32
      %min3A_2915 = vector.broadcast %min3A_2914 : i32 to vector<16xi32>
      %min3A_2916 = arith.minsi %max3A_2913, %min3A_2915 : vector<16xi32>
      %gather3A_2917 = tpu.vector_load_idx %arg9[%min3A_2916] : memref<1024xf32, #tpu.memory_space<vmem>>[vector<16xi32>], vector<16xf32>,
      %add3A_2918 = arith.addf %add3A_2828, %gather3A_2917 : vector<16xf32>
      %add3A_2919 = arith.constant 1 : i32
      %add3A_2920 = arith.addi %mul3A_2817, %add3A_2919 : i32
      %get3A_2921 = arith.index_cast %add3A_2920 : i32 to index
      %get3A_2922 = arith.constant 16 : index
      %get3A_2923 = tpu.vector_load %arg8[%get3A_2921, %get3A_2922] {strides = array<i32>} : memref<200x128xi32, #tpu.memory_space<vmem>>, vector<16xi32>,
      %max3A_2924 = arith.constant 0 : i32
      %max3A_2925 = vector.broadcast %max3A_2924 : i32 to vector<16xi32>
      %max3A_2926 = arith.maxsi %get3A_2923, %max3A_2925 : vector<16xi32>
      %min3A_2927 = arith.constant 999 : i32
      %min3A_2928 = vector.broadcast %min3A_2927 : i32 to vector<16xi32>
      %min3A_2929 = arith.minsi %max3A_2926, %min3A_2928 : vector<16xi32>
      %gather3A_2930 = tpu.vector_load_idx %arg9[%min3A_2929] : memref<1024xf32, #tpu.memory_space<vmem>>[vector<16xi32>], vector<16xf32>,
      %add3A_2931 = arith.addf %add3A_2839, %gather3A_2930 : vector<16xf32>
      %add3A_2932 = arith.constant 1 : i32
      %add3A_2933 = arith.addi %mul3A_2817, %add3A_2932 : i32
      %get3A_2934 = arith.index_cast %add3A_2933 : i32 to index
      %get3A_2935 = arith.constant 32 : index
      %get3A_2936 = tpu.vector_load %arg8[%get3A_2934, %get3A_2935] {strides = array<i32>} : memref<200x128xi32, #tpu.memory_space<vmem>>, vector<16xi32>,
      %max3A_2937 = arith.constant 0 : i32
      %max3A_2938 = vector.broadcast %max3A_2937 : i32 to vector<16xi32>
      %max3A_2939 = arith.maxsi %get3A_2936, %max3A_2938 : vector<16xi32>
      %min3A_2940 = arith.constant 999 : i32
      %min3A_2941 = vector.broadcast %min3A_2940 : i32 to vector<16xi32>
      %min3A_2942 = arith.minsi %max3A_2939, %min3A_2941 : vector<16xi32>
      %gather3A_2943 = tpu.vector_load_idx %arg9[%min3A_2942] : memref<1024xf32, #tpu.memory_space<vmem>>[vector<16xi32>], vector<16xf32>,
      %add3A_2944 = arith.addf %add3A_2850, %gather3A_2943 : vector<16xf32>
      %add3A_2945 = arith.constant 1 : i32
      %add3A_2946 = arith.addi %mul3A_2817, %add3A_2945 : i32
      %get3A_2947 = arith.index_cast %add3A_2946 : i32 to index
      %get3A_2948 = arith.constant 48 : index
      %get3A_2949 = tpu.vector_load %arg8[%get3A_2947, %get3A_2948] {strides = array<i32>} : memref<200x128xi32, #tpu.memory_space<vmem>>, vector<16xi32>,
      %max3A_2950 = arith.constant 0 : i32
      %max3A_2951 = vector.broadcast %max3A_2950 : i32 to vector<16xi32>
      %max3A_2952 = arith.maxsi %get3A_2949, %max3A_2951 : vector<16xi32>
      %min3A_2953 = arith.constant 999 : i32
      %min3A_2954 = vector.broadcast %min3A_2953 : i32 to vector<16xi32>
      %min3A_2955 = arith.minsi %max3A_2952, %min3A_2954 : vector<16xi32>
      %gather3A_2956 = tpu.vector_load_idx %arg9[%min3A_2955] : memref<1024xf32, #tpu.memory_space<vmem>>[vector<16xi32>], vector<16xf32>,
      %add3A_2957 = arith.addf %add3A_2861, %gather3A_2956 : vector<16xf32>
      %add3A_2958 = arith.constant 1 : i32
      %add3A_2959 = arith.addi %mul3A_2817, %add3A_2958 : i32
      %get3A_2960 = arith.index_cast %add3A_2959 : i32 to index
      %get3A_2961 = arith.constant 64 : index
      %get3A_2962 = tpu.vector_load %arg8[%get3A_2960, %get3A_2961] {strides = array<i32>} : memref<200x128xi32, #tpu.memory_space<vmem>>, vector<16xi32>,
      %max3A_2963 = arith.constant 0 : i32
      %max3A_2964 = vector.broadcast %max3A_2963 : i32 to vector<16xi32>
      %max3A_2965 = arith.maxsi %get3A_2962, %max3A_2964 : vector<16xi32>
      %min3A_2966 = arith.constant 999 : i32
      %min3A_2967 = vector.broadcast %min3A_2966 : i32 to vector<16xi32>
      %min3A_2968 = arith.minsi %max3A_2965, %min3A_2967 : vector<16xi32>
      %gather3A_2969 = tpu.vector_load_idx %arg9[%min3A_2968] : memref<1024xf32, #tpu.memory_space<vmem>>[vector<16xi32>], vector<16xf32>,
      %add3A_2970 = arith.addf %add3A_2872, %gather3A_2969 : vector<16xf32>
      %add3A_2971 = arith.constant 1 : i32
      %add3A_2972 = arith.addi %mul3A_2817, %add3A_2971 : i32
      %get3A_2973 = arith.index_cast %add3A_2972 : i32 to index
      %get3A_2974 = arith.constant 80 : index
      %get3A_2975 = tpu.vector_load %arg8[%get3A_2973, %get3A_2974] {strides = array<i32>} : memref<200x128xi32, #tpu.memory_space<vmem>>, vector<16xi32>,
      %max3A_2976 = arith.constant 0 : i32
      %max3A_2977 = vector.broadcast %max3A_2976 : i32 to vector<16xi32>
      %max3A_2978 = arith.maxsi %get3A_2975, %max3A_2977 : vector<16xi32>
      %min3A_2979 = arith.constant 999 : i32
      %min3A_2980 = vector.broadcast %min3A_2979 : i32 to vector<16xi32>
      %min3A_2981 = arith.minsi %max3A_2978, %min3A_2980 : vector<16xi32>
      %gather3A_2982 = tpu.vector_load_idx %arg9[%min3A_2981] : memref<1024xf32, #tpu.memory_space<vmem>>[vector<16xi32>], vector<16xf32>,
      %add3A_2983 = arith.addf %add3A_2883, %gather3A_2982 : vector<16xf32>
      %add3A_2984 = arith.constant 1 : i32
      %add3A_2985 = arith.addi %mul3A_2817, %add3A_2984 : i32
      %get3A_2986 = arith.index_cast %add3A_2985 : i32 to index
      %get3A_2987 = arith.constant 96 : index
      %get3A_2988 = tpu.vector_load %arg8[%get3A_2986, %get3A_2987] {strides = array<i32>} : memref<200x128xi32, #tpu.memory_space<vmem>>, vector<16xi32>,
      %max3A_2989 = arith.constant 0 : i32
      %max3A_2990 = vector.broadcast %max3A_2989 : i32 to vector<16xi32>
      %max3A_2991 = arith.maxsi %get3A_2988, %max3A_2990 : vector<16xi32>
      %min3A_2992 = arith.constant 999 : i32
      %min3A_2993 = vector.broadcast %min3A_2992 : i32 to vector<16xi32>
      %min3A_2994 = arith.minsi %max3A_2991, %min3A_2993 : vector<16xi32>
      %gather3A_2995 = tpu.vector_load_idx %arg9[%min3A_2994] : memref<1024xf32, #tpu.memory_space<vmem>>[vector<16xi32>], vector<16xf32>,
      %add3A_2996 = arith.addf %add3A_2894, %gather3A_2995 : vector<16xf32>
      %add3A_2997 = arith.constant 1 : i32
      %add3A_2998 = arith.addi %mul3A_2817, %add3A_2997 : i32
      %get3A_2999 = arith.index_cast %add3A_2998 : i32 to index
      %get3A_3000 = arith.constant 112 : index
      %get3A_3001 = tpu.vector_load %arg8[%get3A_2999, %get3A_3000] {strides = array<i32>} : memref<200x128xi32, #tpu.memory_space<vmem>>, vector<16xi32>,
      %max3A_3002 = arith.constant 0 : i32
      %max3A_3003 = vector.broadcast %max3A_3002 : i32 to vector<16xi32>
      %max3A_3004 = arith.maxsi %get3A_3001, %max3A_3003 : vector<16xi32>
      %min3A_3005 = arith.constant 999 : i32
      %min3A_3006 = vector.broadcast %min3A_3005 : i32 to vector<16xi32>
      %min3A_3007 = arith.minsi %max3A_3004, %min3A_3006 : vector<16xi32>
      %gather3A_3008 = tpu.vector_load_idx %arg9[%min3A_3007] : memref<1024xf32, #tpu.memory_space<vmem>>[vector<16xi32>], vector<16xf32>,
      %add3A_3009 = arith.addf %add3A_2905, %gather3A_3008 : vector<16xf32>
      scf.yield %add3A_2918, %add3A_2931, %add3A_2944, %add3A_2957, %add3A_2970, %add3A_2983, %add3A_2996, %add3A_3009 : vector<16xf32>, vector<16xf32>, vector<16xf32>, vector<16xf32>, vector<16xf32>, vector<16xf32>, vector<16xf32>, vector<16xf32>
    }
    %scan3A_2510 = arith.constant 100 : i32
    %add3A_2511 = arith.addf %scan3A_2509#0, %get3A_7 : vector<16xf32>
    %swap3A_2512 = arith.constant 128 : index
    %swap3A_2513 = tpu.vector_load %arg10[%swap3A_2512] {strides = array<i32>} : memref<512xf32, #tpu.memory_space<vmem>>, vector<16xf32>,
    tpu.vector_store %arg10[%swap3A_2512], %add3A_2511 {strides = array<i32>} : memref<512xf32, #tpu.memory_space<vmem>>, vector<16xf32>,
    %add3A_2514 = arith.addf %scan3A_2509#1, %get3A_7 : vector<16xf32>
    %swap3A_2515 = arith.constant 144 : index
    %swap3A_2516 = tpu.vector_load %arg10[%swap3A_2515] {strides = array<i32>} : memref<512xf32, #tpu.memory_space<vmem>>, vector<16xf32>,
    tpu.vector_store %arg10[%swap3A_2515], %add3A_2514 {strides = array<i32>} : memref<512xf32, #tpu.memory_space<vmem>>, vector<16xf32>,
    %add3A_2517 = arith.addf %scan3A_2509#2, %get3A_7 : vector<16xf32>
    %swap3A_2518 = arith.constant 160 : index
    %swap3A_2519 = tpu.vector_load %arg10[%swap3A_2518] {strides = array<i32>} : memref<512xf32, #tpu.memory_space<vmem>>, vector<16xf32>,
    tpu.vector_store %arg10[%swap3A_2518], %add3A_2517 {strides = array<i32>} : memref<512xf32, #tpu.memory_space<vmem>>, vector<16xf32>,
    %add3A_2520 = arith.addf %scan3A_2509#3, %get3A_7 : vector<16xf32>
    %swap3A_2521 = arith.constant 176 : index
    %swap3A_2522 = tpu.vector_load %arg10[%swap3A_2521] {strides = array<i32>} : memref<512xf32, #tpu.memory_space<vmem>>, vector<16xf32>,
    tpu.vector_store %arg10[%swap3A_2521], %add3A_2520 {strides = array<i32>} : memref<512xf32, #tpu.memory_space<vmem>>, vector<16xf32>,
    %add3A_2523 = arith.addf %scan3A_2509#4, %get3A_7 : vector<16xf32>
    %swap3A_2524 = arith.constant 192 : index
    %swap3A_2525 = tpu.vector_load %arg10[%swap3A_2524] {strides = array<i32>} : memref<512xf32, #tpu.memory_space<vmem>>, vector<16xf32>,
    tpu.vector_store %arg10[%swap3A_2524], %add3A_2523 {strides = array<i32>} : memref<512xf32, #tpu.memory_space<vmem>>, vector<16xf32>,
    %add3A_2526 = arith.addf %scan3A_2509#5, %get3A_7 : vector<16xf32>
    %swap3A_2527 = arith.constant 208 : index
    %swap3A_2528 = tpu.vector_load %arg10[%swap3A_2527] {strides = array<i32>} : memref<512xf32, #tpu.memory_space<vmem>>, vector<16xf32>,
    tpu.vector_store %arg10[%swap3A_2527], %add3A_2526 {strides = array<i32>} : memref<512xf32, #tpu.memory_space<vmem>>, vector<16xf32>,
    %add3A_2529 = arith.addf %scan3A_2509#6, %get3A_7 : vector<16xf32>
    %swap3A_2530 = arith.constant 224 : index
    %swap3A_2531 = tpu.vector_load %arg10[%swap3A_2530] {strides = array<i32>} : memref<512xf32, #tpu.memory_space<vmem>>, vector<16xf32>,
    tpu.vector_store %arg10[%swap3A_2530], %add3A_2529 {strides = array<i32>} : memref<512xf32, #tpu.memory_space<vmem>>, vector<16xf32>,
    %add3A_2532 = arith.addf %scan3A_2509#7, %get3A_7 : vector<16xf32>
    %swap3A_2533 = arith.constant 240 : index
    %swap3A_2534 = tpu.vector_load %arg10[%swap3A_2533] {strides = array<i32>} : memref<512xf32, #tpu.memory_space<vmem>>, vector<16xf32>,
    tpu.vector_store %arg10[%swap3A_2533], %add3A_2532 {strides = array<i32>} : memref<512xf32, #tpu.memory_space<vmem>>, vector<16xf32>,
    %add3A_2535 = arith.constant 384 : i32
    %add3A_2536 = arith.addi %mul3A_6, %add3A_2535 : i32
    %dma_start3A_2537 = arith.constant 0 : i32
    %dma_start3A_2538 = tpu.memref_slice %arg2[%dma_start3A_2537, %add3A_2536] : memref<200x16384xi32, #tpu.memory_space<hbm>> -> memref<200x128xi32, #tpu.memory_space<hbm>>
    %dma_start3A_2539 = arith.constant 0 : i32
    %dma_start3A_2540 = tpu.memref_slice %arg2[%dma_start3A_2539, %add3A_2536] : memref<200x16384xi32, #tpu.memory_space<hbm>> -> memref<200x128xi32, #tpu.memory_space<hbm>>
    tpu.enqueue_dma source(%dma_start3A_2540 : memref<200x128xi32, #tpu.memory_space<hbm>>) target(%arg8 : memref<200x128xi32, #tpu.memory_space<vmem>>) target_semaphore(%arg18 : memref<!tpu.dma_semaphore, #tpu.memory_space<semaphore_mem>>)
    %add3A_2541 = arith.constant 256 : i32
    %add3A_2542 = arith.addi %mul3A_6, %add3A_2541 : i32
    %dma_wait3A_2543 = arith.constant 0 : i32
    %dma_wait3A_2544 = tpu.memref_slice %arg2[%dma_wait3A_2543, %add3A_2542] : memref<200x16384xi32, #tpu.memory_space<hbm>> -> memref<200x128xi32, #tpu.memory_space<hbm>>
    %dma_wait3A_2545 = arith.constant 0 : i32
    %dma_wait3A_2546 = tpu.memref_slice %arg2[%dma_wait3A_2545, %add3A_2542] : memref<200x16384xi32, #tpu.memory_space<hbm>> -> memref<200x128xi32, #tpu.memory_space<hbm>>
    tpu.wait_dma2 semaphore(%arg17 : memref<!tpu.dma_semaphore, #tpu.memory_space<semaphore_mem>>) src(%dma_wait3A_2546 : memref<200x128xi32, #tpu.memory_space<hbm>>) dst(%arg7 : memref<200x128xi32, #tpu.memory_space<vmem>>)
    %scan3A_2547 = arith.constant 0 : i32
    %scan3A_2548 = arith.constant 100 : i32
    %scan3A_2549 = arith.addi %scan3A_2547, %scan3A_2548 : i32
    %scan3A_2550 = arith.constant 2 : i32
    %scan3A_2551:8 = scf.for %scan3A_2613 = %scan3A_2547 to %scan3A_2549 step %scan3A_2550 iter_args(%scan3A_2614 = %broadcast_in_dim3A_4, %scan3A_2615 = %broadcast_in_dim3A_4, %scan3A_2616 = %broadcast_in_dim3A_4, %scan3A_2617 = %broadcast_in_dim3A_4, %scan3A_2618 = %broadcast_in_dim3A_4, %scan3A_2619 = %broadcast_in_dim3A_4, %scan3A_2620 = %broadcast_in_dim3A_4, %scan3A_2621 = %broadcast_in_dim3A_4) -> (vector<16xf32>, vector<16xf32>, vector<16xf32>, vector<16xf32>, vector<16xf32>, vector<16xf32>, vector<16xf32>, vector<16xf32>)  : i32 {
      %mul3A_2622 = arith.constant 2 : i32
      %mul3A_2623 = arith.muli %scan3A_2613, %mul3A_2622 : i32
      %get3A_2624 = arith.index_cast %mul3A_2623 : i32 to index
      %get3A_2625 = arith.constant 0 : index
      %get3A_2626 = tpu.vector_load %arg7[%get3A_2624, %get3A_2625] {strides = array<i32>} : memref<200x128xi32, #tpu.memory_space<vmem>>, vector<16xi32>,
      %max3A = arith.constant 0 : i32
      %max3A_2627 = vector.broadcast %max3A : i32 to vector<16xi32>
      %max3A_2628 = arith.maxsi %get3A_2626, %max3A_2627 : vector<16xi32>
      %min3A = arith.constant 999 : i32
      %min3A_2629 = vector.broadcast %min3A : i32 to vector<16xi32>
      %min3A_2630 = arith.minsi %max3A_2628, %min3A_2629 : vector<16xi32>
      %gather3A_2631 = tpu.vector_load_idx %arg9[%min3A_2630] : memref<1024xf32, #tpu.memory_space<vmem>>[vector<16xi32>], vector<16xf32>,
      %add3A_2632 = arith.addf %scan3A_2614, %gather3A_2631 : vector<16xf32>
      %get3A_2633 = arith.index_cast %mul3A_2623 : i32 to index
      %get3A_2634 = arith.constant 16 : index
      %get3A_2635 = tpu.vector_load %arg7[%get3A_2633, %get3A_2634] {strides = array<i32>} : memref<200x128xi32, #tpu.memory_space<vmem>>, vector<16xi32>,
      %max3A_2636 = arith.constant 0 : i32
      %max3A_2637 = vector.broadcast %max3A_2636 : i32 to vector<16xi32>
      %max3A_2638 = arith.maxsi %get3A_2635, %max3A_2637 : vector<16xi32>
      %min3A_2639 = arith.constant 999 : i32
      %min3A_2640 = vector.broadcast %min3A_2639 : i32 to vector<16xi32>
      %min3A_2641 = arith.minsi %max3A_2638, %min3A_2640 : vector<16xi32>
      %gather3A_2642 = tpu.vector_load_idx %arg9[%min3A_2641] : memref<1024xf32, #tpu.memory_space<vmem>>[vector<16xi32>], vector<16xf32>,
      %add3A_2643 = arith.addf %scan3A_2615, %gather3A_2642 : vector<16xf32>
      %get3A_2644 = arith.index_cast %mul3A_2623 : i32 to index
      %get3A_2645 = arith.constant 32 : index
      %get3A_2646 = tpu.vector_load %arg7[%get3A_2644, %get3A_2645] {strides = array<i32>} : memref<200x128xi32, #tpu.memory_space<vmem>>, vector<16xi32>,
      %max3A_2647 = arith.constant 0 : i32
      %max3A_2648 = vector.broadcast %max3A_2647 : i32 to vector<16xi32>
      %max3A_2649 = arith.maxsi %get3A_2646, %max3A_2648 : vector<16xi32>
      %min3A_2650 = arith.constant 999 : i32
      %min3A_2651 = vector.broadcast %min3A_2650 : i32 to vector<16xi32>
      %min3A_2652 = arith.minsi %max3A_2649, %min3A_2651 : vector<16xi32>
      %gather3A_2653 = tpu.vector_load_idx %arg9[%min3A_2652] : memref<1024xf32, #tpu.memory_space<vmem>>[vector<16xi32>], vector<16xf32>,
      %add3A_2654 = arith.addf %scan3A_2616, %gather3A_2653 : vector<16xf32>
      %get3A_2655 = arith.index_cast %mul3A_2623 : i32 to index
      %get3A_2656 = arith.constant 48 : index
      %get3A_2657 = tpu.vector_load %arg7[%get3A_2655, %get3A_2656] {strides = array<i32>} : memref<200x128xi32, #tpu.memory_space<vmem>>, vector<16xi32>,
      %max3A_2658 = arith.constant 0 : i32
      %max3A_2659 = vector.broadcast %max3A_2658 : i32 to vector<16xi32>
      %max3A_2660 = arith.maxsi %get3A_2657, %max3A_2659 : vector<16xi32>
      %min3A_2661 = arith.constant 999 : i32
      %min3A_2662 = vector.broadcast %min3A_2661 : i32 to vector<16xi32>
      %min3A_2663 = arith.minsi %max3A_2660, %min3A_2662 : vector<16xi32>
      %gather3A_2664 = tpu.vector_load_idx %arg9[%min3A_2663] : memref<1024xf32, #tpu.memory_space<vmem>>[vector<16xi32>], vector<16xf32>,
      %add3A_2665 = arith.addf %scan3A_2617, %gather3A_2664 : vector<16xf32>
      %get3A_2666 = arith.index_cast %mul3A_2623 : i32 to index
      %get3A_2667 = arith.constant 64 : index
      %get3A_2668 = tpu.vector_load %arg7[%get3A_2666, %get3A_2667] {strides = array<i32>} : memref<200x128xi32, #tpu.memory_space<vmem>>, vector<16xi32>,
      %max3A_2669 = arith.constant 0 : i32
      %max3A_2670 = vector.broadcast %max3A_2669 : i32 to vector<16xi32>
      %max3A_2671 = arith.maxsi %get3A_2668, %max3A_2670 : vector<16xi32>
      %min3A_2672 = arith.constant 999 : i32
      %min3A_2673 = vector.broadcast %min3A_2672 : i32 to vector<16xi32>
      %min3A_2674 = arith.minsi %max3A_2671, %min3A_2673 : vector<16xi32>
      %gather3A_2675 = tpu.vector_load_idx %arg9[%min3A_2674] : memref<1024xf32, #tpu.memory_space<vmem>>[vector<16xi32>], vector<16xf32>,
      %add3A_2676 = arith.addf %scan3A_2618, %gather3A_2675 : vector<16xf32>
      %get3A_2677 = arith.index_cast %mul3A_2623 : i32 to index
      %get3A_2678 = arith.constant 80 : index
      %get3A_2679 = tpu.vector_load %arg7[%get3A_2677, %get3A_2678] {strides = array<i32>} : memref<200x128xi32, #tpu.memory_space<vmem>>, vector<16xi32>,
      %max3A_2680 = arith.constant 0 : i32
      %max3A_2681 = vector.broadcast %max3A_2680 : i32 to vector<16xi32>
      %max3A_2682 = arith.maxsi %get3A_2679, %max3A_2681 : vector<16xi32>
      %min3A_2683 = arith.constant 999 : i32
      %min3A_2684 = vector.broadcast %min3A_2683 : i32 to vector<16xi32>
      %min3A_2685 = arith.minsi %max3A_2682, %min3A_2684 : vector<16xi32>
      %gather3A_2686 = tpu.vector_load_idx %arg9[%min3A_2685] : memref<1024xf32, #tpu.memory_space<vmem>>[vector<16xi32>], vector<16xf32>,
      %add3A_2687 = arith.addf %scan3A_2619, %gather3A_2686 : vector<16xf32>
      %get3A_2688 = arith.index_cast %mul3A_2623 : i32 to index
      %get3A_2689 = arith.constant 96 : index
      %get3A_2690 = tpu.vector_load %arg7[%get3A_2688, %get3A_2689] {strides = array<i32>} : memref<200x128xi32, #tpu.memory_space<vmem>>, vector<16xi32>,
      %max3A_2691 = arith.constant 0 : i32
      %max3A_2692 = vector.broadcast %max3A_2691 : i32 to vector<16xi32>
      %max3A_2693 = arith.maxsi %get3A_2690, %max3A_2692 : vector<16xi32>
      %min3A_2694 = arith.constant 999 : i32
      %min3A_2695 = vector.broadcast %min3A_2694 : i32 to vector<16xi32>
      %min3A_2696 = arith.minsi %max3A_2693, %min3A_2695 : vector<16xi32>
      %gather3A_2697 = tpu.vector_load_idx %arg9[%min3A_2696] : memref<1024xf32, #tpu.memory_space<vmem>>[vector<16xi32>], vector<16xf32>,
      %add3A_2698 = arith.addf %scan3A_2620, %gather3A_2697 : vector<16xf32>
      %get3A_2699 = arith.index_cast %mul3A_2623 : i32 to index
      %get3A_2700 = arith.constant 112 : index
      %get3A_2701 = tpu.vector_load %arg7[%get3A_2699, %get3A_2700] {strides = array<i32>} : memref<200x128xi32, #tpu.memory_space<vmem>>, vector<16xi32>,
      %max3A_2702 = arith.constant 0 : i32
      %max3A_2703 = vector.broadcast %max3A_2702 : i32 to vector<16xi32>
      %max3A_2704 = arith.maxsi %get3A_2701, %max3A_2703 : vector<16xi32>
      %min3A_2705 = arith.constant 999 : i32
      %min3A_2706 = vector.broadcast %min3A_2705 : i32 to vector<16xi32>
      %min3A_2707 = arith.minsi %max3A_2704, %min3A_2706 : vector<16xi32>
      %gather3A_2708 = tpu.vector_load_idx %arg9[%min3A_2707] : memref<1024xf32, #tpu.memory_space<vmem>>[vector<16xi32>], vector<16xf32>,
      %add3A_2709 = arith.addf %scan3A_2621, %gather3A_2708 : vector<16xf32>
      %add3A_2710 = arith.constant 1 : i32
      %add3A_2711 = arith.addi %mul3A_2623, %add3A_2710 : i32
      %get3A_2712 = arith.index_cast %add3A_2711 : i32 to index
      %get3A_2713 = arith.constant 0 : index
      %get3A_2714 = tpu.vector_load %arg7[%get3A_2712, %get3A_2713] {strides = array<i32>} : memref<200x128xi32, #tpu.memory_space<vmem>>, vector<16xi32>,
      %max3A_2715 = arith.constant 0 : i32
      %max3A_2716 = vector.broadcast %max3A_2715 : i32 to vector<16xi32>
      %max3A_2717 = arith.maxsi %get3A_2714, %max3A_2716 : vector<16xi32>
      %min3A_2718 = arith.constant 999 : i32
      %min3A_2719 = vector.broadcast %min3A_2718 : i32 to vector<16xi32>
      %min3A_2720 = arith.minsi %max3A_2717, %min3A_2719 : vector<16xi32>
      %gather3A_2721 = tpu.vector_load_idx %arg9[%min3A_2720] : memref<1024xf32, #tpu.memory_space<vmem>>[vector<16xi32>], vector<16xf32>,
      %add3A_2722 = arith.addf %add3A_2632, %gather3A_2721 : vector<16xf32>
      %add3A_2723 = arith.constant 1 : i32
      %add3A_2724 = arith.addi %mul3A_2623, %add3A_2723 : i32
      %get3A_2725 = arith.index_cast %add3A_2724 : i32 to index
      %get3A_2726 = arith.constant 16 : index
      %get3A_2727 = tpu.vector_load %arg7[%get3A_2725, %get3A_2726] {strides = array<i32>} : memref<200x128xi32, #tpu.memory_space<vmem>>, vector<16xi32>,
      %max3A_2728 = arith.constant 0 : i32
      %max3A_2729 = vector.broadcast %max3A_2728 : i32 to vector<16xi32>
      %max3A_2730 = arith.maxsi %get3A_2727, %max3A_2729 : vector<16xi32>
      %min3A_2731 = arith.constant 999 : i32
      %min3A_2732 = vector.broadcast %min3A_2731 : i32 to vector<16xi32>
      %min3A_2733 = arith.minsi %max3A_2730, %min3A_2732 : vector<16xi32>
      %gather3A_2734 = tpu.vector_load_idx %arg9[%min3A_2733] : memref<1024xf32, #tpu.memory_space<vmem>>[vector<16xi32>], vector<16xf32>,
      %add3A_2735 = arith.addf %add3A_2643, %gather3A_2734 : vector<16xf32>
      %add3A_2736 = arith.constant 1 : i32
      %add3A_2737 = arith.addi %mul3A_2623, %add3A_2736 : i32
      %get3A_2738 = arith.index_cast %add3A_2737 : i32 to index
      %get3A_2739 = arith.constant 32 : index
      %get3A_2740 = tpu.vector_load %arg7[%get3A_2738, %get3A_2739] {strides = array<i32>} : memref<200x128xi32, #tpu.memory_space<vmem>>, vector<16xi32>,
      %max3A_2741 = arith.constant 0 : i32
      %max3A_2742 = vector.broadcast %max3A_2741 : i32 to vector<16xi32>
      %max3A_2743 = arith.maxsi %get3A_2740, %max3A_2742 : vector<16xi32>
      %min3A_2744 = arith.constant 999 : i32
      %min3A_2745 = vector.broadcast %min3A_2744 : i32 to vector<16xi32>
      %min3A_2746 = arith.minsi %max3A_2743, %min3A_2745 : vector<16xi32>
      %gather3A_2747 = tpu.vector_load_idx %arg9[%min3A_2746] : memref<1024xf32, #tpu.memory_space<vmem>>[vector<16xi32>], vector<16xf32>,
      %add3A_2748 = arith.addf %add3A_2654, %gather3A_2747 : vector<16xf32>
      %add3A_2749 = arith.constant 1 : i32
      %add3A_2750 = arith.addi %mul3A_2623, %add3A_2749 : i32
      %get3A_2751 = arith.index_cast %add3A_2750 : i32 to index
      %get3A_2752 = arith.constant 48 : index
      %get3A_2753 = tpu.vector_load %arg7[%get3A_2751, %get3A_2752] {strides = array<i32>} : memref<200x128xi32, #tpu.memory_space<vmem>>, vector<16xi32>,
      %max3A_2754 = arith.constant 0 : i32
      %max3A_2755 = vector.broadcast %max3A_2754 : i32 to vector<16xi32>
      %max3A_2756 = arith.maxsi %get3A_2753, %max3A_2755 : vector<16xi32>
      %min3A_2757 = arith.constant 999 : i32
      %min3A_2758 = vector.broadcast %min3A_2757 : i32 to vector<16xi32>
      %min3A_2759 = arith.minsi %max3A_2756, %min3A_2758 : vector<16xi32>
      %gather3A_2760 = tpu.vector_load_idx %arg9[%min3A_2759] : memref<1024xf32, #tpu.memory_space<vmem>>[vector<16xi32>], vector<16xf32>,
      %add3A_2761 = arith.addf %add3A_2665, %gather3A_2760 : vector<16xf32>
      %add3A_2762 = arith.constant 1 : i32
      %add3A_2763 = arith.addi %mul3A_2623, %add3A_2762 : i32
      %get3A_2764 = arith.index_cast %add3A_2763 : i32 to index
      %get3A_2765 = arith.constant 64 : index
      %get3A_2766 = tpu.vector_load %arg7[%get3A_2764, %get3A_2765] {strides = array<i32>} : memref<200x128xi32, #tpu.memory_space<vmem>>, vector<16xi32>,
      %max3A_2767 = arith.constant 0 : i32
      %max3A_2768 = vector.broadcast %max3A_2767 : i32 to vector<16xi32>
      %max3A_2769 = arith.maxsi %get3A_2766, %max3A_2768 : vector<16xi32>
      %min3A_2770 = arith.constant 999 : i32
      %min3A_2771 = vector.broadcast %min3A_2770 : i32 to vector<16xi32>
      %min3A_2772 = arith.minsi %max3A_2769, %min3A_2771 : vector<16xi32>
      %gather3A_2773 = tpu.vector_load_idx %arg9[%min3A_2772] : memref<1024xf32, #tpu.memory_space<vmem>>[vector<16xi32>], vector<16xf32>,
      %add3A_2774 = arith.addf %add3A_2676, %gather3A_2773 : vector<16xf32>
      %add3A_2775 = arith.constant 1 : i32
      %add3A_2776 = arith.addi %mul3A_2623, %add3A_2775 : i32
      %get3A_2777 = arith.index_cast %add3A_2776 : i32 to index
      %get3A_2778 = arith.constant 80 : index
      %get3A_2779 = tpu.vector_load %arg7[%get3A_2777, %get3A_2778] {strides = array<i32>} : memref<200x128xi32, #tpu.memory_space<vmem>>, vector<16xi32>,
      %max3A_2780 = arith.constant 0 : i32
      %max3A_2781 = vector.broadcast %max3A_2780 : i32 to vector<16xi32>
      %max3A_2782 = arith.maxsi %get3A_2779, %max3A_2781 : vector<16xi32>
      %min3A_2783 = arith.constant 999 : i32
      %min3A_2784 = vector.broadcast %min3A_2783 : i32 to vector<16xi32>
      %min3A_2785 = arith.minsi %max3A_2782, %min3A_2784 : vector<16xi32>
      %gather3A_2786 = tpu.vector_load_idx %arg9[%min3A_2785] : memref<1024xf32, #tpu.memory_space<vmem>>[vector<16xi32>], vector<16xf32>,
      %add3A_2787 = arith.addf %add3A_2687, %gather3A_2786 : vector<16xf32>
      %add3A_2788 = arith.constant 1 : i32
      %add3A_2789 = arith.addi %mul3A_2623, %add3A_2788 : i32
      %get3A_2790 = arith.index_cast %add3A_2789 : i32 to index
      %get3A_2791 = arith.constant 96 : index
      %get3A_2792 = tpu.vector_load %arg7[%get3A_2790, %get3A_2791] {strides = array<i32>} : memref<200x128xi32, #tpu.memory_space<vmem>>, vector<16xi32>,
      %max3A_2793 = arith.constant 0 : i32
      %max3A_2794 = vector.broadcast %max3A_2793 : i32 to vector<16xi32>
      %max3A_2795 = arith.maxsi %get3A_2792, %max3A_2794 : vector<16xi32>
      %min3A_2796 = arith.constant 999 : i32
      %min3A_2797 = vector.broadcast %min3A_2796 : i32 to vector<16xi32>
      %min3A_2798 = arith.minsi %max3A_2795, %min3A_2797 : vector<16xi32>
      %gather3A_2799 = tpu.vector_load_idx %arg9[%min3A_2798] : memref<1024xf32, #tpu.memory_space<vmem>>[vector<16xi32>], vector<16xf32>,
      %add3A_2800 = arith.addf %add3A_2698, %gather3A_2799 : vector<16xf32>
      %add3A_2801 = arith.constant 1 : i32
      %add3A_2802 = arith.addi %mul3A_2623, %add3A_2801 : i32
      %get3A_2803 = arith.index_cast %add3A_2802 : i32 to index
      %get3A_2804 = arith.constant 112 : index
      %get3A_2805 = tpu.vector_load %arg7[%get3A_2803, %get3A_2804] {strides = array<i32>} : memref<200x128xi32, #tpu.memory_space<vmem>>, vector<16xi32>,
      %max3A_2806 = arith.constant 0 : i32
      %max3A_2807 = vector.broadcast %max3A_2806 : i32 to vector<16xi32>
      %max3A_2808 = arith.maxsi %get3A_2805, %max3A_2807 : vector<16xi32>
      %min3A_2809 = arith.constant 999 : i32
      %min3A_2810 = vector.broadcast %min3A_2809 : i32 to vector<16xi32>
      %min3A_2811 = arith.minsi %max3A_2808, %min3A_2810 : vector<16xi32>
      %gather3A_2812 = tpu.vector_load_idx %arg9[%min3A_2811] : memref<1024xf32, #tpu.memory_space<vmem>>[vector<16xi32>], vector<16xf32>,
      %add3A_2813 = arith.addf %add3A_2709, %gather3A_2812 : vector<16xf32>
      %scan3A_2814 = arith.constant 1 : i32
      %scan3A_2815 = arith.addi %scan3A_2613, %scan3A_2814 : i32
      %mul3A_2816 = arith.constant 2 : i32
      %mul3A_2817 = arith.muli %scan3A_2815, %mul3A_2816 : i32
      %get3A_2818 = arith.index_cast %mul3A_2817 : i32 to index
      %get3A_2819 = arith.constant 0 : index
      %get3A_2820 = tpu.vector_load %arg7[%get3A_2818, %get3A_2819] {strides = array<i32>} : memref<200x128xi32, #tpu.memory_space<vmem>>, vector<16xi32>,
      %max3A_2821 = arith.constant 0 : i32
      %max3A_2822 = vector.broadcast %max3A_2821 : i32 to vector<16xi32>
      %max3A_2823 = arith.maxsi %get3A_2820, %max3A_2822 : vector<16xi32>
      %min3A_2824 = arith.constant 999 : i32
      %min3A_2825 = vector.broadcast %min3A_2824 : i32 to vector<16xi32>
      %min3A_2826 = arith.minsi %max3A_2823, %min3A_2825 : vector<16xi32>
      %gather3A_2827 = tpu.vector_load_idx %arg9[%min3A_2826] : memref<1024xf32, #tpu.memory_space<vmem>>[vector<16xi32>], vector<16xf32>,
      %add3A_2828 = arith.addf %add3A_2722, %gather3A_2827 : vector<16xf32>
      %get3A_2829 = arith.index_cast %mul3A_2817 : i32 to index
      %get3A_2830 = arith.constant 16 : index
      %get3A_2831 = tpu.vector_load %arg7[%get3A_2829, %get3A_2830] {strides = array<i32>} : memref<200x128xi32, #tpu.memory_space<vmem>>, vector<16xi32>,
      %max3A_2832 = arith.constant 0 : i32
      %max3A_2833 = vector.broadcast %max3A_2832 : i32 to vector<16xi32>
      %max3A_2834 = arith.maxsi %get3A_2831, %max3A_2833 : vector<16xi32>
      %min3A_2835 = arith.constant 999 : i32
      %min3A_2836 = vector.broadcast %min3A_2835 : i32 to vector<16xi32>
      %min3A_2837 = arith.minsi %max3A_2834, %min3A_2836 : vector<16xi32>
      %gather3A_2838 = tpu.vector_load_idx %arg9[%min3A_2837] : memref<1024xf32, #tpu.memory_space<vmem>>[vector<16xi32>], vector<16xf32>,
      %add3A_2839 = arith.addf %add3A_2735, %gather3A_2838 : vector<16xf32>
      %get3A_2840 = arith.index_cast %mul3A_2817 : i32 to index
      %get3A_2841 = arith.constant 32 : index
      %get3A_2842 = tpu.vector_load %arg7[%get3A_2840, %get3A_2841] {strides = array<i32>} : memref<200x128xi32, #tpu.memory_space<vmem>>, vector<16xi32>,
      %max3A_2843 = arith.constant 0 : i32
      %max3A_2844 = vector.broadcast %max3A_2843 : i32 to vector<16xi32>
      %max3A_2845 = arith.maxsi %get3A_2842, %max3A_2844 : vector<16xi32>
      %min3A_2846 = arith.constant 999 : i32
      %min3A_2847 = vector.broadcast %min3A_2846 : i32 to vector<16xi32>
      %min3A_2848 = arith.minsi %max3A_2845, %min3A_2847 : vector<16xi32>
      %gather3A_2849 = tpu.vector_load_idx %arg9[%min3A_2848] : memref<1024xf32, #tpu.memory_space<vmem>>[vector<16xi32>], vector<16xf32>,
      %add3A_2850 = arith.addf %add3A_2748, %gather3A_2849 : vector<16xf32>
      %get3A_2851 = arith.index_cast %mul3A_2817 : i32 to index
      %get3A_2852 = arith.constant 48 : index
      %get3A_2853 = tpu.vector_load %arg7[%get3A_2851, %get3A_2852] {strides = array<i32>} : memref<200x128xi32, #tpu.memory_space<vmem>>, vector<16xi32>,
      %max3A_2854 = arith.constant 0 : i32
      %max3A_2855 = vector.broadcast %max3A_2854 : i32 to vector<16xi32>
      %max3A_2856 = arith.maxsi %get3A_2853, %max3A_2855 : vector<16xi32>
      %min3A_2857 = arith.constant 999 : i32
      %min3A_2858 = vector.broadcast %min3A_2857 : i32 to vector<16xi32>
      %min3A_2859 = arith.minsi %max3A_2856, %min3A_2858 : vector<16xi32>
      %gather3A_2860 = tpu.vector_load_idx %arg9[%min3A_2859] : memref<1024xf32, #tpu.memory_space<vmem>>[vector<16xi32>], vector<16xf32>,
      %add3A_2861 = arith.addf %add3A_2761, %gather3A_2860 : vector<16xf32>
      %get3A_2862 = arith.index_cast %mul3A_2817 : i32 to index
      %get3A_2863 = arith.constant 64 : index
      %get3A_2864 = tpu.vector_load %arg7[%get3A_2862, %get3A_2863] {strides = array<i32>} : memref<200x128xi32, #tpu.memory_space<vmem>>, vector<16xi32>,
      %max3A_2865 = arith.constant 0 : i32
      %max3A_2866 = vector.broadcast %max3A_2865 : i32 to vector<16xi32>
      %max3A_2867 = arith.maxsi %get3A_2864, %max3A_2866 : vector<16xi32>
      %min3A_2868 = arith.constant 999 : i32
      %min3A_2869 = vector.broadcast %min3A_2868 : i32 to vector<16xi32>
      %min3A_2870 = arith.minsi %max3A_2867, %min3A_2869 : vector<16xi32>
      %gather3A_2871 = tpu.vector_load_idx %arg9[%min3A_2870] : memref<1024xf32, #tpu.memory_space<vmem>>[vector<16xi32>], vector<16xf32>,
      %add3A_2872 = arith.addf %add3A_2774, %gather3A_2871 : vector<16xf32>
      %get3A_2873 = arith.index_cast %mul3A_2817 : i32 to index
      %get3A_2874 = arith.constant 80 : index
      %get3A_2875 = tpu.vector_load %arg7[%get3A_2873, %get3A_2874] {strides = array<i32>} : memref<200x128xi32, #tpu.memory_space<vmem>>, vector<16xi32>,
      %max3A_2876 = arith.constant 0 : i32
      %max3A_2877 = vector.broadcast %max3A_2876 : i32 to vector<16xi32>
      %max3A_2878 = arith.maxsi %get3A_2875, %max3A_2877 : vector<16xi32>
      %min3A_2879 = arith.constant 999 : i32
      %min3A_2880 = vector.broadcast %min3A_2879 : i32 to vector<16xi32>
      %min3A_2881 = arith.minsi %max3A_2878, %min3A_2880 : vector<16xi32>
      %gather3A_2882 = tpu.vector_load_idx %arg9[%min3A_2881] : memref<1024xf32, #tpu.memory_space<vmem>>[vector<16xi32>], vector<16xf32>,
      %add3A_2883 = arith.addf %add3A_2787, %gather3A_2882 : vector<16xf32>
      %get3A_2884 = arith.index_cast %mul3A_2817 : i32 to index
      %get3A_2885 = arith.constant 96 : index
      %get3A_2886 = tpu.vector_load %arg7[%get3A_2884, %get3A_2885] {strides = array<i32>} : memref<200x128xi32, #tpu.memory_space<vmem>>, vector<16xi32>,
      %max3A_2887 = arith.constant 0 : i32
      %max3A_2888 = vector.broadcast %max3A_2887 : i32 to vector<16xi32>
      %max3A_2889 = arith.maxsi %get3A_2886, %max3A_2888 : vector<16xi32>
      %min3A_2890 = arith.constant 999 : i32
      %min3A_2891 = vector.broadcast %min3A_2890 : i32 to vector<16xi32>
      %min3A_2892 = arith.minsi %max3A_2889, %min3A_2891 : vector<16xi32>
      %gather3A_2893 = tpu.vector_load_idx %arg9[%min3A_2892] : memref<1024xf32, #tpu.memory_space<vmem>>[vector<16xi32>], vector<16xf32>,
      %add3A_2894 = arith.addf %add3A_2800, %gather3A_2893 : vector<16xf32>
      %get3A_2895 = arith.index_cast %mul3A_2817 : i32 to index
      %get3A_2896 = arith.constant 112 : index
      %get3A_2897 = tpu.vector_load %arg7[%get3A_2895, %get3A_2896] {strides = array<i32>} : memref<200x128xi32, #tpu.memory_space<vmem>>, vector<16xi32>,
      %max3A_2898 = arith.constant 0 : i32
      %max3A_2899 = vector.broadcast %max3A_2898 : i32 to vector<16xi32>
      %max3A_2900 = arith.maxsi %get3A_2897, %max3A_2899 : vector<16xi32>
      %min3A_2901 = arith.constant 999 : i32
      %min3A_2902 = vector.broadcast %min3A_2901 : i32 to vector<16xi32>
      %min3A_2903 = arith.minsi %max3A_2900, %min3A_2902 : vector<16xi32>
      %gather3A_2904 = tpu.vector_load_idx %arg9[%min3A_2903] : memref<1024xf32, #tpu.memory_space<vmem>>[vector<16xi32>], vector<16xf32>,
      %add3A_2905 = arith.addf %add3A_2813, %gather3A_2904 : vector<16xf32>
      %add3A_2906 = arith.constant 1 : i32
      %add3A_2907 = arith.addi %mul3A_2817, %add3A_2906 : i32
      %get3A_2908 = arith.index_cast %add3A_2907 : i32 to index
      %get3A_2909 = arith.constant 0 : index
      %get3A_2910 = tpu.vector_load %arg7[%get3A_2908, %get3A_2909] {strides = array<i32>} : memref<200x128xi32, #tpu.memory_space<vmem>>, vector<16xi32>,
      %max3A_2911 = arith.constant 0 : i32
      %max3A_2912 = vector.broadcast %max3A_2911 : i32 to vector<16xi32>
      %max3A_2913 = arith.maxsi %get3A_2910, %max3A_2912 : vector<16xi32>
      %min3A_2914 = arith.constant 999 : i32
      %min3A_2915 = vector.broadcast %min3A_2914 : i32 to vector<16xi32>
      %min3A_2916 = arith.minsi %max3A_2913, %min3A_2915 : vector<16xi32>
      %gather3A_2917 = tpu.vector_load_idx %arg9[%min3A_2916] : memref<1024xf32, #tpu.memory_space<vmem>>[vector<16xi32>], vector<16xf32>,
      %add3A_2918 = arith.addf %add3A_2828, %gather3A_2917 : vector<16xf32>
      %add3A_2919 = arith.constant 1 : i32
      %add3A_2920 = arith.addi %mul3A_2817, %add3A_2919 : i32
      %get3A_2921 = arith.index_cast %add3A_2920 : i32 to index
      %get3A_2922 = arith.constant 16 : index
      %get3A_2923 = tpu.vector_load %arg7[%get3A_2921, %get3A_2922] {strides = array<i32>} : memref<200x128xi32, #tpu.memory_space<vmem>>, vector<16xi32>,
      %max3A_2924 = arith.constant 0 : i32
      %max3A_2925 = vector.broadcast %max3A_2924 : i32 to vector<16xi32>
      %max3A_2926 = arith.maxsi %get3A_2923, %max3A_2925 : vector<16xi32>
      %min3A_2927 = arith.constant 999 : i32
      %min3A_2928 = vector.broadcast %min3A_2927 : i32 to vector<16xi32>
      %min3A_2929 = arith.minsi %max3A_2926, %min3A_2928 : vector<16xi32>
      %gather3A_2930 = tpu.vector_load_idx %arg9[%min3A_2929] : memref<1024xf32, #tpu.memory_space<vmem>>[vector<16xi32>], vector<16xf32>,
      %add3A_2931 = arith.addf %add3A_2839, %gather3A_2930 : vector<16xf32>
      %add3A_2932 = arith.constant 1 : i32
      %add3A_2933 = arith.addi %mul3A_2817, %add3A_2932 : i32
      %get3A_2934 = arith.index_cast %add3A_2933 : i32 to index
      %get3A_2935 = arith.constant 32 : index
      %get3A_2936 = tpu.vector_load %arg7[%get3A_2934, %get3A_2935] {strides = array<i32>} : memref<200x128xi32, #tpu.memory_space<vmem>>, vector<16xi32>,
      %max3A_2937 = arith.constant 0 : i32
      %max3A_2938 = vector.broadcast %max3A_2937 : i32 to vector<16xi32>
      %max3A_2939 = arith.maxsi %get3A_2936, %max3A_2938 : vector<16xi32>
      %min3A_2940 = arith.constant 999 : i32
      %min3A_2941 = vector.broadcast %min3A_2940 : i32 to vector<16xi32>
      %min3A_2942 = arith.minsi %max3A_2939, %min3A_2941 : vector<16xi32>
      %gather3A_2943 = tpu.vector_load_idx %arg9[%min3A_2942] : memref<1024xf32, #tpu.memory_space<vmem>>[vector<16xi32>], vector<16xf32>,
      %add3A_2944 = arith.addf %add3A_2850, %gather3A_2943 : vector<16xf32>
      %add3A_2945 = arith.constant 1 : i32
      %add3A_2946 = arith.addi %mul3A_2817, %add3A_2945 : i32
      %get3A_2947 = arith.index_cast %add3A_2946 : i32 to index
      %get3A_2948 = arith.constant 48 : index
      %get3A_2949 = tpu.vector_load %arg7[%get3A_2947, %get3A_2948] {strides = array<i32>} : memref<200x128xi32, #tpu.memory_space<vmem>>, vector<16xi32>,
      %max3A_2950 = arith.constant 0 : i32
      %max3A_2951 = vector.broadcast %max3A_2950 : i32 to vector<16xi32>
      %max3A_2952 = arith.maxsi %get3A_2949, %max3A_2951 : vector<16xi32>
      %min3A_2953 = arith.constant 999 : i32
      %min3A_2954 = vector.broadcast %min3A_2953 : i32 to vector<16xi32>
      %min3A_2955 = arith.minsi %max3A_2952, %min3A_2954 : vector<16xi32>
      %gather3A_2956 = tpu.vector_load_idx %arg9[%min3A_2955] : memref<1024xf32, #tpu.memory_space<vmem>>[vector<16xi32>], vector<16xf32>,
      %add3A_2957 = arith.addf %add3A_2861, %gather3A_2956 : vector<16xf32>
      %add3A_2958 = arith.constant 1 : i32
      %add3A_2959 = arith.addi %mul3A_2817, %add3A_2958 : i32
      %get3A_2960 = arith.index_cast %add3A_2959 : i32 to index
      %get3A_2961 = arith.constant 64 : index
      %get3A_2962 = tpu.vector_load %arg7[%get3A_2960, %get3A_2961] {strides = array<i32>} : memref<200x128xi32, #tpu.memory_space<vmem>>, vector<16xi32>,
      %max3A_2963 = arith.constant 0 : i32
      %max3A_2964 = vector.broadcast %max3A_2963 : i32 to vector<16xi32>
      %max3A_2965 = arith.maxsi %get3A_2962, %max3A_2964 : vector<16xi32>
      %min3A_2966 = arith.constant 999 : i32
      %min3A_2967 = vector.broadcast %min3A_2966 : i32 to vector<16xi32>
      %min3A_2968 = arith.minsi %max3A_2965, %min3A_2967 : vector<16xi32>
      %gather3A_2969 = tpu.vector_load_idx %arg9[%min3A_2968] : memref<1024xf32, #tpu.memory_space<vmem>>[vector<16xi32>], vector<16xf32>,
      %add3A_2970 = arith.addf %add3A_2872, %gather3A_2969 : vector<16xf32>
      %add3A_2971 = arith.constant 1 : i32
      %add3A_2972 = arith.addi %mul3A_2817, %add3A_2971 : i32
      %get3A_2973 = arith.index_cast %add3A_2972 : i32 to index
      %get3A_2974 = arith.constant 80 : index
      %get3A_2975 = tpu.vector_load %arg7[%get3A_2973, %get3A_2974] {strides = array<i32>} : memref<200x128xi32, #tpu.memory_space<vmem>>, vector<16xi32>,
      %max3A_2976 = arith.constant 0 : i32
      %max3A_2977 = vector.broadcast %max3A_2976 : i32 to vector<16xi32>
      %max3A_2978 = arith.maxsi %get3A_2975, %max3A_2977 : vector<16xi32>
      %min3A_2979 = arith.constant 999 : i32
      %min3A_2980 = vector.broadcast %min3A_2979 : i32 to vector<16xi32>
      %min3A_2981 = arith.minsi %max3A_2978, %min3A_2980 : vector<16xi32>
      %gather3A_2982 = tpu.vector_load_idx %arg9[%min3A_2981] : memref<1024xf32, #tpu.memory_space<vmem>>[vector<16xi32>], vector<16xf32>,
      %add3A_2983 = arith.addf %add3A_2883, %gather3A_2982 : vector<16xf32>
      %add3A_2984 = arith.constant 1 : i32
      %add3A_2985 = arith.addi %mul3A_2817, %add3A_2984 : i32
      %get3A_2986 = arith.index_cast %add3A_2985 : i32 to index
      %get3A_2987 = arith.constant 96 : index
      %get3A_2988 = tpu.vector_load %arg7[%get3A_2986, %get3A_2987] {strides = array<i32>} : memref<200x128xi32, #tpu.memory_space<vmem>>, vector<16xi32>,
      %max3A_2989 = arith.constant 0 : i32
      %max3A_2990 = vector.broadcast %max3A_2989 : i32 to vector<16xi32>
      %max3A_2991 = arith.maxsi %get3A_2988, %max3A_2990 : vector<16xi32>
      %min3A_2992 = arith.constant 999 : i32
      %min3A_2993 = vector.broadcast %min3A_2992 : i32 to vector<16xi32>
      %min3A_2994 = arith.minsi %max3A_2991, %min3A_2993 : vector<16xi32>
      %gather3A_2995 = tpu.vector_load_idx %arg9[%min3A_2994] : memref<1024xf32, #tpu.memory_space<vmem>>[vector<16xi32>], vector<16xf32>,
      %add3A_2996 = arith.addf %add3A_2894, %gather3A_2995 : vector<16xf32>
      %add3A_2997 = arith.constant 1 : i32
      %add3A_2998 = arith.addi %mul3A_2817, %add3A_2997 : i32
      %get3A_2999 = arith.index_cast %add3A_2998 : i32 to index
      %get3A_3000 = arith.constant 112 : index
      %get3A_3001 = tpu.vector_load %arg7[%get3A_2999, %get3A_3000] {strides = array<i32>} : memref<200x128xi32, #tpu.memory_space<vmem>>, vector<16xi32>,
      %max3A_3002 = arith.constant 0 : i32
      %max3A_3003 = vector.broadcast %max3A_3002 : i32 to vector<16xi32>
      %max3A_3004 = arith.maxsi %get3A_3001, %max3A_3003 : vector<16xi32>
      %min3A_3005 = arith.constant 999 : i32
      %min3A_3006 = vector.broadcast %min3A_3005 : i32 to vector<16xi32>
      %min3A_3007 = arith.minsi %max3A_3004, %min3A_3006 : vector<16xi32>
      %gather3A_3008 = tpu.vector_load_idx %arg9[%min3A_3007] : memref<1024xf32, #tpu.memory_space<vmem>>[vector<16xi32>], vector<16xf32>,
      %add3A_3009 = arith.addf %add3A_2905, %gather3A_3008 : vector<16xf32>
      scf.yield %add3A_2918, %add3A_2931, %add3A_2944, %add3A_2957, %add3A_2970, %add3A_2983, %add3A_2996, %add3A_3009 : vector<16xf32>, vector<16xf32>, vector<16xf32>, vector<16xf32>, vector<16xf32>, vector<16xf32>, vector<16xf32>, vector<16xf32>
    }
    %scan3A_2552 = arith.constant 100 : i32
    %add3A_2553 = arith.addf %scan3A_2551#0, %get3A_7 : vector<16xf32>
    %swap3A_2554 = arith.constant 256 : index
    %swap3A_2555 = tpu.vector_load %arg10[%swap3A_2554] {strides = array<i32>} : memref<512xf32, #tpu.memory_space<vmem>>, vector<16xf32>,
    tpu.vector_store %arg10[%swap3A_2554], %add3A_2553 {strides = array<i32>} : memref<512xf32, #tpu.memory_space<vmem>>, vector<16xf32>,
    %add3A_2556 = arith.addf %scan3A_2551#1, %get3A_7 : vector<16xf32>
    %swap3A_2557 = arith.constant 272 : index
    %swap3A_2558 = tpu.vector_load %arg10[%swap3A_2557] {strides = array<i32>} : memref<512xf32, #tpu.memory_space<vmem>>, vector<16xf32>,
    tpu.vector_store %arg10[%swap3A_2557], %add3A_2556 {strides = array<i32>} : memref<512xf32, #tpu.memory_space<vmem>>, vector<16xf32>,
    %add3A_2559 = arith.addf %scan3A_2551#2, %get3A_7 : vector<16xf32>
    %swap3A_2560 = arith.constant 288 : index
    %swap3A_2561 = tpu.vector_load %arg10[%swap3A_2560] {strides = array<i32>} : memref<512xf32, #tpu.memory_space<vmem>>, vector<16xf32>,
    tpu.vector_store %arg10[%swap3A_2560], %add3A_2559 {strides = array<i32>} : memref<512xf32, #tpu.memory_space<vmem>>, vector<16xf32>,
    %add3A_2562 = arith.addf %scan3A_2551#3, %get3A_7 : vector<16xf32>
    %swap3A_2563 = arith.constant 304 : index
    %swap3A_2564 = tpu.vector_load %arg10[%swap3A_2563] {strides = array<i32>} : memref<512xf32, #tpu.memory_space<vmem>>, vector<16xf32>,
    tpu.vector_store %arg10[%swap3A_2563], %add3A_2562 {strides = array<i32>} : memref<512xf32, #tpu.memory_space<vmem>>, vector<16xf32>,
    %add3A_2565 = arith.addf %scan3A_2551#4, %get3A_7 : vector<16xf32>
    %swap3A_2566 = arith.constant 320 : index
    %swap3A_2567 = tpu.vector_load %arg10[%swap3A_2566] {strides = array<i32>} : memref<512xf32, #tpu.memory_space<vmem>>, vector<16xf32>,
    tpu.vector_store %arg10[%swap3A_2566], %add3A_2565 {strides = array<i32>} : memref<512xf32, #tpu.memory_space<vmem>>, vector<16xf32>,
    %add3A_2568 = arith.addf %scan3A_2551#5, %get3A_7 : vector<16xf32>
    %swap3A_2569 = arith.constant 336 : index
    %swap3A_2570 = tpu.vector_load %arg10[%swap3A_2569] {strides = array<i32>} : memref<512xf32, #tpu.memory_space<vmem>>, vector<16xf32>,
    tpu.vector_store %arg10[%swap3A_2569], %add3A_2568 {strides = array<i32>} : memref<512xf32, #tpu.memory_space<vmem>>, vector<16xf32>,
    %add3A_2571 = arith.addf %scan3A_2551#6, %get3A_7 : vector<16xf32>
    %swap3A_2572 = arith.constant 352 : index
    %swap3A_2573 = tpu.vector_load %arg10[%swap3A_2572] {strides = array<i32>} : memref<512xf32, #tpu.memory_space<vmem>>, vector<16xf32>,
    tpu.vector_store %arg10[%swap3A_2572], %add3A_2571 {strides = array<i32>} : memref<512xf32, #tpu.memory_space<vmem>>, vector<16xf32>,
    %add3A_2574 = arith.addf %scan3A_2551#7, %get3A_7 : vector<16xf32>
    %swap3A_2575 = arith.constant 368 : index
    %swap3A_2576 = tpu.vector_load %arg10[%swap3A_2575] {strides = array<i32>} : memref<512xf32, #tpu.memory_space<vmem>>, vector<16xf32>,
    tpu.vector_store %arg10[%swap3A_2575], %add3A_2574 {strides = array<i32>} : memref<512xf32, #tpu.memory_space<vmem>>, vector<16xf32>,
    %add3A_2577 = arith.constant 384 : i32
    %add3A_2578 = arith.addi %mul3A_6, %add3A_2577 : i32
    %dma_wait3A_2579 = arith.constant 0 : i32
    %dma_wait3A_2580 = tpu.memref_slice %arg2[%dma_wait3A_2579, %add3A_2578] : memref<200x16384xi32, #tpu.memory_space<hbm>> -> memref<200x128xi32, #tpu.memory_space<hbm>>
    %dma_wait3A_2581 = arith.constant 0 : i32
    %dma_wait3A_2582 = tpu.memref_slice %arg2[%dma_wait3A_2581, %add3A_2578] : memref<200x16384xi32, #tpu.memory_space<hbm>> -> memref<200x128xi32, #tpu.memory_space<hbm>>
    tpu.wait_dma2 semaphore(%arg18 : memref<!tpu.dma_semaphore, #tpu.memory_space<semaphore_mem>>) src(%dma_wait3A_2582 : memref<200x128xi32, #tpu.memory_space<hbm>>) dst(%arg8 : memref<200x128xi32, #tpu.memory_space<vmem>>)
    %scan3A_2583 = arith.constant 0 : i32
    %scan3A_2584 = arith.constant 100 : i32
    %scan3A_2585 = arith.addi %scan3A_2583, %scan3A_2584 : i32
    %scan3A_2586 = arith.constant 2 : i32
    %scan3A_2587:8 = scf.for %scan3A_2613 = %scan3A_2583 to %scan3A_2585 step %scan3A_2586 iter_args(%scan3A_2614 = %broadcast_in_dim3A_4, %scan3A_2615 = %broadcast_in_dim3A_4, %scan3A_2616 = %broadcast_in_dim3A_4, %scan3A_2617 = %broadcast_in_dim3A_4, %scan3A_2618 = %broadcast_in_dim3A_4, %scan3A_2619 = %broadcast_in_dim3A_4, %scan3A_2620 = %broadcast_in_dim3A_4, %scan3A_2621 = %broadcast_in_dim3A_4) -> (vector<16xf32>, vector<16xf32>, vector<16xf32>, vector<16xf32>, vector<16xf32>, vector<16xf32>, vector<16xf32>, vector<16xf32>)  : i32 {
      %mul3A_2622 = arith.constant 2 : i32
      %mul3A_2623 = arith.muli %scan3A_2613, %mul3A_2622 : i32
      %get3A_2624 = arith.index_cast %mul3A_2623 : i32 to index
      %get3A_2625 = arith.constant 0 : index
      %get3A_2626 = tpu.vector_load %arg8[%get3A_2624, %get3A_2625] {strides = array<i32>} : memref<200x128xi32, #tpu.memory_space<vmem>>, vector<16xi32>,
      %max3A = arith.constant 0 : i32
      %max3A_2627 = vector.broadcast %max3A : i32 to vector<16xi32>
      %max3A_2628 = arith.maxsi %get3A_2626, %max3A_2627 : vector<16xi32>
      %min3A = arith.constant 999 : i32
      %min3A_2629 = vector.broadcast %min3A : i32 to vector<16xi32>
      %min3A_2630 = arith.minsi %max3A_2628, %min3A_2629 : vector<16xi32>
      %gather3A_2631 = tpu.vector_load_idx %arg9[%min3A_2630] : memref<1024xf32, #tpu.memory_space<vmem>>[vector<16xi32>], vector<16xf32>,
      %add3A_2632 = arith.addf %scan3A_2614, %gather3A_2631 : vector<16xf32>
      %get3A_2633 = arith.index_cast %mul3A_2623 : i32 to index
      %get3A_2634 = arith.constant 16 : index
      %get3A_2635 = tpu.vector_load %arg8[%get3A_2633, %get3A_2634] {strides = array<i32>} : memref<200x128xi32, #tpu.memory_space<vmem>>, vector<16xi32>,
      %max3A_2636 = arith.constant 0 : i32
      %max3A_2637 = vector.broadcast %max3A_2636 : i32 to vector<16xi32>
      %max3A_2638 = arith.maxsi %get3A_2635, %max3A_2637 : vector<16xi32>
      %min3A_2639 = arith.constant 999 : i32
      %min3A_2640 = vector.broadcast %min3A_2639 : i32 to vector<16xi32>
      %min3A_2641 = arith.minsi %max3A_2638, %min3A_2640 : vector<16xi32>
      %gather3A_2642 = tpu.vector_load_idx %arg9[%min3A_2641] : memref<1024xf32, #tpu.memory_space<vmem>>[vector<16xi32>], vector<16xf32>,
      %add3A_2643 = arith.addf %scan3A_2615, %gather3A_2642 : vector<16xf32>
      %get3A_2644 = arith.index_cast %mul3A_2623 : i32 to index
      %get3A_2645 = arith.constant 32 : index
      %get3A_2646 = tpu.vector_load %arg8[%get3A_2644, %get3A_2645] {strides = array<i32>} : memref<200x128xi32, #tpu.memory_space<vmem>>, vector<16xi32>,
      %max3A_2647 = arith.constant 0 : i32
      %max3A_2648 = vector.broadcast %max3A_2647 : i32 to vector<16xi32>
      %max3A_2649 = arith.maxsi %get3A_2646, %max3A_2648 : vector<16xi32>
      %min3A_2650 = arith.constant 999 : i32
      %min3A_2651 = vector.broadcast %min3A_2650 : i32 to vector<16xi32>
      %min3A_2652 = arith.minsi %max3A_2649, %min3A_2651 : vector<16xi32>
      %gather3A_2653 = tpu.vector_load_idx %arg9[%min3A_2652] : memref<1024xf32, #tpu.memory_space<vmem>>[vector<16xi32>], vector<16xf32>,
      %add3A_2654 = arith.addf %scan3A_2616, %gather3A_2653 : vector<16xf32>
      %get3A_2655 = arith.index_cast %mul3A_2623 : i32 to index
      %get3A_2656 = arith.constant 48 : index
      %get3A_2657 = tpu.vector_load %arg8[%get3A_2655, %get3A_2656] {strides = array<i32>} : memref<200x128xi32, #tpu.memory_space<vmem>>, vector<16xi32>,
      %max3A_2658 = arith.constant 0 : i32
      %max3A_2659 = vector.broadcast %max3A_2658 : i32 to vector<16xi32>
      %max3A_2660 = arith.maxsi %get3A_2657, %max3A_2659 : vector<16xi32>
      %min3A_2661 = arith.constant 999 : i32
      %min3A_2662 = vector.broadcast %min3A_2661 : i32 to vector<16xi32>
      %min3A_2663 = arith.minsi %max3A_2660, %min3A_2662 : vector<16xi32>
      %gather3A_2664 = tpu.vector_load_idx %arg9[%min3A_2663] : memref<1024xf32, #tpu.memory_space<vmem>>[vector<16xi32>], vector<16xf32>,
      %add3A_2665 = arith.addf %scan3A_2617, %gather3A_2664 : vector<16xf32>
      %get3A_2666 = arith.index_cast %mul3A_2623 : i32 to index
      %get3A_2667 = arith.constant 64 : index
      %get3A_2668 = tpu.vector_load %arg8[%get3A_2666, %get3A_2667] {strides = array<i32>} : memref<200x128xi32, #tpu.memory_space<vmem>>, vector<16xi32>,
      %max3A_2669 = arith.constant 0 : i32
      %max3A_2670 = vector.broadcast %max3A_2669 : i32 to vector<16xi32>
      %max3A_2671 = arith.maxsi %get3A_2668, %max3A_2670 : vector<16xi32>
      %min3A_2672 = arith.constant 999 : i32
      %min3A_2673 = vector.broadcast %min3A_2672 : i32 to vector<16xi32>
      %min3A_2674 = arith.minsi %max3A_2671, %min3A_2673 : vector<16xi32>
      %gather3A_2675 = tpu.vector_load_idx %arg9[%min3A_2674] : memref<1024xf32, #tpu.memory_space<vmem>>[vector<16xi32>], vector<16xf32>,
      %add3A_2676 = arith.addf %scan3A_2618, %gather3A_2675 : vector<16xf32>
      %get3A_2677 = arith.index_cast %mul3A_2623 : i32 to index
      %get3A_2678 = arith.constant 80 : index
      %get3A_2679 = tpu.vector_load %arg8[%get3A_2677, %get3A_2678] {strides = array<i32>} : memref<200x128xi32, #tpu.memory_space<vmem>>, vector<16xi32>,
      %max3A_2680 = arith.constant 0 : i32
      %max3A_2681 = vector.broadcast %max3A_2680 : i32 to vector<16xi32>
      %max3A_2682 = arith.maxsi %get3A_2679, %max3A_2681 : vector<16xi32>
      %min3A_2683 = arith.constant 999 : i32
      %min3A_2684 = vector.broadcast %min3A_2683 : i32 to vector<16xi32>
      %min3A_2685 = arith.minsi %max3A_2682, %min3A_2684 : vector<16xi32>
      %gather3A_2686 = tpu.vector_load_idx %arg9[%min3A_2685] : memref<1024xf32, #tpu.memory_space<vmem>>[vector<16xi32>], vector<16xf32>,
      %add3A_2687 = arith.addf %scan3A_2619, %gather3A_2686 : vector<16xf32>
      %get3A_2688 = arith.index_cast %mul3A_2623 : i32 to index
      %get3A_2689 = arith.constant 96 : index
      %get3A_2690 = tpu.vector_load %arg8[%get3A_2688, %get3A_2689] {strides = array<i32>} : memref<200x128xi32, #tpu.memory_space<vmem>>, vector<16xi32>,
      %max3A_2691 = arith.constant 0 : i32
      %max3A_2692 = vector.broadcast %max3A_2691 : i32 to vector<16xi32>
      %max3A_2693 = arith.maxsi %get3A_2690, %max3A_2692 : vector<16xi32>
      %min3A_2694 = arith.constant 999 : i32
      %min3A_2695 = vector.broadcast %min3A_2694 : i32 to vector<16xi32>
      %min3A_2696 = arith.minsi %max3A_2693, %min3A_2695 : vector<16xi32>
      %gather3A_2697 = tpu.vector_load_idx %arg9[%min3A_2696] : memref<1024xf32, #tpu.memory_space<vmem>>[vector<16xi32>], vector<16xf32>,
      %add3A_2698 = arith.addf %scan3A_2620, %gather3A_2697 : vector<16xf32>
      %get3A_2699 = arith.index_cast %mul3A_2623 : i32 to index
      %get3A_2700 = arith.constant 112 : index
      %get3A_2701 = tpu.vector_load %arg8[%get3A_2699, %get3A_2700] {strides = array<i32>} : memref<200x128xi32, #tpu.memory_space<vmem>>, vector<16xi32>,
      %max3A_2702 = arith.constant 0 : i32
      %max3A_2703 = vector.broadcast %max3A_2702 : i32 to vector<16xi32>
      %max3A_2704 = arith.maxsi %get3A_2701, %max3A_2703 : vector<16xi32>
      %min3A_2705 = arith.constant 999 : i32
      %min3A_2706 = vector.broadcast %min3A_2705 : i32 to vector<16xi32>
      %min3A_2707 = arith.minsi %max3A_2704, %min3A_2706 : vector<16xi32>
      %gather3A_2708 = tpu.vector_load_idx %arg9[%min3A_2707] : memref<1024xf32, #tpu.memory_space<vmem>>[vector<16xi32>], vector<16xf32>,
      %add3A_2709 = arith.addf %scan3A_2621, %gather3A_2708 : vector<16xf32>
      %add3A_2710 = arith.constant 1 : i32
      %add3A_2711 = arith.addi %mul3A_2623, %add3A_2710 : i32
      %get3A_2712 = arith.index_cast %add3A_2711 : i32 to index
      %get3A_2713 = arith.constant 0 : index
      %get3A_2714 = tpu.vector_load %arg8[%get3A_2712, %get3A_2713] {strides = array<i32>} : memref<200x128xi32, #tpu.memory_space<vmem>>, vector<16xi32>,
      %max3A_2715 = arith.constant 0 : i32
      %max3A_2716 = vector.broadcast %max3A_2715 : i32 to vector<16xi32>
      %max3A_2717 = arith.maxsi %get3A_2714, %max3A_2716 : vector<16xi32>
      %min3A_2718 = arith.constant 999 : i32
      %min3A_2719 = vector.broadcast %min3A_2718 : i32 to vector<16xi32>
      %min3A_2720 = arith.minsi %max3A_2717, %min3A_2719 : vector<16xi32>
      %gather3A_2721 = tpu.vector_load_idx %arg9[%min3A_2720] : memref<1024xf32, #tpu.memory_space<vmem>>[vector<16xi32>], vector<16xf32>,
      %add3A_2722 = arith.addf %add3A_2632, %gather3A_2721 : vector<16xf32>
      %add3A_2723 = arith.constant 1 : i32
      %add3A_2724 = arith.addi %mul3A_2623, %add3A_2723 : i32
      %get3A_2725 = arith.index_cast %add3A_2724 : i32 to index
      %get3A_2726 = arith.constant 16 : index
      %get3A_2727 = tpu.vector_load %arg8[%get3A_2725, %get3A_2726] {strides = array<i32>} : memref<200x128xi32, #tpu.memory_space<vmem>>, vector<16xi32>,
      %max3A_2728 = arith.constant 0 : i32
      %max3A_2729 = vector.broadcast %max3A_2728 : i32 to vector<16xi32>
      %max3A_2730 = arith.maxsi %get3A_2727, %max3A_2729 : vector<16xi32>
      %min3A_2731 = arith.constant 999 : i32
      %min3A_2732 = vector.broadcast %min3A_2731 : i32 to vector<16xi32>
      %min3A_2733 = arith.minsi %max3A_2730, %min3A_2732 : vector<16xi32>
      %gather3A_2734 = tpu.vector_load_idx %arg9[%min3A_2733] : memref<1024xf32, #tpu.memory_space<vmem>>[vector<16xi32>], vector<16xf32>,
      %add3A_2735 = arith.addf %add3A_2643, %gather3A_2734 : vector<16xf32>
      %add3A_2736 = arith.constant 1 : i32
      %add3A_2737 = arith.addi %mul3A_2623, %add3A_2736 : i32
      %get3A_2738 = arith.index_cast %add3A_2737 : i32 to index
      %get3A_2739 = arith.constant 32 : index
      %get3A_2740 = tpu.vector_load %arg8[%get3A_2738, %get3A_2739] {strides = array<i32>} : memref<200x128xi32, #tpu.memory_space<vmem>>, vector<16xi32>,
      %max3A_2741 = arith.constant 0 : i32
      %max3A_2742 = vector.broadcast %max3A_2741 : i32 to vector<16xi32>
      %max3A_2743 = arith.maxsi %get3A_2740, %max3A_2742 : vector<16xi32>
      %min3A_2744 = arith.constant 999 : i32
      %min3A_2745 = vector.broadcast %min3A_2744 : i32 to vector<16xi32>
      %min3A_2746 = arith.minsi %max3A_2743, %min3A_2745 : vector<16xi32>
      %gather3A_2747 = tpu.vector_load_idx %arg9[%min3A_2746] : memref<1024xf32, #tpu.memory_space<vmem>>[vector<16xi32>], vector<16xf32>,
      %add3A_2748 = arith.addf %add3A_2654, %gather3A_2747 : vector<16xf32>
      %add3A_2749 = arith.constant 1 : i32
      %add3A_2750 = arith.addi %mul3A_2623, %add3A_2749 : i32
      %get3A_2751 = arith.index_cast %add3A_2750 : i32 to index
      %get3A_2752 = arith.constant 48 : index
      %get3A_2753 = tpu.vector_load %arg8[%get3A_2751, %get3A_2752] {strides = array<i32>} : memref<200x128xi32, #tpu.memory_space<vmem>>, vector<16xi32>,
      %max3A_2754 = arith.constant 0 : i32
      %max3A_2755 = vector.broadcast %max3A_2754 : i32 to vector<16xi32>
      %max3A_2756 = arith.maxsi %get3A_2753, %max3A_2755 : vector<16xi32>
      %min3A_2757 = arith.constant 999 : i32
      %min3A_2758 = vector.broadcast %min3A_2757 : i32 to vector<16xi32>
      %min3A_2759 = arith.minsi %max3A_2756, %min3A_2758 : vector<16xi32>
      %gather3A_2760 = tpu.vector_load_idx %arg9[%min3A_2759] : memref<1024xf32, #tpu.memory_space<vmem>>[vector<16xi32>], vector<16xf32>,
      %add3A_2761 = arith.addf %add3A_2665, %gather3A_2760 : vector<16xf32>
      %add3A_2762 = arith.constant 1 : i32
      %add3A_2763 = arith.addi %mul3A_2623, %add3A_2762 : i32
      %get3A_2764 = arith.index_cast %add3A_2763 : i32 to index
      %get3A_2765 = arith.constant 64 : index
      %get3A_2766 = tpu.vector_load %arg8[%get3A_2764, %get3A_2765] {strides = array<i32>} : memref<200x128xi32, #tpu.memory_space<vmem>>, vector<16xi32>,
      %max3A_2767 = arith.constant 0 : i32
      %max3A_2768 = vector.broadcast %max3A_2767 : i32 to vector<16xi32>
      %max3A_2769 = arith.maxsi %get3A_2766, %max3A_2768 : vector<16xi32>
      %min3A_2770 = arith.constant 999 : i32
      %min3A_2771 = vector.broadcast %min3A_2770 : i32 to vector<16xi32>
      %min3A_2772 = arith.minsi %max3A_2769, %min3A_2771 : vector<16xi32>
      %gather3A_2773 = tpu.vector_load_idx %arg9[%min3A_2772] : memref<1024xf32, #tpu.memory_space<vmem>>[vector<16xi32>], vector<16xf32>,
      %add3A_2774 = arith.addf %add3A_2676, %gather3A_2773 : vector<16xf32>
      %add3A_2775 = arith.constant 1 : i32
      %add3A_2776 = arith.addi %mul3A_2623, %add3A_2775 : i32
      %get3A_2777 = arith.index_cast %add3A_2776 : i32 to index
      %get3A_2778 = arith.constant 80 : index
      %get3A_2779 = tpu.vector_load %arg8[%get3A_2777, %get3A_2778] {strides = array<i32>} : memref<200x128xi32, #tpu.memory_space<vmem>>, vector<16xi32>,
      %max3A_2780 = arith.constant 0 : i32
      %max3A_2781 = vector.broadcast %max3A_2780 : i32 to vector<16xi32>
      %max3A_2782 = arith.maxsi %get3A_2779, %max3A_2781 : vector<16xi32>
      %min3A_2783 = arith.constant 999 : i32
      %min3A_2784 = vector.broadcast %min3A_2783 : i32 to vector<16xi32>
      %min3A_2785 = arith.minsi %max3A_2782, %min3A_2784 : vector<16xi32>
      %gather3A_2786 = tpu.vector_load_idx %arg9[%min3A_2785] : memref<1024xf32, #tpu.memory_space<vmem>>[vector<16xi32>], vector<16xf32>,
      %add3A_2787 = arith.addf %add3A_2687, %gather3A_2786 : vector<16xf32>
      %add3A_2788 = arith.constant 1 : i32
      %add3A_2789 = arith.addi %mul3A_2623, %add3A_2788 : i32
      %get3A_2790 = arith.index_cast %add3A_2789 : i32 to index
      %get3A_2791 = arith.constant 96 : index
      %get3A_2792 = tpu.vector_load %arg8[%get3A_2790, %get3A_2791] {strides = array<i32>} : memref<200x128xi32, #tpu.memory_space<vmem>>, vector<16xi32>,
      %max3A_2793 = arith.constant 0 : i32
      %max3A_2794 = vector.broadcast %max3A_2793 : i32 to vector<16xi32>
      %max3A_2795 = arith.maxsi %get3A_2792, %max3A_2794 : vector<16xi32>
      %min3A_2796 = arith.constant 999 : i32
      %min3A_2797 = vector.broadcast %min3A_2796 : i32 to vector<16xi32>
      %min3A_2798 = arith.minsi %max3A_2795, %min3A_2797 : vector<16xi32>
      %gather3A_2799 = tpu.vector_load_idx %arg9[%min3A_2798] : memref<1024xf32, #tpu.memory_space<vmem>>[vector<16xi32>], vector<16xf32>,
      %add3A_2800 = arith.addf %add3A_2698, %gather3A_2799 : vector<16xf32>
      %add3A_2801 = arith.constant 1 : i32
      %add3A_2802 = arith.addi %mul3A_2623, %add3A_2801 : i32
      %get3A_2803 = arith.index_cast %add3A_2802 : i32 to index
      %get3A_2804 = arith.constant 112 : index
      %get3A_2805 = tpu.vector_load %arg8[%get3A_2803, %get3A_2804] {strides = array<i32>} : memref<200x128xi32, #tpu.memory_space<vmem>>, vector<16xi32>,
      %max3A_2806 = arith.constant 0 : i32
      %max3A_2807 = vector.broadcast %max3A_2806 : i32 to vector<16xi32>
      %max3A_2808 = arith.maxsi %get3A_2805, %max3A_2807 : vector<16xi32>
      %min3A_2809 = arith.constant 999 : i32
      %min3A_2810 = vector.broadcast %min3A_2809 : i32 to vector<16xi32>
      %min3A_2811 = arith.minsi %max3A_2808, %min3A_2810 : vector<16xi32>
      %gather3A_2812 = tpu.vector_load_idx %arg9[%min3A_2811] : memref<1024xf32, #tpu.memory_space<vmem>>[vector<16xi32>], vector<16xf32>,
      %add3A_2813 = arith.addf %add3A_2709, %gather3A_2812 : vector<16xf32>
      %scan3A_2814 = arith.constant 1 : i32
      %scan3A_2815 = arith.addi %scan3A_2613, %scan3A_2814 : i32
      %mul3A_2816 = arith.constant 2 : i32
      %mul3A_2817 = arith.muli %scan3A_2815, %mul3A_2816 : i32
      %get3A_2818 = arith.index_cast %mul3A_2817 : i32 to index
      %get3A_2819 = arith.constant 0 : index
      %get3A_2820 = tpu.vector_load %arg8[%get3A_2818, %get3A_2819] {strides = array<i32>} : memref<200x128xi32, #tpu.memory_space<vmem>>, vector<16xi32>,
      %max3A_2821 = arith.constant 0 : i32
      %max3A_2822 = vector.broadcast %max3A_2821 : i32 to vector<16xi32>
      %max3A_2823 = arith.maxsi %get3A_2820, %max3A_2822 : vector<16xi32>
      %min3A_2824 = arith.constant 999 : i32
      %min3A_2825 = vector.broadcast %min3A_2824 : i32 to vector<16xi32>
      %min3A_2826 = arith.minsi %max3A_2823, %min3A_2825 : vector<16xi32>
      %gather3A_2827 = tpu.vector_load_idx %arg9[%min3A_2826] : memref<1024xf32, #tpu.memory_space<vmem>>[vector<16xi32>], vector<16xf32>,
      %add3A_2828 = arith.addf %add3A_2722, %gather3A_2827 : vector<16xf32>
      %get3A_2829 = arith.index_cast %mul3A_2817 : i32 to index
      %get3A_2830 = arith.constant 16 : index
      %get3A_2831 = tpu.vector_load %arg8[%get3A_2829, %get3A_2830] {strides = array<i32>} : memref<200x128xi32, #tpu.memory_space<vmem>>, vector<16xi32>,
      %max3A_2832 = arith.constant 0 : i32
      %max3A_2833 = vector.broadcast %max3A_2832 : i32 to vector<16xi32>
      %max3A_2834 = arith.maxsi %get3A_2831, %max3A_2833 : vector<16xi32>
      %min3A_2835 = arith.constant 999 : i32
      %min3A_2836 = vector.broadcast %min3A_2835 : i32 to vector<16xi32>
      %min3A_2837 = arith.minsi %max3A_2834, %min3A_2836 : vector<16xi32>
      %gather3A_2838 = tpu.vector_load_idx %arg9[%min3A_2837] : memref<1024xf32, #tpu.memory_space<vmem>>[vector<16xi32>], vector<16xf32>,
      %add3A_2839 = arith.addf %add3A_2735, %gather3A_2838 : vector<16xf32>
      %get3A_2840 = arith.index_cast %mul3A_2817 : i32 to index
      %get3A_2841 = arith.constant 32 : index
      %get3A_2842 = tpu.vector_load %arg8[%get3A_2840, %get3A_2841] {strides = array<i32>} : memref<200x128xi32, #tpu.memory_space<vmem>>, vector<16xi32>,
      %max3A_2843 = arith.constant 0 : i32
      %max3A_2844 = vector.broadcast %max3A_2843 : i32 to vector<16xi32>
      %max3A_2845 = arith.maxsi %get3A_2842, %max3A_2844 : vector<16xi32>
      %min3A_2846 = arith.constant 999 : i32
      %min3A_2847 = vector.broadcast %min3A_2846 : i32 to vector<16xi32>
      %min3A_2848 = arith.minsi %max3A_2845, %min3A_2847 : vector<16xi32>
      %gather3A_2849 = tpu.vector_load_idx %arg9[%min3A_2848] : memref<1024xf32, #tpu.memory_space<vmem>>[vector<16xi32>], vector<16xf32>,
      %add3A_2850 = arith.addf %add3A_2748, %gather3A_2849 : vector<16xf32>
      %get3A_2851 = arith.index_cast %mul3A_2817 : i32 to index
      %get3A_2852 = arith.constant 48 : index
      %get3A_2853 = tpu.vector_load %arg8[%get3A_2851, %get3A_2852] {strides = array<i32>} : memref<200x128xi32, #tpu.memory_space<vmem>>, vector<16xi32>,
      %max3A_2854 = arith.constant 0 : i32
      %max3A_2855 = vector.broadcast %max3A_2854 : i32 to vector<16xi32>
      %max3A_2856 = arith.maxsi %get3A_2853, %max3A_2855 : vector<16xi32>
      %min3A_2857 = arith.constant 999 : i32
      %min3A_2858 = vector.broadcast %min3A_2857 : i32 to vector<16xi32>
      %min3A_2859 = arith.minsi %max3A_2856, %min3A_2858 : vector<16xi32>
      %gather3A_2860 = tpu.vector_load_idx %arg9[%min3A_2859] : memref<1024xf32, #tpu.memory_space<vmem>>[vector<16xi32>], vector<16xf32>,
      %add3A_2861 = arith.addf %add3A_2761, %gather3A_2860 : vector<16xf32>
      %get3A_2862 = arith.index_cast %mul3A_2817 : i32 to index
      %get3A_2863 = arith.constant 64 : index
      %get3A_2864 = tpu.vector_load %arg8[%get3A_2862, %get3A_2863] {strides = array<i32>} : memref<200x128xi32, #tpu.memory_space<vmem>>, vector<16xi32>,
      %max3A_2865 = arith.constant 0 : i32
      %max3A_2866 = vector.broadcast %max3A_2865 : i32 to vector<16xi32>
      %max3A_2867 = arith.maxsi %get3A_2864, %max3A_2866 : vector<16xi32>
      %min3A_2868 = arith.constant 999 : i32
      %min3A_2869 = vector.broadcast %min3A_2868 : i32 to vector<16xi32>
      %min3A_2870 = arith.minsi %max3A_2867, %min3A_2869 : vector<16xi32>
      %gather3A_2871 = tpu.vector_load_idx %arg9[%min3A_2870] : memref<1024xf32, #tpu.memory_space<vmem>>[vector<16xi32>], vector<16xf32>,
      %add3A_2872 = arith.addf %add3A_2774, %gather3A_2871 : vector<16xf32>
      %get3A_2873 = arith.index_cast %mul3A_2817 : i32 to index
      %get3A_2874 = arith.constant 80 : index
      %get3A_2875 = tpu.vector_load %arg8[%get3A_2873, %get3A_2874] {strides = array<i32>} : memref<200x128xi32, #tpu.memory_space<vmem>>, vector<16xi32>,
      %max3A_2876 = arith.constant 0 : i32
      %max3A_2877 = vector.broadcast %max3A_2876 : i32 to vector<16xi32>
      %max3A_2878 = arith.maxsi %get3A_2875, %max3A_2877 : vector<16xi32>
      %min3A_2879 = arith.constant 999 : i32
      %min3A_2880 = vector.broadcast %min3A_2879 : i32 to vector<16xi32>
      %min3A_2881 = arith.minsi %max3A_2878, %min3A_2880 : vector<16xi32>
      %gather3A_2882 = tpu.vector_load_idx %arg9[%min3A_2881] : memref<1024xf32, #tpu.memory_space<vmem>>[vector<16xi32>], vector<16xf32>,
      %add3A_2883 = arith.addf %add3A_2787, %gather3A_2882 : vector<16xf32>
      %get3A_2884 = arith.index_cast %mul3A_2817 : i32 to index
      %get3A_2885 = arith.constant 96 : index
      %get3A_2886 = tpu.vector_load %arg8[%get3A_2884, %get3A_2885] {strides = array<i32>} : memref<200x128xi32, #tpu.memory_space<vmem>>, vector<16xi32>,
      %max3A_2887 = arith.constant 0 : i32
      %max3A_2888 = vector.broadcast %max3A_2887 : i32 to vector<16xi32>
      %max3A_2889 = arith.maxsi %get3A_2886, %max3A_2888 : vector<16xi32>
      %min3A_2890 = arith.constant 999 : i32
      %min3A_2891 = vector.broadcast %min3A_2890 : i32 to vector<16xi32>
      %min3A_2892 = arith.minsi %max3A_2889, %min3A_2891 : vector<16xi32>
      %gather3A_2893 = tpu.vector_load_idx %arg9[%min3A_2892] : memref<1024xf32, #tpu.memory_space<vmem>>[vector<16xi32>], vector<16xf32>,
      %add3A_2894 = arith.addf %add3A_2800, %gather3A_2893 : vector<16xf32>
      %get3A_2895 = arith.index_cast %mul3A_2817 : i32 to index
      %get3A_2896 = arith.constant 112 : index
      %get3A_2897 = tpu.vector_load %arg8[%get3A_2895, %get3A_2896] {strides = array<i32>} : memref<200x128xi32, #tpu.memory_space<vmem>>, vector<16xi32>,
      %max3A_2898 = arith.constant 0 : i32
      %max3A_2899 = vector.broadcast %max3A_2898 : i32 to vector<16xi32>
      %max3A_2900 = arith.maxsi %get3A_2897, %max3A_2899 : vector<16xi32>
      %min3A_2901 = arith.constant 999 : i32
      %min3A_2902 = vector.broadcast %min3A_2901 : i32 to vector<16xi32>
      %min3A_2903 = arith.minsi %max3A_2900, %min3A_2902 : vector<16xi32>
      %gather3A_2904 = tpu.vector_load_idx %arg9[%min3A_2903] : memref<1024xf32, #tpu.memory_space<vmem>>[vector<16xi32>], vector<16xf32>,
      %add3A_2905 = arith.addf %add3A_2813, %gather3A_2904 : vector<16xf32>
      %add3A_2906 = arith.constant 1 : i32
      %add3A_2907 = arith.addi %mul3A_2817, %add3A_2906 : i32
      %get3A_2908 = arith.index_cast %add3A_2907 : i32 to index
      %get3A_2909 = arith.constant 0 : index
      %get3A_2910 = tpu.vector_load %arg8[%get3A_2908, %get3A_2909] {strides = array<i32>} : memref<200x128xi32, #tpu.memory_space<vmem>>, vector<16xi32>,
      %max3A_2911 = arith.constant 0 : i32
      %max3A_2912 = vector.broadcast %max3A_2911 : i32 to vector<16xi32>
      %max3A_2913 = arith.maxsi %get3A_2910, %max3A_2912 : vector<16xi32>
      %min3A_2914 = arith.constant 999 : i32
      %min3A_2915 = vector.broadcast %min3A_2914 : i32 to vector<16xi32>
      %min3A_2916 = arith.minsi %max3A_2913, %min3A_2915 : vector<16xi32>
      %gather3A_2917 = tpu.vector_load_idx %arg9[%min3A_2916] : memref<1024xf32, #tpu.memory_space<vmem>>[vector<16xi32>], vector<16xf32>,
      %add3A_2918 = arith.addf %add3A_2828, %gather3A_2917 : vector<16xf32>
      %add3A_2919 = arith.constant 1 : i32
      %add3A_2920 = arith.addi %mul3A_2817, %add3A_2919 : i32
      %get3A_2921 = arith.index_cast %add3A_2920 : i32 to index
      %get3A_2922 = arith.constant 16 : index
      %get3A_2923 = tpu.vector_load %arg8[%get3A_2921, %get3A_2922] {strides = array<i32>} : memref<200x128xi32, #tpu.memory_space<vmem>>, vector<16xi32>,
      %max3A_2924 = arith.constant 0 : i32
      %max3A_2925 = vector.broadcast %max3A_2924 : i32 to vector<16xi32>
      %max3A_2926 = arith.maxsi %get3A_2923, %max3A_2925 : vector<16xi32>
      %min3A_2927 = arith.constant 999 : i32
      %min3A_2928 = vector.broadcast %min3A_2927 : i32 to vector<16xi32>
      %min3A_2929 = arith.minsi %max3A_2926, %min3A_2928 : vector<16xi32>
      %gather3A_2930 = tpu.vector_load_idx %arg9[%min3A_2929] : memref<1024xf32, #tpu.memory_space<vmem>>[vector<16xi32>], vector<16xf32>,
      %add3A_2931 = arith.addf %add3A_2839, %gather3A_2930 : vector<16xf32>
      %add3A_2932 = arith.constant 1 : i32
      %add3A_2933 = arith.addi %mul3A_2817, %add3A_2932 : i32
      %get3A_2934 = arith.index_cast %add3A_2933 : i32 to index
      %get3A_2935 = arith.constant 32 : index
      %get3A_2936 = tpu.vector_load %arg8[%get3A_2934, %get3A_2935] {strides = array<i32>} : memref<200x128xi32, #tpu.memory_space<vmem>>, vector<16xi32>,
      %max3A_2937 = arith.constant 0 : i32
      %max3A_2938 = vector.broadcast %max3A_2937 : i32 to vector<16xi32>
      %max3A_2939 = arith.maxsi %get3A_2936, %max3A_2938 : vector<16xi32>
      %min3A_2940 = arith.constant 999 : i32
      %min3A_2941 = vector.broadcast %min3A_2940 : i32 to vector<16xi32>
      %min3A_2942 = arith.minsi %max3A_2939, %min3A_2941 : vector<16xi32>
      %gather3A_2943 = tpu.vector_load_idx %arg9[%min3A_2942] : memref<1024xf32, #tpu.memory_space<vmem>>[vector<16xi32>], vector<16xf32>,
      %add3A_2944 = arith.addf %add3A_2850, %gather3A_2943 : vector<16xf32>
      %add3A_2945 = arith.constant 1 : i32
      %add3A_2946 = arith.addi %mul3A_2817, %add3A_2945 : i32
      %get3A_2947 = arith.index_cast %add3A_2946 : i32 to index
      %get3A_2948 = arith.constant 48 : index
      %get3A_2949 = tpu.vector_load %arg8[%get3A_2947, %get3A_2948] {strides = array<i32>} : memref<200x128xi32, #tpu.memory_space<vmem>>, vector<16xi32>,
      %max3A_2950 = arith.constant 0 : i32
      %max3A_2951 = vector.broadcast %max3A_2950 : i32 to vector<16xi32>
      %max3A_2952 = arith.maxsi %get3A_2949, %max3A_2951 : vector<16xi32>
      %min3A_2953 = arith.constant 999 : i32
      %min3A_2954 = vector.broadcast %min3A_2953 : i32 to vector<16xi32>
      %min3A_2955 = arith.minsi %max3A_2952, %min3A_2954 : vector<16xi32>
      %gather3A_2956 = tpu.vector_load_idx %arg9[%min3A_2955] : memref<1024xf32, #tpu.memory_space<vmem>>[vector<16xi32>], vector<16xf32>,
      %add3A_2957 = arith.addf %add3A_2861, %gather3A_2956 : vector<16xf32>
      %add3A_2958 = arith.constant 1 : i32
      %add3A_2959 = arith.addi %mul3A_2817, %add3A_2958 : i32
      %get3A_2960 = arith.index_cast %add3A_2959 : i32 to index
      %get3A_2961 = arith.constant 64 : index
      %get3A_2962 = tpu.vector_load %arg8[%get3A_2960, %get3A_2961] {strides = array<i32>} : memref<200x128xi32, #tpu.memory_space<vmem>>, vector<16xi32>,
      %max3A_2963 = arith.constant 0 : i32
      %max3A_2964 = vector.broadcast %max3A_2963 : i32 to vector<16xi32>
      %max3A_2965 = arith.maxsi %get3A_2962, %max3A_2964 : vector<16xi32>
      %min3A_2966 = arith.constant 999 : i32
      %min3A_2967 = vector.broadcast %min3A_2966 : i32 to vector<16xi32>
      %min3A_2968 = arith.minsi %max3A_2965, %min3A_2967 : vector<16xi32>
      %gather3A_2969 = tpu.vector_load_idx %arg9[%min3A_2968] : memref<1024xf32, #tpu.memory_space<vmem>>[vector<16xi32>], vector<16xf32>,
      %add3A_2970 = arith.addf %add3A_2872, %gather3A_2969 : vector<16xf32>
      %add3A_2971 = arith.constant 1 : i32
      %add3A_2972 = arith.addi %mul3A_2817, %add3A_2971 : i32
      %get3A_2973 = arith.index_cast %add3A_2972 : i32 to index
      %get3A_2974 = arith.constant 80 : index
      %get3A_2975 = tpu.vector_load %arg8[%get3A_2973, %get3A_2974] {strides = array<i32>} : memref<200x128xi32, #tpu.memory_space<vmem>>, vector<16xi32>,
      %max3A_2976 = arith.constant 0 : i32
      %max3A_2977 = vector.broadcast %max3A_2976 : i32 to vector<16xi32>
      %max3A_2978 = arith.maxsi %get3A_2975, %max3A_2977 : vector<16xi32>
      %min3A_2979 = arith.constant 999 : i32
      %min3A_2980 = vector.broadcast %min3A_2979 : i32 to vector<16xi32>
      %min3A_2981 = arith.minsi %max3A_2978, %min3A_2980 : vector<16xi32>
      %gather3A_2982 = tpu.vector_load_idx %arg9[%min3A_2981] : memref<1024xf32, #tpu.memory_space<vmem>>[vector<16xi32>], vector<16xf32>,
      %add3A_2983 = arith.addf %add3A_2883, %gather3A_2982 : vector<16xf32>
      %add3A_2984 = arith.constant 1 : i32
      %add3A_2985 = arith.addi %mul3A_2817, %add3A_2984 : i32
      %get3A_2986 = arith.index_cast %add3A_2985 : i32 to index
      %get3A_2987 = arith.constant 96 : index
      %get3A_2988 = tpu.vector_load %arg8[%get3A_2986, %get3A_2987] {strides = array<i32>} : memref<200x128xi32, #tpu.memory_space<vmem>>, vector<16xi32>,
      %max3A_2989 = arith.constant 0 : i32
      %max3A_2990 = vector.broadcast %max3A_2989 : i32 to vector<16xi32>
      %max3A_2991 = arith.maxsi %get3A_2988, %max3A_2990 : vector<16xi32>
      %min3A_2992 = arith.constant 999 : i32
      %min3A_2993 = vector.broadcast %min3A_2992 : i32 to vector<16xi32>
      %min3A_2994 = arith.minsi %max3A_2991, %min3A_2993 : vector<16xi32>
      %gather3A_2995 = tpu.vector_load_idx %arg9[%min3A_2994] : memref<1024xf32, #tpu.memory_space<vmem>>[vector<16xi32>], vector<16xf32>,
      %add3A_2996 = arith.addf %add3A_2894, %gather3A_2995 : vector<16xf32>
      %add3A_2997 = arith.constant 1 : i32
      %add3A_2998 = arith.addi %mul3A_2817, %add3A_2997 : i32
      %get3A_2999 = arith.index_cast %add3A_2998 : i32 to index
      %get3A_3000 = arith.constant 112 : index
      %get3A_3001 = tpu.vector_load %arg8[%get3A_2999, %get3A_3000] {strides = array<i32>} : memref<200x128xi32, #tpu.memory_space<vmem>>, vector<16xi32>,
      %max3A_3002 = arith.constant 0 : i32
      %max3A_3003 = vector.broadcast %max3A_3002 : i32 to vector<16xi32>
      %max3A_3004 = arith.maxsi %get3A_3001, %max3A_3003 : vector<16xi32>
      %min3A_3005 = arith.constant 999 : i32
      %min3A_3006 = vector.broadcast %min3A_3005 : i32 to vector<16xi32>
      %min3A_3007 = arith.minsi %max3A_3004, %min3A_3006 : vector<16xi32>
      %gather3A_3008 = tpu.vector_load_idx %arg9[%min3A_3007] : memref<1024xf32, #tpu.memory_space<vmem>>[vector<16xi32>], vector<16xf32>,
      %add3A_3009 = arith.addf %add3A_2905, %gather3A_3008 : vector<16xf32>
      scf.yield %add3A_2918, %add3A_2931, %add3A_2944, %add3A_2957, %add3A_2970, %add3A_2983, %add3A_2996, %add3A_3009 : vector<16xf32>, vector<16xf32>, vector<16xf32>, vector<16xf32>, vector<16xf32>, vector<16xf32>, vector<16xf32>, vector<16xf32>
    }
    %scan3A_2588 = arith.constant 100 : i32
    %add3A_2589 = arith.addf %scan3A_2587#0, %get3A_7 : vector<16xf32>
    %swap3A_2590 = arith.constant 384 : index
    %swap3A_2591 = tpu.vector_load %arg10[%swap3A_2590] {strides = array<i32>} : memref<512xf32, #tpu.memory_space<vmem>>, vector<16xf32>,
    tpu.vector_store %arg10[%swap3A_2590], %add3A_2589 {strides = array<i32>} : memref<512xf32, #tpu.memory_space<vmem>>, vector<16xf32>,
    %add3A_2592 = arith.addf %scan3A_2587#1, %get3A_7 : vector<16xf32>
    %swap3A_2593 = arith.constant 400 : index
    %swap3A_2594 = tpu.vector_load %arg10[%swap3A_2593] {strides = array<i32>} : memref<512xf32, #tpu.memory_space<vmem>>, vector<16xf32>,
    tpu.vector_store %arg10[%swap3A_2593], %add3A_2592 {strides = array<i32>} : memref<512xf32, #tpu.memory_space<vmem>>, vector<16xf32>,
    %add3A_2595 = arith.addf %scan3A_2587#2, %get3A_7 : vector<16xf32>
    %swap3A_2596 = arith.constant 416 : index
    %swap3A_2597 = tpu.vector_load %arg10[%swap3A_2596] {strides = array<i32>} : memref<512xf32, #tpu.memory_space<vmem>>, vector<16xf32>,
    tpu.vector_store %arg10[%swap3A_2596], %add3A_2595 {strides = array<i32>} : memref<512xf32, #tpu.memory_space<vmem>>, vector<16xf32>,
    %add3A_2598 = arith.addf %scan3A_2587#3, %get3A_7 : vector<16xf32>
    %swap3A_2599 = arith.constant 432 : index
    %swap3A_2600 = tpu.vector_load %arg10[%swap3A_2599] {strides = array<i32>} : memref<512xf32, #tpu.memory_space<vmem>>, vector<16xf32>,
    tpu.vector_store %arg10[%swap3A_2599], %add3A_2598 {strides = array<i32>} : memref<512xf32, #tpu.memory_space<vmem>>, vector<16xf32>,
    %add3A_2601 = arith.addf %scan3A_2587#4, %get3A_7 : vector<16xf32>
    %swap3A_2602 = arith.constant 448 : index
    %swap3A_2603 = tpu.vector_load %arg10[%swap3A_2602] {strides = array<i32>} : memref<512xf32, #tpu.memory_space<vmem>>, vector<16xf32>,
    tpu.vector_store %arg10[%swap3A_2602], %add3A_2601 {strides = array<i32>} : memref<512xf32, #tpu.memory_space<vmem>>, vector<16xf32>,
    %add3A_2604 = arith.addf %scan3A_2587#5, %get3A_7 : vector<16xf32>
    %swap3A_2605 = arith.constant 464 : index
    %swap3A_2606 = tpu.vector_load %arg10[%swap3A_2605] {strides = array<i32>} : memref<512xf32, #tpu.memory_space<vmem>>, vector<16xf32>,
    tpu.vector_store %arg10[%swap3A_2605], %add3A_2604 {strides = array<i32>} : memref<512xf32, #tpu.memory_space<vmem>>, vector<16xf32>,
    %add3A_2607 = arith.addf %scan3A_2587#6, %get3A_7 : vector<16xf32>
    %swap3A_2608 = arith.constant 480 : index
    %swap3A_2609 = tpu.vector_load %arg10[%swap3A_2608] {strides = array<i32>} : memref<512xf32, #tpu.memory_space<vmem>>, vector<16xf32>,
    tpu.vector_store %arg10[%swap3A_2608], %add3A_2607 {strides = array<i32>} : memref<512xf32, #tpu.memory_space<vmem>>, vector<16xf32>,
    %add3A_2610 = arith.addf %scan3A_2587#7, %get3A_7 : vector<16xf32>
    %swap3A_2611 = arith.constant 496 : index
    %swap3A_2612 = tpu.vector_load %arg10[%swap3A_2611] {strides = array<i32>} : memref<512xf32, #tpu.memory_space<vmem>>, vector<16xf32>,
    tpu.vector_store %arg10[%swap3A_2611], %add3A_2610 {strides = array<i32>} : memref<512xf32, #tpu.memory_space<vmem>>, vector<16xf32>,
    "tpu.region"() ({
      %run_scoped3A = tpu.sem_alloc : memref<!tpu.dma_semaphore, #tpu.memory_space<semaphore_mem>>
      %dma_start3A_2613 = tpu.memref_slice %arg6[%mul3A_6] : memref<16384xf32, #tpu.memory_space<hbm>> -> memref<512xf32, #tpu.memory_space<hbm>>
      %dma_start3A_2614 = tpu.memref_slice %arg6[%mul3A_6] : memref<16384xf32, #tpu.memory_space<hbm>> -> memref<512xf32, #tpu.memory_space<hbm>>
      tpu.enqueue_dma source(%arg10 : memref<512xf32, #tpu.memory_space<vmem>>) target(%dma_start3A_2614 : memref<512xf32, #tpu.memory_space<hbm>>) target_semaphore(%run_scoped3A : memref<!tpu.dma_semaphore, #tpu.memory_space<semaphore_mem>>)
      %dma_wait3A_2615 = tpu.memref_slice %arg6[%mul3A_6] : memref<16384xf32, #tpu.memory_space<hbm>> -> memref<512xf32, #tpu.memory_space<hbm>>
      %dma_wait3A_2616 = tpu.memref_slice %arg6[%mul3A_6] : memref<16384xf32, #tpu.memory_space<hbm>> -> memref<512xf32, #tpu.memory_space<hbm>>
      tpu.wait_dma2 semaphore(%run_scoped3A : memref<!tpu.dma_semaphore, #tpu.memory_space<semaphore_mem>>) src(%arg10 : memref<512xf32, #tpu.memory_space<vmem>>) dst(%dma_wait3A_2616 : memref<512xf32, #tpu.memory_space<hbm>>)
      tpu.yield
    }) : () -> ()
    return
  }
}

</mosaic_0001>

<sc_bundles>
// kernel: kernel.3.cloned.1.call-start
scs
__scs_entry_jumppad:
0x0: {  	(pc) =	sbr.rel $0x88, $3  }
0x1: {  	(tag) =	ssettag $0x0;
	lr =	simm.s32 $0x1  }
0x2: {  	[smem:$0x3F9D] =	sst lr;
	_ =	strace $0xD0000000  }
0x3: {  	_ = 	snop  }
0x4: {  	_ = 	snop  }
0x5: {  	_ = 	snop  }
0x6: {  	_ = 	snop  }
0x7: {  	_ = 	snop  }
__scs_overlays_trampoline_lowered:
0x8: {  	[smem:$0x3FAC] =	sst s0  }
0x9: {  	[smem:$0x3FAD] =	sst s1  }
0xa: {  	[smem:$0x3FAE] =	sst s2  }
0xb: {  	[smem:$0x3FAF] =	sst s3  }
0xc: {  	[smem:$0x3FB0] =	sst s4  }
0xd: {  	[smem:$0x3FB1] =	sst s5  }
0xe: {  	[smem:$0x3FB2] =	sst s6  }
0xf: {  	[smem:$0x3FB3] =	sst s7  }
0x10: {  	[smem:$0x3FB4] =	sst s8  }
0x11: {  	[smem:$0x3FB5] =	sst s9;
	s0 =	simm.s32 @!p0 $0x0  }
0x12: {  	s1 =	sld [smem:$0x3F9B];
	s0 =	simm.s32 @p0 $0x1  }
0x13: {  	[smem:$0x3FB6] =	sst s0;
	s0 =	simm.s32 @!p1 $0x0  }
0x14: {  	s2 =	sld [smem:$0x3F9A];
	s0 =	simm.s32 @p1 $0x1  }
0x15: {  	[smem:$0x3FB7] =	sst s0;
	s0 =	simm.s32 @!p2 $0x0  }
0x16: {  	s3 =	sld [smem:$0x3FDB];
	s0 =	simm.s32 @p2 $0x1  }
0x17: {  	s4 =	simm.s32 $0x1BF5;
	[smem:$0x3FB9] =	sst s0  }
0x18: {  	s0 =	sld [smem:$0x3F9C];
	_ =	swait.ge [sflag:s4], $0x0  }
0x19: {  	s7 =	sld [smem:$0x3F9D]  }
0x1a: {  	s8 =	sadd.s32 $0xFFFFE003, lr  }
0x1b: {  	s9 =	sadd.s32 $0xFFFFFEF7, lr;
	s5 =	simm.s32 $0xFFFFFFFF;
	p2 =	slt.u32 s8, $0xFFFFF086  }
0x1c: {  	p1 =	slt.u32 s9, $0xF7A;
	s5 =	simm.s32 @!p2 $0x0  }
0x1d: {  	s5 =	simm.s32 @p1 $0x1;
	p0 =	seq.s32 s7, s2  }
0x1e: {  	s7 =	smul.u32 @!p0 $0xF7A, s2;
	p2 =	seq.s32 @!p0 s5, $0x0  }
0x1f: {  	s9 =	smul.u32 $0xF7A, s1;
	s8 =	simm.s32 @!p0 $0x1BF5;
	p2 =	por !p2, p0  }
0x20: {  	[sflag:s8] =	ssyncset.s32 @!p0 $0xFFFFF086;
	s6 =	sadd.s32 @!p0 s3, s7;
	s7 =	simm.s32 @!p0 $0x108  }
0x21: {  	s3 =	sadd.s32 s3, s9;
	s6 =	sadd.s32 @!p0 $0x88, s6;
	s7 =	simm.s32 @p2 $0x1082  }
0x22: {  	[simem:s7], [sflag:s8] =	dma.local @!p0 [hbm:s6], $0xF7A  }
0x23: {  	s9 =	sor.u32 $0xD0000000, s2;
	s6 =	simm.s32 $0x108;
	_ =	swait.ge @!p0 [sflag:s8], $0x0  }
0x24: {  	s3 =	sadd.s32 $0x88, s3;
	s6 =	simm.s32 @!p1 $0x1082;
	[sflag:s4] =	ssyncset.s32 $0xFFFFF086  }
0x25: {  	[simem:s6], [sflag:s4] =	dma.local [hbm:s3], $0xF7A  }
0x26: {  	[smem:$0x3F9D] =	sst s1;
	(tag) =	ssettag s2;
	_ =	strace s9  }
0x27: {  	s1 =	sld [smem:$0x3FAD]  }
0x28: {  	s2 =	sld [smem:$0x3FAE]  }
0x29: {  	s4 =	sld [smem:$0x3FB0]  }
0x2a: {  	p0 =	seq.s32 s5, $0x0;
	s5 =	sld [smem:$0x3FB1]  }
0x2b: {  	s6 =	sld [smem:$0x3FB2]  }
0x2c: {  	s7 =	sld [smem:$0x3FB3]  }
0x2d: {  	s3 =	simm.s32 $0x108;
	s8 =	sld [smem:$0x3FB4]  }
0x2e: {  	s3 =	simm.s32 @!p0 $0x1082;
	s9 =	sld [smem:$0x3FB5]  }
0x2f: {  	lr =	sadd.s32 s0, s3;
	s0 =	sld [smem:$0x3FAC]  }
0x30: {  	s3 =	sld [smem:$0x3FAF]  }
0x31: {  	[smem:$0x3FB8] =	sst s10  }
0x32: {  	s10 =	sld [smem:$0x3FB6];
	_ =	sdelay $0x3  }
0x33: {  	p0 =	seq.s32 s10, $0x1;
	s10 =	sld [smem:$0x3FB8];
	_ =	sdelay $0x3  }
0x34: {  	[smem:$0x3FB8] =	sst s10  }
0x35: {  	s10 =	sld [smem:$0x3FB7];
	_ =	sdelay $0x3  }
0x36: {  	p1 =	seq.s32 s10, $0x1;
	s10 =	sld [smem:$0x3FB8];
	_ =	sdelay $0x3  }
0x37: {  	[smem:$0x3FB8] =	sst s10  }
0x38: {  	s10 =	sld [smem:$0x3FB9]  }
0x39: {  	_ = 	snop;
	(pc) =	sbr.ind lr, $3  }
0x3a: {  	_ = 	snop  }
0x3b: {  	_ = 	snop  }
0x3c: {  	p2 =	seq.s32 s10, $0x1;
	s10 =	sld [smem:$0x3FB8]  }
0x3d: {  	_ =	shalt  }
0x3e: {  	_ =	shalt  }
0x3f: {  	_ =	shalt  }
0x40: {  	_ =	shalt  }
0x41: {  	_ =	shalt  }
0x42: {  	_ =	shalt  }
0x43: {  	_ =	shalt  }
0x44: {  	_ =	shalt  }
0x45: {  	_ =	shalt  }
0x46: {  	_ =	shalt  }
0x47: {  	_ =	shalt  }
0x48: {  	_ =	shalt  }
0x49: {  	_ =	shalt  }
0x4a: {  	_ =	shalt  }
0x4b: {  	_ =	shalt  }
0x4c: {  	_ =	shalt  }
0x4d: {  	_ =	shalt  }
0x4e: {  	_ =	shalt  }
0x4f: {  	_ =	shalt  }
0x50: {  	_ =	shalt  }
0x51: {  	_ =	shalt  }
0x52: {  	_ =	shalt  }
0x53: {  	_ =	shalt  }
0x54: {  	_ =	shalt  }
0x55: {  	_ =	shalt  }
0x56: {  	_ =	shalt  }
0x57: {  	_ =	shalt  }
0x58: {  	_ =	shalt  }
0x59: {  	_ =	shalt  }
0x5a: {  	_ =	shalt  }
0x5b: {  	_ =	shalt  }
0x5c: {  	_ =	shalt  }
0x5d: {  	_ =	shalt  }
0x5e: {  	_ =	shalt  }
0x5f: {  	_ =	shalt  }
0x60: {  	_ =	shalt  }
0x61: {  	_ =	shalt  }
0x62: {  	_ =	shalt  }
0x63: {  	_ =	shalt  }
0x64: {  	_ =	shalt  }
0x65: {  	_ =	shalt  }
0x66: {  	_ =	shalt  }
0x67: {  	_ =	shalt  }
0x68: {  	_ =	shalt  }
0x69: {  	_ =	shalt  }
0x6a: {  	_ =	shalt  }
0x6b: {  	_ =	shalt  }
0x6c: {  	_ =	shalt  }
0x6d: {  	_ =	shalt  }
0x6e: {  	_ =	shalt  }
0x6f: {  	_ =	shalt  }
0x70: {  	_ =	shalt  }
0x71: {  	_ =	shalt  }
0x72: {  	_ =	shalt  }
0x73: {  	_ =	shalt  }
0x74: {  	_ =	shalt  }
0x75: {  	_ =	shalt  }
0x76: {  	_ =	shalt  }
0x77: {  	_ =	shalt  }
0x78: {  	_ =	shalt  }
0x79: {  	_ =	shalt  }
0x7a: {  	_ =	shalt  }
0x7b: {  	_ =	shalt  }
0x7c: {  	_ =	shalt  }
0x7d: {  	_ =	shalt  }
0x7e: {  	_ =	shalt  }
0x7f: {  	_ =	shalt  }
0x80: {  	_ =	shalt  }
0x81: {  	_ =	shalt  }
0x82: {  	_ =	shalt  }
0x83: {  	_ =	shalt  }
0x84: {  	_ =	shalt  }
0x85: {  	_ =	shalt  }
0x86: {  	_ =	shalt  }
0x87: {  	_ =	shalt  }
.Lfunc_end0:
.L_simem_size_0:
called_computation_lowered:
.L_overlay_start_0:
0x88: {  	s2 =	sld [smem:$0x3FD9]  }
0x89: {  	s3 =	sld [smem:$0x3FFE];
	_ =	sdelay $0x1  }
0x8a: {  	s1 =	srdreg.scid  }
0x8b: {  	s0 =	sand.u32 $0x1, s1  }
0x8c: {  	s17 =	sshll.u32 s0, $0xA;
	s2 =	sadd.s32 s3, s2  }
0x8d: {  	s2 =	sadd.s32 s2, s17  }
0x8e: {  	[smem:$0x3FC4] =	sst s2  }
0x8f: {  	_ = 	snop  }
0x90: {  	s2 =	sld [smem:$0x3FC9]  }
0x91: {  	s18 =	sld [smem:$0x3FC7]  }
0x92: {  	s4 =	sld [smem:$0x3FD0];
	(tm) =	ssettm $0x1  }
0x93: {  	s5 =	sld [smem:$0x3FFB];
	_ =	sdelay $0x3  }
0x94: {  	_ =	strace s5  }
0x95: {  	s5 =	sld [smem:$0x3FFC];
	_ =	sdelay $0x3  }
0x96: {  	_ =	strace s5  }
0x97: {  	s5 =	sld [smem:$0x3FFD];
	_ =	sdelay $0x3  }
0x98: {  	_ =	strace s5  }
0x99: {  	_ =	strace $0x8FFFFFFF  }
0x9a: {  	s19 =	sld [smem:$0x3FDB];
	_ =	sdelay $0x1  }
0x9b: {  	s6 =	simm.s32 $_scs_section_size  }
0x9c: {  	s7 =	simm.s32 $_size__tile_overlayer_lowered;
	s8 =	simm.s32 $_tile_overlayer_lowered  }
0x9d: {  	s22 =	simm.s32 $0x1BFF;
	s21 =	sshll.u32 s8, $0x1;
	s5 =	sadd.s32 s6, s19  }
0x9e: {  	s9 =	simm.s32 $0x0;
	s20 =	sshll.u32 s7, $0x1;
	s7 =	sadd.s32 s21, s5  }
0x9f: {  	[timem:s9], [sflag:s22] =	dma.local [hbm:s7], s20  }
0xa0: {  	_ =	swait.ge [sflag:s22], s20  }
0xa1: {  	s6 =	ssub.s32 $0x0, s20;
	[sflag:s22] =	ssyncset.done $0x0  }
0xa2: {  	[sflag:s22] =	ssyncadd.s32 s6;
	_ =	sdelay $0x1  }
0xa3: {  	s23 =	simm.s32 $0x1B8B  }
0xa4: {  	_ =	swait.ge [sflag:s23], $0x1  }
0xa5: {  	[sflag:s23] =	ssyncset.done $0x0  }
0xa6: {  	s25 =	simm.s32 $0x1B8E;
	s24 =	sld [smem:$0x3FFE];
	[sflag:s23] =	ssyncadd.s32 $0xFFFFFFFF  }
0xa7: {  	s26 =	simm.s32 $execute0_lowered;
	[smem:$0x3FD2] =	sst s25  }
0xa8: {  	s7 =	sshll.u32 s26, $0x1;
	_ =	strace $0x80000046;
	[dreg:$0x1] =	wrdreg $0xFFFFFFFF  }
0xa9: {  	s28 =	simm.s32 $_size_execute0_lowered;
	s5 =	sadd.s32 s5, s7;
	[dreg:$0x0] =	wrdreg $0x0  }
0xaa: {  	s7 =	sshll.u32 s28, $0x1;
	[dreg:$0x2] =	wrdreg s5  }
0xab: {  	[dreg:$0x3] =	wrdreg s7  }
0xac: {  	[dreg:$0x4] =	wrdreg $0xC0  }
0xad: {  	_ =	task [dreg:s9], $0x5FFFF  }
0xae: {  	[dreg:$0x1] =	wrdreg $0xFFFFFFFF  }
0xaf: {  	[dreg:$0x0] =	wrdreg $0x60  }
0xb0: {  	[dreg:$0x2] =	wrdreg s2  }
0xb1: {  	[dreg:$0x3] =	wrdreg s24  }
0xb2: {  	[dreg:$0x4] =	wrdreg s18  }
0xb3: {  	[dreg:$0x5] =	wrdreg s4  }
0xb4: {  	[dreg:$0x6] =	wrdreg $0xF0800  }
0xb5: {  	[dreg:$0x7] =	wrdreg $0x9  }
0xb6: {  	_ =	task.clear_ibuf [dreg:s9], $0x8FFFF;
	_ =	strace $0x90000046  }
0xb7: {  	s29 =	simm.s32 $0x9;
	_ =	strace $0x80000048  }
0xb8: {  	_ =	swait.ge [sflag:s29], $0x1  }
0xb9: {  	[sflag:s29] =	ssyncadd.s32 $0xFFFFFFFF  }
0xba: {  	_ =	strace $0x90000048  }
0xbb: {  	_ =	sfence  }
0xbc: {  	s30 =	sld [smem:$0x0];
	_ =	sdelay $0x2  }
0xbd: {  	s31 =	sshll.u32 s1, $0xD;
	s1 =	sshrl.u32 s1, $0x2  }
0xbe: {  	s3 =	sand.u32 $0x4000, s31;
	s1 =	sadd.s32 s1, s30  }
0xbf: {  	s0 =	sor.u32 s3, s0;
	s1 =	sshll.u32 s1, $0x11  }
0xc0: {  	s0 =	sor.u32 s1, s0  }
0xc1: {  	s0 =	sadd.s32 $0x8F2B, s0  }
0xc2: {  	[sflag:s0] =	ssyncadd.remote.s32 $0x1  }
0xc3: {  	_ =	sfence.sel $0xFFFF  }
0xc4: {  	[dreg:$0x0] =	wrdreg $0xFFFFFFFF;
	(pc) =	sbr.abs _section_cstart, $3  }
0xc5: {  	[dreg:$0x1] =	wrdreg $0xFFFFFFFF  }
0xc6: {  	_ =	task.clear_ibuf [dreg:s9], $0x2FFFF;
	_ =	strace $0x9FFFFFFF  }
0xc7: {  	(tm) =	ssettm $0x7FFFFFFF  }
tec
execute0_lowered:
.L_overlay_start_1:
0x0: {  	(tag) =	ssettag $0x1  }
0x1: {  	s8 =	rddreg [dreg:$0x0]  }
0x2: {  	s7 =	rddreg [dreg:$0x1]  }
0x3: {  	s1 =	rddreg [dreg:$0x2]  }
0x4: {  	s14 =	rddreg [dreg:$0x3];
	v0 =	vlaneseq.u32  }
0x5: {  	s3 =	rddreg [dreg:$0x4];
	s4 =	simm.s32 $0x0;
	v0 =	vmul.u32 $0x10, v0  }
0x6: {  	[smem:$0x7FF] =	sst s4  }
0x7: {  	s0 =	rddreg [dreg:$0x5];
	_ =	strace $0x80000047;
	v1 =	vor.u32 $0x1, v0;
	[tilespmem:$0x1FFE0] =	vst v0  }
0x8: {  	v51 =	vor.u32 $0x2, v0;
	[tilespmem:$0x1FF00] =	vst v1  }
0x9: {  	v52 =	vor.u32 $0x3, v0;
	[tilespmem:$0x1FF10] =	vst v51  }
0xa: {  	v53 =	vor.u32 $0x4, v0;
	[tilespmem:$0x1FF20] =	vst v52  }
0xb: {  	s2 =	stileid.u32;
	s5 =	srdreg.scid;
	s17 =	simm.s32 $0x3;
	v54 =	vor.u32 $0x5, v0;
	[tilespmem:$0x1FF30] =	vst v53  }
0xc: {  	s18 =	simm.s32 $0xF000;
	s19 =	simm.s32 $0xCE80;
	s20 =	simm.s32 $0xC800;
	v55 =	vor.u32 $0x6, v0;
	[tilespmem:$0x1FF40] =	vst v54  }
0xd: {  	s21 =	simm.s32 $0x400;
	s22 =	simm.s32 $0x20000;
	s23 =	simm.s32 $0x6400;
	v56 =	vor.u32 $0x7, v0;
	[tilespmem:$0x1FF50] =	vst v55  }
0xe: {  	s24 =	simm.s32 $0x1;
	s25 =	simm.s32 $0x2;
	s26 =	simm.s32 $0xCC00;
	v57 =	vor.u32 $0x8, v0;
	[tilespmem:$0x1FF60] =	vst v56  }
0xf: {  	s28 =	simm.s32 $0x0;
	s6 =	sshll.u32 s2, $0xA;
	s9 =	sand.u32 $0x1, s5;
	v58 =	vor.u32 $0x9, v0;
	[tilespmem:$0x1FF70] =	vst v57  }
0x10: {  	s5 =	sadd.s32 $0x4400, s7;
	s31 =	sshll.u32 s2, $0x6;
	p0 =	seq.s32 s2, $0xF;
	v59 =	vor.u32 $0xA, v0;
	[tilespmem:$0x1FF80] =	vst v58  }
0x11: {  	s10 =	sadd.s32 s6, s7;
	s11 =	ssub.s32 $0x2, s9;
	s9 =	sshll.u32 s9, $0x9;
	v60 =	vor.u32 $0xB, v0;
	[tilespmem:$0x1FF90] =	vst v59  }
0x12: {  	s7 =	sadd.s32 $0x4000, s7;
	s12 =	sshrl.u32 s11, $0x1;
	s16 =	sor.u32 s9, s6;
	v61 =	vor.u32 $0xC, v0;
	[tilespmem:$0x1FFA0] =	vst v60  }
0x13: {  	s6 =	sadd.s32 $0x400, s10;
	s9 =	sadd.s32 s31, s3;
	s10 =	sadd.s32 $0x3C0, s3;
	v62 =	vor.u32 $0xD, v0;
	[tilespmem:$0x1FFB0] =	vst v61  }
0x14: {  	v63 =	vor.u32 $0xE, v0;
	s15 =	ssub.s32 s11, s12;
	s8 =	sadd.s32 s8, s16;
	s16 =	sshrl.u32 s16, $0x3;
	[tilespmem:$0x1FFC0] =	vst v62  }
0x15: {  	v0 =	vor.u32 $0xF, v0;
	[tilespmem:$0x1FFD0] =	vst v63;
	s11 =	sadd.s32 $0x80, s8;
	s12 =	sadd.s32 $0x100, s8;
	s13 =	sadd.s32 $0x180, s8  }
0x16: {  	[tilespmem:$0x1FFF0] =	vst v0;
	s14 =	sadd.s32 s14, s16;
	s15 =	smax.u32 s15, $0x1;
	s16 =	simm.s32 $0xCE00  }
.LBB2_1:
0x17: {  	[tilespmem:s16], [sflag:$0x3] =	stream.linear.gather [hbm4b:s1+s4], $0x80, $0x38;
	[tilespmem:$0xF0C0] =	vst v63  }
0x18: {  	_ =	swait.ge [sflag:s17], $0x80  }
0x19: {  	[sflag:s17] =	ssyncset.done $0x0  }
0x1a: {  	[sflag:s17] =	ssyncadd.s32 $0xFFFFFF80  }
0x1b: {  	[tilespmem:s18], [sflag:$0x3] =	stream.linear.gather [hbm4b:s5+s4], $0x80, $0x38;
	[tilespmem:$0xF0C0] =	vst v63  }
0x1c: {  	_ =	swait.ge [sflag:s17], $0x80  }
0x1d: {  	[sflag:s17] =	ssyncset.done $0x0  }
0x1e: {  	[sflag:s17] =	ssyncadd.s32 $0xFFFFFF80  }
0x1f: {  	v0 =	vld [tilespmem:$0xF000];
	_ =	sdelay $0x2  }
0x20: {  	s29 =	simm.s32 @p0 $0x0;
	s30 =	simm.s32 @p0 $0xCF80  }
0x21: {  	[tilespmem:s30], [sflag:$0x3] =	stream.linear.gather @p0 [hbm4b:s7+s29], $0x1400, $0x38;
	[tilespmem:$0xF0C0] =	vst v63  }
0x22: {  	s29 =	simm.s32 @p0 $0x3;
	[tilespmem:$0x1F8B0] =	vst v0  }
0x23: {  	_ =	swait.ge @p0 [sflag:s29], $0x1400  }
0x24: {  	[sflag:s29] =	ssyncset.done @p0 $0x0  }
0x25: {  	s31 =	simm.s32 @!p0 $0xCF80;
	s30 =	simm.s32 @!p0 $0x0;
	[sflag:s29] =	ssyncadd.s32 @p0 $0xFFFFEC00  }
0x26: {  	[tilespmem:s31], [sflag:$0x3] =	stream.linear.gather @!p0 [hbm4b:s6+s30], $0x2000, $0x38;
	[tilespmem:$0xF0C0] =	vst v63  }
0x27: {  	s30 =	simm.s32 @!p0 $0x3  }
0x28: {  	_ =	swait.ge @!p0 [sflag:s30], $0x2000  }
0x29: {  	[sflag:s30] =	ssyncset.done @!p0 $0x0  }
0x2a: {  	[sflag:s30] =	ssyncadd.s32 @!p0 $0xFFFFE000  }
0x2b: {  	v17 =	vld [tilespmem:$0xCF80]  }
0x2c: {  	v18 =	vld [tilespmem:$0xCE00]  }
0x2d: {  	v19 =	vld [tilespmem:$0xCF90]  }
0x2e: {  	v20 =	vld [tilespmem:$0xCE10]  }
0x2f: {  	v21 =	vld [tilespmem:$0xCFA0]  }
0x30: {  	v22 =	vld [tilespmem:$0xCE20]  }
0x31: {  	v23 =	vld [tilespmem:$0xCFB0]  }
0x32: {  	v24 =	vld [tilespmem:$0xCE30]  }
0x33: {  	v25 =	vld [tilespmem:$0xD000]  }
0x34: {  	v26 =	vld [tilespmem:$0xCE00]  }
0x35: {  	v27 =	vld [tilespmem:$0xD010]  }
0x36: {  	v28 =	vld [tilespmem:$0xCE10]  }
0x37: {  	v29 =	vld [tilespmem:$0xD020]  }
0x38: {  	v30 =	vld [tilespmem:$0xCE20]  }
0x39: {  	v6 =	vld [tilespmem:$0xD030]  }
0x3a: {  	v7 =	vld [tilespmem:$0xCE30]  }
0x3b: {  	v33 =	vld [tilespmem:$0xD080]  }
0x3c: {  	v34 =	vld [tilespmem:$0xCE00]  }
0x3d: {  	v35 =	vld [tilespmem:$0xD090]  }
0x3e: {  	v36 =	vld [tilespmem:$0xCE10]  }
0x3f: {  	v37 =	vld [tilespmem:$0xD0A0]  }
0x40: {  	v38 =	vld [tilespmem:$0xCE20]  }
0x41: {  	v8 =	vld [tilespmem:$0xD0B0]  }
0x42: {  	v40 =	vld [tilespmem:$0xCE30]  }
0x43: {  	v41 =	vld [tilespmem:$0xD100]  }
0x44: {  	v42 =	vld [tilespmem:$0xCE00]  }
0x45: {  	v43 =	vld [tilespmem:$0xD110]  }
0x46: {  	v44 =	vld [tilespmem:$0xCE10]  }
0x47: {  	v45 =	vld [tilespmem:$0xD120]  }
0x48: {  	v46 =	vld [tilespmem:$0xCE20]  }
0x49: {  	v47 =	vld [tilespmem:$0xD130]  }
0x4a: {  	v48 =	vld [tilespmem:$0xCE30]  }
0x4b: {  	v49 =	vld [tilespmem:$0xD180]  }
0x4c: {  	v50 =	vld [tilespmem:$0xCE00]  }
0x4d: {  	v51 =	vld [tilespmem:$0xD190]  }
0x4e: {  	v52 =	vld [tilespmem:$0xCE10]  }
0x4f: {  	v9 =	vld [tilespmem:$0xD1A0]  }
0x50: {  	v10 =	vld [tilespmem:$0xCE20]  }
0x51: {  	v11 =	vld [tilespmem:$0xD1B0]  }
0x52: {  	v56 =	vld [tilespmem:$0xCE30]  }
0x53: {  	v57 =	vld [tilespmem:$0xD200]  }
0x54: {  	v58 =	vld [tilespmem:$0xCE00]  }
0x55: {  	v59 =	vld [tilespmem:$0xD210]  }
0x56: {  	v60 =	vld [tilespmem:$0xCE10]  }
0x57: {  	v61 =	vld [tilespmem:$0xD220]  }
0x58: {  	v62 =	vld [tilespmem:$0xCE20]  }
0x59: {  	v63 =	vld [tilespmem:$0xD230]  }
0x5a: {  	v1 =	vld [tilespmem:$0xCE30]  }
0x5b: {  	v14 =	vld [tilespmem:$0xD280]  }
0x5c: {  	v3 =	vld [tilespmem:$0xCE00]  }
0x5d: {  	v4 =	vld [tilespmem:$0xD290]  }
0x5e: {  	v5 =	vld [tilespmem:$0xCE10]  }
0x5f: {  	v12 =	vld [tilespmem:$0xD2A0]  }
0x60: {  	v13 =	vld [tilespmem:$0xCE20]  }
0x61: {  	v32 =	vld [tilespmem:$0xD2B0]  }
0x62: {  	v39 =	vld [tilespmem:$0xCE30]  }
0x63: {  	v15 =	vld [tilespmem:$0xCE20]  }
0x64: {  	v53 =	vld [tilespmem:$0xD330]  }
0x65: {  	v54 =	vld [tilespmem:$0xD380]  }
0x66: {  	v55 =	vld [tilespmem:$0xCE00]  }
0x67: {  	v16 =	vld [tilespmem:$0xD400]  }
0x68: {  	v0 =	vld [tilespmem:$0xCE10]  }
0x69: {  	v2 =	vld [tilespmem:$0xD420]  }
0x6a: {  	v31 =	vld [tilespmem:$0xD500]  }
0x6b: {  	[tilespmem:$0x1F900] =	vst v10;
	v10 =	vld [tilespmem:$0xD300]  }
0x6c: {  	[tilespmem:$0x1F910] =	vst v11;
	v11 =	vld [tilespmem:$0xCE00]  }
0x6d: {  	[tilespmem:$0x1F920] =	vst v12;
	v12 =	vld [tilespmem:$0xD310]  }
0x6e: {  	[tilespmem:$0x1F930] =	vst v13;
	v13 =	vld [tilespmem:$0xCE10]  }
0x6f: {  	[tilespmem:$0x1F940] =	vst v32;
	v32 =	vld [tilespmem:$0xD320]  }
0x70: {  	[tilespmem:$0x1F950] =	vst v39;
	v39 =	vld [tilespmem:$0xCE30]  }
0x71: {  	[tilespmem:$0x1F8C0] =	vst v6;
	v6 =	vld [tilespmem:$0xD390]  }
0x72: {  	[tilespmem:$0x1F970] =	vst v54;
	v54 =	vld [tilespmem:$0xCE10]  }
0x73: {  	[tilespmem:$0x1F8D0] =	vst v7;
	v7 =	vld [tilespmem:$0xD3A0]  }
0x74: {  	[tilespmem:$0x1F8E0] =	vst v8;
	v8 =	vld [tilespmem:$0xCE20]  }
0x75: {  	[tilespmem:$0x1F8F0] =	vst v9;
	v9 =	vld [tilespmem:$0xD3B0]  }
0x76: {  	[tilespmem:$0x1F960] =	vst v53;
	v53 =	vld [tilespmem:$0xCE30]  }
0x77: {  	[tilespmem:$0x1F980] =	vst v55;
	v55 =	vld [tilespmem:$0xCE20]  }
0x78: {  	[tilespmem:$0x1F9E0] =	vst v2;
	v2 =	vld [tilespmem:$0xCE10]  }
0x79: {  	v17 =	vmul.f32 v18, v17;
	v18 =	vld [tilespmem:$0xCE30]  }
0x7a: {  	v19 =	vmul.f32 v20, v19;
	v20 =	vmul.f32 v22, v21;
	v21 =	vld [tilespmem:$0xD580]  }
0x7b: {  	v22 =	vmul.f32 v26, v25;
	v26 =	vld [tilespmem:$0xCE00]  }
0x7c: {  	v25 =	vmul.f32 v28, v27;
	v28 =	vld [tilespmem:$0xCE10]  }
0x7d: {  	v27 =	vmul.f32 v36, v35;
	v36 =	vld [tilespmem:$0xCE00]  }
0x7e: {  	v4 =	vmul.f32 v5, v4;
	v5 =	vld [tilespmem:$0xCE20]  }
0x7f: {  	v3 =	vmul.f32 v3, v14;
	v14 =	vld [tilespmem:$0xD680]  }
0x80: {  	v17 =	vadd.f32 v19, v17;
	v19 =	vmul.f32 v24, v23;
	v24 =	vld [tilespmem:$0xD590]  }
0x81: {  	v23 =	vmul.f32 v30, v29;
	v30 =	vld [tilespmem:$0xD5A0]  }
0x82: {  	v29 =	vmul.f32 v44, v43;
	v43 =	vld [tilespmem:$0x1F8C0]  }
0x83: {  	v22 =	vadd.f32 v25, v22;
	v25 =	vmul.f32 v34, v33;
	v44 =	vld [tilespmem:$0x1F8D0]  }
0x84: {  	v34 =	vld [tilespmem:$0xD5B0]  }
0x85: {  	v22 =	vadd.f32 v23, v22;
	v23 =	vadd.f32 v27, v25;
	v27 =	vld [tilespmem:$0xCE20]  }
0x86: {  	v25 =	vmul.f32 v38, v37;
	v38 =	vld [tilespmem:$0xD610]  }
0x87: {  	v17 =	vadd.f32 v20, v17;
	v20 =	vmul.f32 v42, v41;
	v41 =	vld [tilespmem:$0xCE10]  }
0x88: {  	v42 =	vld [tilespmem:$0xD620]  }
0x89: {  	[tilespmem:$0x1F990] =	vst v6;
	v6 =	vld [tilespmem:$0xCE00]  }
0x8a: {  	[tilespmem:$0x1F9C0] =	vst v9;
	v9 =	vld [tilespmem:$0xD410]  }
0x8b: {  	[tilespmem:$0x1F9A0] =	vst v7;
	v7 =	vld [tilespmem:$0xD430]  }
0x8c: {  	[tilespmem:$0x1F9B0] =	vst v8;
	v8 =	vld [tilespmem:$0xCE30]  }
0x8d: {  	[tilespmem:$0x1F9D0] =	vst v53;
	v53 =	vld [tilespmem:$0xD480]  }
0x8e: {  	[tilespmem:$0x1F9F0] =	vst v55;
	v55 =	vld [tilespmem:$0xCE00]  }
0x8f: {  	v17 =	vadd.f32 v19, v17;
	v19 =	vadd.f32 v25, v23;
	v23 =	vld [tilespmem:$0x1F8E0]  }
0x90: {  	v20 =	vadd.f32 v29, v20;
	v29 =	vmul.f32 v46, v45;
	v25 =	vld [tilespmem:$0xCE30]  }
0x91: {  	v46 =	vmul.f32 v13, v12;
	v12 =	vld [tilespmem:$0xD630]  }
0x92: {  	v33 =	vmul.f32 v44, v43;
	v20 =	vadd.f32 v29, v20;
	v29 =	vmul.f32 v48, v47;
	v47 =	vld [tilespmem:$0x1F920]  }
0x93: {  	v48 =	vmul.f32 v15, v32;
	v15 =	vld [tilespmem:$0x1F950]  }
0x94: {  	v22 =	vadd.f32 v33, v22;
	v33 =	vld [tilespmem:$0xD600]  }
0x95: {  	v5 =	vmul.f32 v5, v42;
	v42 =	vld [tilespmem:$0x1FFA0]  }
0x96: {  	[tilespmem:$0x1FA30] =	vst v7;
	v7 =	vld [tilespmem:$0xD490]  }
0x97: {  	[tilespmem:$0x1FA00] =	vst v53;
	v53 =	vld [tilespmem:$0xCE10]  }
0x98: {  	[tilespmem:$0x1FA40] =	vst v8;
	v8 =	vld [tilespmem:$0xD4A0]  }
0x99: {  	[tilespmem:$0x1FA10] =	vst v55;
	v55 =	vld [tilespmem:$0xCE20]  }
0x9a: {  	v20 =	vadd.f32 v29, v20;
	v29 =	vmul.f32 v58, v57;
	v58 =	vld [tilespmem:$0x1F8F0]  }
0x9b: {  	v57 =	vmul.f32 v60, v59;
	v59 =	vld [tilespmem:$0x1F900]  }
0x9c: {  	v60 =	vld [tilespmem:$0x1F910]  }
0x9d: {  	v62 =	vmul.f32 v62, v61;
	v61 =	vld [tilespmem:$0x1FA10]  }
0x9e: {  	v43 =	vld [tilespmem:$0x1FA30]  }
0x9f: {  	[tilespmem:$0xCE90] =	vst v22;
	v22 =	vld [tilespmem:$0xCE20]  }
0xa0: {  	v29 =	vadd.f32 v57, v29;
	v57 =	vld [tilespmem:$0x1F9D0]  }
0xa1: {  	v23 =	vmul.f32 v40, v23;
	[tilespmem:$0xCEB0] =	vst v20;
	v20 =	vmul.f32 v27, v30;
	v27 =	vld [tilespmem:$0xCE10]  }
0xa2: {  	v30 =	vld [tilespmem:$0xCE30]  }
0xa3: {  	v19 =	vadd.f32 v23, v19;
	v23 =	vmul.f32 v50, v49;
	v49 =	vld [tilespmem:$0x1F940]  }
0xa4: {  	v50 =	vld [tilespmem:$0x1F970]  }
0xa5: {  	v45 =	vadd.f32 v62, v29;
	v29 =	vld [tilespmem:$0xCE00]  }
0xa6: {  	[tilespmem:$0x1FA20] =	vst v7;
	v7 =	vld [tilespmem:$0xD4B0]  }
0xa7: {  	[tilespmem:$0x1FA50] =	vst v8;
	v8 =	vld [tilespmem:$0xCE30]  }
0xa8: {  	[tilespmem:$0x1FA60] =	vst v55;
	v55 =	vld [tilespmem:$0xD520]  }
0xa9: {  	v40 =	vmul.f32 v56, v60;
	v56 =	vld [tilespmem:$0x1F9A0]  }
0xaa: {  	v35 =	vmul.f32 v59, v58;
	v58 =	vld [tilespmem:$0x1F9E0]  }
0xab: {  	v59 =	vld [tilespmem:$0x1F9F0]  }
0xac: {  	v60 =	vld [tilespmem:$0x1FA00]  }
0xad: {  	[tilespmem:$0xCEA0] =	vst v19;
	v19 =	vld [tilespmem:$0xCE10]  }
0xae: {  	v62 =	vld [tilespmem:$0x1FA20]  }
0xaf: {  	[tilespmem:$0x1FA70] =	vst v55;
	v55 =	vld [tilespmem:$0xCE20]  }
0xb0: {  	v1 =	vmul.f32 v1, v63;
	v44 =	vld [tilespmem:$0x1FA60]  }
0xb1: {  	[tilespmem:$0x1FA90] =	vst v7;
	v7 =	vld [tilespmem:$0xCE00]  }
0xb2: {  	v1 =	vadd.f32 v1, v45;
	v45 =	vld [tilespmem:$0xD700]  }
0xb3: {  	v10 =	vmul.f32 v11, v10;
	[tilespmem:$0x1FAA0] =	vst v8;
	v8 =	vld [tilespmem:$0xD510]  }
0xb4: {  	[tilespmem:$0x1FA80] =	vst v55;
	v55 =	vld [tilespmem:$0xD530]  }
0xb5: {  	v10 =	vadd.f32 v46, v10;
	v46 =	vld [tilespmem:$0x1FA70]  }
0xb6: {  	v63 =	vmul.f32 v7, v31;
	v31 =	vld [tilespmem:$0x1FA40]  }
0xb7: {  	v10 =	vadd.f32 v48, v10;
	v48 =	vld [tilespmem:$0x1FA90]  }
0xb8: {  	[tilespmem:$0xCE80] =	vst v17;
	v17 =	vld [tilespmem:$0x1FAA0]  }
0xb9: {  	[tilespmem:$0x1FAB0] =	vst v55;
	v55 =	vmul.f32 v52, v51;
	v52 =	vld [tilespmem:$0x1F990]  }
0xba: {  	v51 =	vld [tilespmem:$0x1F980]  }
0xbb: {  	v2 =	vmul.f32 v2, v8;
	v8 =	vmul.f32 v31, v43;
	v31 =	vld [tilespmem:$0x1FA50];
	v23 =	vadd.f32 v55, v23  }
0xbc: {  	v43 =	vld [tilespmem:$0x1FFB0]  }
0xbd: {  	v23 =	vadd.f32 v35, v23;
	v35 =	vld [tilespmem:$0xD690]  }
0xbe: {  	v32 =	vmul.f32 v54, v52;
	v54 =	vmul.f32 v6, v16;
	v6 =	vld [tilespmem:$0xCE10]  }
0xbf: {  	v13 =	vadd.f32 v40, v23;
	v23 =	vld [tilespmem:$0x1F930]  }
0xc0: {  	v16 =	vld [tilespmem:$0x1F9C0]  }
0xc1: {  	v11 =	vmul.f32 v51, v50;
	v51 =	vmul.f32 v36, v33;
	v33 =	vld [tilespmem:$0x1FF10]  }
0xc2: {  	v36 =	vld [tilespmem:$0x1FF40]  }
0xc3: {  	v52 =	vmul.f32 v41, v38;
	v38 =	vld [tilespmem:$0x1FF60]  }
0xc4: {  	v3 =	vadd.f32 v4, v3;
	v41 =	vld [tilespmem:$0x1FF90];
	v4 =	vmul.f32 v23, v47  }
0xc5: {  	v50 =	vmul.f32 v28, v24;
	v24 =	vld [tilespmem:$0xD800]  }
0xc6: {  	v3 =	vadd.f32 v4, v3;
	v4 =	vmul.f32 v15, v49;
	v15 =	vld [tilespmem:$0x1F960]  }
0xc7: {  	v28 =	vld [tilespmem:$0xD820]  }
0xc8: {  	v0 =	vmul.f32 v0, v9;
	v40 =	vld [tilespmem:$0xCE30]  }
0xc9: {  	v55 =	vadd.f32 v32, v11;
	v32 =	vld [tilespmem:$0xCE20]  }
0xca: {  	v0 =	vadd.f32 v0, v54;
	v54 =	vmul.f32 v25, v34;
	v34 =	vld [tilespmem:$0x1FF20]  }
0xcb: {  	v25 =	vld [tilespmem:$0xCE00];
	v15 =	vmul.f32 v39, v15  }
0xcc: {  	v16 =	vmul.f32 v57, v16;
	v57 =	vld [tilespmem:$0xCE30]  }
0xcd: {  	v9 =	vadd.f32 v15, v10;
	v15 =	vld [tilespmem:$0x1F9B0]  }
0xce: {  	v6 =	vmul.f32 v6, v35;
	v35 =	vld [tilespmem:$0x1FF30]  }
0xcf: {  	v23 =	vld [tilespmem:$0xCE30]  }
0xd0: {  	v49 =	vld [tilespmem:$0x1FAB0]  }
0xd1: {  	v39 =	vld [tilespmem:$0xD6B0]  }
0xd2: {  	v11 =	vmul.f32 v15, v56;
	v15 =	vld [tilespmem:$0xD6A0]  }
0xd3: {  	v56 =	vmul.f32 v29, v14;
	v14 =	vld [tilespmem:$0x1FFE0]  }
0xd4: {  	v29 =	vld [tilespmem:$0xCE20]  }
0xd5: {  	v10 =	vadd.f32 v11, v55;
	v11 =	vmul.f32 v61, v60;
	v61 =	vmul.f32 v23, v12;
	v23 =	vld [tilespmem:$0xCE30]  }
0xd6: {  	v55 =	vadd.f32 v52, v51;
	v51 =	vld [tilespmem:$0xD910]  }
0xd7: {  	v37 =	vmul.f32 v53, v62;
	v3 =	vadd.f32 v4, v3;
	v4 =	vmul.f32 v59, v58;
	v52 =	vld [tilespmem:$0xCE10]  }
0xd8: {  	v10 =	vadd.f32 v16, v10;
	v16 =	vld [tilespmem:$0x1FA80]  }
0xd9: {  	v0 =	vadd.f32 v4, v0;
	v11 =	vadd.f32 v37, v11;
	v37 =	vld [tilespmem:$0x1FF50]  }
0xda: {  	v31 =	vmul.f32 v44, v31;
	[tilespmem:$0xCEE0] =	vst v3;
	v3 =	vadd.f32 v5, v55;
	v55 =	vld [tilespmem:$0xD980]  }
0xdb: {  	v0 =	vadd.f32 v8, v0;
	v60 =	vmul.f32 v32, v15;
	v32 =	vld [tilespmem:$0x1FF00]  }
0xdc: {  	v47 =	vadd.f32 v31, v11;
	v11 =	vmul.f32 v17, v48;
	v17 =	vld [tilespmem:$0xD710]  }
0xdd: {  	[tilespmem:$0xCF10] =	vst v0;
	v0 =	vadd.f32 v61, v3;
	v61 =	vld [tilespmem:$0x1FFF0]  }
0xde: {  	v31 =	vld [tilespmem:$0xCE00]  }
0xdf: {  	v48 =	vld [tilespmem:$0xCE30]  }
0xe0: {  	v8 =	vadd.f32 v11, v47;
	v47 =	vld [tilespmem:$0xD8B0]  }
0xe1: {  	v4 =	vmul.f32 v16, v46;
	v16 =	vld [tilespmem:$0xCE00]  }
0xe2: {  	v46 =	vld [tilespmem:$0xCE20]  }
0xe3: {  	v2 =	vadd.f32 v2, v63;
	[tilespmem:$0xCF20] =	vst v8;
	v8 =	vmul.f32 v40, v39;
	v39 =	vld [tilespmem:$0x1FF70]  }
0xe4: {  	v40 =	vld [tilespmem:$0x1FF80]  }
0xe5: {  	v2 =	vadd.f32 v4, v2;
	v4 =	vmul.f32 v18, v49;
	v18 =	vmul.f32 v26, v21;
	v21 =	vld [tilespmem:$0xD720]  }
0xe6: {  	v59 =	vmul.f32 v19, v17;
	v17 =	vld [tilespmem:$0xCE00]  }
0xe7: {  	v19 =	vld [tilespmem:$0xCE10]  }
0xe8: {  	v26 =	vld [tilespmem:$0xD810]  }
0xe9: {  	v49 =	vld [tilespmem:$0xD900]  }
0xea: {  	v53 =	vadd.f32 v50, v18;
	v18 =	vld [tilespmem:$0xD730]  }
0xeb: {  	v50 =	vld [tilespmem:$0xCE00]  }
0xec: {  	v2 =	vadd.f32 v4, v2;
	v4 =	vadd.f32 v6, v56;
	v56 =	vld [tilespmem:$0xCE00]  }
0xed: {  	v58 =	vmul.f32 v16, v45;
	v16 =	vld [tilespmem:$0xD780]  }
0xee: {  	[tilespmem:$0xCED0] =	vst v1;
	v1 =	vadd.f32 v20, v53;
	v20 =	vld [tilespmem:$0xD7A0]  }
0xef: {  	v53 =	vld [tilespmem:$0xD920]  }
0xf0: {  	v4 =	vadd.f32 v60, v4;
	v60 =	vld [tilespmem:$0xCE20]  }
0xf1: {  	v63 =	vmul.f32 v22, v21;
	v21 =	vld [tilespmem:$0xCE20]  }
0xf2: {  	[tilespmem:$0xCEC0] =	vst v13;
	v22 =	vld [tilespmem:$0xD7B0]  }
0xf3: {  	[tilespmem:$0xCEF0] =	vst v9;
	v62 =	vadd.f32 v59, v58;
	v58 =	vld [tilespmem:$0xCE10]  }
0xf4: {  	[tilespmem:$0xCF00] =	vst v10;
	v59 =	vld [tilespmem:$0xD9A0]  }
0xf5: {  	[tilespmem:$0xCF50] =	vst v0;
	v1 =	vadd.f32 v54, v1;
	v54 =	vld [tilespmem:$0xCE20];
	v10 =	vadd.f32 v63, v62;
	v11 =	vmul.f32 v57, v18  }
0xf6: {  	[tilespmem:$0xCF30] =	vst v2;
	v12 =	vadd.f32 v8, v4;
	v63 =	vld [tilespmem:$0x1FFC0]  }
0xf7: {  	v62 =	vld [tilespmem:$0x1FFD0];
	[tilespmem:$0xCF40] =	vst v1;
	v13 =	vadd.f32 v11, v10  }
0xf8: {  	v18 =	vld [tilespmem:$0xD790];
	[tilespmem:$0xCF60] =	vst v12  }
0xf9: {  	v57 =	vld [tilespmem:$0xD990];
	[tilespmem:$0xCF70] =	vst v13  }
0xfa: {  	v0 =	vld.idx.msk [tilespmem:v14+s19+$0x0], $0xffff  }
0xfb: {  	v1 =	vld.idx.msk [tilespmem:v32+s19+$0x0], $0xffff  }
0xfc: {  	v2 =	vld.idx.msk [tilespmem:v33+s19+$0x0], $0xffff  }
0xfd: {  	v3 =	vld.idx.msk [tilespmem:v34+s19+$0x0], $0xffff  }
0xfe: {  	v4 =	vld.idx.msk [tilespmem:v35+s19+$0x0], $0xffff  }
0xff: {  	v5 =	vld.idx.msk [tilespmem:v36+s19+$0x0], $0xffff  }
0x100: {  	v6 =	vld.idx.msk [tilespmem:v37+s19+$0x0], $0xffff  }
0x101: {  	v7 =	vld.idx.msk [tilespmem:v38+s19+$0x0], $0xffff  }
0x102: {  	v8 =	vld.idx.msk [tilespmem:v39+s19+$0x0], $0xffff  }
0x103: {  	v9 =	vld.idx.msk [tilespmem:v40+s19+$0x0], $0xffff  }
0x104: {  	v10 =	vld.idx.msk [tilespmem:v41+s19+$0x0], $0xffff  }
0x105: {  	v11 =	vld.idx.msk [tilespmem:v42+s19+$0x0], $0xffff  }
0x106: {  	v12 =	vld.idx.msk [tilespmem:v43+s19+$0x0], $0xffff  }
0x107: {  	v15 =	vld.idx.msk [tilespmem:v61+s19+$0x0], $0xffff  }
0x108: {  	v32 =	vld [tilespmem:$0xCE10]  }
0x109: {  	v38 =	vld [tilespmem:$0xCE30]  }
0x10a: {  	v43 =	vmul.f32 v17, v16;
	v17 =	vld [tilespmem:$0xD9B0]  }
0x10b: {  	v16 =	vmul.f32 v19, v18;
	v18 =	vmul.f32 v25, v24;
	v24 =	vld [tilespmem:$0xCE30]  }
0x10c: {  	v14 =	vld [tilespmem:$0xDB30]  }
0x10d: {  	v25 =	vld [tilespmem:$0xCE00]  }
0x10e: {  	v19 =	vmul.f32 v27, v26;
	v26 =	vld [tilespmem:$0xDC10]  }
0x10f: {  	v27 =	vld [tilespmem:$0xCE10]  }
0x110: {  	v33 =	vld [tilespmem:$0xCE00]  }
0x111: {  	v34 =	vld [tilespmem:$0xDC90]  }
0x112: {  	v35 =	vld [tilespmem:$0xCE10]  }
0x113: {  	v36 =	vld [tilespmem:$0xDCA0]  }
0x114: {  	v37 =	vld [tilespmem:$0xCE20]  }
0x115: {  	v39 =	vld [tilespmem:$0xCE30]  }
0x116: {  	v40 =	vld [tilespmem:$0xDD00]  }
0x117: {  	v41 =	vld [tilespmem:$0xCE00]  }
0x118: {  	v42 =	vld [tilespmem:$0xDD10]  }
0x119: {  	v13 =	vadd.f32 v16, v43;
	v16 =	vld [tilespmem:$0xDA00]  }
0x11a: {  	v18 =	vadd.f32 v19, v18;
	v19 =	vmul.f32 v29, v28;
	v28 =	vld [tilespmem:$0xDC20]  }
0x11b: {  	v29 =	vld [tilespmem:$0xCE20]  }
0x11c: {  	v43 =	vld [tilespmem:$0xCE10]  }
0x11d: {  	v44 =	vld.idx.msk [tilespmem:v63+s19+$0x0], $0xffff  }
0x11e: {  	v0 =	vadd.f32 v1, v0;
	v1 =	vld [tilespmem:$0xD830]  }
0x11f: {  	v45 =	vld.idx.msk [tilespmem:v62+s19+$0x0], $0xffff  }
0x120: {  	v18 =	vadd.f32 v19, v18;
	v19 =	vld [tilespmem:$0xCE10];
	v0 =	vadd.f32 v2, v0  }
0x121: {  	v2 =	vld [tilespmem:$0xD880]  }
0x122: {  	v0 =	vadd.f32 v3, v0;
	v3 =	vld [tilespmem:$0xD890]  }
0x123: {  	v1 =	vmul.f32 v30, v1;
	v30 =	vld [tilespmem:$0xDC30]  }
0x124: {  	v0 =	vadd.f32 v4, v0;
	v4 =	vld [tilespmem:$0xD8A0]  }
0x125: {  	v1 =	vadd.f32 v1, v18;
	v18 =	vld [tilespmem:$0xCE20]  }
0x126: {  	v2 =	vmul.f32 v31, v2;
	v31 =	vld [tilespmem:$0xCE30]  }
0x127: {  	v0 =	vadd.f32 v5, v0;
	[tilespmem:$0xCE90] =	vst v1;
	v1 =	vld [tilespmem:$0xCE10]  }
0x128: {  	v3 =	vmul.f32 v32, v3;
	v32 =	vld [tilespmem:$0xDC80]  }
0x129: {  	v0 =	vadd.f32 v6, v0;
	v6 =	vmul.f32 v50, v49;
	v49 =	vld [tilespmem:$0xDA30];
	v50 =	vmul.f32 v56, v55  }
0x12a: {  	v55 =	vmul.f32 v60, v59;
	v59 =	vmul.f32 v24, v17;
	v17 =	vld [tilespmem:$0xCE00]  }
0x12b: {  	v24 =	vld [tilespmem:$0xDC00]  }
0x12c: {  	v4 =	vmul.f32 v46, v4;
	v46 =	vld [tilespmem:$0xDA20]  }
0x12d: {  	v2 =	vadd.f32 v3, v2;
	v3 =	vld [tilespmem:$0xDA90];
	v0 =	vadd.f32 v7, v0;
	v7 =	vmul.f32 v52, v51  }
0x12e: {  	v52 =	vld [tilespmem:$0xCE30]  }
0x12f: {  	v51 =	vmul.f32 v58, v57;
	v6 =	vadd.f32 v7, v6;
	v7 =	vld [tilespmem:$0xDA80]  }
0x130: {  	v47 =	vmul.f32 v48, v47;
	v0 =	vadd.f32 v8, v0;
	v8 =	vld [tilespmem:$0xDB00]  }
0x131: {  	v48 =	vmul.f32 v54, v53;
	v2 =	vadd.f32 v4, v2;
	v54 =	vadd.f32 v51, v50;
	v50 =	vld [tilespmem:$0xDD90]  }
0x132: {  	v51 =	vld [tilespmem:$0xCE10]  }
0x133: {  	v2 =	vadd.f32 v47, v2;
	v47 =	vld [tilespmem:$0xCE30]  }
0x134: {  	v0 =	vadd.f32 v9, v0;
	v9 =	vld [tilespmem:$0xD930]  }
0x135: {  	v5 =	vadd.f32 v48, v6;
	v6 =	vld [tilespmem:$0xCE30]  }
0x136: {  	v57 =	vmul.f32 v18, v46;
	v18 =	vld [tilespmem:$0xDB90]  }
0x137: {  	v46 =	vld [tilespmem:$0xDD30]  }
0x138: {  	v48 =	vld [tilespmem:$0xDD80]  }
0x139: {  	v58 =	vadd.f32 v55, v54;
	v54 =	vld [tilespmem:$0xDDB0]  }
0x13a: {  	v55 =	vld [tilespmem:$0xCE30]  }
0x13b: {  	v1 =	vmul.f32 v1, v3;
	v3 =	vld [tilespmem:$0xCE20]  }
0x13c: {  	[tilespmem:$0xCEA0] =	vst v2;
	v2 =	vld [tilespmem:$0xDAA0]  }
0x13d: {  	v0 =	vadd.f32 v10, v0;
	v10 =	vadd.f32 v59, v58;
	v58 =	vld [tilespmem:$0xDE10]  }
0x13e: {  	v59 =	vld [tilespmem:$0xCE10]  }
0x13f: {  	[tilespmem:$0xCEC0] =	vst v10;
	v10 =	vld [tilespmem:$0xDB10]  }
0x140: {  	v56 =	vmul.f32 v38, v9;
	v38 =	vld [tilespmem:$0xDCB0]  }
0x141: {  	v0 =	vadd.f32 v11, v0;
	v9 =	vmul.f32 v52, v49;
	v49 =	vld [tilespmem:$0xCE00]  }
0x142: {  	v52 =	vld [tilespmem:$0xDDA0]  }
0x143: {  	v47 =	vmul.f32 v47, v46;
	v46 =	vld [tilespmem:$0x1FF20];
	v0 =	vadd.f32 v12, v0  }
0x144: {  	v12 =	vld [tilespmem:$0xDB20]  }
0x145: {  	v0 =	vadd.f32 v44, v0;
	v44 =	vmul.f32 v21, v20;
	v20 =	vld [tilespmem:$0xCE00]  }
0x146: {  	v21 =	vld [tilespmem:$0xCE20]  }
0x147: {  	v0 =	vadd.f32 v45, v0;
	v45 =	vmul.f32 v23, v22;
	v22 =	vld [tilespmem:$0xDBB0]  }
0x148: {  	v23 =	vld [tilespmem:$0xCE30]  }
0x149: {  	v13 =	vadd.f32 v44, v13;
	v44 =	vld [tilespmem:$0xDD20]  }
0x14a: {  	v0 =	vadd.f32 v15, v0;
	v15 =	vld [tilespmem:$0xDA10]  }
0x14b: {  	v13 =	vadd.f32 v45, v13;
	v45 =	vld [tilespmem:$0xCE20]  }
0x14c: {  	v53 =	vmul.f32 v20, v16;
	v16 =	vld [tilespmem:$0xDB80]  }
0x14d: {  	v20 =	vld [tilespmem:$0xDBA0]  }
0x14e: {  	[tilespmem:$0xEF80] =	vst v0;
	v0 =	vadd.f32 v56, v5;
	v5 =	vld [tilespmem:$0xCE00]  }
0x14f: {  	[tilespmem:$0xCE80] =	vst v13;
	v13 =	vld [tilespmem:$0xCE20]  }
0x150: {  	v56 =	vld [tilespmem:$0xDE00]  }
0x151: {  	[tilespmem:$0xCEB0] =	vst v0;
	v0 =	vld [tilespmem:$0xCE20]  }
0x152: {  	v15 =	vmul.f32 v19, v15;
	v19 =	vld [tilespmem:$0xCE10]  }
0x153: {  	v45 =	vmul.f32 v45, v44;
	v44 =	vld [tilespmem:$0x1FF00]  }
0x154: {  	v4 =	vadd.f32 v15, v53;
	v15 =	vld [tilespmem:$0xCE30]  }
0x155: {  	v53 =	vld [tilespmem:$0xCE20]  }
0x156: {  	v60 =	vadd.f32 v57, v4;
	v4 =	vld [tilespmem:$0xDAB0]  }
0x157: {  	v5 =	vmul.f32 v5, v7;
	v57 =	vld [tilespmem:$0xCE00]  }
0x158: {  	v0 =	vmul.f32 v0, v2;
	v2 =	vld [tilespmem:$0xCE30]  }
0x159: {  	v1 =	vadd.f32 v1, v5;
	v11 =	vadd.f32 v9, v60;
	v9 =	vld [tilespmem:$0xCE00]  }
0x15a: {  	v60 =	vld [tilespmem:$0xDE20]  }
0x15b: {  	v0 =	vadd.f32 v0, v1;
	v1 =	vmul.f32 v25, v24;
	v25 =	vld [tilespmem:$0xDF20]  }
0x15c: {  	v24 =	vmul.f32 v53, v52;
	v52 =	vld [tilespmem:$0x1FF80]  }
0x15d: {  	v53 =	vld [tilespmem:$0x1FF90]  }
0x15e: {  	[tilespmem:$0xCED0] =	vst v11;
	v11 =	vld [tilespmem:$0xCE10]  }
0x15f: {  	v12 =	vmul.f32 v13, v12;
	v13 =	vmul.f32 v6, v4;
	v6 =	vld [tilespmem:$0xCE00]  }
0x160: {  	v4 =	vmul.f32 v15, v14;
	v15 =	vld [tilespmem:$0xCE20]  }
0x161: {  	v14 =	vmul.f32 v23, v22;
	v23 =	vld [tilespmem:$0xCE10]  }
0x162: {  	v22 =	vmul.f32 v49, v48;
	v48 =	vld [tilespmem:$0x1FF40]  }
0x163: {  	v49 =	vld [tilespmem:$0x1FF50]  }
0x164: {  	v7 =	vmul.f32 v9, v8;
	v9 =	vld [tilespmem:$0xDE30]  }
0x165: {  	v0 =	vadd.f32 v13, v0;
	v13 =	vld [tilespmem:$0xCE10]  }
0x166: {  	v8 =	vmul.f32 v11, v10;
	v11 =	vld [tilespmem:$0xDE90]  }
0x167: {  	v10 =	vmul.f32 v19, v18;
	v19 =	vld [tilespmem:$0xCE30]  }
0x168: {  	v18 =	vmul.f32 v43, v42;
	v43 =	vld [tilespmem:$0x1FFE0]  }
0x169: {  	v5 =	vadd.f32 v8, v7;
	v8 =	vld [tilespmem:$0xDE80]  }
0x16a: {  	v7 =	vmul.f32 v17, v16;
	v17 =	vld [tilespmem:$0xDEB0]  }
0x16b: {  	v5 =	vadd.f32 v12, v5;
	v12 =	vmul.f32 v27, v26;
	v27 =	vld [tilespmem:$0xCE20]  }
0x16c: {  	v26 =	vmul.f32 v59, v58;
	v59 =	vld [tilespmem:$0xCE30]  }
0x16d: {  	v4 =	vadd.f32 v4, v5;
	v5 =	vadd.f32 v10, v7;
	v10 =	vld [tilespmem:$0xDEA0]  }
0x16e: {  	v56 =	vmul.f32 v57, v56;
	v7 =	vmul.f32 v21, v20;
	v21 =	vld [tilespmem:$0xDF00]  }
0x16f: {  	v1 =	vadd.f32 v12, v1;
	v12 =	vmul.f32 v29, v28;
	v28 =	vld [tilespmem:$0xDF30]  }
0x170: {  	v41 =	vmul.f32 v41, v40;
	v33 =	vmul.f32 v33, v32;
	v57 =	vadd.f32 v26, v56;
	v26 =	vld [tilespmem:$0xE010]  }
0x171: {  	v3 =	vmul.f32 v3, v60;
	v58 =	vmul.f32 v13, v11;
	v29 =	vld [tilespmem:$0xCE20]  }
0x172: {  	v6 =	vmul.f32 v6, v8;
	v1 =	vadd.f32 v12, v1;
	v12 =	vadd.f32 v18, v41;
	v18 =	vld [tilespmem:$0xCE00]  }
0x173: {  	[tilespmem:$0xCEE0] =	vst v0;
	v16 =	vmul.f32 v35, v34;
	v20 =	vmul.f32 v31, v30;
	v0 =	vadd.f32 v3, v57;
	v57 =	vld [tilespmem:$0xE030]  }
0x174: {  	v5 =	vadd.f32 v7, v5;
	v34 =	vadd.f32 v58, v6;
	v58 =	vld [tilespmem:$0xCE30]  }
0x175: {  	v7 =	vadd.f32 v16, v33;
	v16 =	vmul.f32 v37, v36;
	v1 =	vadd.f32 v20, v1;
	v20 =	vld [tilespmem:$0xDF10]  }
0x176: {  	v12 =	vadd.f32 v45, v12;
	v45 =	vld [tilespmem:$0x1FF10]  }
0x177: {  	v7 =	vadd.f32 v16, v7;
	v16 =	vmul.f32 v39, v38;
	v39 =	vmul.f32 v19, v17;
	v17 =	vld [tilespmem:$0xCE00]  }
0x178: {  	v19 =	vld [tilespmem:$0xCE10]  }
0x179: {  	v36 =	vmul.f32 v2, v9;
	v38 =	vmul.f32 v27, v25;
	v25 =	vld [tilespmem:$0xCE00]  }
0x17a: {  	v27 =	vld [tilespmem:$0xCE10]  }
0x17b: {  	v0 =	vadd.f32 v36, v0;
	v36 =	vld [tilespmem:$0xE1B0]  }
0x17c: {  	v41 =	vmul.f32 v59, v28;
	v28 =	vld [tilespmem:$0xE020]  }
0x17d: {  	v59 =	vld [tilespmem:$0xE0B0]  }
0x17e: {  	v12 =	vadd.f32 v47, v12;
	v47 =	vld [tilespmem:$0x1FF30]  }
0x17f: {  	v7 =	vadd.f32 v16, v7;
	v16 =	vmul.f32 v51, v50;
	v50 =	vld [tilespmem:$0x1FF60]  }
0x180: {  	v51 =	vld [tilespmem:$0x1FF70]  }
0x181: {  	v35 =	vmul.f32 v15, v10;
	v32 =	vmul.f32 v18, v21;
	v18 =	vld [tilespmem:$0xDF90]  }
0x182: {  	v21 =	vld [tilespmem:$0xCE20]  }
0x183: {  	v3 =	vadd.f32 v35, v34;
	v34 =	vld [tilespmem:$0xE090]  }
0x184: {  	v35 =	vld [tilespmem:$0xCE10]  }
0x185: {  	[tilespmem:$0x1FAD0] =	vst v57;
	v57 =	vld [tilespmem:$0xCE00]  }
0x186: {  	v16 =	vadd.f32 v16, v22;
	v22 =	vmul.f32 v55, v54;
	v54 =	vld [tilespmem:$0x1FFA0]  }
0x187: {  	v55 =	vld [tilespmem:$0x1FFB0]  }
0x188: {  	[tilespmem:$0x1FAE0] =	vst v58;
	v58 =	vld [tilespmem:$0xE210]  }
0x189: {  	v33 =	vmul.f32 v23, v20;
	v20 =	vld [tilespmem:$0xDFA0]  }
0x18a: {  	v3 =	vadd.f32 v39, v3;
	v39 =	vld [tilespmem:$0xE0A0]  }
0x18b: {  	[tilespmem:$0x1FB40] =	vst v36;
	v36 =	vld [tilespmem:$0xCE20]  }
0x18c: {  	v60 =	vadd.f32 v24, v16;
	v16 =	vld [tilespmem:$0xDF80]  }
0x18d: {  	[tilespmem:$0xCEF0] =	vst v4;
	v5 =	vadd.f32 v14, v5;
	v24 =	vld [tilespmem:$0xE000]  }
0x18e: {  	[tilespmem:$0x1FAF0] =	vst v59;
	v59 =	vld [tilespmem:$0xCE10]  }
0x18f: {  	[tilespmem:$0xCF00] =	vst v5;
	v37 =	vadd.f32 v33, v32;
	v32 =	vld [tilespmem:$0xE080]  }
0x190: {  	[tilespmem:$0xCF10] =	vst v1;
	v33 =	vld [tilespmem:$0xCE00]  }
0x191: {  	[tilespmem:$0xCF50] =	vst v0;
	v4 =	vadd.f32 v22, v60;
	v60 =	vld [tilespmem:$0xCE30]  }
0x192: {  	[tilespmem:$0xCF20] =	vst v7;
	v40 =	vadd.f32 v38, v37;
	v38 =	vld [tilespmem:$0xCE30]  }
0x193: {  	[tilespmem:$0xCF30] =	vst v12;
	v37 =	vld [tilespmem:$0xCE20]  }
0x194: {  	[tilespmem:$0xCF60] =	vst v3;
	v42 =	vadd.f32 v41, v40;
	v40 =	vld [tilespmem:$0xE100]  }
0x195: {  	[tilespmem:$0xCF40] =	vst v4;
	v41 =	vld [tilespmem:$0xCE00]  }
0x196: {  	[tilespmem:$0xCF70] =	vst v42;
	v42 =	vld [tilespmem:$0xE110]  }
0x197: {  	[tilespmem:$0x1FB00] =	vst v60;
	v60 =	vld [tilespmem:$0xCE00]  }
0x198: {  	v0 =	vld.idx.msk [tilespmem:v43+s19+$0x0], $0xffff  }
0x199: {  	v1 =	vld.idx.msk [tilespmem:v44+s19+$0x0], $0xffff  }
0x19a: {  	v2 =	vld.idx.msk [tilespmem:v45+s19+$0x0], $0xffff  }
0x19b: {  	v3 =	vld.idx.msk [tilespmem:v46+s19+$0x0], $0xffff  }
0x19c: {  	v4 =	vld.idx.msk [tilespmem:v47+s19+$0x0], $0xffff  }
0x19d: {  	v5 =	vld.idx.msk [tilespmem:v48+s19+$0x0], $0xffff  }
0x19e: {  	v6 =	vld.idx.msk [tilespmem:v49+s19+$0x0], $0xffff  }
0x19f: {  	v7 =	vld.idx.msk [tilespmem:v50+s19+$0x0], $0xffff  }
0x1a0: {  	v8 =	vld.idx.msk [tilespmem:v51+s19+$0x0], $0xffff  }
0x1a1: {  	v9 =	vld.idx.msk [tilespmem:v52+s19+$0x0], $0xffff  }
0x1a2: {  	v10 =	vld.idx.msk [tilespmem:v53+s19+$0x0], $0xffff  }
0x1a3: {  	v11 =	vld.idx.msk [tilespmem:v54+s19+$0x0], $0xffff  }
0x1a4: {  	v12 =	vld.idx.msk [tilespmem:v55+s19+$0x0], $0xffff  }
0x1a5: {  	v13 =	vld.idx.msk [tilespmem:v63+s19+$0x0], $0xffff  }
0x1a6: {  	v23 =	vld.idx.msk [tilespmem:v62+s19+$0x0], $0xffff  }
0x1a7: {  	v56 =	vld.idx.msk [tilespmem:v61+s19+$0x0], $0xffff  }
0x1a8: {  	v49 =	vld [tilespmem:$0xDFB0]  }
0x1a9: {  	v43 =	vld [tilespmem:$0xCE10]  }
0x1aa: {  	v44 =	vld [tilespmem:$0xE120]  }
0x1ab: {  	v45 =	vld [tilespmem:$0xCE20]  }
0x1ac: {  	v54 =	vld [tilespmem:$0xE130]  }
0x1ad: {  	v47 =	vld [tilespmem:$0xCE30]  }
0x1ae: {  	v61 =	vld [tilespmem:$0xE180]  }
0x1af: {  	v50 =	vld [tilespmem:$0xE190]  }
0x1b0: {  	v51 =	vld [tilespmem:$0xCE10]  }
0x1b1: {  	v62 =	vld [tilespmem:$0xE1A0]  }
0x1b2: {  	v63 =	vld [tilespmem:$0xCE20]  }
0x1b3: {  	v46 =	vld [tilespmem:$0xCE30]  }
0x1b4: {  	v48 =	vld [tilespmem:$0xE220]  }
0x1b5: {  	[tilespmem:$0x1FB90] =	vst v36;
	v52 =	vld [tilespmem:$0xE280]  }
0x1b6: {  	v55 =	vld [tilespmem:$0xE290];
	[tilespmem:$0x1FAC0] =	vst v56  }
0x1b7: {  	v53 =	vld [tilespmem:$0xE2A0];
	[tilespmem:$0x1FB10] =	vst v61  }
0x1b8: {  	[tilespmem:$0x1FB20] =	vst v62;
	v56 =	vld [tilespmem:$0xE200]  }
0x1b9: {  	[tilespmem:$0x1FB30] =	vst v63;
	v61 =	vld [tilespmem:$0xCE20]  }
0x1ba: {  	[tilespmem:$0x1FB50] =	vst v46;
	v62 =	vld [tilespmem:$0xE230]  }
0x1bb: {  	[tilespmem:$0x1FB60] =	vst v48;
	v63 =	vld [tilespmem:$0xCE30]  }
0x1bc: {  	[tilespmem:$0x1FB70] =	vst v52;
	v52 =	vld [tilespmem:$0xCE00]  }
0x1bd: {  	v48 =	vld [tilespmem:$0xCE10];
	[tilespmem:$0x1FB80] =	vst v53  }
0x1be: {  	v14 =	vld [tilespmem:$0xE2B0]  }
0x1bf: {  	v46 =	vld [tilespmem:$0xCE30]  }
0x1c0: {  	v30 =	vld [tilespmem:$0xE300]  }
0x1c1: {  	v15 =	vld [tilespmem:$0xCE00]  }
0x1c2: {  	v22 =	vld [tilespmem:$0xE310]  }
0x1c3: {  	v31 =	vld [tilespmem:$0xE320]  }
0x1c4: {  	v53 =	vld [tilespmem:$0xCE20]  }
0x1c5: {  	v36 =	vld [tilespmem:$0xE3B0]  }
0x1c6: {  	v0 =	vadd.f32 v1, v0;
	v1 =	vld [tilespmem:$0xE4A0]  }
0x1c7: {  	v18 =	vmul.f32 v19, v18;
	v16 =	vmul.f32 v17, v16;
	v17 =	vld [tilespmem:$0xCE30]  }
0x1c8: {  	v19 =	vmul.f32 v21, v20;
	v20 =	vld [tilespmem:$0xE580]  }
0x1c9: {  	v16 =	vadd.f32 v18, v16;
	v21 =	vld [tilespmem:$0x1FAC0]  }
0x1ca: {  	v18 =	vmul.f32 v38, v49;
	v49 =	vld [tilespmem:$0x1FAE0]  }
0x1cb: {  	v16 =	vadd.f32 v19, v16;
	v19 =	vmul.f32 v41, v40;
	v41 =	vld [tilespmem:$0xCE10];
	v0 =	vadd.f32 v2, v0  }
0x1cc: {  	v2 =	vld [tilespmem:$0xE500]  }
0x1cd: {  	v0 =	vadd.f32 v3, v0;
	v3 =	vld [tilespmem:$0xE520]  }
0x1ce: {  	[tilespmem:$0x1FBC0] =	vst v14;
	v14 =	vld [tilespmem:$0xCE10]  }
0x1cf: {  	[tilespmem:$0x1FBA0] =	vst v31;
	v31 =	vld [tilespmem:$0xCE20]  }
0x1d0: {  	[tilespmem:$0x1FBD0] =	vst v46;
	v46 =	vld [tilespmem:$0xCE30]  }
0x1d1: {  	[tilespmem:$0x1FC60] =	vst v36;
	v36 =	vld [tilespmem:$0xCE00]  }
0x1d2: {  	v0 =	vadd.f32 v4, v0;
	v4 =	vld [tilespmem:$0xCE10]  }
0x1d3: {  	[tilespmem:$0x1FC50] =	vst v53;
	v53 =	vld [tilespmem:$0xE420]  }
0x1d4: {  	[tilespmem:$0x1FCB0] =	vst v1;
	v1 =	vld [tilespmem:$0xE4B0]  }
0x1d5: {  	v51 =	vmul.f32 v51, v50;
	v50 =	vld [tilespmem:$0x1FBD0];
	v0 =	vadd.f32 v5, v0  }
0x1d6: {  	v5 =	vld [tilespmem:$0xE430]  }
0x1d7: {  	v0 =	vadd.f32 v6, v0;
	v6 =	vld [tilespmem:$0xCE30]  }
0x1d8: {  	[tilespmem:$0x1FBB0] =	vst v31;
	v31 =	vld [tilespmem:$0xE330]  }
0x1d9: {  	[tilespmem:$0x1FC70] =	vst v46;
	v46 =	vld [tilespmem:$0xE400]  }
0x1da: {  	[tilespmem:$0x1FC80] =	vst v53;
	v53 =	vld [tilespmem:$0xCE20]  }
0x1db: {  	[tilespmem:$0x1FCC0] =	vst v1;
	v1 =	vld [tilespmem:$0xE510]  }
0x1dc: {  	v14 =	vmul.f32 v14, v22;
	v22 =	vld [tilespmem:$0xE630]  }
0x1dd: {  	v15 =	vmul.f32 v15, v30;
	v0 =	vadd.f32 v7, v0;
	v7 =	vld [tilespmem:$0xCE00]  }
0x1de: {  	[tilespmem:$0x1FC90] =	vst v5;
	v5 =	vld [tilespmem:$0xE490]  }
0x1df: {  	v14 =	vadd.f32 v14, v15;
	v15 =	vld [tilespmem:$0x1FBA0]  }
0x1e0: {  	v0 =	vadd.f32 v8, v0;
	v8 =	vld [tilespmem:$0xCE10]  }
0x1e1: {  	[tilespmem:$0x1FCA0] =	vst v6;
	v6 =	vld [tilespmem:$0xE480]  }
0x1e2: {  	[tilespmem:$0x1FBE0] =	vst v31;
	v31 =	vld [tilespmem:$0xCE30];
	v0 =	vadd.f32 v9, v0  }
0x1e3: {  	v9 =	vld [tilespmem:$0xCE20]  }
0x1e4: {  	v0 =	vadd.f32 v10, v0;
	v10 =	vld [tilespmem:$0xCE30]  }
0x1e5: {  	v5 =	vmul.f32 v8, v5;
	v8 =	vld [tilespmem:$0xCE30]  }
0x1e6: {  	v0 =	vadd.f32 v11, v0;
	v11 =	vld [tilespmem:$0xCE00]  }
0x1e7: {  	[tilespmem:$0x1FBF0] =	vst v31;
	v31 =	vld [tilespmem:$0xE380]  }
0x1e8: {  	v6 =	vmul.f32 v7, v6;
	v7 =	vld [tilespmem:$0xE6B0]  }
0x1e9: {  	v0 =	vadd.f32 v12, v0;
	v12 =	vld [tilespmem:$0xCE10]  }
0x1ea: {  	[tilespmem:$0x1FCD0] =	vst v10;
	v10 =	vld [tilespmem:$0xE530]  }
0x1eb: {  	v0 =	vadd.f32 v13, v0;
	v13 =	vld [tilespmem:$0xCE20]  }
0x1ec: {  	[tilespmem:$0x1FC00] =	vst v31;
	v31 =	vld [tilespmem:$0xCE00]  }
0x1ed: {  	v0 =	vadd.f32 v23, v0;
	v23 =	vmul.f32 v27, v26;
	v26 =	vld [tilespmem:$0xE590]  }
0x1ee: {  	v27 =	vmul.f32 v35, v34;
	v34 =	vld [tilespmem:$0xE5B0]  }
0x1ef: {  	v1 =	vmul.f32 v12, v1;
	v12 =	vld [tilespmem:$0x1FCA0]  }
0x1f0: {  	v0 =	vadd.f32 v21, v0;
	v21 =	vmul.f32 v25, v24;
	v24 =	vld [tilespmem:$0xCE00]  }
0x1f1: {  	v25 =	vmul.f32 v29, v28;
	v28 =	vld [tilespmem:$0xCE10]  }
0x1f2: {  	v29 =	vmul.f32 v43, v42;
	v43 =	vld [tilespmem:$0x1FAD0]  }
0x1f3: {  	v21 =	vadd.f32 v23, v21;
	v23 =	vmul.f32 v33, v32;
	v32 =	vld [tilespmem:$0xE5A0]  }
0x1f4: {  	v19 =	vadd.f32 v29, v19;
	v29 =	vmul.f32 v45, v44;
	v45 =	vld [tilespmem:$0xCE20]  }
0x1f5: {  	v44 =	vld [tilespmem:$0x1FB80]  }
0x1f6: {  	[tilespmem:$0x1FC10] =	vst v31;
	v31 =	vld [tilespmem:$0xE390]  }
0x1f7: {  	v23 =	vadd.f32 v27, v23;
	v27 =	vld [tilespmem:$0xCE20]  }
0x1f8: {  	v21 =	vadd.f32 v25, v21;
	v25 =	vmul.f32 v37, v39;
	v37 =	vld [tilespmem:$0xCE00]  }
0x1f9: {  	v39 =	vld [tilespmem:$0xE610]  }
0x1fa: {  	v19 =	vadd.f32 v29, v19;
	v29 =	vmul.f32 v47, v54;
	v54 =	vmul.f32 v59, v58;
	v58 =	vld [tilespmem:$0x1FB40]  }
0x1fb: {  	v59 =	vld [tilespmem:$0x1FB50]  }
0x1fc: {  	v47 =	vld [tilespmem:$0x1FB90]  }
0x1fd: {  	v33 =	vmul.f32 v49, v43;
	v43 =	vld [tilespmem:$0xE620]  }
0x1fe: {  	v49 =	vld [tilespmem:$0x1FBC0]  }
0x1ff: {  	v16 =	vadd.f32 v18, v16;
	v18 =	vadd.f32 v25, v23;
	v23 =	vld [tilespmem:$0x1FAF0]  }
0x200: {  	v25 =	vld [tilespmem:$0x1FB00]  }
0x201: {  	v19 =	vadd.f32 v29, v19;
	v29 =	vmul.f32 v57, v56;
	v56 =	vld [tilespmem:$0x1FB20]  }
0x202: {  	v57 =	vld [tilespmem:$0x1FB30]  }
0x203: {  	v21 =	vadd.f32 v33, v21;
	v33 =	vld [tilespmem:$0xE600]  }
0x204: {  	[tilespmem:$0x1FC20] =	vst v31;
	v31 =	vld [tilespmem:$0xCE10]  }
0x205: {  	v29 =	vadd.f32 v54, v29;
	v54 =	vld [tilespmem:$0x1FC10]  }
0x206: {  	[tilespmem:$0xCEB0] =	vst v19;
	v19 =	vld [tilespmem:$0xE730]  }
0x207: {  	v40 =	vmul.f32 v59, v58;
	v59 =	vld [tilespmem:$0x1FC50]  }
0x208: {  	[tilespmem:$0xCE90] =	vst v21;
	v21 =	vld [tilespmem:$0xCE30]  }
0x209: {  	[tilespmem:$0xCE80] =	vst v16;
	v16 =	vmul.f32 v41, v39;
	v39 =	vld [tilespmem:$0x1FF10];
	v23 =	vmul.f32 v25, v23  }
0x20a: {  	v41 =	vld [tilespmem:$0x1FF30]  }
0x20b: {  	v18 =	vadd.f32 v23, v18;
	v23 =	vld [tilespmem:$0x1FB10]  }
0x20c: {  	v25 =	vld [tilespmem:$0xCE30]  }
0x20d: {  	[tilespmem:$0x1FC30] =	vst v31;
	v31 =	vld [tilespmem:$0xE3A0]  }
0x20e: {  	v35 =	vmul.f32 v57, v56;
	v56 =	vld [tilespmem:$0x1FC30]  }
0x20f: {  	[tilespmem:$0xCEA0] =	vst v18;
	v18 =	vmul.f32 v45, v43;
	v43 =	vld [tilespmem:$0x1FF50]  }
0x210: {  	v23 =	vmul.f32 v60, v23;
	v60 =	vld [tilespmem:$0x1FB60]  }
0x211: {  	v45 =	vld [tilespmem:$0x1FF70]  }
0x212: {  	[tilespmem:$0x1FC40] =	vst v31;
	v31 =	vld [tilespmem:$0xE410]  }
0x213: {  	v58 =	vld [tilespmem:$0x1FC40]  }
0x214: {  	v23 =	vadd.f32 v51, v23;
	v51 =	vld [tilespmem:$0x1FBE0]  }
0x215: {  	v38 =	vmul.f32 v61, v60;
	v61 =	vmul.f32 v63, v62;
	v62 =	vld [tilespmem:$0x1FB70]  }
0x216: {  	v63 =	vmul.f32 v48, v55;
	v48 =	vld [tilespmem:$0x1FBB0]  }
0x217: {  	v55 =	vld [tilespmem:$0x1FC20]  }
0x218: {  	v23 =	vadd.f32 v35, v23;
	v4 =	vmul.f32 v4, v31;
	v31 =	vld [tilespmem:$0xCE10]  }
0x219: {  	v60 =	vld [tilespmem:$0x1FC60]  }
0x21a: {  	v57 =	vmul.f32 v36, v46;
	v23 =	vadd.f32 v40, v23;
	v40 =	vld [tilespmem:$0xE680]  }
0x21b: {  	v36 =	vmul.f32 v59, v58;
	v58 =	vmul.f32 v28, v26;
	v26 =	vld [tilespmem:$0xE810]  }
0x21c: {  	v59 =	vmul.f32 v27, v32;
	v27 =	vld [tilespmem:$0xCE10]  }
0x21d: {  	v28 =	vld [tilespmem:$0xE820]  }
0x21e: {  	v29 =	vadd.f32 v38, v29;
	v38 =	vld [tilespmem:$0xCE30]  }
0x21f: {  	v4 =	vadd.f32 v4, v57;
	v57 =	vld [tilespmem:$0xCE10]  }
0x220: {  	v29 =	vadd.f32 v61, v29;
	v61 =	vld [tilespmem:$0x1FC70]  }
0x221: {  	v35 =	vmul.f32 v52, v62;
	v52 =	vld [tilespmem:$0x1FBF0]  }
0x222: {  	v15 =	vmul.f32 v48, v15;
	v48 =	vld [tilespmem:$0xE690]  }
0x223: {  	v62 =	vld [tilespmem:$0x1FC80]  }
0x224: {  	[tilespmem:$0xCED0] =	vst v29;
	v29 =	vld [tilespmem:$0xCE20]  }
0x225: {  	v30 =	vadd.f32 v63, v35;
	v35 =	vmul.f32 v47, v44;
	v44 =	vld [tilespmem:$0xCE00]  }
0x226: {  	v14 =	vadd.f32 v15, v14;
	v15 =	vld [tilespmem:$0x1FC00]  }
0x227: {  	v63 =	vld [tilespmem:$0x1FC90]  }
0x228: {  	v47 =	vmul.f32 v56, v55;
	v55 =	vmul.f32 v17, v10;
	v17 =	vld [tilespmem:$0xCE20]  }
0x229: {  	v56 =	vmul.f32 v24, v20;
	v24 =	vld [tilespmem:$0xE800]  }
0x22a: {  	v30 =	vadd.f32 v35, v30;
	v35 =	vmul.f32 v50, v49;
	v50 =	vld [tilespmem:$0xCE00]  }
0x22b: {  	v46 =	vmul.f32 v61, v60;
	v60 =	vmul.f32 v37, v33;
	v37 =	vld [tilespmem:$0x1FFE0]  }
0x22c: {  	v61 =	vmul.f32 v25, v34;
	v34 =	vmul.f32 v21, v19;
	v19 =	vld [tilespmem:$0xCE10]  }
0x22d: {  	v21 =	vld [tilespmem:$0xCE20]  }
0x22e: {  	v25 =	vld [tilespmem:$0xCE00]  }
0x22f: {  	v2 =	vmul.f32 v11, v2;
	v42 =	vmul.f32 v52, v51;
	v52 =	vld [tilespmem:$0x1FCC0]  }
0x230: {  	v20 =	vmul.f32 v31, v48;
	v48 =	vld [tilespmem:$0x1FFA0]  }
0x231: {  	v1 =	vadd.f32 v1, v2;
	v49 =	vmul.f32 v13, v3;
	v31 =	vld [tilespmem:$0xEB20]  }
0x232: {  	v30 =	vadd.f32 v35, v30;
	v35 =	vmul.f32 v53, v62;
	v53 =	vld [tilespmem:$0x1FCD0]  }
0x233: {  	v1 =	vadd.f32 v49, v1;
	v49 =	vld [tilespmem:$0x1FFB0]  }
0x234: {  	v2 =	vadd.f32 v16, v60;
	v60 =	vld [tilespmem:$0xCE00]  }
0x235: {  	v14 =	vadd.f32 v42, v14;
	v42 =	vld [tilespmem:$0xE6A0]  }
0x236: {  	v15 =	vmul.f32 v54, v15;
	v54 =	vld [tilespmem:$0xE710]  }
0x237: {  	[tilespmem:$0xEF90] =	vst v0;
	v0 =	vmul.f32 v12, v63;
	v12 =	vmul.f32 v38, v22;
	v38 =	vld [tilespmem:$0x1FF00]  }
0x238: {  	v16 =	vmul.f32 v44, v40;
	v40 =	vld [tilespmem:$0x1FF20]  }
0x239: {  	v44 =	vld [tilespmem:$0x1FF60]  }
0x23a: {  	v22 =	vld [tilespmem:$0xEB10]  }
0x23b: {  	v4 =	vadd.f32 v35, v4;
	v35 =	vld [tilespmem:$0x1FCB0]  }
0x23c: {  	v2 =	vadd.f32 v18, v2;
	v18 =	vld [tilespmem:$0xE790]  }
0x23d: {  	v1 =	vadd.f32 v55, v1;
	v55 =	vld [tilespmem:$0xE8B0]  }
0x23e: {  	[tilespmem:$0xCEE0] =	vst v30;
	v30 =	vld [tilespmem:$0xEB00]  }
0x23f: {  	v15 =	vadd.f32 v47, v15;
	v47 =	vld [tilespmem:$0xCE20]  }
0x240: {  	v62 =	vadd.f32 v20, v16;
	v16 =	vld [tilespmem:$0xE780]  }
0x241: {  	v20 =	vld [tilespmem:$0xE7A0]  }
0x242: {  	[tilespmem:$0x1FDC0] =	vst v31;
	v31 =	vld [tilespmem:$0xCE20];
	v15 =	vadd.f32 v36, v15  }
0x243: {  	v36 =	vld [tilespmem:$0xE700]  }
0x244: {  	v46 =	vadd.f32 v46, v15;
	v15 =	vld [tilespmem:$0xE720]  }
0x245: {  	[tilespmem:$0x1FD10] =	vst v55;
	v55 =	vld [tilespmem:$0xEA90]  }
0x246: {  	v63 =	vmul.f32 v47, v42;
	v42 =	vld [tilespmem:$0x1FF40]  }
0x247: {  	v5 =	vadd.f32 v5, v6;
	v6 =	vmul.f32 v9, v35;
	v47 =	vld [tilespmem:$0x1FF90]  }
0x248: {  	v18 =	vmul.f32 v19, v18;
	v19 =	vmul.f32 v21, v20;
	v20 =	vld [tilespmem:$0xED80]  }
0x249: {  	[tilespmem:$0xCF00] =	vst v46;
	v46 =	vld [tilespmem:$0x1FF80]  }
0x24a: {  	v51 =	vadd.f32 v6, v5;
	v5 =	vmul.f32 v53, v52;
	v52 =	vld [tilespmem:$0x1FFF0]  }
0x24b: {  	v53 =	vld [tilespmem:$0xE830]  }
0x24c: {  	v6 =	vmul.f32 v57, v54;
	v54 =	vld [tilespmem:$0xCE30]  }
0x24d: {  	v57 =	vld [tilespmem:$0xE980]  }
0x24e: {  	[tilespmem:$0x1FDD0] =	vst v31;
	v31 =	vld [tilespmem:$0xEB30]  }
0x24f: {  	v3 =	vmul.f32 v50, v36;
	v50 =	vld [tilespmem:$0x1FFC0]  }
0x250: {  	v32 =	vadd.f32 v63, v62;
	v62 =	vld [tilespmem:$0xCE30]  }
0x251: {  	v63 =	vld [tilespmem:$0xEA20]  }
0x252: {  	v0 =	vadd.f32 v0, v4;
	v4 =	vadd.f32 v5, v51;
	v51 =	vld [tilespmem:$0x1FFD0]  }
0x253: {  	v5 =	vadd.f32 v58, v56;
	v56 =	vld [tilespmem:$0xCE30]  }
0x254: {  	v7 =	vmul.f32 v8, v7;
	v58 =	vld [tilespmem:$0xE9A0]  }
0x255: {  	v13 =	vmul.f32 v17, v15;
	v17 =	vld [tilespmem:$0xCE00]  }
0x256: {  	[tilespmem:$0xCEC0] =	vst v23;
	v35 =	vadd.f32 v7, v32;
	v32 =	vld [tilespmem:$0xE880]  }
0x257: {  	[tilespmem:$0xCEF0] =	vst v14;
	v15 =	vld [tilespmem:$0xCE00]  }
0x258: {  	[tilespmem:$0xCF30] =	vst v1;
	v5 =	vadd.f32 v59, v5;
	v59 =	vld [tilespmem:$0xCE20]  }
0x259: {  	[tilespmem:$0xCF60] =	vst v35;
	v35 =	vld [tilespmem:$0xCE10]  }
0x25a: {  	[tilespmem:$0x1FD00] =	vst v54;
	v54 =	vld [tilespmem:$0xE930]  }
0x25b: {  	[tilespmem:$0x1FD30] =	vst v57;
	v57 =	vld [tilespmem:$0xCE00]  }
0x25c: {  	[tilespmem:$0x1FCF0] =	vst v53;
	v53 =	vld [tilespmem:$0xCE20]  }
0x25d: {  	v3 =	vadd.f32 v6, v3;
	[tilespmem:$0x1FE00] =	vst v31;
	v31 =	vld [tilespmem:$0xCE30]  }
0x25e: {  	[tilespmem:$0xCF10] =	vst v0;
	v14 =	vadd.f32 v61, v5;
	v61 =	vld [tilespmem:$0xE9B0]  }
0x25f: {  	v0 =	vadd.f32 v12, v2;
	v33 =	vadd.f32 v13, v3;
	[tilespmem:$0x1FD70] =	vst v62;
	v62 =	vld [tilespmem:$0xEA30]  }
0x260: {  	[tilespmem:$0x1FD80] =	vst v63;
	v63 =	vld [tilespmem:$0xCE30]  }
0x261: {  	[tilespmem:$0xCF50] =	vst v0;
	v36 =	vadd.f32 v34, v33;
	v33 =	vld [tilespmem:$0xCE00]  }
0x262: {  	[tilespmem:$0xCF20] =	vst v4;
	v34 =	vld [tilespmem:$0xE890]  }
0x263: {  	[tilespmem:$0x1FD20] =	vst v56;
	v56 =	vld [tilespmem:$0xEA00]  }
0x264: {  	[tilespmem:$0x1FD40] =	vst v58;
	v58 =	vld [tilespmem:$0xEA10]  }
0x265: {  	[tilespmem:$0xCF40] =	vst v14;
	v16 =	vmul.f32 v17, v16;
	v17 =	vld [tilespmem:$0xCE30]  }
0x266: {  	[tilespmem:$0x1FD50] =	vst v59;
	v59 =	vld [tilespmem:$0xCE10]  }
0x267: {  	[tilespmem:$0xCF70] =	vst v36;
	v36 =	vld [tilespmem:$0xEA80]  }
0x268: {  	v0 =	vld.idx.msk [tilespmem:v37+s19+$0x0], $0xffff  }
0x269: {  	v1 =	vld.idx.msk [tilespmem:v38+s19+$0x0], $0xffff  }
0x26a: {  	v2 =	vld.idx.msk [tilespmem:v39+s19+$0x0], $0xffff  }
0x26b: {  	v3 =	vld.idx.msk [tilespmem:v40+s19+$0x0], $0xffff  }
0x26c: {  	v4 =	vld.idx.msk [tilespmem:v41+s19+$0x0], $0xffff  }
0x26d: {  	v5 =	vld.idx.msk [tilespmem:v42+s19+$0x0], $0xffff  }
0x26e: {  	v6 =	vld.idx.msk [tilespmem:v43+s19+$0x0], $0xffff  }
0x26f: {  	v7 =	vld.idx.msk [tilespmem:v44+s19+$0x0], $0xffff  }
0x270: {  	v8 =	vld.idx.msk [tilespmem:v45+s19+$0x0], $0xffff  }
0x271: {  	v9 =	vld.idx.msk [tilespmem:v46+s19+$0x0], $0xffff  }
0x272: {  	v10 =	vld.idx.msk [tilespmem:v47+s19+$0x0], $0xffff  }
0x273: {  	v11 =	vld.idx.msk [tilespmem:v48+s19+$0x0], $0xffff  }
0x274: {  	v12 =	vld.idx.msk [tilespmem:v49+s19+$0x0], $0xffff  }
0x275: {  	v13 =	vld.idx.msk [tilespmem:v50+s19+$0x0], $0xffff  }
0x276: {  	v23 =	vld.idx.msk [tilespmem:v51+s19+$0x0], $0xffff  }
0x277: {  	v14 =	vld.idx.msk [tilespmem:v52+s19+$0x0], $0xffff  }
0x278: {  	v49 =	vld [tilespmem:$0xE7B0]  }
0x279: {  	v38 =	vld [tilespmem:$0xCE30]  }
0x27a: {  	v39 =	vld [tilespmem:$0xE8A0]  }
0x27b: {  	v37 =	vld [tilespmem:$0xCE20]  }
0x27c: {  	v40 =	vld [tilespmem:$0xE900]  }
0x27d: {  	v41 =	vld [tilespmem:$0xCE00]  }
0x27e: {  	v42 =	vld [tilespmem:$0xE910]  }
0x27f: {  	v43 =	vld [tilespmem:$0xCE10]  }
0x280: {  	v44 =	vld [tilespmem:$0xE920]  }
0x281: {  	v45 =	vld [tilespmem:$0xCE20]  }
0x282: {  	v47 =	vld [tilespmem:$0xCE30]  }
0x283: {  	v50 =	vld [tilespmem:$0xE990]  }
0x284: {  	v51 =	vld [tilespmem:$0xCE10]  }
0x285: {  	v52 =	vld [tilespmem:$0xCE00]  }
0x286: {  	v48 =	vld [tilespmem:$0xCE10]  }
0x287: {  	v46 =	vld [tilespmem:$0xEAA0]  }
0x288: {  	[tilespmem:$0x1FE10] =	vst v31;
	v31 =	vld [tilespmem:$0xEB80]  }
0x289: {  	[tilespmem:$0x1FDB0] =	vst v53;
	v53 =	vld [tilespmem:$0xCE20]  }
0x28a: {  	[tilespmem:$0x1FD60] =	vst v61;
	v61 =	vld [tilespmem:$0xCE20]  }
0x28b: {  	[tilespmem:$0x1FD90] =	vst v36;
	v36 =	vld [tilespmem:$0xEAB0]  }
0x28c: {  	[tilespmem:$0x1FDA0] =	vst v46;
	v46 =	vld [tilespmem:$0xCE30]  }
0x28d: {  	[tilespmem:$0x1FCE0] =	vst v14;
	v14 =	vld [tilespmem:$0xCE10]  }
0x28e: {  	[tilespmem:$0x1FE20] =	vst v31;
	v31 =	vld [tilespmem:$0xCE00]  }
0x28f: {  	[tilespmem:$0x1FE70] =	vst v53;
	v53 =	vld [tilespmem:$0xEC20]  }
0x290: {  	v16 =	vadd.f32 v18, v16;
	v0 =	vadd.f32 v1, v0;
	v1 =	vld [tilespmem:$0xECA0]  }
0x291: {  	v18 =	vmul.f32 v38, v49;
	v49 =	vld [tilespmem:$0x1FD00]  }
0x292: {  	v16 =	vadd.f32 v19, v16;
	v19 =	vmul.f32 v41, v40;
	v41 =	vld [tilespmem:$0xCE10]  }
0x293: {  	v51 =	vmul.f32 v51, v50;
	v50 =	vld [tilespmem:$0x1FDD0]  }
0x294: {  	v21 =	vld [tilespmem:$0x1FCE0]  }
0x295: {  	v0 =	vadd.f32 v2, v0;
	v2 =	vld [tilespmem:$0xED00]  }
0x296: {  	[tilespmem:$0x1FDE0] =	vst v36;
	v36 =	vld [tilespmem:$0xEBB0]  }
0x297: {  	v0 =	vadd.f32 v3, v0;
	v3 =	vld [tilespmem:$0xED20]  }
0x298: {  	[tilespmem:$0x1FE30] =	vst v31;
	v31 =	vld [tilespmem:$0xEB90]  }
0x299: {  	[tilespmem:$0x1FDF0] =	vst v46;
	v46 =	vld [tilespmem:$0xCE30]  }
0x29a: {  	[tilespmem:$0x1FEA0] =	vst v53;
	v53 =	vld [tilespmem:$0xCE20]  }
0x29b: {  	[tilespmem:$0x1FED0] =	vst v1;
	v1 =	vld [tilespmem:$0xECB0]  }
0x29c: {  	v15 =	vmul.f32 v15, v30;
	v14 =	vmul.f32 v14, v22;
	v22 =	vld [tilespmem:$0xEE30]  }
0x29d: {  	v0 =	vadd.f32 v4, v0;
	v4 =	vld [tilespmem:$0xCE10]  }
0x29e: {  	v14 =	vadd.f32 v14, v15;
	v15 =	vld [tilespmem:$0x1FDC0]  }
0x29f: {  	v0 =	vadd.f32 v5, v0;
	v5 =	vld [tilespmem:$0xEC30]  }
0x2a0: {  	[tilespmem:$0x1FE80] =	vst v36;
	v36 =	vld [tilespmem:$0xCE00]  }
0x2a1: {  	[tilespmem:$0x1FE40] =	vst v31;
	v31 =	vld [tilespmem:$0xCE10]  }
0x2a2: {  	[tilespmem:$0x1FE90] =	vst v46;
	v46 =	vld [tilespmem:$0xEC00]  }
0x2a3: {  	v0 =	vadd.f32 v6, v0;
	v6 =	vld [tilespmem:$0xCE30]  }
0x2a4: {  	[tilespmem:$0x1FEE0] =	vst v1;
	v1 =	vld [tilespmem:$0xED10]  }
0x2a5: {  	v0 =	vadd.f32 v7, v0;
	v7 =	vld [tilespmem:$0xCE00]  }
0x2a6: {  	v15 =	vmul.f32 v50, v15;
	[tilespmem:$0x1FEB0] =	vst v5;
	v5 =	vld [tilespmem:$0xEC90]  }
0x2a7: {  	v0 =	vadd.f32 v8, v0;
	v8 =	vld [tilespmem:$0xCE10]  }
0x2a8: {  	v14 =	vadd.f32 v15, v14;
	v15 =	vld [tilespmem:$0x1FE20]  }
0x2a9: {  	v50 =	vld [tilespmem:$0x1FEB0]  }
0x2aa: {  	[tilespmem:$0x1FE50] =	vst v31;
	v31 =	vld [tilespmem:$0xEBA0]  }
0x2ab: {  	[tilespmem:$0x1FEC0] =	vst v6;
	v6 =	vld [tilespmem:$0xEC80];
	v0 =	vadd.f32 v9, v0  }
0x2ac: {  	v9 =	vld [tilespmem:$0xCE20]  }
0x2ad: {  	v0 =	vadd.f32 v10, v0;
	v10 =	vld [tilespmem:$0xCE30]  }
0x2ae: {  	v5 =	vmul.f32 v8, v5;
	v8 =	vld [tilespmem:$0xCE30]  }
0x2af: {  	[tilespmem:$0x1FE60] =	vst v31;
	v31 =	vld [tilespmem:$0xEC10]  }
0x2b0: {  	v0 =	vadd.f32 v11, v0;
	v11 =	vld [tilespmem:$0xCE00]  }
0x2b1: {  	v6 =	vmul.f32 v7, v6;
	v7 =	vld [tilespmem:$0xEEB0]  }
0x2b2: {  	v0 =	vadd.f32 v12, v0;
	v12 =	vld [tilespmem:$0xCE10]  }
0x2b3: {  	[tilespmem:$0x1FEF0] =	vst v10;
	v10 =	vld [tilespmem:$0xED30]  }
0x2b4: {  	v0 =	vadd.f32 v13, v0;
	v13 =	vld [tilespmem:$0xCE20]  }
0x2b5: {  	v4 =	vmul.f32 v4, v31;
	v31 =	vld [tilespmem:$0xCE10]  }
0x2b6: {  	v0 =	vadd.f32 v23, v0;
	v23 =	vmul.f32 v27, v26;
	v26 =	vld [tilespmem:$0xED90]  }
0x2b7: {  	v27 =	vmul.f32 v35, v34;
	v34 =	vld [tilespmem:$0xEDB0]  }
0x2b8: {  	v0 =	vadd.f32 v21, v0;
	v21 =	vmul.f32 v25, v24;
	v24 =	vld [tilespmem:$0xCE00]  }
0x2b9: {  	v25 =	vmul.f32 v29, v28;
	v28 =	vld [tilespmem:$0xCE10]  }
0x2ba: {  	v29 =	vmul.f32 v43, v42;
	v43 =	vld [tilespmem:$0x1FCF0]  }
0x2bb: {  	v21 =	vadd.f32 v23, v21;
	v23 =	vmul.f32 v33, v32;
	v32 =	vld [tilespmem:$0xEDA0]  }
0x2bc: {  	v19 =	vadd.f32 v29, v19;
	v29 =	vmul.f32 v45, v44;
	v45 =	vld [tilespmem:$0xCE20]  }
0x2bd: {  	v44 =	vld [tilespmem:$0xCE00]  }
0x2be: {  	v23 =	vadd.f32 v27, v23;
	v27 =	vld [tilespmem:$0xCE20]  }
0x2bf: {  	v21 =	vadd.f32 v25, v21;
	v25 =	vmul.f32 v37, v39;
	v37 =	vld [tilespmem:$0xCE00]  }
0x2c0: {  	v39 =	vld [tilespmem:$0xEE10]  }
0x2c1: {  	v19 =	vadd.f32 v29, v19;
	v29 =	vmul.f32 v47, v54;
	v54 =	vmul.f32 v59, v58;
	v58 =	vld [tilespmem:$0x1FD60]  }
0x2c2: {  	v59 =	vld [tilespmem:$0x1FD70]  }
0x2c3: {  	v16 =	vadd.f32 v18, v16;
	v18 =	vadd.f32 v25, v23;
	v23 =	vld [tilespmem:$0x1FD10]  }
0x2c4: {  	v25 =	vld [tilespmem:$0x1FD20]  }
0x2c5: {  	v19 =	vadd.f32 v29, v19;
	v29 =	vmul.f32 v57, v56;
	v56 =	vld [tilespmem:$0x1FD40]  }
0x2c6: {  	v57 =	vld [tilespmem:$0x1FD50]  }
0x2c7: {  	v33 =	vmul.f32 v49, v43;
	v43 =	vld [tilespmem:$0xEE20]  }
0x2c8: {  	v49 =	vld [tilespmem:$0x1FDB0]  }
0x2c9: {  	v21 =	vadd.f32 v33, v21;
	v33 =	vld [tilespmem:$0xEE00]  }
0x2ca: {  	v40 =	vmul.f32 v59, v58;
	v58 =	vld [tilespmem:$0x1FE50];
	v23 =	vmul.f32 v25, v23  }
0x2cb: {  	v35 =	vmul.f32 v57, v56;
	v56 =	vld [tilespmem:$0x1FE30]  }
0x2cc: {  	v18 =	vadd.f32 v23, v18;
	v23 =	vld [tilespmem:$0x1FD30]  }
0x2cd: {  	v57 =	vld [tilespmem:$0x1FE40]  }
0x2ce: {  	v29 =	vadd.f32 v54, v29;
	v54 =	vld [tilespmem:$0x1FE00];
	v59 =	vmul.f32 v36, v46  }
0x2cf: {  	[tilespmem:$0xCEB0] =	vst v19;
	v19 =	vld [tilespmem:$0xEF30]  }
0x2d0: {  	v4 =	vadd.f32 v4, v59;
	v59 =	vld [tilespmem:$0x1FEF0]  }
0x2d1: {  	v23 =	vmul.f32 v60, v23;
	v60 =	vld [tilespmem:$0x1FD80]  }
0x2d2: {  	v15 =	vmul.f32 v56, v15;
	v47 =	vmul.f32 v58, v57;
	v56 =	vld [tilespmem:$0xCE00]  }
0x2d3: {  	v58 =	vld [tilespmem:$0x1FEE0]  }
0x2d4: {  	v15 =	vadd.f32 v47, v15;
	v47 =	vld [tilespmem:$0xCE20]  }
0x2d5: {  	v23 =	vadd.f32 v51, v23;
	v51 =	vld [tilespmem:$0x1FDE0]  }
0x2d6: {  	v38 =	vmul.f32 v61, v60;
	v61 =	vmul.f32 v63, v62;
	v62 =	vld [tilespmem:$0x1FD90]  }
0x2d7: {  	v63 =	vmul.f32 v48, v55;
	v48 =	vld [tilespmem:$0x1FDA0]  }
0x2d8: {  	v23 =	vadd.f32 v35, v23;
	v55 =	vld [tilespmem:$0x1FE10]  }
0x2d9: {  	v60 =	vld [tilespmem:$0x1FE60]  }
0x2da: {  	v23 =	vadd.f32 v40, v23;
	v40 =	vld [tilespmem:$0xEE80];
	v29 =	vadd.f32 v38, v29  }
0x2db: {  	v38 =	vld [tilespmem:$0xCE30]  }
0x2dc: {  	v29 =	vadd.f32 v61, v29;
	v61 =	vld [tilespmem:$0x1FE70]  }
0x2dd: {  	v35 =	vmul.f32 v52, v62;
	v52 =	vld [tilespmem:$0x1FDF0]  }
0x2de: {  	v2 =	vmul.f32 v11, v2;
	v62 =	vld [tilespmem:$0x1FE80]  }
0x2df: {  	v1 =	vmul.f32 v12, v1;
	v30 =	vadd.f32 v63, v35;
	v35 =	vmul.f32 v49, v48;
	v48 =	vld [tilespmem:$0xEE90]  }
0x2e0: {  	v42 =	vmul.f32 v55, v54;
	v49 =	vld [tilespmem:$0x1FEA0]  }
0x2e1: {  	v5 =	vadd.f32 v5, v6;
	v7 =	vmul.f32 v8, v7;
	v1 =	vadd.f32 v1, v2;
	v63 =	vld [tilespmem:$0x1FE90]  }
0x2e2: {  	[tilespmem:$0xCE80] =	vst v16;
	v16 =	vmul.f32 v41, v39;
	v14 =	vadd.f32 v42, v14;
	v42 =	vld [tilespmem:$0xEEA0];
	v36 =	vmul.f32 v61, v60  }
0x2e3: {  	[tilespmem:$0xCEA0] =	vst v18;
	v18 =	vmul.f32 v45, v43;
	v30 =	vadd.f32 v35, v30;
	v35 =	vmul.f32 v52, v51;
	v51 =	vld [tilespmem:$0x1FEC0]  }
0x2e4: {  	v55 =	vmul.f32 v13, v3;
	v61 =	vmul.f32 v17, v10;
	v52 =	vld [tilespmem:$0x1FED0];
	v15 =	vadd.f32 v36, v15  }
0x2e5: {  	v60 =	vld [tilespmem:$0xEF10];
	v36 =	vmul.f32 v27, v32;
	v30 =	vadd.f32 v35, v30;
	v35 =	vmul.f32 v53, v49  }
0x2e6: {  	v1 =	vadd.f32 v55, v1;
	v46 =	vmul.f32 v63, v62;
	v53 =	vld [tilespmem:$0xEF00];
	v62 =	vmul.f32 v24, v20  }
0x2e7: {  	[tilespmem:$0xEFA0] =	vst v0;
	v63 =	vld [tilespmem:$0xCE10];
	v20 =	vmul.f32 v31, v48;
	v4 =	vadd.f32 v35, v4;
	v35 =	vmul.f32 v28, v26  }
0x2e8: {  	[tilespmem:$0xCE90] =	vst v21;
	v17 =	vld [tilespmem:$0xCE20];
	v54 =	vadd.f32 v46, v15;
	v46 =	vmul.f32 v37, v33;
	v0 =	vmul.f32 v51, v50  }
0x2e9: {  	[tilespmem:$0xCEC0] =	vst v23;
	v1 =	vadd.f32 v61, v1;
	v15 =	vld [tilespmem:$0xEF20];
	v6 =	vmul.f32 v9, v52;
	v51 =	vmul.f32 v47, v42  }
0x2ea: {  	v25 =	vld [tilespmem:$0xCE30];
	[tilespmem:$0xCED0] =	vst v29;
	v2 =	vadd.f32 v16, v46;
	v16 =	vmul.f32 v44, v40;
	v0 =	vadd.f32 v0, v4  }
0x2eb: {  	v21 =	vld [tilespmem:$0xCE30];
	[tilespmem:$0xCEF0] =	vst v14;
	v57 =	vadd.f32 v6, v5;
	v5 =	vmul.f32 v59, v58;
	v3 =	vmul.f32 v56, v53  }
0x2ec: {  	[tilespmem:$0xCF30] =	vst v1;
	v6 =	vmul.f32 v63, v60;
	v2 =	vadd.f32 v18, v2;
	v50 =	vadd.f32 v20, v16  }
0x2ed: {  	[tilespmem:$0xCEE0] =	vst v30;
	v52 =	vmul.f32 v38, v22;
	v60 =	vld [tilespmem:$0x1FFE0];
	v4 =	vadd.f32 v5, v57;
	v5 =	vadd.f32 v35, v62  }
0x2ee: {  	v61 =	vld [tilespmem:$0x1FF00];
	[tilespmem:$0xCF00] =	vst v54;
	v3 =	vadd.f32 v6, v3;
	v53 =	vmul.f32 v17, v15;
	v55 =	vadd.f32 v51, v50  }
0x2ef: {  	v49 =	vmul.f32 v25, v34;
	[tilespmem:$0xCF10] =	vst v0;
	v0 =	vadd.f32 v52, v2;
	v5 =	vadd.f32 v36, v5  }
0x2f0: {  	v57 =	vmul.f32 v21, v19;
	v62 =	vld [tilespmem:$0x1FF10];
	[tilespmem:$0xCF20] =	vst v4;
	v56 =	vadd.f32 v53, v3;
	v58 =	vadd.f32 v7, v55  }
0x2f1: {  	[tilespmem:$0xCF50] =	vst v0;
	v54 =	vadd.f32 v49, v5  }
0x2f2: {  	v63 =	vld [tilespmem:$0x1FF20];
	v59 =	vadd.f32 v57, v56;
	[tilespmem:$0xCF60] =	vst v58  }
0x2f3: {  	v6 =	vld [tilespmem:$0x1FF40];
	[tilespmem:$0xCF40] =	vst v54  }
0x2f4: {  	v5 =	vld [tilespmem:$0x1FF30];
	[tilespmem:$0xCF70] =	vst v59  }
0x2f5: {  	v0 =	vld.idx.msk [tilespmem:v60+s19+$0x0], $0xffff  }
0x2f6: {  	v1 =	vld.idx.msk [tilespmem:v61+s19+$0x0], $0xffff  }
0x2f7: {  	v7 =	vld [tilespmem:$0x1FF50]  }
0x2f8: {  	v2 =	vld.idx.msk [tilespmem:v62+s19+$0x0], $0xffff  }
0x2f9: {  	v8 =	vld [tilespmem:$0x1FF60]  }
0x2fa: {  	v3 =	vld.idx.msk [tilespmem:v63+s19+$0x0], $0xffff  }
0x2fb: {  	v9 =	vld [tilespmem:$0x1FF70];
	v0 =	vadd.f32 v1, v0  }
0x2fc: {  	v1 =	vld.idx.msk [tilespmem:v5+s19+$0x0], $0xffff  }
0x2fd: {  	v10 =	vld [tilespmem:$0x1FF80];
	v0 =	vadd.f32 v2, v0  }
0x2fe: {  	v2 =	vld.idx.msk [tilespmem:v6+s19+$0x0], $0xffff  }
0x2ff: {  	v11 =	vld [tilespmem:$0x1FF90];
	v0 =	vadd.f32 v3, v0  }
0x300: {  	v3 =	vld.idx.msk [tilespmem:v7+s19+$0x0], $0xffff  }
0x301: {  	v12 =	vld [tilespmem:$0x1FFA0];
	v0 =	vadd.f32 v1, v0  }
0x302: {  	v1 =	vld.idx.msk [tilespmem:v8+s19+$0x0], $0xffff  }
0x303: {  	v13 =	vld [tilespmem:$0x1FFB0];
	v0 =	vadd.f32 v2, v0  }
0x304: {  	v2 =	vld.idx.msk [tilespmem:v9+s19+$0x0], $0xffff  }
0x305: {  	v14 =	vld [tilespmem:$0x1FFC0];
	v0 =	vadd.f32 v3, v0  }
0x306: {  	v3 =	vld.idx.msk [tilespmem:v10+s19+$0x0], $0xffff  }
0x307: {  	v32 =	vld [tilespmem:$0x1FFD0];
	v0 =	vadd.f32 v1, v0  }
0x308: {  	v1 =	vld.idx.msk [tilespmem:v11+s19+$0x0], $0xffff  }
0x309: {  	v33 =	vld [tilespmem:$0x1FFF0];
	v0 =	vadd.f32 v2, v0  }
0x30a: {  	v2 =	vld.idx.msk [tilespmem:v12+s19+$0x0], $0xffff  }
0x30b: {  	v0 =	vadd.f32 v3, v0  }
0x30c: {  	v3 =	vld.idx.msk [tilespmem:v13+s19+$0x0], $0xffff  }
0x30d: {  	v0 =	vadd.f32 v1, v0  }
0x30e: {  	v1 =	vld.idx.msk [tilespmem:v14+s19+$0x0], $0xffff  }
0x30f: {  	v0 =	vadd.f32 v2, v0  }
0x310: {  	v2 =	vld.idx.msk [tilespmem:v32+s19+$0x0], $0xffff  }
0x311: {  	v0 =	vadd.f32 v3, v0  }
0x312: {  	v3 =	vld.idx.msk [tilespmem:v33+s19+$0x0], $0xffff  }
0x313: {  	v0 =	vadd.f32 v1, v0;
	_ =	sdelay $0x1  }
0x314: {  	v0 =	vadd.f32 v2, v0;
	_ =	sdelay $0x1  }
0x315: {  	v0 =	vadd.f32 v3, v0;
	_ =	sdelay $0x1  }
0x316: {  	s31 =	simm.s32 @p0 $0xEF80;
	[tilespmem:$0xEFB0] =	vst v0  }
0x317: {  	[spmem:s10] =	stream.linear.scatter @p0 [tilespmem:s31], [sflag:$0x3], $0x28, $0x38;
	[tilespmem:$0xF0C0] =	vst v63  }
0x318: {  	_ =	swait.ge @p0 [sflag:s29], $0x28  }
0x319: {  	[sflag:s29] =	ssyncset.done @p0 $0x0  }
0x31a: {  	[sflag:s29] =	ssyncadd.s32 @p0 $0xFFFFFFD8;
	s29 =	simm.s32 @!p0 $0xEF80  }
0x31b: {  	[spmem:s9] =	stream.linear.scatter @!p0 [tilespmem:s29], [sflag:$0x3], $0x40, $0x38;
	[tilespmem:$0xF0C0] =	vst v63  }
0x31c: {  	_ =	swait.ge @!p0 [sflag:s30], $0x40  }
0x31d: {  	[sflag:s30] =	ssyncset.done @!p0 $0x0  }
0x31e: {  	[sflag:s30] =	ssyncadd.s32 @!p0 $0xFFFFFFC0  }
0x31f: {  	[bflag:$0x0] =	sbarrier.arrive $0xFFFF  }
0x320: {  	[tilespmem:s20], [sflag:$0x3] =	stream.linear.gather [spmem:s3], $0x400, $0x38;
	[tilespmem:$0xF0C0] =	vst v63  }
0x321: {  	_ =	swait.ge [sflag:s17], $0x400  }
0x322: {  	[sflag:s17] =	ssyncset.done $0x0  }
0x323: {  	[sflag:s17] =	ssyncadd.s32 $0xFFFFFC00  }
0x324: {  	[tilespmem:s4], [sflag:$0x1] =	stream.strided.gather [hbm4b:s8+s21], $0x6400, s22, s21, $0x38;
	[tilespmem:$0xF0C0] =	vst v63  }
0x325: {  	_ = 	snop  }
0x326: {  	[tilespmem:s23], [sflag:$0x2] =	stream.strided.gather [hbm4b:s11+s21], $0x6400, s22, s21, $0x38;
	[tilespmem:$0xF0C0] =	vst v63  }
0x327: {  	_ =	swait.ge [sflag:s24], $0x6400  }
0x328: {  	[sflag:s24] =	ssyncset.done $0x0  }
0x329: {  	s29 =	simm.s32 $0x100;
	[sflag:s24] =	ssyncadd.s32 $0xFFFF9C00  }
0x32a: {  	v34 =	vld [tilespmem:s29+$0x80]  }
0x32b: {  	v35 =	vld [tilespmem:s29+$0x90]  }
0x32c: {  	v36 =	vld [tilespmem:s29+$0xA0]  }
0x32d: {  	v37 =	vld [tilespmem:s29+$0xB0]  }
0x32e: {  	v38 =	vld [tilespmem:s29+$0xC0]  }
0x32f: {  	v39 =	vld [tilespmem:s29+$0xD0]  }
0x330: {  	v40 =	vld [tilespmem:s29+$0xE0]  }
0x331: {  	v19 =	vld [tilespmem:s29+$0xF0]  }
0x332: {  	v41 =	vld [tilespmem:s29+$0x0]  }
0x333: {  	v42 =	vld [tilespmem:s29+$0x10]  }
0x334: {  	v43 =	vld [tilespmem:s29+$0x20]  }
0x335: {  	v44 =	vld [tilespmem:s29+$0x30]  }
0x336: {  	v45 =	vld [tilespmem:s29+$0x40]  }
0x337: {  	v46 =	vld [tilespmem:s29+$0x50]  }
0x338: {  	v47 =	vld [tilespmem:s29+$0x60]  }
0x339: {  	v20 =	vld [tilespmem:s29+$0x70]  }
0x33a: {  	v48 =	vld [tilespmem:s29+$0xFFFFFF80]  }
0x33b: {  	v15 =	vld [tilespmem:s29+$0xFFFFFF90]  }
0x33c: {  	v16 =	vld [tilespmem:s29+$0xFFFFFFA0]  }
0x33d: {  	v21 =	vld [tilespmem:s29+$0xFFFFFFB0]  }
0x33e: {  	v22 =	vld [tilespmem:s29+$0xFFFFFFC0]  }
0x33f: {  	v24 =	vld [tilespmem:s29+$0xFFFFFFD0]  }
0x340: {  	v25 =	vld [tilespmem:s29+$0xFFFFFFE0]  }
0x341: {  	v23 =	vimm.f32 $0.0e+00;
	v26 =	vld [tilespmem:s29+$0xFFFFFFF0];
	vm1 =	vgt.s32 v34, $0x0  }
0x342: {  	v27 =	vld [tilespmem:s29+$0xFFFFFF00];
	vm2 =	vgt.s32 v35, $0x0;
	vm3 =	vgt.s32 v36, $0x0;
	vm4 =	vgt.s32 v37, $0x0  }
0x343: {  	v28 =	vld [tilespmem:s29+$0xFFFFFF10];
	vm5 =	vgt.s32 v38, $0x0;
	vm6 =	vgt.s32 v39, $0x0;
	vm0 =	vgt.s32 v40, $0x0  }
0x344: {  	v29 =	vld [tilespmem:s29+$0xFFFFFF20];
	vm7 =	vgt.s32 v41, $0x0;
	vm8 =	vgt.s32 v42, $0x0;
	v0 =	vnsel vm1, $0x0, v34  }
0x345: {  	v30 =	vld [tilespmem:s29+$0xFFFFFF30];
	vm9 =	vgt.s32 v43, $0x0;
	v1 =	vnsel vm2, $0x0, v35;
	v0 =	vmin.u32 v0, $0x3E7  }
0x346: {  	v31 =	vld [tilespmem:s29+$0xFFFFFF40];
	vm10 =	vgt.s32 v44, $0x0;
	v2 =	vnsel vm3, $0x0, v36;
	v1 =	vmin.u32 v1, $0x3E7  }
0x347: {  	v49 =	vld [tilespmem:s29+$0xFFFFFF50];
	vm11 =	vgt.s32 v45, $0x0;
	v3 =	vnsel vm4, $0x0, v37;
	v2 =	vmin.u32 v2, $0x3E7  }
0x348: {  	v50 =	vld [tilespmem:s29+$0xFFFFFF60];
	vm12 =	vgt.s32 v46, $0x0;
	v4 =	vnsel vm5, $0x0, v38;
	v3 =	vmin.u32 v3, $0x3E7  }
0x349: {  	v51 =	vld [tilespmem:s29+$0xFFFFFF70];
	vm13 =	vgt.s32 v48, $0x0;
	v5 =	vnsel vm6, $0x0, v39;
	v4 =	vmin.u32 v4, $0x3E7  }
0x34a: {  	vm14 =	vgt.s32 v15, $0x0;
	v7 =	vnsel vm7, $0x0, v41;
	v5 =	vmin.u32 v5, $0x3E7;
	v0 =	vld.idx.msk [tilespmem:v0+s20+$0x0], $0xffff  }
0x34b: {  	vm15 =	vgt.s32 v27, $0x0;
	v8 =	vnsel vm8, $0x0, v42;
	v7 =	vmin.u32 v7, $0x3E7;
	v1 =	vld.idx.msk [tilespmem:v1+s20+$0x0], $0xffff  }
0x34c: {  	v9 =	vnsel vm9, $0x0, v43;
	v11 =	vnsel vm11, $0x0, v45;
	v8 =	vmin.u32 v8, $0x3E7;
	v2 =	vld.idx.msk [tilespmem:v2+s20+$0x0], $0xffff  }
0x34d: {  	v53 =	vnsel vm12, $0x0, v46;
	v54 =	vnsel vm13, $0x0, v48;
	v9 =	vmin.u32 v9, $0x3E7;
	v3 =	vld.idx.msk [tilespmem:v3+s20+$0x0], $0xffff  }
0x34e: {  	v55 =	vnsel vm14, $0x0, v15;
	v52 =	vmin.u32 v11, $0x3E7;
	v11 =	vmin.u32 v53, $0x3E7;
	v17 =	vld.idx.msk [tilespmem:v4+s20+$0x0], $0xffff  }
0x34f: {  	v56 =	vnsel vm15, $0x0, v27;
	vm12 =	vgt.s32 v28, $0x0;
	v12 =	vmin.u32 v55, $0x3E7;
	v18 =	vld.idx.msk [tilespmem:v5+s20+$0x0], $0xffff  }
0x350: {  	vm13 =	vgt.s32 v29, $0x0;
	v14 =	vmin.u32 v56, $0x3E7;
	v15 =	vnsel vm12, $0x0, v28;
	v7 =	vld.idx.msk [tilespmem:v7+s20+$0x0], $0xffff  }
0x351: {  	vm14 =	vgt.s32 v30, $0x0;
	v28 =	vnsel vm13, $0x0, v29;
	v15 =	vmin.u32 v15, $0x3E7;
	v8 =	vld.idx.msk [tilespmem:v8+s20+$0x0], $0xffff  }
0x352: {  	vm4 =	vgt.s32 v16, $0x0;
	v29 =	vnsel vm14, $0x0, v30;
	v57 =	vmin.u32 v28, $0x3E7;
	v9 =	vld.idx.msk [tilespmem:v9+s20+$0x0], $0xffff  }
0x353: {  	vm5 =	vgt.s32 v21, $0x0;
	v16 =	vnsel vm4, $0x0, v16;
	v58 =	vmin.u32 v29, $0x3E7;
	v28 =	vld.idx.msk [tilespmem:v11+s20+$0x0], $0xffff  }
0x354: {  	vm6 =	vgt.s32 v22, $0x0;
	v21 =	vnsel vm5, $0x0, v21;
	v16 =	vmin.u32 v16, $0x3E7;
	v12 =	vld.idx.msk [tilespmem:v12+s20+$0x0], $0xffff  }
0x355: {  	vm15 =	vgt.s32 v24, $0x0;
	v22 =	vnsel vm6, $0x0, v22;
	v21 =	vmin.u32 v21, $0x3E7;
	v14 =	vld.idx.msk [tilespmem:v14+s20+$0x0], $0xffff  }
0x356: {  	vm12 =	vgt.s32 v31, $0x0;
	v24 =	vnsel vm15, $0x0, v24;
	v22 =	vmin.u32 v22, $0x3E7;
	v15 =	vld.idx.msk [tilespmem:v15+s20+$0x0], $0xffff  }
0x357: {  	vm13 =	vgt.s32 v49, $0x0;
	v29 =	vnsel vm12, $0x0, v31;
	v24 =	vmin.u32 v24, $0x3E7;
	v4 =	vld.idx.msk [tilespmem:v57+s20+$0x0], $0xffff  }
0x358: {  	vm14 =	vgt.s32 v50, $0x0;
	v31 =	vmin.u32 v29, $0x3E7;
	v29 =	vnsel vm13, $0x0, v49;
	v11 =	vld.idx.msk [tilespmem:v58+s20+$0x0], $0xffff  }
0x359: {  	vm15 =	vgt.s32 v51, $0x0;
	v32 =	vmin.u32 v29, $0x3E7;
	v29 =	vnsel vm14, $0x0, v50;
	v16 =	vld.idx.msk [tilespmem:v16+s20+$0x0], $0xffff  }
0x35a: {  	vm1 =	vgt.s32 v19, $0x0;
	v33 =	vmin.u32 v29, $0x3E7;
	v29 =	vnsel vm15, $0x0, v51;
	v21 =	vld.idx.msk [tilespmem:v21+s20+$0x0], $0xffff  }
0x35b: {  	v10 =	vnsel vm10, $0x0, v44;
	v5 =	vmin.u32 v54, $0x3E7;
	v34 =	vmin.u32 v29, $0x3E7;
	v29 =	vld.idx.msk [tilespmem:v22+s20+$0x0], $0xffff  }
0x35c: {  	vm2 =	vgt.s32 v47, $0x0;
	v10 =	vmin.u32 v10, $0x3E7;
	vm4 =	vgt.s32 v25, $0x0;
	v30 =	vld.idx.msk [tilespmem:v24+s20+$0x0], $0xffff  }
0x35d: {  	vm3 =	vgt.s32 v20, $0x0;
	vm5 =	vgt.s32 v26, $0x0;
	v22 =	vnsel vm4, $0x0, v25;
	v25 =	vld.idx.msk [tilespmem:v31+s20+$0x0], $0xffff  }
0x35e: {  	v6 =	vnsel vm0, $0x0, v40;
	v19 =	vnsel vm1, $0x0, v19;
	v24 =	vnsel vm5, $0x0, v26;
	v26 =	vld.idx.msk [tilespmem:v32+s20+$0x0], $0xffff  }
0x35f: {  	v13 =	vnsel vm2, $0x0, v47;
	v20 =	vnsel vm3, $0x0, v20;
	v24 =	vmin.u32 v24, $0x3E7;
	v59 =	vld.idx.msk [tilespmem:v33+s20+$0x0], $0xffff  }
0x360: {  	v60 =	vmin.u32 v20, $0x3E7;
	v5 =	vld.idx.msk [tilespmem:v5+s20+$0x0], $0xffff;
	v14 =	vadd.f32 v14, v23;
	v15 =	vadd.f32 v15, v23  }
0x361: {  	v10 =	vld.idx.msk [tilespmem:v10+s20+$0x0], $0xffff;
	v22 =	vmin.u32 v22, $0x3E7;
	v4 =	vadd.f32 v4, v23;
	v11 =	vadd.f32 v11, v23  }
0x362: {  	v13 =	vmin.u32 v13, $0x3E7;
	v27 =	vld.idx.msk [tilespmem:v52+s20+$0x0], $0xffff;
	v36 =	vadd.f32 v25, v23;
	v12 =	vadd.f32 v12, v15  }
0x363: {  	v6 =	vmin.u32 v6, $0x3E7;
	v15 =	vld.idx.msk [tilespmem:v34+s20+$0x0], $0xffff;
	v4 =	vadd.f32 v16, v4;
	v11 =	vadd.f32 v21, v11  }
0x364: {  	v62 =	vmin.u32 v19, $0x3E7;
	v34 =	vld.idx.msk [tilespmem:v24+s20+$0x0], $0xffff;
	v24 =	vadd.f32 v26, v23;
	v25 =	vadd.f32 v59, v23  }
0x365: {  	v35 =	vld.idx.msk [tilespmem:v60+s20+$0x0], $0xffff;
	v5 =	vadd.f32 v5, v14;
	v61 =	vadd.f32 v8, v12  }
0x366: {  	v31 =	vld.idx.msk [tilespmem:v22+s20+$0x0], $0xffff;
	v4 =	vadd.f32 v9, v4;
	v63 =	vadd.f32 v10, v11  }
0x367: {  	v32 =	vld.idx.msk [tilespmem:v13+s20+$0x0], $0xffff;
	v5 =	vadd.f32 v7, v5;
	v21 =	vadd.f32 v1, v61  }
0x368: {  	v33 =	vld.idx.msk [tilespmem:v6+s20+$0x0], $0xffff;
	v20 =	vadd.f32 v2, v4;
	v19 =	vadd.f32 v3, v63  }
0x369: {  	s30 =	simm.s32 $0x300;
	s29 =	simm.s32 $0x0;
	v26 =	vld.idx.msk [tilespmem:v62+s20+$0x0], $0xffff;
	v23 =	vadd.f32 v15, v23;
	v22 =	vadd.f32 v0, v5  }
.LBB2_2:
0x36a: {  	v0 =	vld [tilespmem:s30+$0x80];
	v1 =	vadd.f32 v29, v36;
	v2 =	vadd.f32 v30, v24  }
0x36b: {  	v3 =	vld [tilespmem:s30+$0x90];
	v4 =	vadd.f32 v31, v25;
	v5 =	vadd.f32 v34, v23  }
0x36c: {  	v6 =	vld [tilespmem:s30+$0xA0];
	v1 =	vadd.f32 v27, v1;
	v2 =	vadd.f32 v28, v2  }
0x36d: {  	v7 =	vld [tilespmem:s30+$0xB0];
	v4 =	vadd.f32 v32, v4;
	v5 =	vadd.f32 v35, v5  }
0x36e: {  	v8 =	vld [tilespmem:s30+$0xC0];
	v23 =	vadd.f32 v17, v1;
	v24 =	vadd.f32 v18, v2  }
0x36f: {  	v1 =	vld [tilespmem:s30+$0xD0];
	v25 =	vadd.f32 v33, v4;
	v26 =	vadd.f32 v26, v5  }
0x370: {  	v30 =	vld [tilespmem:s30+$0xE0]  }
0x371: {  	v29 =	vld [tilespmem:s30+$0xF0]  }
0x372: {  	v2 =	vld [tilespmem:s30+$0x0]  }
0x373: {  	v4 =	vld [tilespmem:s30+$0x10]  }
0x374: {  	v5 =	vld [tilespmem:s30+$0x20]  }
0x375: {  	v9 =	vld [tilespmem:s30+$0x30]  }
0x376: {  	v10 =	vld [tilespmem:s30+$0x40]  }
0x377: {  	v11 =	vld [tilespmem:s30+$0x50]  }
0x378: {  	v32 =	vld [tilespmem:s30+$0x60]  }
0x379: {  	v31 =	vld [tilespmem:s30+$0x70]  }
0x37a: {  	v12 =	vld [tilespmem:s30+$0xFFFFFF80]  }
0x37b: {  	v13 =	vld [tilespmem:s30+$0xFFFFFF90]  }
0x37c: {  	v14 =	vld [tilespmem:s30+$0xFFFFFFA0]  }
0x37d: {  	v15 =	vld [tilespmem:s30+$0xFFFFFFB0]  }
0x37e: {  	v16 =	vld [tilespmem:s30+$0xFFFFFFC0]  }
0x37f: {  	v39 =	vld [tilespmem:s30+$0xFFFFFFD0]  }
0x380: {  	v34 =	vld [tilespmem:s30+$0xFFFFFFE0]  }
0x381: {  	vm1 =	vgt.s32 v0, $0x0;
	v33 =	vld [tilespmem:s30+$0xFFFFFFF0]  }
0x382: {  	vm2 =	vgt.s32 v3, $0x0;
	vm3 =	vgt.s32 v6, $0x0;
	vm4 =	vgt.s32 v7, $0x0;
	v27 =	vld [tilespmem:s30+$0xFFFFFF00]  }
0x383: {  	vm5 =	vgt.s32 v8, $0x0;
	vm6 =	vgt.s32 v1, $0x0;
	vm0 =	vgt.s32 v30, $0x0;
	v28 =	vld [tilespmem:s30+$0xFFFFFF10]  }
0x384: {  	v0 =	vnsel vm1, $0x0, v0;
	vm1 =	vgt.s32 v29, $0x0;
	vm7 =	vgt.s32 v2, $0x0;
	v40 =	vld [tilespmem:s30+$0xFFFFFF20]  }
0x385: {  	v0 =	vmin.u32 v0, $0x3E7;
	v3 =	vnsel vm2, $0x0, v3;
	vm8 =	vgt.s32 v4, $0x0;
	v41 =	vld [tilespmem:s30+$0xFFFFFF30]  }
0x386: {  	v3 =	vmin.u32 v3, $0x3E7;
	v6 =	vnsel vm3, $0x0, v6;
	vm9 =	vgt.s32 v5, $0x0;
	v42 =	vld [tilespmem:s30+$0xFFFFFF40]  }
0x387: {  	v6 =	vmin.u32 v6, $0x3E7;
	v7 =	vnsel vm4, $0x0, v7;
	vm10 =	vgt.s32 v9, $0x0;
	v43 =	vld [tilespmem:s30+$0xFFFFFF50]  }
0x388: {  	v7 =	vmin.u32 v7, $0x3E7;
	v8 =	vnsel vm5, $0x0, v8;
	vm4 =	vgt.s32 v10, $0x0;
	v44 =	vld [tilespmem:s30+$0xFFFFFF60]  }
0x389: {  	v8 =	vmin.u32 v8, $0x3E7;
	v1 =	vnsel vm6, $0x0, v1;
	vm11 =	vgt.s32 v11, $0x0;
	v45 =	vld [tilespmem:s30+$0xFFFFFF70]  }
0x38a: {  	v2 =	vnsel vm7, $0x0, v2;
	vm2 =	vgt.s32 v32, $0x0;
	v35 =	vld.idx.msk [tilespmem:v0+s20+$0x0], $0xffff;
	v0 =	vmin.u32 v1, $0x3E7  }
0x38b: {  	vm3 =	vgt.s32 v31, $0x0;
	v1 =	vmin.u32 v2, $0x3E7;
	v2 =	vnsel vm8, $0x0, v4;
	v36 =	vld.idx.msk [tilespmem:v3+s20+$0x0], $0xffff  }
0x38c: {  	vm7 =	vgt.s32 v12, $0x0;
	v2 =	vmin.u32 v2, $0x3E7;
	v3 =	vnsel vm9, $0x0, v5;
	v37 =	vld.idx.msk [tilespmem:v6+s20+$0x0], $0xffff  }
0x38d: {  	vm8 =	vgt.s32 v13, $0x0;
	v4 =	vnsel vm10, $0x0, v9;
	v3 =	vmin.u32 v3, $0x3E7;
	v38 =	vld.idx.msk [tilespmem:v7+s20+$0x0], $0xffff  }
0x38e: {  	vm5 =	vgt.s32 v14, $0x0;
	v4 =	vmin.u32 v4, $0x3E7;
	v5 =	vnsel vm4, $0x0, v10;
	v17 =	vld.idx.msk [tilespmem:v8+s20+$0x0], $0xffff  }
0x38f: {  	vm6 =	vgt.s32 v15, $0x0;
	v5 =	vmin.u32 v5, $0x3E7;
	v6 =	vnsel vm11, $0x0, v11;
	v18 =	vld.idx.msk [tilespmem:v0+s20+$0x0], $0xffff  }
0x390: {  	vm4 =	vgt.s32 v16, $0x0;
	v6 =	vmin.u32 v6, $0x3E7;
	v0 =	vnsel vm7, $0x0, v12;
	v1 =	vld.idx.msk [tilespmem:v1+s20+$0x0], $0xffff  }
0x391: {  	v7 =	vnsel vm8, $0x0, v13;
	vm7 =	vgt.s32 v27, $0x0;
	v0 =	vmin.u32 v0, $0x3E7;
	v2 =	vld.idx.msk [tilespmem:v2+s20+$0x0], $0xffff  }
0x392: {  	v7 =	vmin.u32 v7, $0x3E7;
	v8 =	vnsel vm7, $0x0, v27;
	vm7 =	vgt.s32 v28, $0x0;
	v3 =	vld.idx.msk [tilespmem:v3+s20+$0x0], $0xffff  }
0x393: {  	v8 =	vmin.u32 v8, $0x3E7;
	v9 =	vnsel vm7, $0x0, v28;
	vm7 =	vgt.s32 v40, $0x0;
	v4 =	vld.idx.msk [tilespmem:v4+s20+$0x0], $0xffff  }
0x394: {  	v9 =	vmin.u32 v9, $0x3E7;
	v10 =	vnsel vm7, $0x0, v40;
	vm7 =	vgt.s32 v41, $0x0;
	v27 =	vld.idx.msk [tilespmem:v5+s20+$0x0], $0xffff  }
0x395: {  	v5 =	vmin.u32 v10, $0x3E7;
	v10 =	vnsel vm7, $0x0, v41;
	vm7 =	vgt.s32 v39, $0x0;
	v28 =	vld.idx.msk [tilespmem:v6+s20+$0x0], $0xffff  }
0x396: {  	v6 =	vmin.u32 v10, $0x3E7;
	v10 =	vnsel vm5, $0x0, v14;
	vm5 =	vgt.s32 v34, $0x0;
	v0 =	vld.idx.msk [tilespmem:v0+s20+$0x0], $0xffff  }
0x397: {  	s29 =	sadd.s32 $0x2, s29;
	v11 =	vnsel vm6, $0x0, v15;
	vm6 =	vgt.s32 v33, $0x0;
	v10 =	vmin.u32 v10, $0x3E7;
	v7 =	vld.idx.msk [tilespmem:v7+s20+$0x0], $0xffff  }
0x398: {  	p1 =	slt.u32 s29, $0x62;
	vm8 =	vgt.s32 v42, $0x0;
	v11 =	vmin.u32 v11, $0x3E7;
	v12 =	vnsel vm4, $0x0, v16;
	v8 =	vld.idx.msk [tilespmem:v8+s20+$0x0], $0xffff  }
0x399: {  	vm4 =	vgt.s32 v43, $0x0;
	v12 =	vmin.u32 v12, $0x3E7;
	v13 =	vnsel vm7, $0x0, v39;
	v9 =	vld.idx.msk [tilespmem:v9+s20+$0x0], $0xffff  }
0x39a: {  	v14 =	vnsel vm8, $0x0, v42;
	vm7 =	vgt.s32 v44, $0x0;
	v13 =	vmin.u32 v13, $0x3E7;
	v5 =	vld.idx.msk [tilespmem:v5+s20+$0x0], $0xffff  }
0x39b: {  	v15 =	vnsel vm4, $0x0, v43;
	vm4 =	vgt.s32 v45, $0x0;
	v14 =	vmin.u32 v14, $0x3E7;
	v6 =	vld.idx.msk [tilespmem:v6+s20+$0x0], $0xffff  }
0x39c: {  	v15 =	vmin.u32 v15, $0x3E7;
	v39 =	vnsel vm0, $0x0, v30;
	v16 =	vnsel vm7, $0x0, v44;
	v10 =	vld.idx.msk [tilespmem:v10+s20+$0x0], $0xffff  }
0x39d: {  	v40 =	vnsel vm1, $0x0, v29;
	v30 =	vnsel vm4, $0x0, v45;
	v16 =	vmin.u32 v16, $0x3E7;
	v11 =	vld.idx.msk [tilespmem:v11+s20+$0x0], $0xffff  }
0x39e: {  	v32 =	vnsel vm2, $0x0, v32;
	v41 =	vmin.u32 v30, $0x3E7;
	v29 =	vld.idx.msk [tilespmem:v12+s20+$0x0], $0xffff;
	v12 =	vnsel vm5, $0x0, v34  }
0x39f: {  	v31 =	vnsel vm3, $0x0, v31;
	v30 =	vld.idx.msk [tilespmem:v13+s20+$0x0], $0xffff;
	v12 =	vmin.u32 v12, $0x3E7;
	v13 =	vnsel vm6, $0x0, v33  }
0x3a0: {  	v8 =	vadd.f32 v8, v22;
	v9 =	vadd.f32 v9, v21;
	v14 =	vld.idx.msk [tilespmem:v14+s20+$0x0], $0xffff;
	v13 =	vmin.u32 v13, $0x3E7  }
0x3a1: {  	v5 =	vadd.f32 v5, v20;
	v6 =	vadd.f32 v6, v19;
	v19 =	vmin.u32 v32, $0x3E7;
	v15 =	vld.idx.msk [tilespmem:v15+s20+$0x0], $0xffff  }
0x3a2: {  	v0 =	vadd.f32 v0, v8;
	v8 =	vmin.u32 v31, $0x3E7;
	v7 =	vadd.f32 v7, v9;
	v16 =	vld.idx.msk [tilespmem:v16+s20+$0x0], $0xffff  }
0x3a3: {  	v5 =	vadd.f32 v10, v5;
	v10 =	vmin.u32 v39, $0x3E7;
	v6 =	vadd.f32 v11, v6;
	v9 =	vld.idx.msk [tilespmem:v41+s20+$0x0], $0xffff  }
0x3a4: {  	v0 =	vadd.f32 v1, v0;
	v1 =	vadd.f32 v2, v7;
	v2 =	vmin.u32 v40, $0x3E7;
	v31 =	vld.idx.msk [tilespmem:v12+s20+$0x0], $0xffff  }
.Ltmp0:
0x3a5: {  	v3 =	vadd.f32 v3, v5;
	v4 =	vadd.f32 v4, v6;
	v34 =	vld.idx.msk [tilespmem:v13+s20+$0x0], $0xffff;
	(pc) =	sbr.rel @p1 .LBB2_2-.Ltmp0, $4  }
0x3a6: {  	v22 =	vadd.f32 v35, v0;
	v21 =	vadd.f32 v36, v1;
	v32 =	vld.idx.msk [tilespmem:v19+s20+$0x0], $0xffff  }
0x3a7: {  	v20 =	vadd.f32 v37, v3;
	v19 =	vadd.f32 v38, v4;
	v35 =	vld.idx.msk [tilespmem:v8+s20+$0x0], $0xffff  }
0x3a8: {  	v36 =	vadd.f32 v14, v23;
	v24 =	vadd.f32 v15, v24;
	v33 =	vld.idx.msk [tilespmem:v10+s20+$0x0], $0xffff  }
0x3a9: {  	s30 =	sadd.s32 $0x200, s30;
	v25 =	vadd.f32 v16, v25;
	v23 =	vadd.f32 v9, v26;
	v26 =	vld.idx.msk [tilespmem:v2+s20+$0x0], $0xffff  }
0x3aa: {  	v46 =	vld [tilespmem:$0x1F8B0];
	_ =	sdelay $0x1  }
0x3ab: {  	v0 =	vadd.f32 v29, v36;
	v1 =	vadd.f32 v30, v24  }
0x3ac: {  	v2 =	vadd.f32 v31, v25;
	v3 =	vadd.f32 v34, v23  }
0x3ad: {  	v0 =	vadd.f32 v27, v0;
	v1 =	vadd.f32 v28, v1  }
0x3ae: {  	v2 =	vadd.f32 v32, v2;
	v4 =	vadd.f32 v22, v46  }
0x3af: {  	v3 =	vadd.f32 v35, v3;
	v5 =	vadd.f32 v21, v46  }
0x3b0: {  	v0 =	vadd.f32 v17, v0;
	v39 =	vadd.f32 v20, v46;
	[tilespmem:$0xCC00] =	vst v4  }
0x3b1: {  	v1 =	vadd.f32 v18, v1;
	v40 =	vadd.f32 v19, v46;
	[tilespmem:$0xCC10] =	vst v5  }
0x3b2: {  	v2 =	vadd.f32 v33, v2;
	v0 =	vadd.f32 v0, v46;
	[tilespmem:$0xCC20] =	vst v39  }
0x3b3: {  	v3 =	vadd.f32 v26, v3;
	v1 =	vadd.f32 v1, v46;
	[tilespmem:$0xCC30] =	vst v40  }
0x3b4: {  	v41 =	vadd.f32 v2, v46;
	[tilespmem:$0xCC40] =	vst v0  }
0x3b5: {  	v42 =	vadd.f32 v3, v46;
	[tilespmem:$0xCC50] =	vst v1  }
0x3b6: {  	[tilespmem:$0xCC60] =	vst v41  }
0x3b7: {  	[tilespmem:$0xCC70] =	vst v42  }
0x3b8: {  	[tilespmem:s4], [sflag:$0x1] =	stream.strided.gather [hbm4b:s12+s21], $0x6400, s22, s21, $0x38;
	[tilespmem:$0xF0C0] =	vst v63  }
0x3b9: {  	_ =	swait.ge [sflag:s25], $0x6400  }
0x3ba: {  	[sflag:s25] =	ssyncset.done $0x0  }
0x3bb: {  	s29 =	simm.s32 $0x6500;
	[sflag:s25] =	ssyncadd.s32 $0xFFFF9C00  }
0x3bc: {  	v43 =	vld [tilespmem:s29+$0x80]  }
0x3bd: {  	v44 =	vld [tilespmem:s29+$0x90]  }
0x3be: {  	v45 =	vld [tilespmem:s29+$0xA0]  }
0x3bf: {  	v47 =	vld [tilespmem:s29+$0xB0]  }
0x3c0: {  	v48 =	vld [tilespmem:s29+$0xC0]  }
0x3c1: {  	v49 =	vld [tilespmem:s29+$0xD0]  }
0x3c2: {  	v6 =	vld [tilespmem:s29+$0xE0]  }
0x3c3: {  	v19 =	vld [tilespmem:s29+$0xF0]  }
0x3c4: {  	v7 =	vld [tilespmem:s29+$0x0]  }
0x3c5: {  	v8 =	vld [tilespmem:s29+$0x10]  }
0x3c6: {  	v9 =	vld [tilespmem:s29+$0x20]  }
0x3c7: {  	v10 =	vld [tilespmem:s29+$0x30]  }
0x3c8: {  	v11 =	vld [tilespmem:s29+$0x40]  }
0x3c9: {  	v12 =	vld [tilespmem:s29+$0x50]  }
0x3ca: {  	v13 =	vld [tilespmem:s29+$0x60]  }
0x3cb: {  	v20 =	vld [tilespmem:s29+$0x70]  }
0x3cc: {  	v14 =	vld [tilespmem:s29+$0xFFFFFF80]  }
0x3cd: {  	v15 =	vld [tilespmem:s29+$0xFFFFFF90]  }
0x3ce: {  	v16 =	vld [tilespmem:s29+$0xFFFFFFA0]  }
0x3cf: {  	v21 =	vld [tilespmem:s29+$0xFFFFFFB0]  }
0x3d0: {  	v22 =	vld [tilespmem:s29+$0xFFFFFFC0]  }
0x3d1: {  	v24 =	vld [tilespmem:s29+$0xFFFFFFD0]  }
0x3d2: {  	v25 =	vld [tilespmem:s29+$0xFFFFFFE0]  }
0x3d3: {  	v23 =	vimm.f32 $0.0e+00;
	v26 =	vld [tilespmem:s29+$0xFFFFFFF0];
	vm1 =	vgt.s32 v43, $0x0  }
0x3d4: {  	v27 =	vld [tilespmem:s29+$0xFFFFFF00];
	vm2 =	vgt.s32 v44, $0x0;
	vm3 =	vgt.s32 v45, $0x0;
	vm4 =	vgt.s32 v47, $0x0  }
0x3d5: {  	v28 =	vld [tilespmem:s29+$0xFFFFFF10];
	vm5 =	vgt.s32 v48, $0x0;
	vm6 =	vgt.s32 v49, $0x0;
	vm0 =	vgt.s32 v6, $0x0  }
0x3d6: {  	v29 =	vld [tilespmem:s29+$0xFFFFFF20];
	vm7 =	vgt.s32 v7, $0x0;
	vm8 =	vgt.s32 v8, $0x0;
	v0 =	vnsel vm1, $0x0, v43  }
0x3d7: {  	v30 =	vld [tilespmem:s29+$0xFFFFFF30];
	vm9 =	vgt.s32 v9, $0x0;
	v1 =	vnsel vm2, $0x0, v44;
	v0 =	vmin.u32 v0, $0x3E7  }
0x3d8: {  	v31 =	vld [tilespmem:s29+$0xFFFFFF40];
	vm10 =	vgt.s32 v10, $0x0;
	v2 =	vnsel vm3, $0x0, v45;
	v1 =	vmin.u32 v1, $0x3E7  }
0x3d9: {  	v50 =	vld [tilespmem:s29+$0xFFFFFF50];
	vm11 =	vgt.s32 v11, $0x0;
	v3 =	vnsel vm4, $0x0, v47;
	v2 =	vmin.u32 v2, $0x3E7  }
0x3da: {  	v51 =	vld [tilespmem:s29+$0xFFFFFF60];
	vm12 =	vgt.s32 v12, $0x0;
	v4 =	vnsel vm5, $0x0, v48;
	v3 =	vmin.u32 v3, $0x3E7  }
0x3db: {  	v52 =	vld [tilespmem:s29+$0xFFFFFF70];
	vm13 =	vgt.s32 v14, $0x0;
	v5 =	vnsel vm6, $0x0, v49;
	v4 =	vmin.u32 v4, $0x3E7  }
0x3dc: {  	vm14 =	vgt.s32 v15, $0x0;
	v7 =	vnsel vm7, $0x0, v7;
	v5 =	vmin.u32 v5, $0x3E7;
	v0 =	vld.idx.msk [tilespmem:v0+s20+$0x0], $0xffff  }
0x3dd: {  	vm15 =	vgt.s32 v27, $0x0;
	v8 =	vnsel vm8, $0x0, v8;
	v7 =	vmin.u32 v7, $0x3E7;
	v1 =	vld.idx.msk [tilespmem:v1+s20+$0x0], $0xffff  }
0x3de: {  	v9 =	vnsel vm9, $0x0, v9;
	v11 =	vnsel vm11, $0x0, v11;
	v8 =	vmin.u32 v8, $0x3E7;
	v2 =	vld.idx.msk [tilespmem:v2+s20+$0x0], $0xffff  }
0x3df: {  	v54 =	vnsel vm12, $0x0, v12;
	v55 =	vnsel vm13, $0x0, v14;
	v9 =	vmin.u32 v9, $0x3E7;
	v3 =	vld.idx.msk [tilespmem:v3+s20+$0x0], $0xffff  }
0x3e0: {  	v56 =	vnsel vm14, $0x0, v15;
	v53 =	vmin.u32 v11, $0x3E7;
	v11 =	vmin.u32 v54, $0x3E7;
	v17 =	vld.idx.msk [tilespmem:v4+s20+$0x0], $0xffff  }
0x3e1: {  	v57 =	vnsel vm15, $0x0, v27;
	vm12 =	vgt.s32 v28, $0x0;
	v12 =	vmin.u32 v56, $0x3E7;
	v18 =	vld.idx.msk [tilespmem:v5+s20+$0x0], $0xffff  }
0x3e2: {  	vm13 =	vgt.s32 v29, $0x0;
	v14 =	vmin.u32 v57, $0x3E7;
	v15 =	vnsel vm12, $0x0, v28;
	v7 =	vld.idx.msk [tilespmem:v7+s20+$0x0], $0xffff  }
0x3e3: {  	vm14 =	vgt.s32 v30, $0x0;
	v28 =	vnsel vm13, $0x0, v29;
	v15 =	vmin.u32 v15, $0x3E7;
	v8 =	vld.idx.msk [tilespmem:v8+s20+$0x0], $0xffff  }
0x3e4: {  	vm4 =	vgt.s32 v16, $0x0;
	v29 =	vnsel vm14, $0x0, v30;
	v58 =	vmin.u32 v28, $0x3E7;
	v9 =	vld.idx.msk [tilespmem:v9+s20+$0x0], $0xffff  }
0x3e5: {  	vm5 =	vgt.s32 v21, $0x0;
	v16 =	vnsel vm4, $0x0, v16;
	v59 =	vmin.u32 v29, $0x3E7;
	v28 =	vld.idx.msk [tilespmem:v11+s20+$0x0], $0xffff  }
0x3e6: {  	vm6 =	vgt.s32 v22, $0x0;
	v21 =	vnsel vm5, $0x0, v21;
	v16 =	vmin.u32 v16, $0x3E7;
	v12 =	vld.idx.msk [tilespmem:v12+s20+$0x0], $0xffff  }
0x3e7: {  	vm15 =	vgt.s32 v24, $0x0;
	v22 =	vnsel vm6, $0x0, v22;
	v21 =	vmin.u32 v21, $0x3E7;
	v14 =	vld.idx.msk [tilespmem:v14+s20+$0x0], $0xffff  }
0x3e8: {  	vm12 =	vgt.s32 v31, $0x0;
	v24 =	vnsel vm15, $0x0, v24;
	v22 =	vmin.u32 v22, $0x3E7;
	v15 =	vld.idx.msk [tilespmem:v15+s20+$0x0], $0xffff  }
0x3e9: {  	vm13 =	vgt.s32 v50, $0x0;
	v29 =	vnsel vm12, $0x0, v31;
	v24 =	vmin.u32 v24, $0x3E7;
	v4 =	vld.idx.msk [tilespmem:v58+s20+$0x0], $0xffff  }
0x3ea: {  	vm14 =	vgt.s32 v51, $0x0;
	v31 =	vmin.u32 v29, $0x3E7;
	v29 =	vnsel vm13, $0x0, v50;
	v11 =	vld.idx.msk [tilespmem:v59+s20+$0x0], $0xffff  }
0x3eb: {  	vm15 =	vgt.s32 v52, $0x0;
	v32 =	vmin.u32 v29, $0x3E7;
	v29 =	vnsel vm14, $0x0, v51;
	v16 =	vld.idx.msk [tilespmem:v16+s20+$0x0], $0xffff  }
0x3ec: {  	vm1 =	vgt.s32 v19, $0x0;
	v33 =	vmin.u32 v29, $0x3E7;
	v29 =	vnsel vm15, $0x0, v52;
	v21 =	vld.idx.msk [tilespmem:v21+s20+$0x0], $0xffff  }
0x3ed: {  	v10 =	vnsel vm10, $0x0, v10;
	v5 =	vmin.u32 v55, $0x3E7;
	v34 =	vmin.u32 v29, $0x3E7;
	v29 =	vld.idx.msk [tilespmem:v22+s20+$0x0], $0xffff  }
0x3ee: {  	vm2 =	vgt.s32 v13, $0x0;
	v10 =	vmin.u32 v10, $0x3E7;
	vm4 =	vgt.s32 v25, $0x0;
	v30 =	vld.idx.msk [tilespmem:v24+s20+$0x0], $0xffff  }
0x3ef: {  	vm3 =	vgt.s32 v20, $0x0;
	vm5 =	vgt.s32 v26, $0x0;
	v22 =	vnsel vm4, $0x0, v25;
	v25 =	vld.idx.msk [tilespmem:v31+s20+$0x0], $0xffff  }
0x3f0: {  	v6 =	vnsel vm0, $0x0, v6;
	v19 =	vnsel vm1, $0x0, v19;
	v24 =	vnsel vm5, $0x0, v26;
	v26 =	vld.idx.msk [tilespmem:v32+s20+$0x0], $0xffff  }
0x3f1: {  	v13 =	vnsel vm2, $0x0, v13;
	v20 =	vnsel vm3, $0x0, v20;
	v24 =	vmin.u32 v24, $0x3E7;
	v37 =	vld.idx.msk [tilespmem:v33+s20+$0x0], $0xffff  }
0x3f2: {  	v60 =	vmin.u32 v20, $0x3E7;
	v5 =	vld.idx.msk [tilespmem:v5+s20+$0x0], $0xffff;
	v14 =	vadd.f32 v14, v23;
	v15 =	vadd.f32 v15, v23  }
0x3f3: {  	v10 =	vld.idx.msk [tilespmem:v10+s20+$0x0], $0xffff;
	v22 =	vmin.u32 v22, $0x3E7;
	v4 =	vadd.f32 v4, v23;
	v11 =	vadd.f32 v11, v23  }
0x3f4: {  	v13 =	vmin.u32 v13, $0x3E7;
	v27 =	vld.idx.msk [tilespmem:v53+s20+$0x0], $0xffff;
	v36 =	vadd.f32 v25, v23;
	v12 =	vadd.f32 v12, v15  }
0x3f5: {  	v6 =	vmin.u32 v6, $0x3E7;
	v15 =	vld.idx.msk [tilespmem:v34+s20+$0x0], $0xffff;
	v4 =	vadd.f32 v16, v4;
	v11 =	vadd.f32 v21, v11  }
0x3f6: {  	v62 =	vmin.u32 v19, $0x3E7;
	v34 =	vld.idx.msk [tilespmem:v24+s20+$0x0], $0xffff;
	v24 =	vadd.f32 v26, v23;
	v25 =	vadd.f32 v37, v23  }
0x3f7: {  	v35 =	vld.idx.msk [tilespmem:v60+s20+$0x0], $0xffff;
	v5 =	vadd.f32 v5, v14;
	v61 =	vadd.f32 v8, v12  }
0x3f8: {  	v31 =	vld.idx.msk [tilespmem:v22+s20+$0x0], $0xffff;
	v4 =	vadd.f32 v9, v4;
	v63 =	vadd.f32 v10, v11  }
0x3f9: {  	v32 =	vld.idx.msk [tilespmem:v13+s20+$0x0], $0xffff;
	v5 =	vadd.f32 v7, v5;
	v21 =	vadd.f32 v1, v61  }
0x3fa: {  	v33 =	vld.idx.msk [tilespmem:v6+s20+$0x0], $0xffff;
	v20 =	vadd.f32 v2, v4;
	v19 =	vadd.f32 v3, v63  }
0x3fb: {  	s30 =	simm.s32 $0x6700;
	s29 =	simm.s32 $0x0;
	v26 =	vld.idx.msk [tilespmem:v62+s20+$0x0], $0xffff;
	v23 =	vadd.f32 v15, v23;
	v22 =	vadd.f32 v0, v5  }
.LBB2_4:
0x3fc: {  	v0 =	vld [tilespmem:s30+$0x80];
	v1 =	vadd.f32 v29, v36;
	v2 =	vadd.f32 v30, v24  }
0x3fd: {  	v3 =	vld [tilespmem:s30+$0x90];
	v4 =	vadd.f32 v31, v25;
	v5 =	vadd.f32 v34, v23  }
0x3fe: {  	v6 =	vld [tilespmem:s30+$0xA0];
	v1 =	vadd.f32 v27, v1;
	v2 =	vadd.f32 v28, v2  }
0x3ff: {  	v7 =	vld [tilespmem:s30+$0xB0];
	v4 =	vadd.f32 v32, v4;
	v5 =	vadd.f32 v35, v5  }
0x400: {  	v8 =	vld [tilespmem:s30+$0xC0];
	v23 =	vadd.f32 v17, v1;
	v24 =	vadd.f32 v18, v2  }
0x401: {  	v1 =	vld [tilespmem:s30+$0xD0];
	v25 =	vadd.f32 v33, v4;
	v26 =	vadd.f32 v26, v5  }
0x402: {  	v30 =	vld [tilespmem:s30+$0xE0]  }
0x403: {  	v29 =	vld [tilespmem:s30+$0xF0]  }
0x404: {  	v2 =	vld [tilespmem:s30+$0x0]  }
0x405: {  	v4 =	vld [tilespmem:s30+$0x10]  }
0x406: {  	v5 =	vld [tilespmem:s30+$0x20]  }
0x407: {  	v9 =	vld [tilespmem:s30+$0x30]  }
0x408: {  	v10 =	vld [tilespmem:s30+$0x40]  }
0x409: {  	v11 =	vld [tilespmem:s30+$0x50]  }
0x40a: {  	v32 =	vld [tilespmem:s30+$0x60]  }
0x40b: {  	v31 =	vld [tilespmem:s30+$0x70]  }
0x40c: {  	v12 =	vld [tilespmem:s30+$0xFFFFFF80]  }
0x40d: {  	v13 =	vld [tilespmem:s30+$0xFFFFFF90]  }
0x40e: {  	v14 =	vld [tilespmem:s30+$0xFFFFFFA0]  }
0x40f: {  	v15 =	vld [tilespmem:s30+$0xFFFFFFB0]  }
0x410: {  	v16 =	vld [tilespmem:s30+$0xFFFFFFC0]  }
0x411: {  	v39 =	vld [tilespmem:s30+$0xFFFFFFD0]  }
0x412: {  	v34 =	vld [tilespmem:s30+$0xFFFFFFE0]  }
0x413: {  	vm1 =	vgt.s32 v0, $0x0;
	v33 =	vld [tilespmem:s30+$0xFFFFFFF0]  }
0x414: {  	vm2 =	vgt.s32 v3, $0x0;
	vm3 =	vgt.s32 v6, $0x0;
	vm4 =	vgt.s32 v7, $0x0;
	v27 =	vld [tilespmem:s30+$0xFFFFFF00]  }
0x415: {  	vm5 =	vgt.s32 v8, $0x0;
	vm6 =	vgt.s32 v1, $0x0;
	vm0 =	vgt.s32 v30, $0x0;
	v28 =	vld [tilespmem:s30+$0xFFFFFF10]  }
0x416: {  	v0 =	vnsel vm1, $0x0, v0;
	vm1 =	vgt.s32 v29, $0x0;
	vm7 =	vgt.s32 v2, $0x0;
	v40 =	vld [tilespmem:s30+$0xFFFFFF20]  }
0x417: {  	v0 =	vmin.u32 v0, $0x3E7;
	v3 =	vnsel vm2, $0x0, v3;
	vm8 =	vgt.s32 v4, $0x0;
	v41 =	vld [tilespmem:s30+$0xFFFFFF30]  }
0x418: {  	v3 =	vmin.u32 v3, $0x3E7;
	v6 =	vnsel vm3, $0x0, v6;
	vm9 =	vgt.s32 v5, $0x0;
	v42 =	vld [tilespmem:s30+$0xFFFFFF40]  }
0x419: {  	v6 =	vmin.u32 v6, $0x3E7;
	v7 =	vnsel vm4, $0x0, v7;
	vm10 =	vgt.s32 v9, $0x0;
	v43 =	vld [tilespmem:s30+$0xFFFFFF50]  }
0x41a: {  	v7 =	vmin.u32 v7, $0x3E7;
	v8 =	vnsel vm5, $0x0, v8;
	vm4 =	vgt.s32 v10, $0x0;
	v44 =	vld [tilespmem:s30+$0xFFFFFF60]  }
0x41b: {  	v8 =	vmin.u32 v8, $0x3E7;
	v1 =	vnsel vm6, $0x0, v1;
	vm11 =	vgt.s32 v11, $0x0;
	v45 =	vld [tilespmem:s30+$0xFFFFFF70]  }
0x41c: {  	v2 =	vnsel vm7, $0x0, v2;
	vm2 =	vgt.s32 v32, $0x0;
	v35 =	vld.idx.msk [tilespmem:v0+s20+$0x0], $0xffff;
	v0 =	vmin.u32 v1, $0x3E7  }
0x41d: {  	vm3 =	vgt.s32 v31, $0x0;
	v1 =	vmin.u32 v2, $0x3E7;
	v2 =	vnsel vm8, $0x0, v4;
	v36 =	vld.idx.msk [tilespmem:v3+s20+$0x0], $0xffff  }
0x41e: {  	vm7 =	vgt.s32 v12, $0x0;
	v2 =	vmin.u32 v2, $0x3E7;
	v3 =	vnsel vm9, $0x0, v5;
	v37 =	vld.idx.msk [tilespmem:v6+s20+$0x0], $0xffff  }
0x41f: {  	vm8 =	vgt.s32 v13, $0x0;
	v4 =	vnsel vm10, $0x0, v9;
	v3 =	vmin.u32 v3, $0x3E7;
	v38 =	vld.idx.msk [tilespmem:v7+s20+$0x0], $0xffff  }
0x420: {  	vm5 =	vgt.s32 v14, $0x0;
	v4 =	vmin.u32 v4, $0x3E7;
	v5 =	vnsel vm4, $0x0, v10;
	v17 =	vld.idx.msk [tilespmem:v8+s20+$0x0], $0xffff  }
0x421: {  	vm6 =	vgt.s32 v15, $0x0;
	v5 =	vmin.u32 v5, $0x3E7;
	v6 =	vnsel vm11, $0x0, v11;
	v18 =	vld.idx.msk [tilespmem:v0+s20+$0x0], $0xffff  }
0x422: {  	vm4 =	vgt.s32 v16, $0x0;
	v6 =	vmin.u32 v6, $0x3E7;
	v0 =	vnsel vm7, $0x0, v12;
	v1 =	vld.idx.msk [tilespmem:v1+s20+$0x0], $0xffff  }
0x423: {  	v7 =	vnsel vm8, $0x0, v13;
	vm7 =	vgt.s32 v27, $0x0;
	v0 =	vmin.u32 v0, $0x3E7;
	v2 =	vld.idx.msk [tilespmem:v2+s20+$0x0], $0xffff  }
0x424: {  	v7 =	vmin.u32 v7, $0x3E7;
	v8 =	vnsel vm7, $0x0, v27;
	vm7 =	vgt.s32 v28, $0x0;
	v3 =	vld.idx.msk [tilespmem:v3+s20+$0x0], $0xffff  }
0x425: {  	v8 =	vmin.u32 v8, $0x3E7;
	v9 =	vnsel vm7, $0x0, v28;
	vm7 =	vgt.s32 v40, $0x0;
	v4 =	vld.idx.msk [tilespmem:v4+s20+$0x0], $0xffff  }
0x426: {  	v9 =	vmin.u32 v9, $0x3E7;
	v10 =	vnsel vm7, $0x0, v40;
	vm7 =	vgt.s32 v41, $0x0;
	v27 =	vld.idx.msk [tilespmem:v5+s20+$0x0], $0xffff  }
0x427: {  	v5 =	vmin.u32 v10, $0x3E7;
	v10 =	vnsel vm7, $0x0, v41;
	vm7 =	vgt.s32 v39, $0x0;
	v28 =	vld.idx.msk [tilespmem:v6+s20+$0x0], $0xffff  }
0x428: {  	v6 =	vmin.u32 v10, $0x3E7;
	v10 =	vnsel vm5, $0x0, v14;
	vm5 =	vgt.s32 v34, $0x0;
	v0 =	vld.idx.msk [tilespmem:v0+s20+$0x0], $0xffff  }
0x429: {  	s29 =	sadd.s32 $0x2, s29;
	v11 =	vnsel vm6, $0x0, v15;
	vm6 =	vgt.s32 v33, $0x0;
	v10 =	vmin.u32 v10, $0x3E7;
	v7 =	vld.idx.msk [tilespmem:v7+s20+$0x0], $0xffff  }
0x42a: {  	p1 =	slt.u32 s29, $0x62;
	vm8 =	vgt.s32 v42, $0x0;
	v11 =	vmin.u32 v11, $0x3E7;
	v12 =	vnsel vm4, $0x0, v16;
	v8 =	vld.idx.msk [tilespmem:v8+s20+$0x0], $0xffff  }
0x42b: {  	vm4 =	vgt.s32 v43, $0x0;
	v12 =	vmin.u32 v12, $0x3E7;
	v13 =	vnsel vm7, $0x0, v39;
	v9 =	vld.idx.msk [tilespmem:v9+s20+$0x0], $0xffff  }
0x42c: {  	v14 =	vnsel vm8, $0x0, v42;
	vm7 =	vgt.s32 v44, $0x0;
	v13 =	vmin.u32 v13, $0x3E7;
	v5 =	vld.idx.msk [tilespmem:v5+s20+$0x0], $0xffff  }
0x42d: {  	v15 =	vnsel vm4, $0x0, v43;
	vm4 =	vgt.s32 v45, $0x0;
	v14 =	vmin.u32 v14, $0x3E7;
	v6 =	vld.idx.msk [tilespmem:v6+s20+$0x0], $0xffff  }
0x42e: {  	v15 =	vmin.u32 v15, $0x3E7;
	v39 =	vnsel vm0, $0x0, v30;
	v16 =	vnsel vm7, $0x0, v44;
	v10 =	vld.idx.msk [tilespmem:v10+s20+$0x0], $0xffff  }
0x42f: {  	v40 =	vnsel vm1, $0x0, v29;
	v30 =	vnsel vm4, $0x0, v45;
	v16 =	vmin.u32 v16, $0x3E7;
	v11 =	vld.idx.msk [tilespmem:v11+s20+$0x0], $0xffff  }
0x430: {  	v32 =	vnsel vm2, $0x0, v32;
	v41 =	vmin.u32 v30, $0x3E7;
	v29 =	vld.idx.msk [tilespmem:v12+s20+$0x0], $0xffff;
	v12 =	vnsel vm5, $0x0, v34  }
0x431: {  	v31 =	vnsel vm3, $0x0, v31;
	v30 =	vld.idx.msk [tilespmem:v13+s20+$0x0], $0xffff;
	v12 =	vmin.u32 v12, $0x3E7;
	v13 =	vnsel vm6, $0x0, v33  }
0x432: {  	v8 =	vadd.f32 v8, v22;
	v9 =	vadd.f32 v9, v21;
	v14 =	vld.idx.msk [tilespmem:v14+s20+$0x0], $0xffff;
	v13 =	vmin.u32 v13, $0x3E7  }
0x433: {  	v5 =	vadd.f32 v5, v20;
	v6 =	vadd.f32 v6, v19;
	v19 =	vmin.u32 v32, $0x3E7;
	v15 =	vld.idx.msk [tilespmem:v15+s20+$0x0], $0xffff  }
0x434: {  	v0 =	vadd.f32 v0, v8;
	v8 =	vmin.u32 v31, $0x3E7;
	v7 =	vadd.f32 v7, v9;
	v16 =	vld.idx.msk [tilespmem:v16+s20+$0x0], $0xffff  }
0x435: {  	v5 =	vadd.f32 v10, v5;
	v10 =	vmin.u32 v39, $0x3E7;
	v6 =	vadd.f32 v11, v6;
	v9 =	vld.idx.msk [tilespmem:v41+s20+$0x0], $0xffff  }
0x436: {  	v0 =	vadd.f32 v1, v0;
	v1 =	vadd.f32 v2, v7;
	v2 =	vmin.u32 v40, $0x3E7;
	v31 =	vld.idx.msk [tilespmem:v12+s20+$0x0], $0xffff  }
.Ltmp1:
0x437: {  	v3 =	vadd.f32 v3, v5;
	v4 =	vadd.f32 v4, v6;
	v34 =	vld.idx.msk [tilespmem:v13+s20+$0x0], $0xffff;
	(pc) =	sbr.rel @p1 .LBB2_4-.Ltmp1, $4  }
0x438: {  	v22 =	vadd.f32 v35, v0;
	v21 =	vadd.f32 v36, v1;
	v32 =	vld.idx.msk [tilespmem:v19+s20+$0x0], $0xffff  }
0x439: {  	v20 =	vadd.f32 v37, v3;
	v19 =	vadd.f32 v38, v4;
	v35 =	vld.idx.msk [tilespmem:v8+s20+$0x0], $0xffff  }
0x43a: {  	v36 =	vadd.f32 v14, v23;
	v24 =	vadd.f32 v15, v24;
	v33 =	vld.idx.msk [tilespmem:v10+s20+$0x0], $0xffff  }
0x43b: {  	s30 =	sadd.s32 $0x200, s30;
	v25 =	vadd.f32 v16, v25;
	v23 =	vadd.f32 v9, v26;
	v26 =	vld.idx.msk [tilespmem:v2+s20+$0x0], $0xffff  }
0x43c: {  	v0 =	vadd.f32 v29, v36;
	v1 =	vadd.f32 v30, v24  }
0x43d: {  	v4 =	vadd.f32 v22, v46;
	v5 =	vadd.f32 v21, v46  }
0x43e: {  	v39 =	vadd.f32 v20, v46;
	v40 =	vadd.f32 v19, v46  }
0x43f: {  	v2 =	vadd.f32 v31, v25;
	v0 =	vadd.f32 v27, v0  }
0x440: {  	v3 =	vadd.f32 v34, v23;
	v1 =	vadd.f32 v28, v1  }
0x441: {  	[tilespmem:$0xCC80] =	vst v4;
	v2 =	vadd.f32 v32, v2;
	v0 =	vadd.f32 v17, v0  }
0x442: {  	[tilespmem:$0xCC90] =	vst v5;
	v3 =	vadd.f32 v35, v3;
	v1 =	vadd.f32 v18, v1  }
0x443: {  	[tilespmem:$0xCCA0] =	vst v39;
	v2 =	vadd.f32 v33, v2;
	v0 =	vadd.f32 v0, v46  }
0x444: {  	[tilespmem:$0xCCB0] =	vst v40;
	v3 =	vadd.f32 v26, v3;
	v1 =	vadd.f32 v1, v46  }
0x445: {  	v41 =	vadd.f32 v2, v46;
	[tilespmem:$0xCCC0] =	vst v0  }
0x446: {  	v42 =	vadd.f32 v3, v46;
	[tilespmem:$0xCCD0] =	vst v1  }
0x447: {  	[tilespmem:$0xCCE0] =	vst v41  }
0x448: {  	[tilespmem:$0xCCF0] =	vst v42  }
0x449: {  	[tilespmem:s23], [sflag:$0x2] =	stream.strided.gather [hbm4b:s13+s21], $0x6400, s22, s21, $0x38;
	[tilespmem:$0xF0C0] =	vst v63  }
0x44a: {  	_ =	swait.ge [sflag:s24], $0x6400  }
0x44b: {  	[sflag:s24] =	ssyncset.done $0x0  }
0x44c: {  	s29 =	simm.s32 $0x100;
	[sflag:s24] =	ssyncadd.s32 $0xFFFF9C00  }
0x44d: {  	v43 =	vld [tilespmem:s29+$0x80]  }
0x44e: {  	v44 =	vld [tilespmem:s29+$0x90]  }
0x44f: {  	v45 =	vld [tilespmem:s29+$0xA0]  }
0x450: {  	v47 =	vld [tilespmem:s29+$0xB0]  }
0x451: {  	v48 =	vld [tilespmem:s29+$0xC0]  }
0x452: {  	v49 =	vld [tilespmem:s29+$0xD0]  }
0x453: {  	v6 =	vld [tilespmem:s29+$0xE0]  }
0x454: {  	v19 =	vld [tilespmem:s29+$0xF0]  }
0x455: {  	v7 =	vld [tilespmem:s29+$0x0]  }
0x456: {  	v8 =	vld [tilespmem:s29+$0x10]  }
0x457: {  	v9 =	vld [tilespmem:s29+$0x20]  }
0x458: {  	v10 =	vld [tilespmem:s29+$0x30]  }
0x459: {  	v11 =	vld [tilespmem:s29+$0x40]  }
0x45a: {  	v12 =	vld [tilespmem:s29+$0x50]  }
0x45b: {  	v13 =	vld [tilespmem:s29+$0x60]  }
0x45c: {  	v20 =	vld [tilespmem:s29+$0x70]  }
0x45d: {  	v14 =	vld [tilespmem:s29+$0xFFFFFF80]  }
0x45e: {  	v15 =	vld [tilespmem:s29+$0xFFFFFF90]  }
0x45f: {  	v16 =	vld [tilespmem:s29+$0xFFFFFFA0]  }
0x460: {  	v21 =	vld [tilespmem:s29+$0xFFFFFFB0]  }
0x461: {  	v22 =	vld [tilespmem:s29+$0xFFFFFFC0]  }
0x462: {  	v24 =	vld [tilespmem:s29+$0xFFFFFFD0]  }
0x463: {  	v25 =	vld [tilespmem:s29+$0xFFFFFFE0]  }
0x464: {  	v23 =	vimm.f32 $0.0e+00;
	v26 =	vld [tilespmem:s29+$0xFFFFFFF0];
	vm1 =	vgt.s32 v43, $0x0  }
0x465: {  	v27 =	vld [tilespmem:s29+$0xFFFFFF00];
	vm2 =	vgt.s32 v44, $0x0;
	vm3 =	vgt.s32 v45, $0x0;
	vm4 =	vgt.s32 v47, $0x0  }
0x466: {  	v28 =	vld [tilespmem:s29+$0xFFFFFF10];
	vm5 =	vgt.s32 v48, $0x0;
	vm6 =	vgt.s32 v49, $0x0;
	vm0 =	vgt.s32 v6, $0x0  }
0x467: {  	v29 =	vld [tilespmem:s29+$0xFFFFFF20];
	vm7 =	vgt.s32 v7, $0x0;
	vm8 =	vgt.s32 v8, $0x0;
	v0 =	vnsel vm1, $0x0, v43  }
0x468: {  	v30 =	vld [tilespmem:s29+$0xFFFFFF30];
	vm9 =	vgt.s32 v9, $0x0;
	v1 =	vnsel vm2, $0x0, v44;
	v0 =	vmin.u32 v0, $0x3E7  }
0x469: {  	v31 =	vld [tilespmem:s29+$0xFFFFFF40];
	vm10 =	vgt.s32 v10, $0x0;
	v2 =	vnsel vm3, $0x0, v45;
	v1 =	vmin.u32 v1, $0x3E7  }
0x46a: {  	v50 =	vld [tilespmem:s29+$0xFFFFFF50];
	vm11 =	vgt.s32 v11, $0x0;
	v3 =	vnsel vm4, $0x0, v47;
	v2 =	vmin.u32 v2, $0x3E7  }
0x46b: {  	v51 =	vld [tilespmem:s29+$0xFFFFFF60];
	vm12 =	vgt.s32 v12, $0x0;
	v4 =	vnsel vm5, $0x0, v48;
	v3 =	vmin.u32 v3, $0x3E7  }
0x46c: {  	v52 =	vld [tilespmem:s29+$0xFFFFFF70];
	vm13 =	vgt.s32 v14, $0x0;
	v5 =	vnsel vm6, $0x0, v49;
	v4 =	vmin.u32 v4, $0x3E7  }
0x46d: {  	vm14 =	vgt.s32 v15, $0x0;
	v7 =	vnsel vm7, $0x0, v7;
	v5 =	vmin.u32 v5, $0x3E7;
	v0 =	vld.idx.msk [tilespmem:v0+s20+$0x0], $0xffff  }
0x46e: {  	vm15 =	vgt.s32 v27, $0x0;
	v8 =	vnsel vm8, $0x0, v8;
	v7 =	vmin.u32 v7, $0x3E7;
	v1 =	vld.idx.msk [tilespmem:v1+s20+$0x0], $0xffff  }
0x46f: {  	v9 =	vnsel vm9, $0x0, v9;
	v11 =	vnsel vm11, $0x0, v11;
	v8 =	vmin.u32 v8, $0x3E7;
	v2 =	vld.idx.msk [tilespmem:v2+s20+$0x0], $0xffff  }
0x470: {  	v54 =	vnsel vm12, $0x0, v12;
	v55 =	vnsel vm13, $0x0, v14;
	v9 =	vmin.u32 v9, $0x3E7;
	v3 =	vld.idx.msk [tilespmem:v3+s20+$0x0], $0xffff  }
0x471: {  	v56 =	vnsel vm14, $0x0, v15;
	v53 =	vmin.u32 v11, $0x3E7;
	v11 =	vmin.u32 v54, $0x3E7;
	v17 =	vld.idx.msk [tilespmem:v4+s20+$0x0], $0xffff  }
0x472: {  	v57 =	vnsel vm15, $0x0, v27;
	vm12 =	vgt.s32 v28, $0x0;
	v12 =	vmin.u32 v56, $0x3E7;
	v18 =	vld.idx.msk [tilespmem:v5+s20+$0x0], $0xffff  }
0x473: {  	vm13 =	vgt.s32 v29, $0x0;
	v14 =	vmin.u32 v57, $0x3E7;
	v15 =	vnsel vm12, $0x0, v28;
	v7 =	vld.idx.msk [tilespmem:v7+s20+$0x0], $0xffff  }
0x474: {  	vm14 =	vgt.s32 v30, $0x0;
	v28 =	vnsel vm13, $0x0, v29;
	v15 =	vmin.u32 v15, $0x3E7;
	v8 =	vld.idx.msk [tilespmem:v8+s20+$0x0], $0xffff  }
0x475: {  	vm4 =	vgt.s32 v16, $0x0;
	v29 =	vnsel vm14, $0x0, v30;
	v58 =	vmin.u32 v28, $0x3E7;
	v9 =	vld.idx.msk [tilespmem:v9+s20+$0x0], $0xffff  }
0x476: {  	vm5 =	vgt.s32 v21, $0x0;
	v16 =	vnsel vm4, $0x0, v16;
	v59 =	vmin.u32 v29, $0x3E7;
	v28 =	vld.idx.msk [tilespmem:v11+s20+$0x0], $0xffff  }
0x477: {  	vm6 =	vgt.s32 v22, $0x0;
	v21 =	vnsel vm5, $0x0, v21;
	v16 =	vmin.u32 v16, $0x3E7;
	v12 =	vld.idx.msk [tilespmem:v12+s20+$0x0], $0xffff  }
0x478: {  	vm15 =	vgt.s32 v24, $0x0;
	v22 =	vnsel vm6, $0x0, v22;
	v21 =	vmin.u32 v21, $0x3E7;
	v14 =	vld.idx.msk [tilespmem:v14+s20+$0x0], $0xffff  }
0x479: {  	vm12 =	vgt.s32 v31, $0x0;
	v24 =	vnsel vm15, $0x0, v24;
	v22 =	vmin.u32 v22, $0x3E7;
	v15 =	vld.idx.msk [tilespmem:v15+s20+$0x0], $0xffff  }
0x47a: {  	vm13 =	vgt.s32 v50, $0x0;
	v29 =	vnsel vm12, $0x0, v31;
	v24 =	vmin.u32 v24, $0x3E7;
	v4 =	vld.idx.msk [tilespmem:v58+s20+$0x0], $0xffff  }
0x47b: {  	vm14 =	vgt.s32 v51, $0x0;
	v31 =	vmin.u32 v29, $0x3E7;
	v29 =	vnsel vm13, $0x0, v50;
	v11 =	vld.idx.msk [tilespmem:v59+s20+$0x0], $0xffff  }
0x47c: {  	vm15 =	vgt.s32 v52, $0x0;
	v32 =	vmin.u32 v29, $0x3E7;
	v29 =	vnsel vm14, $0x0, v51;
	v16 =	vld.idx.msk [tilespmem:v16+s20+$0x0], $0xffff  }
0x47d: {  	vm1 =	vgt.s32 v19, $0x0;
	v33 =	vmin.u32 v29, $0x3E7;
	v29 =	vnsel vm15, $0x0, v52;
	v21 =	vld.idx.msk [tilespmem:v21+s20+$0x0], $0xffff  }
0x47e: {  	v10 =	vnsel vm10, $0x0, v10;
	v5 =	vmin.u32 v55, $0x3E7;
	v34 =	vmin.u32 v29, $0x3E7;
	v29 =	vld.idx.msk [tilespmem:v22+s20+$0x0], $0xffff  }
0x47f: {  	vm2 =	vgt.s32 v13, $0x0;
	v10 =	vmin.u32 v10, $0x3E7;
	vm4 =	vgt.s32 v25, $0x0;
	v30 =	vld.idx.msk [tilespmem:v24+s20+$0x0], $0xffff  }
0x480: {  	vm3 =	vgt.s32 v20, $0x0;
	vm5 =	vgt.s32 v26, $0x0;
	v22 =	vnsel vm4, $0x0, v25;
	v25 =	vld.idx.msk [tilespmem:v31+s20+$0x0], $0xffff  }
0x481: {  	v6 =	vnsel vm0, $0x0, v6;
	v19 =	vnsel vm1, $0x0, v19;
	v24 =	vnsel vm5, $0x0, v26;
	v26 =	vld.idx.msk [tilespmem:v32+s20+$0x0], $0xffff  }
0x482: {  	v13 =	vnsel vm2, $0x0, v13;
	v20 =	vnsel vm3, $0x0, v20;
	v24 =	vmin.u32 v24, $0x3E7;
	v37 =	vld.idx.msk [tilespmem:v33+s20+$0x0], $0xffff  }
0x483: {  	v60 =	vmin.u32 v20, $0x3E7;
	v5 =	vld.idx.msk [tilespmem:v5+s20+$0x0], $0xffff;
	v14 =	vadd.f32 v14, v23;
	v15 =	vadd.f32 v15, v23  }
0x484: {  	v10 =	vld.idx.msk [tilespmem:v10+s20+$0x0], $0xffff;
	v22 =	vmin.u32 v22, $0x3E7;
	v4 =	vadd.f32 v4, v23;
	v11 =	vadd.f32 v11, v23  }
0x485: {  	v13 =	vmin.u32 v13, $0x3E7;
	v27 =	vld.idx.msk [tilespmem:v53+s20+$0x0], $0xffff;
	v36 =	vadd.f32 v25, v23;
	v12 =	vadd.f32 v12, v15  }
0x486: {  	v6 =	vmin.u32 v6, $0x3E7;
	v15 =	vld.idx.msk [tilespmem:v34+s20+$0x0], $0xffff;
	v4 =	vadd.f32 v16, v4;
	v11 =	vadd.f32 v21, v11  }
0x487: {  	v62 =	vmin.u32 v19, $0x3E7;
	v34 =	vld.idx.msk [tilespmem:v24+s20+$0x0], $0xffff;
	v24 =	vadd.f32 v26, v23;
	v25 =	vadd.f32 v37, v23  }
0x488: {  	v35 =	vld.idx.msk [tilespmem:v60+s20+$0x0], $0xffff;
	v5 =	vadd.f32 v5, v14;
	v61 =	vadd.f32 v8, v12  }
0x489: {  	v31 =	vld.idx.msk [tilespmem:v22+s20+$0x0], $0xffff;
	v4 =	vadd.f32 v9, v4;
	v63 =	vadd.f32 v10, v11  }
0x48a: {  	v32 =	vld.idx.msk [tilespmem:v13+s20+$0x0], $0xffff;
	v5 =	vadd.f32 v7, v5;
	v21 =	vadd.f32 v1, v61  }
0x48b: {  	v33 =	vld.idx.msk [tilespmem:v6+s20+$0x0], $0xffff;
	v20 =	vadd.f32 v2, v4;
	v19 =	vadd.f32 v3, v63  }
0x48c: {  	s30 =	simm.s32 $0x300;
	s29 =	simm.s32 $0x0;
	v26 =	vld.idx.msk [tilespmem:v62+s20+$0x0], $0xffff;
	v23 =	vadd.f32 v15, v23;
	v22 =	vadd.f32 v0, v5  }
.LBB2_6:
0x48d: {  	v0 =	vld [tilespmem:s30+$0x80];
	v1 =	vadd.f32 v29, v36;
	v2 =	vadd.f32 v30, v24  }
0x48e: {  	v3 =	vld [tilespmem:s30+$0x90];
	v4 =	vadd.f32 v31, v25;
	v5 =	vadd.f32 v34, v23  }
0x48f: {  	v6 =	vld [tilespmem:s30+$0xA0];
	v1 =	vadd.f32 v27, v1;
	v2 =	vadd.f32 v28, v2  }
0x490: {  	v7 =	vld [tilespmem:s30+$0xB0];
	v4 =	vadd.f32 v32, v4;
	v5 =	vadd.f32 v35, v5  }
0x491: {  	v8 =	vld [tilespmem:s30+$0xC0];
	v23 =	vadd.f32 v17, v1;
	v24 =	vadd.f32 v18, v2  }
0x492: {  	v1 =	vld [tilespmem:s30+$0xD0];
	v25 =	vadd.f32 v33, v4;
	v26 =	vadd.f32 v26, v5  }
0x493: {  	v30 =	vld [tilespmem:s30+$0xE0]  }
0x494: {  	v29 =	vld [tilespmem:s30+$0xF0]  }
0x495: {  	v2 =	vld [tilespmem:s30+$0x0]  }
0x496: {  	v4 =	vld [tilespmem:s30+$0x10]  }
0x497: {  	v5 =	vld [tilespmem:s30+$0x20]  }
0x498: {  	v9 =	vld [tilespmem:s30+$0x30]  }
0x499: {  	v10 =	vld [tilespmem:s30+$0x40]  }
0x49a: {  	v11 =	vld [tilespmem:s30+$0x50]  }
0x49b: {  	v32 =	vld [tilespmem:s30+$0x60]  }
0x49c: {  	v31 =	vld [tilespmem:s30+$0x70]  }
0x49d: {  	v12 =	vld [tilespmem:s30+$0xFFFFFF80]  }
0x49e: {  	v13 =	vld [tilespmem:s30+$0xFFFFFF90]  }
0x49f: {  	v14 =	vld [tilespmem:s30+$0xFFFFFFA0]  }
0x4a0: {  	v15 =	vld [tilespmem:s30+$0xFFFFFFB0]  }
0x4a1: {  	v16 =	vld [tilespmem:s30+$0xFFFFFFC0]  }
0x4a2: {  	v39 =	vld [tilespmem:s30+$0xFFFFFFD0]  }
0x4a3: {  	v34 =	vld [tilespmem:s30+$0xFFFFFFE0]  }
0x4a4: {  	vm1 =	vgt.s32 v0, $0x0;
	v33 =	vld [tilespmem:s30+$0xFFFFFFF0]  }
0x4a5: {  	vm2 =	vgt.s32 v3, $0x0;
	vm3 =	vgt.s32 v6, $0x0;
	vm4 =	vgt.s32 v7, $0x0;
	v27 =	vld [tilespmem:s30+$0xFFFFFF00]  }
0x4a6: {  	vm5 =	vgt.s32 v8, $0x0;
	vm6 =	vgt.s32 v1, $0x0;
	vm0 =	vgt.s32 v30, $0x0;
	v28 =	vld [tilespmem:s30+$0xFFFFFF10]  }
0x4a7: {  	v0 =	vnsel vm1, $0x0, v0;
	vm1 =	vgt.s32 v29, $0x0;
	vm7 =	vgt.s32 v2, $0x0;
	v40 =	vld [tilespmem:s30+$0xFFFFFF20]  }
0x4a8: {  	v0 =	vmin.u32 v0, $0x3E7;
	v3 =	vnsel vm2, $0x0, v3;
	vm8 =	vgt.s32 v4, $0x0;
	v41 =	vld [tilespmem:s30+$0xFFFFFF30]  }
0x4a9: {  	v3 =	vmin.u32 v3, $0x3E7;
	v6 =	vnsel vm3, $0x0, v6;
	vm9 =	vgt.s32 v5, $0x0;
	v42 =	vld [tilespmem:s30+$0xFFFFFF40]  }
0x4aa: {  	v6 =	vmin.u32 v6, $0x3E7;
	v7 =	vnsel vm4, $0x0, v7;
	vm10 =	vgt.s32 v9, $0x0;
	v43 =	vld [tilespmem:s30+$0xFFFFFF50]  }
0x4ab: {  	v7 =	vmin.u32 v7, $0x3E7;
	v8 =	vnsel vm5, $0x0, v8;
	vm4 =	vgt.s32 v10, $0x0;
	v44 =	vld [tilespmem:s30+$0xFFFFFF60]  }
0x4ac: {  	v8 =	vmin.u32 v8, $0x3E7;
	v1 =	vnsel vm6, $0x0, v1;
	vm11 =	vgt.s32 v11, $0x0;
	v45 =	vld [tilespmem:s30+$0xFFFFFF70]  }
0x4ad: {  	v2 =	vnsel vm7, $0x0, v2;
	vm2 =	vgt.s32 v32, $0x0;
	v35 =	vld.idx.msk [tilespmem:v0+s20+$0x0], $0xffff;
	v0 =	vmin.u32 v1, $0x3E7  }
0x4ae: {  	vm3 =	vgt.s32 v31, $0x0;
	v1 =	vmin.u32 v2, $0x3E7;
	v2 =	vnsel vm8, $0x0, v4;
	v36 =	vld.idx.msk [tilespmem:v3+s20+$0x0], $0xffff  }
0x4af: {  	vm7 =	vgt.s32 v12, $0x0;
	v2 =	vmin.u32 v2, $0x3E7;
	v3 =	vnsel vm9, $0x0, v5;
	v37 =	vld.idx.msk [tilespmem:v6+s20+$0x0], $0xffff  }
0x4b0: {  	vm8 =	vgt.s32 v13, $0x0;
	v4 =	vnsel vm10, $0x0, v9;
	v3 =	vmin.u32 v3, $0x3E7;
	v38 =	vld.idx.msk [tilespmem:v7+s20+$0x0], $0xffff  }
0x4b1: {  	vm5 =	vgt.s32 v14, $0x0;
	v4 =	vmin.u32 v4, $0x3E7;
	v5 =	vnsel vm4, $0x0, v10;
	v17 =	vld.idx.msk [tilespmem:v8+s20+$0x0], $0xffff  }
0x4b2: {  	vm6 =	vgt.s32 v15, $0x0;
	v5 =	vmin.u32 v5, $0x3E7;
	v6 =	vnsel vm11, $0x0, v11;
	v18 =	vld.idx.msk [tilespmem:v0+s20+$0x0], $0xffff  }
0x4b3: {  	vm4 =	vgt.s32 v16, $0x0;
	v6 =	vmin.u32 v6, $0x3E7;
	v0 =	vnsel vm7, $0x0, v12;
	v1 =	vld.idx.msk [tilespmem:v1+s20+$0x0], $0xffff  }
0x4b4: {  	v7 =	vnsel vm8, $0x0, v13;
	vm7 =	vgt.s32 v27, $0x0;
	v0 =	vmin.u32 v0, $0x3E7;
	v2 =	vld.idx.msk [tilespmem:v2+s20+$0x0], $0xffff  }
0x4b5: {  	v7 =	vmin.u32 v7, $0x3E7;
	v8 =	vnsel vm7, $0x0, v27;
	vm7 =	vgt.s32 v28, $0x0;
	v3 =	vld.idx.msk [tilespmem:v3+s20+$0x0], $0xffff  }
0x4b6: {  	v8 =	vmin.u32 v8, $0x3E7;
	v9 =	vnsel vm7, $0x0, v28;
	vm7 =	vgt.s32 v40, $0x0;
	v4 =	vld.idx.msk [tilespmem:v4+s20+$0x0], $0xffff  }
0x4b7: {  	v9 =	vmin.u32 v9, $0x3E7;
	v10 =	vnsel vm7, $0x0, v40;
	vm7 =	vgt.s32 v41, $0x0;
	v27 =	vld.idx.msk [tilespmem:v5+s20+$0x0], $0xffff  }
0x4b8: {  	v5 =	vmin.u32 v10, $0x3E7;
	v10 =	vnsel vm7, $0x0, v41;
	vm7 =	vgt.s32 v39, $0x0;
	v28 =	vld.idx.msk [tilespmem:v6+s20+$0x0], $0xffff  }
0x4b9: {  	v6 =	vmin.u32 v10, $0x3E7;
	v10 =	vnsel vm5, $0x0, v14;
	vm5 =	vgt.s32 v34, $0x0;
	v0 =	vld.idx.msk [tilespmem:v0+s20+$0x0], $0xffff  }
0x4ba: {  	s29 =	sadd.s32 $0x2, s29;
	v11 =	vnsel vm6, $0x0, v15;
	vm6 =	vgt.s32 v33, $0x0;
	v10 =	vmin.u32 v10, $0x3E7;
	v7 =	vld.idx.msk [tilespmem:v7+s20+$0x0], $0xffff  }
0x4bb: {  	p1 =	slt.u32 s29, $0x62;
	vm8 =	vgt.s32 v42, $0x0;
	v11 =	vmin.u32 v11, $0x3E7;
	v12 =	vnsel vm4, $0x0, v16;
	v8 =	vld.idx.msk [tilespmem:v8+s20+$0x0], $0xffff  }
0x4bc: {  	vm4 =	vgt.s32 v43, $0x0;
	v12 =	vmin.u32 v12, $0x3E7;
	v13 =	vnsel vm7, $0x0, v39;
	v9 =	vld.idx.msk [tilespmem:v9+s20+$0x0], $0xffff  }
0x4bd: {  	v14 =	vnsel vm8, $0x0, v42;
	vm7 =	vgt.s32 v44, $0x0;
	v13 =	vmin.u32 v13, $0x3E7;
	v5 =	vld.idx.msk [tilespmem:v5+s20+$0x0], $0xffff  }
0x4be: {  	v15 =	vnsel vm4, $0x0, v43;
	vm4 =	vgt.s32 v45, $0x0;
	v14 =	vmin.u32 v14, $0x3E7;
	v6 =	vld.idx.msk [tilespmem:v6+s20+$0x0], $0xffff  }
0x4bf: {  	v15 =	vmin.u32 v15, $0x3E7;
	v39 =	vnsel vm0, $0x0, v30;
	v16 =	vnsel vm7, $0x0, v44;
	v10 =	vld.idx.msk [tilespmem:v10+s20+$0x0], $0xffff  }
0x4c0: {  	v40 =	vnsel vm1, $0x0, v29;
	v30 =	vnsel vm4, $0x0, v45;
	v16 =	vmin.u32 v16, $0x3E7;
	v11 =	vld.idx.msk [tilespmem:v11+s20+$0x0], $0xffff  }
0x4c1: {  	v32 =	vnsel vm2, $0x0, v32;
	v41 =	vmin.u32 v30, $0x3E7;
	v29 =	vld.idx.msk [tilespmem:v12+s20+$0x0], $0xffff;
	v12 =	vnsel vm5, $0x0, v34  }
0x4c2: {  	v31 =	vnsel vm3, $0x0, v31;
	v30 =	vld.idx.msk [tilespmem:v13+s20+$0x0], $0xffff;
	v12 =	vmin.u32 v12, $0x3E7;
	v13 =	vnsel vm6, $0x0, v33  }
0x4c3: {  	v8 =	vadd.f32 v8, v22;
	v9 =	vadd.f32 v9, v21;
	v14 =	vld.idx.msk [tilespmem:v14+s20+$0x0], $0xffff;
	v13 =	vmin.u32 v13, $0x3E7  }
0x4c4: {  	v5 =	vadd.f32 v5, v20;
	v6 =	vadd.f32 v6, v19;
	v19 =	vmin.u32 v32, $0x3E7;
	v15 =	vld.idx.msk [tilespmem:v15+s20+$0x0], $0xffff  }
0x4c5: {  	v0 =	vadd.f32 v0, v8;
	v8 =	vmin.u32 v31, $0x3E7;
	v7 =	vadd.f32 v7, v9;
	v16 =	vld.idx.msk [tilespmem:v16+s20+$0x0], $0xffff  }
0x4c6: {  	v5 =	vadd.f32 v10, v5;
	v10 =	vmin.u32 v39, $0x3E7;
	v6 =	vadd.f32 v11, v6;
	v9 =	vld.idx.msk [tilespmem:v41+s20+$0x0], $0xffff  }
0x4c7: {  	v0 =	vadd.f32 v1, v0;
	v1 =	vadd.f32 v2, v7;
	v2 =	vmin.u32 v40, $0x3E7;
	v31 =	vld.idx.msk [tilespmem:v12+s20+$0x0], $0xffff  }
.Ltmp2:
0x4c8: {  	v3 =	vadd.f32 v3, v5;
	v4 =	vadd.f32 v4, v6;
	v34 =	vld.idx.msk [tilespmem:v13+s20+$0x0], $0xffff;
	(pc) =	sbr.rel @p1 .LBB2_6-.Ltmp2, $4  }
0x4c9: {  	v22 =	vadd.f32 v35, v0;
	v21 =	vadd.f32 v36, v1;
	v32 =	vld.idx.msk [tilespmem:v19+s20+$0x0], $0xffff  }
0x4ca: {  	v20 =	vadd.f32 v37, v3;
	v19 =	vadd.f32 v38, v4;
	v35 =	vld.idx.msk [tilespmem:v8+s20+$0x0], $0xffff  }
0x4cb: {  	v36 =	vadd.f32 v14, v23;
	v24 =	vadd.f32 v15, v24;
	v33 =	vld.idx.msk [tilespmem:v10+s20+$0x0], $0xffff  }
0x4cc: {  	s30 =	sadd.s32 $0x200, s30;
	v25 =	vadd.f32 v16, v25;
	v23 =	vadd.f32 v9, v26;
	v26 =	vld.idx.msk [tilespmem:v2+s20+$0x0], $0xffff  }
0x4cd: {  	v0 =	vadd.f32 v29, v36;
	v1 =	vadd.f32 v30, v24  }
0x4ce: {  	v4 =	vadd.f32 v22, v46;
	v5 =	vadd.f32 v21, v46  }
0x4cf: {  	v39 =	vadd.f32 v20, v46;
	v40 =	vadd.f32 v19, v46  }
0x4d0: {  	v2 =	vadd.f32 v31, v25;
	v0 =	vadd.f32 v27, v0  }
0x4d1: {  	v3 =	vadd.f32 v34, v23;
	v1 =	vadd.f32 v28, v1  }
0x4d2: {  	[tilespmem:$0xCD00] =	vst v4;
	v2 =	vadd.f32 v32, v2;
	v0 =	vadd.f32 v17, v0  }
0x4d3: {  	[tilespmem:$0xCD10] =	vst v5;
	v3 =	vadd.f32 v35, v3;
	v1 =	vadd.f32 v18, v1  }
0x4d4: {  	[tilespmem:$0xCD20] =	vst v39;
	v2 =	vadd.f32 v33, v2;
	v0 =	vadd.f32 v0, v46  }
0x4d5: {  	[tilespmem:$0xCD30] =	vst v40;
	v3 =	vadd.f32 v26, v3;
	v1 =	vadd.f32 v1, v46  }
0x4d6: {  	v41 =	vadd.f32 v2, v46;
	[tilespmem:$0xCD40] =	vst v0  }
0x4d7: {  	v42 =	vadd.f32 v3, v46;
	[tilespmem:$0xCD50] =	vst v1  }
0x4d8: {  	[tilespmem:$0xCD60] =	vst v41  }
0x4d9: {  	[tilespmem:$0xCD70] =	vst v42  }
0x4da: {  	_ =	swait.ge [sflag:s25], $0x6400  }
0x4db: {  	[sflag:s25] =	ssyncset.done $0x0  }
0x4dc: {  	s29 =	simm.s32 $0x6500;
	[sflag:s25] =	ssyncadd.s32 $0xFFFF9C00  }
0x4dd: {  	v43 =	vld [tilespmem:s29+$0x80]  }
0x4de: {  	v44 =	vld [tilespmem:s29+$0x90]  }
0x4df: {  	v45 =	vld [tilespmem:s29+$0xA0]  }
0x4e0: {  	v47 =	vld [tilespmem:s29+$0xB0]  }
0x4e1: {  	v48 =	vld [tilespmem:s29+$0xC0]  }
0x4e2: {  	v49 =	vld [tilespmem:s29+$0xD0]  }
0x4e3: {  	v6 =	vld [tilespmem:s29+$0xE0]  }
0x4e4: {  	v19 =	vld [tilespmem:s29+$0xF0]  }
0x4e5: {  	v7 =	vld [tilespmem:s29+$0x0]  }
0x4e6: {  	v8 =	vld [tilespmem:s29+$0x10]  }
0x4e7: {  	v9 =	vld [tilespmem:s29+$0x20]  }
0x4e8: {  	v10 =	vld [tilespmem:s29+$0x30]  }
0x4e9: {  	v11 =	vld [tilespmem:s29+$0x40]  }
0x4ea: {  	v12 =	vld [tilespmem:s29+$0x50]  }
0x4eb: {  	v13 =	vld [tilespmem:s29+$0x60]  }
0x4ec: {  	v20 =	vld [tilespmem:s29+$0x70]  }
0x4ed: {  	v14 =	vld [tilespmem:s29+$0xFFFFFF80]  }
0x4ee: {  	v15 =	vld [tilespmem:s29+$0xFFFFFF90]  }
0x4ef: {  	v16 =	vld [tilespmem:s29+$0xFFFFFFA0]  }
0x4f0: {  	v21 =	vld [tilespmem:s29+$0xFFFFFFB0]  }
0x4f1: {  	v22 =	vld [tilespmem:s29+$0xFFFFFFC0]  }
0x4f2: {  	v24 =	vld [tilespmem:s29+$0xFFFFFFD0]  }
0x4f3: {  	v25 =	vld [tilespmem:s29+$0xFFFFFFE0]  }
0x4f4: {  	v23 =	vimm.f32 $0.0e+00;
	v26 =	vld [tilespmem:s29+$0xFFFFFFF0];
	vm1 =	vgt.s32 v43, $0x0  }
0x4f5: {  	v27 =	vld [tilespmem:s29+$0xFFFFFF00];
	vm2 =	vgt.s32 v44, $0x0;
	vm3 =	vgt.s32 v45, $0x0;
	vm4 =	vgt.s32 v47, $0x0  }
0x4f6: {  	v28 =	vld [tilespmem:s29+$0xFFFFFF10];
	vm5 =	vgt.s32 v48, $0x0;
	vm6 =	vgt.s32 v49, $0x0;
	vm0 =	vgt.s32 v6, $0x0  }
0x4f7: {  	v29 =	vld [tilespmem:s29+$0xFFFFFF20];
	vm7 =	vgt.s32 v7, $0x0;
	vm8 =	vgt.s32 v8, $0x0;
	v0 =	vnsel vm1, $0x0, v43  }
0x4f8: {  	v30 =	vld [tilespmem:s29+$0xFFFFFF30];
	vm9 =	vgt.s32 v9, $0x0;
	v1 =	vnsel vm2, $0x0, v44;
	v0 =	vmin.u32 v0, $0x3E7  }
0x4f9: {  	v31 =	vld [tilespmem:s29+$0xFFFFFF40];
	vm10 =	vgt.s32 v10, $0x0;
	v2 =	vnsel vm3, $0x0, v45;
	v1 =	vmin.u32 v1, $0x3E7  }
0x4fa: {  	v50 =	vld [tilespmem:s29+$0xFFFFFF50];
	vm11 =	vgt.s32 v11, $0x0;
	v3 =	vnsel vm4, $0x0, v47;
	v2 =	vmin.u32 v2, $0x3E7  }
0x4fb: {  	v51 =	vld [tilespmem:s29+$0xFFFFFF60];
	vm12 =	vgt.s32 v12, $0x0;
	v4 =	vnsel vm5, $0x0, v48;
	v3 =	vmin.u32 v3, $0x3E7  }
0x4fc: {  	v52 =	vld [tilespmem:s29+$0xFFFFFF70];
	vm13 =	vgt.s32 v14, $0x0;
	v5 =	vnsel vm6, $0x0, v49;
	v4 =	vmin.u32 v4, $0x3E7  }
0x4fd: {  	vm14 =	vgt.s32 v15, $0x0;
	v7 =	vnsel vm7, $0x0, v7;
	v5 =	vmin.u32 v5, $0x3E7;
	v0 =	vld.idx.msk [tilespmem:v0+s20+$0x0], $0xffff  }
0x4fe: {  	vm15 =	vgt.s32 v27, $0x0;
	v8 =	vnsel vm8, $0x0, v8;
	v7 =	vmin.u32 v7, $0x3E7;
	v1 =	vld.idx.msk [tilespmem:v1+s20+$0x0], $0xffff  }
0x4ff: {  	v9 =	vnsel vm9, $0x0, v9;
	v11 =	vnsel vm11, $0x0, v11;
	v8 =	vmin.u32 v8, $0x3E7;
	v2 =	vld.idx.msk [tilespmem:v2+s20+$0x0], $0xffff  }
0x500: {  	v54 =	vnsel vm12, $0x0, v12;
	v55 =	vnsel vm13, $0x0, v14;
	v9 =	vmin.u32 v9, $0x3E7;
	v3 =	vld.idx.msk [tilespmem:v3+s20+$0x0], $0xffff  }
0x501: {  	v56 =	vnsel vm14, $0x0, v15;
	v53 =	vmin.u32 v11, $0x3E7;
	v11 =	vmin.u32 v54, $0x3E7;
	v17 =	vld.idx.msk [tilespmem:v4+s20+$0x0], $0xffff  }
0x502: {  	v57 =	vnsel vm15, $0x0, v27;
	vm12 =	vgt.s32 v28, $0x0;
	v12 =	vmin.u32 v56, $0x3E7;
	v18 =	vld.idx.msk [tilespmem:v5+s20+$0x0], $0xffff  }
0x503: {  	vm13 =	vgt.s32 v29, $0x0;
	v14 =	vmin.u32 v57, $0x3E7;
	v15 =	vnsel vm12, $0x0, v28;
	v7 =	vld.idx.msk [tilespmem:v7+s20+$0x0], $0xffff  }
0x504: {  	vm14 =	vgt.s32 v30, $0x0;
	v28 =	vnsel vm13, $0x0, v29;
	v15 =	vmin.u32 v15, $0x3E7;
	v8 =	vld.idx.msk [tilespmem:v8+s20+$0x0], $0xffff  }
0x505: {  	vm4 =	vgt.s32 v16, $0x0;
	v29 =	vnsel vm14, $0x0, v30;
	v58 =	vmin.u32 v28, $0x3E7;
	v9 =	vld.idx.msk [tilespmem:v9+s20+$0x0], $0xffff  }
0x506: {  	vm5 =	vgt.s32 v21, $0x0;
	v16 =	vnsel vm4, $0x0, v16;
	v59 =	vmin.u32 v29, $0x3E7;
	v28 =	vld.idx.msk [tilespmem:v11+s20+$0x0], $0xffff  }
0x507: {  	vm6 =	vgt.s32 v22, $0x0;
	v21 =	vnsel vm5, $0x0, v21;
	v16 =	vmin.u32 v16, $0x3E7;
	v12 =	vld.idx.msk [tilespmem:v12+s20+$0x0], $0xffff  }
0x508: {  	vm15 =	vgt.s32 v24, $0x0;
	v22 =	vnsel vm6, $0x0, v22;
	v21 =	vmin.u32 v21, $0x3E7;
	v14 =	vld.idx.msk [tilespmem:v14+s20+$0x0], $0xffff  }
0x509: {  	vm12 =	vgt.s32 v31, $0x0;
	v24 =	vnsel vm15, $0x0, v24;
	v22 =	vmin.u32 v22, $0x3E7;
	v15 =	vld.idx.msk [tilespmem:v15+s20+$0x0], $0xffff  }
0x50a: {  	vm13 =	vgt.s32 v50, $0x0;
	v29 =	vnsel vm12, $0x0, v31;
	v24 =	vmin.u32 v24, $0x3E7;
	v4 =	vld.idx.msk [tilespmem:v58+s20+$0x0], $0xffff  }
0x50b: {  	vm14 =	vgt.s32 v51, $0x0;
	v31 =	vmin.u32 v29, $0x3E7;
	v29 =	vnsel vm13, $0x0, v50;
	v11 =	vld.idx.msk [tilespmem:v59+s20+$0x0], $0xffff  }
0x50c: {  	vm15 =	vgt.s32 v52, $0x0;
	v32 =	vmin.u32 v29, $0x3E7;
	v29 =	vnsel vm14, $0x0, v51;
	v16 =	vld.idx.msk [tilespmem:v16+s20+$0x0], $0xffff  }
0x50d: {  	vm1 =	vgt.s32 v19, $0x0;
	v33 =	vmin.u32 v29, $0x3E7;
	v29 =	vnsel vm15, $0x0, v52;
	v21 =	vld.idx.msk [tilespmem:v21+s20+$0x0], $0xffff  }
0x50e: {  	v10 =	vnsel vm10, $0x0, v10;
	v5 =	vmin.u32 v55, $0x3E7;
	v34 =	vmin.u32 v29, $0x3E7;
	v29 =	vld.idx.msk [tilespmem:v22+s20+$0x0], $0xffff  }
0x50f: {  	vm2 =	vgt.s32 v13, $0x0;
	v10 =	vmin.u32 v10, $0x3E7;
	vm4 =	vgt.s32 v25, $0x0;
	v30 =	vld.idx.msk [tilespmem:v24+s20+$0x0], $0xffff  }
0x510: {  	vm3 =	vgt.s32 v20, $0x0;
	vm5 =	vgt.s32 v26, $0x0;
	v22 =	vnsel vm4, $0x0, v25;
	v25 =	vld.idx.msk [tilespmem:v31+s20+$0x0], $0xffff  }
0x511: {  	v6 =	vnsel vm0, $0x0, v6;
	v19 =	vnsel vm1, $0x0, v19;
	v24 =	vnsel vm5, $0x0, v26;
	v26 =	vld.idx.msk [tilespmem:v32+s20+$0x0], $0xffff  }
0x512: {  	v13 =	vnsel vm2, $0x0, v13;
	v20 =	vnsel vm3, $0x0, v20;
	v24 =	vmin.u32 v24, $0x3E7;
	v37 =	vld.idx.msk [tilespmem:v33+s20+$0x0], $0xffff  }
0x513: {  	v60 =	vmin.u32 v20, $0x3E7;
	v5 =	vld.idx.msk [tilespmem:v5+s20+$0x0], $0xffff;
	v14 =	vadd.f32 v14, v23;
	v15 =	vadd.f32 v15, v23  }
0x514: {  	v10 =	vld.idx.msk [tilespmem:v10+s20+$0x0], $0xffff;
	v22 =	vmin.u32 v22, $0x3E7;
	v4 =	vadd.f32 v4, v23;
	v11 =	vadd.f32 v11, v23  }
0x515: {  	v13 =	vmin.u32 v13, $0x3E7;
	v27 =	vld.idx.msk [tilespmem:v53+s20+$0x0], $0xffff;
	v36 =	vadd.f32 v25, v23;
	v12 =	vadd.f32 v12, v15  }
0x516: {  	v6 =	vmin.u32 v6, $0x3E7;
	v15 =	vld.idx.msk [tilespmem:v34+s20+$0x0], $0xffff;
	v4 =	vadd.f32 v16, v4;
	v11 =	vadd.f32 v21, v11  }
0x517: {  	v62 =	vmin.u32 v19, $0x3E7;
	v34 =	vld.idx.msk [tilespmem:v24+s20+$0x0], $0xffff;
	v24 =	vadd.f32 v26, v23;
	v25 =	vadd.f32 v37, v23  }
0x518: {  	v35 =	vld.idx.msk [tilespmem:v60+s20+$0x0], $0xffff;
	v5 =	vadd.f32 v5, v14;
	v61 =	vadd.f32 v8, v12  }
0x519: {  	v31 =	vld.idx.msk [tilespmem:v22+s20+$0x0], $0xffff;
	v4 =	vadd.f32 v9, v4;
	v63 =	vadd.f32 v10, v11  }
0x51a: {  	v32 =	vld.idx.msk [tilespmem:v13+s20+$0x0], $0xffff;
	v5 =	vadd.f32 v7, v5;
	v21 =	vadd.f32 v1, v61  }
0x51b: {  	v33 =	vld.idx.msk [tilespmem:v6+s20+$0x0], $0xffff;
	v20 =	vadd.f32 v2, v4;
	v19 =	vadd.f32 v3, v63  }
0x51c: {  	s30 =	simm.s32 $0x6700;
	s29 =	simm.s32 $0x0;
	v26 =	vld.idx.msk [tilespmem:v62+s20+$0x0], $0xffff;
	v23 =	vadd.f32 v15, v23;
	v22 =	vadd.f32 v0, v5  }
.LBB2_8:
0x51d: {  	v0 =	vld [tilespmem:s30+$0x80];
	v1 =	vadd.f32 v29, v36;
	v2 =	vadd.f32 v30, v24  }
0x51e: {  	v3 =	vld [tilespmem:s30+$0x90];
	v4 =	vadd.f32 v31, v25;
	v5 =	vadd.f32 v34, v23  }
0x51f: {  	v6 =	vld [tilespmem:s30+$0xA0];
	v1 =	vadd.f32 v27, v1;
	v2 =	vadd.f32 v28, v2  }
0x520: {  	v7 =	vld [tilespmem:s30+$0xB0];
	v4 =	vadd.f32 v32, v4;
	v5 =	vadd.f32 v35, v5  }
0x521: {  	v8 =	vld [tilespmem:s30+$0xC0];
	v23 =	vadd.f32 v17, v1;
	v24 =	vadd.f32 v18, v2  }
0x522: {  	v1 =	vld [tilespmem:s30+$0xD0];
	v25 =	vadd.f32 v33, v4;
	v26 =	vadd.f32 v26, v5  }
0x523: {  	v30 =	vld [tilespmem:s30+$0xE0]  }
0x524: {  	v29 =	vld [tilespmem:s30+$0xF0]  }
0x525: {  	v2 =	vld [tilespmem:s30+$0x0]  }
0x526: {  	v4 =	vld [tilespmem:s30+$0x10]  }
0x527: {  	v5 =	vld [tilespmem:s30+$0x20]  }
0x528: {  	v9 =	vld [tilespmem:s30+$0x30]  }
0x529: {  	v10 =	vld [tilespmem:s30+$0x40]  }
0x52a: {  	v11 =	vld [tilespmem:s30+$0x50]  }
0x52b: {  	v32 =	vld [tilespmem:s30+$0x60]  }
0x52c: {  	v31 =	vld [tilespmem:s30+$0x70]  }
0x52d: {  	v12 =	vld [tilespmem:s30+$0xFFFFFF80]  }
0x52e: {  	v13 =	vld [tilespmem:s30+$0xFFFFFF90]  }
0x52f: {  	v14 =	vld [tilespmem:s30+$0xFFFFFFA0]  }
0x530: {  	v15 =	vld [tilespmem:s30+$0xFFFFFFB0]  }
0x531: {  	v16 =	vld [tilespmem:s30+$0xFFFFFFC0]  }
0x532: {  	v39 =	vld [tilespmem:s30+$0xFFFFFFD0]  }
0x533: {  	v34 =	vld [tilespmem:s30+$0xFFFFFFE0]  }
0x534: {  	vm1 =	vgt.s32 v0, $0x0;
	v33 =	vld [tilespmem:s30+$0xFFFFFFF0]  }
0x535: {  	vm2 =	vgt.s32 v3, $0x0;
	vm3 =	vgt.s32 v6, $0x0;
	vm4 =	vgt.s32 v7, $0x0;
	v27 =	vld [tilespmem:s30+$0xFFFFFF00]  }
0x536: {  	vm5 =	vgt.s32 v8, $0x0;
	vm6 =	vgt.s32 v1, $0x0;
	vm0 =	vgt.s32 v30, $0x0;
	v28 =	vld [tilespmem:s30+$0xFFFFFF10]  }
0x537: {  	v0 =	vnsel vm1, $0x0, v0;
	vm1 =	vgt.s32 v29, $0x0;
	vm7 =	vgt.s32 v2, $0x0;
	v40 =	vld [tilespmem:s30+$0xFFFFFF20]  }
0x538: {  	v0 =	vmin.u32 v0, $0x3E7;
	v3 =	vnsel vm2, $0x0, v3;
	vm8 =	vgt.s32 v4, $0x0;
	v41 =	vld [tilespmem:s30+$0xFFFFFF30]  }
0x539: {  	v3 =	vmin.u32 v3, $0x3E7;
	v6 =	vnsel vm3, $0x0, v6;
	vm9 =	vgt.s32 v5, $0x0;
	v42 =	vld [tilespmem:s30+$0xFFFFFF40]  }
0x53a: {  	v6 =	vmin.u32 v6, $0x3E7;
	v7 =	vnsel vm4, $0x0, v7;
	vm10 =	vgt.s32 v9, $0x0;
	v43 =	vld [tilespmem:s30+$0xFFFFFF50]  }
0x53b: {  	v7 =	vmin.u32 v7, $0x3E7;
	v8 =	vnsel vm5, $0x0, v8;
	vm4 =	vgt.s32 v10, $0x0;
	v44 =	vld [tilespmem:s30+$0xFFFFFF60]  }
0x53c: {  	v8 =	vmin.u32 v8, $0x3E7;
	v1 =	vnsel vm6, $0x0, v1;
	vm11 =	vgt.s32 v11, $0x0;
	v45 =	vld [tilespmem:s30+$0xFFFFFF70]  }
0x53d: {  	v2 =	vnsel vm7, $0x0, v2;
	vm2 =	vgt.s32 v32, $0x0;
	v35 =	vld.idx.msk [tilespmem:v0+s20+$0x0], $0xffff;
	v0 =	vmin.u32 v1, $0x3E7  }
0x53e: {  	vm3 =	vgt.s32 v31, $0x0;
	v1 =	vmin.u32 v2, $0x3E7;
	v2 =	vnsel vm8, $0x0, v4;
	v36 =	vld.idx.msk [tilespmem:v3+s20+$0x0], $0xffff  }
0x53f: {  	vm7 =	vgt.s32 v12, $0x0;
	v2 =	vmin.u32 v2, $0x3E7;
	v3 =	vnsel vm9, $0x0, v5;
	v37 =	vld.idx.msk [tilespmem:v6+s20+$0x0], $0xffff  }
0x540: {  	vm8 =	vgt.s32 v13, $0x0;
	v4 =	vnsel vm10, $0x0, v9;
	v3 =	vmin.u32 v3, $0x3E7;
	v38 =	vld.idx.msk [tilespmem:v7+s20+$0x0], $0xffff  }
0x541: {  	vm5 =	vgt.s32 v14, $0x0;
	v4 =	vmin.u32 v4, $0x3E7;
	v5 =	vnsel vm4, $0x0, v10;
	v17 =	vld.idx.msk [tilespmem:v8+s20+$0x0], $0xffff  }
0x542: {  	vm6 =	vgt.s32 v15, $0x0;
	v5 =	vmin.u32 v5, $0x3E7;
	v6 =	vnsel vm11, $0x0, v11;
	v18 =	vld.idx.msk [tilespmem:v0+s20+$0x0], $0xffff  }
0x543: {  	vm4 =	vgt.s32 v16, $0x0;
	v6 =	vmin.u32 v6, $0x3E7;
	v0 =	vnsel vm7, $0x0, v12;
	v1 =	vld.idx.msk [tilespmem:v1+s20+$0x0], $0xffff  }
0x544: {  	v7 =	vnsel vm8, $0x0, v13;
	vm7 =	vgt.s32 v27, $0x0;
	v0 =	vmin.u32 v0, $0x3E7;
	v2 =	vld.idx.msk [tilespmem:v2+s20+$0x0], $0xffff  }
0x545: {  	v7 =	vmin.u32 v7, $0x3E7;
	v8 =	vnsel vm7, $0x0, v27;
	vm7 =	vgt.s32 v28, $0x0;
	v3 =	vld.idx.msk [tilespmem:v3+s20+$0x0], $0xffff  }
0x546: {  	v8 =	vmin.u32 v8, $0x3E7;
	v9 =	vnsel vm7, $0x0, v28;
	vm7 =	vgt.s32 v40, $0x0;
	v4 =	vld.idx.msk [tilespmem:v4+s20+$0x0], $0xffff  }
0x547: {  	v9 =	vmin.u32 v9, $0x3E7;
	v10 =	vnsel vm7, $0x0, v40;
	vm7 =	vgt.s32 v41, $0x0;
	v27 =	vld.idx.msk [tilespmem:v5+s20+$0x0], $0xffff  }
0x548: {  	v5 =	vmin.u32 v10, $0x3E7;
	v10 =	vnsel vm7, $0x0, v41;
	vm7 =	vgt.s32 v39, $0x0;
	v28 =	vld.idx.msk [tilespmem:v6+s20+$0x0], $0xffff  }
0x549: {  	v6 =	vmin.u32 v10, $0x3E7;
	v10 =	vnsel vm5, $0x0, v14;
	vm5 =	vgt.s32 v34, $0x0;
	v0 =	vld.idx.msk [tilespmem:v0+s20+$0x0], $0xffff  }
0x54a: {  	s29 =	sadd.s32 $0x2, s29;
	v11 =	vnsel vm6, $0x0, v15;
	vm6 =	vgt.s32 v33, $0x0;
	v10 =	vmin.u32 v10, $0x3E7;
	v7 =	vld.idx.msk [tilespmem:v7+s20+$0x0], $0xffff  }
0x54b: {  	p1 =	slt.u32 s29, $0x62;
	vm8 =	vgt.s32 v42, $0x0;
	v11 =	vmin.u32 v11, $0x3E7;
	v12 =	vnsel vm4, $0x0, v16;
	v8 =	vld.idx.msk [tilespmem:v8+s20+$0x0], $0xffff  }
0x54c: {  	vm4 =	vgt.s32 v43, $0x0;
	v12 =	vmin.u32 v12, $0x3E7;
	v13 =	vnsel vm7, $0x0, v39;
	v9 =	vld.idx.msk [tilespmem:v9+s20+$0x0], $0xffff  }
0x54d: {  	v14 =	vnsel vm8, $0x0, v42;
	vm7 =	vgt.s32 v44, $0x0;
	v13 =	vmin.u32 v13, $0x3E7;
	v5 =	vld.idx.msk [tilespmem:v5+s20+$0x0], $0xffff  }
0x54e: {  	v15 =	vnsel vm4, $0x0, v43;
	vm4 =	vgt.s32 v45, $0x0;
	v14 =	vmin.u32 v14, $0x3E7;
	v6 =	vld.idx.msk [tilespmem:v6+s20+$0x0], $0xffff  }
0x54f: {  	v15 =	vmin.u32 v15, $0x3E7;
	v39 =	vnsel vm0, $0x0, v30;
	v16 =	vnsel vm7, $0x0, v44;
	v10 =	vld.idx.msk [tilespmem:v10+s20+$0x0], $0xffff  }
0x550: {  	v40 =	vnsel vm1, $0x0, v29;
	v30 =	vnsel vm4, $0x0, v45;
	v16 =	vmin.u32 v16, $0x3E7;
	v11 =	vld.idx.msk [tilespmem:v11+s20+$0x0], $0xffff  }
0x551: {  	v32 =	vnsel vm2, $0x0, v32;
	v41 =	vmin.u32 v30, $0x3E7;
	v29 =	vld.idx.msk [tilespmem:v12+s20+$0x0], $0xffff;
	v12 =	vnsel vm5, $0x0, v34  }
0x552: {  	v31 =	vnsel vm3, $0x0, v31;
	v30 =	vld.idx.msk [tilespmem:v13+s20+$0x0], $0xffff;
	v12 =	vmin.u32 v12, $0x3E7;
	v13 =	vnsel vm6, $0x0, v33  }
0x553: {  	v8 =	vadd.f32 v8, v22;
	v9 =	vadd.f32 v9, v21;
	v14 =	vld.idx.msk [tilespmem:v14+s20+$0x0], $0xffff;
	v13 =	vmin.u32 v13, $0x3E7  }
0x554: {  	v5 =	vadd.f32 v5, v20;
	v6 =	vadd.f32 v6, v19;
	v19 =	vmin.u32 v32, $0x3E7;
	v15 =	vld.idx.msk [tilespmem:v15+s20+$0x0], $0xffff  }
0x555: {  	v0 =	vadd.f32 v0, v8;
	v8 =	vmin.u32 v31, $0x3E7;
	v7 =	vadd.f32 v7, v9;
	v16 =	vld.idx.msk [tilespmem:v16+s20+$0x0], $0xffff  }
0x556: {  	v5 =	vadd.f32 v10, v5;
	v10 =	vmin.u32 v39, $0x3E7;
	v6 =	vadd.f32 v11, v6;
	v9 =	vld.idx.msk [tilespmem:v41+s20+$0x0], $0xffff  }
0x557: {  	v0 =	vadd.f32 v1, v0;
	v1 =	vadd.f32 v2, v7;
	v2 =	vmin.u32 v40, $0x3E7;
	v31 =	vld.idx.msk [tilespmem:v12+s20+$0x0], $0xffff  }
.Ltmp3:
0x558: {  	v3 =	vadd.f32 v3, v5;
	v4 =	vadd.f32 v4, v6;
	v34 =	vld.idx.msk [tilespmem:v13+s20+$0x0], $0xffff;
	(pc) =	sbr.rel @p1 .LBB2_8-.Ltmp3, $4  }
0x559: {  	v22 =	vadd.f32 v35, v0;
	v21 =	vadd.f32 v36, v1;
	v32 =	vld.idx.msk [tilespmem:v19+s20+$0x0], $0xffff  }
0x55a: {  	v20 =	vadd.f32 v37, v3;
	v19 =	vadd.f32 v38, v4;
	v35 =	vld.idx.msk [tilespmem:v8+s20+$0x0], $0xffff  }
0x55b: {  	v36 =	vadd.f32 v14, v23;
	v24 =	vadd.f32 v15, v24;
	v33 =	vld.idx.msk [tilespmem:v10+s20+$0x0], $0xffff  }
0x55c: {  	s30 =	sadd.s32 $0x200, s30;
	v25 =	vadd.f32 v16, v25;
	v23 =	vadd.f32 v9, v26;
	v26 =	vld.idx.msk [tilespmem:v2+s20+$0x0], $0xffff  }
0x55d: {  	v0 =	vadd.f32 v29, v36;
	v1 =	vadd.f32 v30, v24  }
0x55e: {  	v4 =	vadd.f32 v22, v46;
	v5 =	vadd.f32 v21, v46  }
0x55f: {  	v60 =	vadd.f32 v20, v46;
	v61 =	vadd.f32 v19, v46  }
0x560: {  	v2 =	vadd.f32 v31, v25;
	v0 =	vadd.f32 v27, v0  }
0x561: {  	v3 =	vadd.f32 v34, v23;
	v1 =	vadd.f32 v28, v1  }
0x562: {  	[tilespmem:$0xCD80] =	vst v4;
	v2 =	vadd.f32 v32, v2;
	v0 =	vadd.f32 v17, v0  }
0x563: {  	[tilespmem:$0xCD90] =	vst v5;
	v3 =	vadd.f32 v35, v3;
	v1 =	vadd.f32 v18, v1  }
0x564: {  	[tilespmem:$0xCDA0] =	vst v60;
	v2 =	vadd.f32 v33, v2;
	v0 =	vadd.f32 v0, v46  }
0x565: {  	[tilespmem:$0xCDB0] =	vst v61;
	v3 =	vadd.f32 v26, v3;
	v1 =	vadd.f32 v1, v46  }
0x566: {  	v62 =	vadd.f32 v2, v46;
	[tilespmem:$0xCDC0] =	vst v0  }
0x567: {  	s28 =	sadd.s32 $0x1, s28;
	v63 =	vadd.f32 v3, v46;
	[tilespmem:$0xCDD0] =	vst v1  }
0x568: {  	p1 =	sne.s32 s28, s15;
	[tilespmem:$0xCDE0] =	vst v62  }
.Ltmp4:
0x569: {  	[tilespmem:$0xCDF0] =	vst v63;
	(pc) =	sbr.rel @p1 .LBB2_1-.Ltmp4, $4  }
0x56a: {  	[hbm4b:s14+s4] =	stream.linear.scatter [tilespmem:s26], [sflag:$0x3], $0x200, $0x38;
	[tilespmem:$0xF0C0] =	vst v63  }
0x56b: {  	_ =	swait.ge [sflag:s17], $0x200  }
0x56c: {  	[sflag:s17] =	ssyncset.done $0x0  }
0x56d: {  	[sflag:s17] =	ssyncadd.s32 $0xFFFFFE00  }
0x56e: {  	_ =	sfence.sel $0x180000  }
0x56f: {  	[bflag:$0x0] =	sbarrier.arrive $0xFFFF  }
0x570: {  	p0 =	sne.s32 s2, $0x0;
	_ =	strace $0x90000047  }
0x571: {  	s0 =	sadd.s32 @!p0 $0x100000, s0;
	[bflag:$0x2] =	sbarrier.arrive $0xFFFF  }
0x572: {  	[sflag:s0] =	ssyncadd.tile.s32 @!p0 $0x1;
	_ =	shalt  }
.Lfunc_end2:
_tile_overlayer_lowered:
.L_overlay_start_2:
0x573: {  	(tag) =	ssettag $0x2  }
0x574: {  	s0 =	rddreg [dreg:$0x0];
	s2 =	stileid.u32  }
0x575: {  	s1 =	rddreg [dreg:$0x1];
	p0 =	sne.s32 s2, $0x0  }
0x576: {  	s3 =	rddreg [dreg:$0x2];
	[bflag:$0x3] =	sbarrier.arrive $0xFFFF;
	s2 =	simm.s32 @!p0 $0x1C03  }
0x577: {  	[timem:s3], [sflag:s2] =	dma.local @!p0 [hbm:s0], s1  }
0x578: {  	s0 =	simm.s32 @!p0 $0x3  }
0x579: {  	_ =	swait.ge @!p0 [sflag:s0], s1  }
0x57a: {  	s1 =	ssub.s32 @!p0 $0x0, s1;
	[sflag:s0] =	ssyncset.done @!p0 $0x0  }
0x57b: {  	[sflag:s0] =	ssyncadd.s32 @!p0 s1  }
0x57c: {  	[bflag:$0x3] =	sbarrier.arrive $0xFFFF  }
0x57d: {  	_ =	shalt  }

</sc_bundles>
